<compile_context>
chip_gen: v7x
topology: tpu7x:2x2x1
jax: 0.10.2.dev20260603
libtpu: 0.0.44.dev20260713+nightly
codegen_flags: <defaults>
</compile_context>

<pallas_src>
import jax
import jax.numpy as jnp
from jax import lax
from jax.experimental import pallas as pl
from jax.experimental.pallas import tpu as pltpu
from jax.experimental.pallas import tpu_sc as plsc

_NC, _NS, _L = 2, 16, 16
_NW = _NC * _NS
_B = 16384
_K = 64
_BPW = _B // _NW
_CHUNK = 128
_NCHUNK = _BPW // _CHUNK


def _mirt_body(aidx_hbm, tidx_hbm, theta_hbm, a_hbm, out_hbm,
               aidx_v, tidx_v, th_v, av_v, out_v, sem_a, sem_b):
    wid = lax.axis_index("s") * _NC + lax.axis_index("c")
    crow = wid * _NCHUNK

    pltpu.sync_copy(aidx_hbm.at[pl.ds(crow, _NCHUNK)], aidx_v)
    pltpu.sync_copy(tidx_hbm.at[pl.ds(crow, _NCHUNK)], tidx_v)

    cps = []
    for c in range(_NCHUNK):
        lo = c * _CHUNK
        cps.append(pltpu.async_copy(
            theta_hbm.at[aidx_v.at[c]], th_v.at[pl.ds(lo, _CHUNK)], sem_a))
        cps.append(pltpu.async_copy(
            a_hbm.at[tidx_v.at[c]], av_v.at[pl.ds(lo, _CHUNK)], sem_b))

    def block(c, bj):
        lo = c * _CHUNK + bj * _L
        rows = lo + lax.iota(jnp.int32, _L)
        acc = jnp.zeros((_L,), jnp.float32)
        for kk in range(_K):
            cols = jnp.full((_L,), kk, jnp.int32)
            thg = plsc.load_gather(th_v, [rows, cols])
            ag = plsc.load_gather(av_v, [rows, cols])
            acc = acc + thg * ag
        out_v[c, pl.ds(bj * _L, _L)] = acc

    for c in range(_NCHUNK):
        cps[2 * c].wait()
        cps[2 * c + 1].wait()
        lax.fori_loop(0, _CHUNK // _L,
                      lambda bj, _, c=c: (block(c, bj), 0)[1], 0)

    pltpu.sync_copy(out_v, out_hbm.at[pl.ds(crow, _NCHUNK)])


@jax.jit
def kernel(agent_idx, task_idx, theta, a, d):
    del d
    mesh = plsc.VectorSubcoreMesh(core_axis_name="c", subcore_axis_name="s")
    f = pl.kernel(
        _mirt_body,
        out_type=jax.ShapeDtypeStruct((_NW * _NCHUNK, _CHUNK), jnp.float32),
        mesh=mesh,
        compiler_params=pltpu.CompilerParams(
            needs_layout_passes=False, use_tc_tiling_on_sc=False),
        scratch_types=[
            pltpu.VMEM((_NCHUNK, _CHUNK), jnp.int32),
            pltpu.VMEM((_NCHUNK, _CHUNK), jnp.int32),
            pltpu.VMEM((_BPW, _K), jnp.float32),
            pltpu.VMEM((_BPW, _K), jnp.float32),
            pltpu.VMEM((_NCHUNK, _CHUNK), jnp.float32),
            pltpu.SemaphoreType.DMA,
            pltpu.SemaphoreType.DMA,
        ],
    )
    out = f(agent_idx.astype(jnp.int32).reshape(_NW * _NCHUNK, _CHUNK),
            task_idx.astype(jnp.int32).reshape(_NW * _NCHUNK, _CHUNK),
            theta, a)
    return out.reshape(_B)

# --- scband reference (transcript-rebuilt; emitter-appended) ---
"""Pipeline reference for scband-mirt-24352464570048 (READ-ONLY COPY).

The authoritative reference and input builder live on the scoring server;
editing this copy changes nothing except your own understanding.
"""

import jax, jax.numpy as jnp
import numpy as np

N_AGENTS = 100000
N_TASKS = 100000
K = 64
B = 16384


def setup_inputs(seed: int = 0) -> dict:
    key = jax.random.key(seed)
    k1, k2, k3, k4 = jax.random.split(key, 4)
    agent_idx = jax.random.randint(k1, (B,), 0, N_AGENTS, dtype=jnp.int64 if jax.config.jax_enable_x64 else jnp.int32)
    task_idx = jax.random.randint(k2, (B,), 0, N_TASKS, dtype=jnp.int64 if jax.config.jax_enable_x64 else jnp.int32)
    # learned parameters, initialized as in the torch module
    theta = jax.random.normal(k3, (N_AGENTS, K), dtype=jnp.float32) * 0.1
    a = jax.random.normal(k4, (N_TASKS, K), dtype=jnp.float32) * 0.1
    d = jnp.zeros((N_TASKS, 1), dtype=jnp.float32)
    return {"agent_idx": agent_idx, "task_idx": task_idx, "theta": theta, "a": a, "d": d}


def reference(agent_idx, task_idx, theta, a, d):
    # theta_i, a_j, d_j lookups (embedding gathers)
    th = jnp.take(theta, agent_idx, axis=0)          # [B, K]
    av = jnp.take(a, task_idx, axis=0)               # [B, K]
    dv = jnp.take(d, task_idx, axis=0).squeeze(-1)   # [B]
    logit = (th * av).sum(axis=-1) + dv              # [B]
    return logit

if __name__ == "__main__":
    import jax
    _d = setup_inputs()
    print(jax.jit(kernel)(*tuple(_d.values())))

</pallas_src>

<mosaic_0001>
#map = affine_map<(d0, d1) -> (0, 0)>
module attributes {stable_mosaic.version = 14 : i64} {
  func.func @_mirt_body(%arg0: i32, %arg1: i32, %arg2: memref<128x128xi32, #tpu.memory_space<hbm>>, %arg3: memref<128x128xi32, #tpu.memory_space<hbm>>, %arg4: memref<100000x64xf32, #tpu.memory_space<hbm>>, %arg5: memref<100000x64xf32, #tpu.memory_space<hbm>>, %arg6: memref<128x128xf32, #tpu.memory_space<hbm>>, %arg7: memref<4x128xi32, #tpu.memory_space<vmem>>, %arg8: memref<4x128xi32, #tpu.memory_space<vmem>>, %arg9: memref<512x64xf32, #tpu.memory_space<vmem>>, %arg10: memref<512x64xf32, #tpu.memory_space<vmem>>, %arg11: memref<4x128xf32, #tpu.memory_space<vmem>>, %arg12: memref<!tpu.dma_semaphore, #tpu.memory_space<semaphore_mem>>, %arg13: memref<!tpu.dma_semaphore, #tpu.memory_space<semaphore_mem>>) attributes {dimension_semantics = [#tpu.dimension_semantics<core_parallel>, #tpu.dimension_semantics<subcore_parallel>], iteration_bounds = array<i64: 2, 16>, scalar_prefetch = 0 : i64, scratch_operands = 7 : i64, tpu.core_type = #tpu.core_type<sc_vector_subcore>, window_params = [{transform_indices = #map}, {transform_indices = #map}, {transform_indices = #map}, {transform_indices = #map}, {transform_indices = #map}]} {
    %mul3A = arith.constant 2 : i32
    %mul3A_0 = arith.muli %arg1, %mul3A : i32
    %add3A = arith.addi %mul3A_0, %arg0 : i32
    %mul3A_1 = arith.constant 4 : i32
    %mul3A_2 = arith.muli %add3A, %mul3A_1 : i32
    "tpu.region"() ({
      %run_scoped3A = tpu.sem_alloc : memref<!tpu.dma_semaphore, #tpu.memory_space<semaphore_mem>>
      %dma_start3A_188 = arith.constant 0 : i32
      %dma_start3A_189 = tpu.memref_slice %arg2[%mul3A_2, %dma_start3A_188] : memref<128x128xi32, #tpu.memory_space<hbm>> -> memref<4x128xi32, #tpu.memory_space<hbm>>
      %dma_start3A_190 = arith.constant 0 : i32
      %dma_start3A_191 = tpu.memref_slice %arg2[%mul3A_2, %dma_start3A_190] : memref<128x128xi32, #tpu.memory_space<hbm>> -> memref<4x128xi32, #tpu.memory_space<hbm>>
      tpu.enqueue_dma source(%dma_start3A_191 : memref<4x128xi32, #tpu.memory_space<hbm>>) target(%arg7 : memref<4x128xi32, #tpu.memory_space<vmem>>) target_semaphore(%run_scoped3A : memref<!tpu.dma_semaphore, #tpu.memory_space<semaphore_mem>>)
      %dma_wait3A_192 = arith.constant 0 : i32
      %dma_wait3A_193 = tpu.memref_slice %arg2[%mul3A_2, %dma_wait3A_192] : memref<128x128xi32, #tpu.memory_space<hbm>> -> memref<4x128xi32, #tpu.memory_space<hbm>>
      %dma_wait3A_194 = arith.constant 0 : i32
      %dma_wait3A_195 = tpu.memref_slice %arg2[%mul3A_2, %dma_wait3A_194] : memref<128x128xi32, #tpu.memory_space<hbm>> -> memref<4x128xi32, #tpu.memory_space<hbm>>
      tpu.wait_dma2 semaphore(%run_scoped3A : memref<!tpu.dma_semaphore, #tpu.memory_space<semaphore_mem>>) src(%dma_wait3A_195 : memref<4x128xi32, #tpu.memory_space<hbm>>) dst(%arg7 : memref<4x128xi32, #tpu.memory_space<vmem>>)
      tpu.yield
    }) : () -> ()
    "tpu.region"() ({
      %run_scoped3A = tpu.sem_alloc : memref<!tpu.dma_semaphore, #tpu.memory_space<semaphore_mem>>
      %dma_start3A_188 = arith.constant 0 : i32
      %dma_start3A_189 = tpu.memref_slice %arg3[%mul3A_2, %dma_start3A_188] : memref<128x128xi32, #tpu.memory_space<hbm>> -> memref<4x128xi32, #tpu.memory_space<hbm>>
      %dma_start3A_190 = arith.constant 0 : i32
      %dma_start3A_191 = tpu.memref_slice %arg3[%mul3A_2, %dma_start3A_190] : memref<128x128xi32, #tpu.memory_space<hbm>> -> memref<4x128xi32, #tpu.memory_space<hbm>>
      tpu.enqueue_dma source(%dma_start3A_191 : memref<4x128xi32, #tpu.memory_space<hbm>>) target(%arg8 : memref<4x128xi32, #tpu.memory_space<vmem>>) target_semaphore(%run_scoped3A : memref<!tpu.dma_semaphore, #tpu.memory_space<semaphore_mem>>)
      %dma_wait3A_192 = arith.constant 0 : i32
      %dma_wait3A_193 = tpu.memref_slice %arg3[%mul3A_2, %dma_wait3A_192] : memref<128x128xi32, #tpu.memory_space<hbm>> -> memref<4x128xi32, #tpu.memory_space<hbm>>
      %dma_wait3A_194 = arith.constant 0 : i32
      %dma_wait3A_195 = tpu.memref_slice %arg3[%mul3A_2, %dma_wait3A_194] : memref<128x128xi32, #tpu.memory_space<hbm>> -> memref<4x128xi32, #tpu.memory_space<hbm>>
      tpu.wait_dma2 semaphore(%run_scoped3A : memref<!tpu.dma_semaphore, #tpu.memory_space<semaphore_mem>>) src(%dma_wait3A_195 : memref<4x128xi32, #tpu.memory_space<hbm>>) dst(%arg8 : memref<4x128xi32, #tpu.memory_space<vmem>>)
      tpu.yield
    }) : () -> ()
    %dma_start3A = arith.constant 0 : i32
    %dma_start3A_3 = arith.constant 0 : i32
    %dma_start3A_4 = arith.constant 0 : i32
    %dma_start3A_5 = tpu.memref_slice %arg9[%dma_start3A_3, %dma_start3A_4] : memref<512x64xf32, #tpu.memory_space<vmem>> -> memref<128x64xf32, #tpu.memory_space<vmem>>
    %dma_start3A_6 = arith.constant 0 : i32
    %dma_start3A_7 = tpu.memref_slice %arg7[%dma_start3A, %dma_start3A_6] : memref<4x128xi32, #tpu.memory_space<vmem>> -> memref<1x128xi32, #tpu.memory_space<vmem>>
    %dma_start3A_8 = tpu.memref_squeeze %dma_start3A_7 : memref<1x128xi32, #tpu.memory_space<vmem>> -> memref<128xi32, #tpu.memory_space<vmem>>
    %dma_start3A_9 = arith.constant 0 : i32
    %dma_start3A_10 = arith.constant 0 : i32
    %dma_start3A_11 = tpu.memref_slice %arg4[%dma_start3A_9, %dma_start3A_10] : memref<100000x64xf32, #tpu.memory_space<hbm>> -> memref<100000x64xf32, #tpu.memory_space<hbm>>
    tpu.enqueue_indirect_dma source(%dma_start3A_11 : memref<100000x64xf32, #tpu.memory_space<hbm>>) target(%dma_start3A_5 : memref<128x64xf32, #tpu.memory_space<vmem>>) offsets(%dma_start3A_8 : memref<128xi32, #tpu.memory_space<vmem>>) semaphore(%arg12 : memref<!tpu.dma_semaphore, #tpu.memory_space<semaphore_mem>>)
    %dma_start3A_12 = arith.constant 0 : i32
    %dma_start3A_13 = arith.constant 0 : i32
    %dma_start3A_14 = arith.constant 0 : i32
    %dma_start3A_15 = tpu.memref_slice %arg10[%dma_start3A_13, %dma_start3A_14] : memref<512x64xf32, #tpu.memory_space<vmem>> -> memref<128x64xf32, #tpu.memory_space<vmem>>
    %dma_start3A_16 = arith.constant 0 : i32
    %dma_start3A_17 = tpu.memref_slice %arg8[%dma_start3A_12, %dma_start3A_16] : memref<4x128xi32, #tpu.memory_space<vmem>> -> memref<1x128xi32, #tpu.memory_space<vmem>>
    %dma_start3A_18 = tpu.memref_squeeze %dma_start3A_17 : memref<1x128xi32, #tpu.memory_space<vmem>> -> memref<128xi32, #tpu.memory_space<vmem>>
    %dma_start3A_19 = arith.constant 0 : i32
    %dma_start3A_20 = arith.constant 0 : i32
    %dma_start3A_21 = tpu.memref_slice %arg5[%dma_start3A_19, %dma_start3A_20] : memref<100000x64xf32, #tpu.memory_space<hbm>> -> memref<100000x64xf32, #tpu.memory_space<hbm>>
    tpu.enqueue_indirect_dma source(%dma_start3A_21 : memref<100000x64xf32, #tpu.memory_space<hbm>>) target(%dma_start3A_15 : memref<128x64xf32, #tpu.memory_space<vmem>>) offsets(%dma_start3A_18 : memref<128xi32, #tpu.memory_space<vmem>>) semaphore(%arg13 : memref<!tpu.dma_semaphore, #tpu.memory_space<semaphore_mem>>)
    %dma_start3A_22 = arith.constant 1 : i32
    %dma_start3A_23 = arith.constant 128 : i32
    %dma_start3A_24 = arith.constant 0 : i32
    %dma_start3A_25 = tpu.memref_slice %arg9[%dma_start3A_23, %dma_start3A_24] : memref<512x64xf32, #tpu.memory_space<vmem>> -> memref<128x64xf32, #tpu.memory_space<vmem>>
    %dma_start3A_26 = arith.constant 0 : i32
    %dma_start3A_27 = tpu.memref_slice %arg7[%dma_start3A_22, %dma_start3A_26] : memref<4x128xi32, #tpu.memory_space<vmem>> -> memref<1x128xi32, #tpu.memory_space<vmem>>
    %dma_start3A_28 = tpu.memref_squeeze %dma_start3A_27 : memref<1x128xi32, #tpu.memory_space<vmem>> -> memref<128xi32, #tpu.memory_space<vmem>>
    %dma_start3A_29 = arith.constant 0 : i32
    %dma_start3A_30 = arith.constant 0 : i32
    %dma_start3A_31 = tpu.memref_slice %arg4[%dma_start3A_29, %dma_start3A_30] : memref<100000x64xf32, #tpu.memory_space<hbm>> -> memref<100000x64xf32, #tpu.memory_space<hbm>>
    tpu.enqueue_indirect_dma source(%dma_start3A_31 : memref<100000x64xf32, #tpu.memory_space<hbm>>) target(%dma_start3A_25 : memref<128x64xf32, #tpu.memory_space<vmem>>) offsets(%dma_start3A_28 : memref<128xi32, #tpu.memory_space<vmem>>) semaphore(%arg12 : memref<!tpu.dma_semaphore, #tpu.memory_space<semaphore_mem>>)
    %dma_start3A_32 = arith.constant 1 : i32
    %dma_start3A_33 = arith.constant 128 : i32
    %dma_start3A_34 = arith.constant 0 : i32
    %dma_start3A_35 = tpu.memref_slice %arg10[%dma_start3A_33, %dma_start3A_34] : memref<512x64xf32, #tpu.memory_space<vmem>> -> memref<128x64xf32, #tpu.memory_space<vmem>>
    %dma_start3A_36 = arith.constant 0 : i32
    %dma_start3A_37 = tpu.memref_slice %arg8[%dma_start3A_32, %dma_start3A_36] : memref<4x128xi32, #tpu.memory_space<vmem>> -> memref<1x128xi32, #tpu.memory_space<vmem>>
    %dma_start3A_38 = tpu.memref_squeeze %dma_start3A_37 : memref<1x128xi32, #tpu.memory_space<vmem>> -> memref<128xi32, #tpu.memory_space<vmem>>
    %dma_start3A_39 = arith.constant 0 : i32
    %dma_start3A_40 = arith.constant 0 : i32
    %dma_start3A_41 = tpu.memref_slice %arg5[%dma_start3A_39, %dma_start3A_40] : memref<100000x64xf32, #tpu.memory_space<hbm>> -> memref<100000x64xf32, #tpu.memory_space<hbm>>
    tpu.enqueue_indirect_dma source(%dma_start3A_41 : memref<100000x64xf32, #tpu.memory_space<hbm>>) target(%dma_start3A_35 : memref<128x64xf32, #tpu.memory_space<vmem>>) offsets(%dma_start3A_38 : memref<128xi32, #tpu.memory_space<vmem>>) semaphore(%arg13 : memref<!tpu.dma_semaphore, #tpu.memory_space<semaphore_mem>>)
    %dma_start3A_42 = arith.constant 2 : i32
    %dma_start3A_43 = arith.constant 256 : i32
    %dma_start3A_44 = arith.constant 0 : i32
    %dma_start3A_45 = tpu.memref_slice %arg9[%dma_start3A_43, %dma_start3A_44] : memref<512x64xf32, #tpu.memory_space<vmem>> -> memref<128x64xf32, #tpu.memory_space<vmem>>
    %dma_start3A_46 = arith.constant 0 : i32
    %dma_start3A_47 = tpu.memref_slice %arg7[%dma_start3A_42, %dma_start3A_46] : memref<4x128xi32, #tpu.memory_space<vmem>> -> memref<1x128xi32, #tpu.memory_space<vmem>>
    %dma_start3A_48 = tpu.memref_squeeze %dma_start3A_47 : memref<1x128xi32, #tpu.memory_space<vmem>> -> memref<128xi32, #tpu.memory_space<vmem>>
    %dma_start3A_49 = arith.constant 0 : i32
    %dma_start3A_50 = arith.constant 0 : i32
    %dma_start3A_51 = tpu.memref_slice %arg4[%dma_start3A_49, %dma_start3A_50] : memref<100000x64xf32, #tpu.memory_space<hbm>> -> memref<100000x64xf32, #tpu.memory_space<hbm>>
    tpu.enqueue_indirect_dma source(%dma_start3A_51 : memref<100000x64xf32, #tpu.memory_space<hbm>>) target(%dma_start3A_45 : memref<128x64xf32, #tpu.memory_space<vmem>>) offsets(%dma_start3A_48 : memref<128xi32, #tpu.memory_space<vmem>>) semaphore(%arg12 : memref<!tpu.dma_semaphore, #tpu.memory_space<semaphore_mem>>)
    %dma_start3A_52 = arith.constant 2 : i32
    %dma_start3A_53 = arith.constant 256 : i32
    %dma_start3A_54 = arith.constant 0 : i32
    %dma_start3A_55 = tpu.memref_slice %arg10[%dma_start3A_53, %dma_start3A_54] : memref<512x64xf32, #tpu.memory_space<vmem>> -> memref<128x64xf32, #tpu.memory_space<vmem>>
    %dma_start3A_56 = arith.constant 0 : i32
    %dma_start3A_57 = tpu.memref_slice %arg8[%dma_start3A_52, %dma_start3A_56] : memref<4x128xi32, #tpu.memory_space<vmem>> -> memref<1x128xi32, #tpu.memory_space<vmem>>
    %dma_start3A_58 = tpu.memref_squeeze %dma_start3A_57 : memref<1x128xi32, #tpu.memory_space<vmem>> -> memref<128xi32, #tpu.memory_space<vmem>>
    %dma_start3A_59 = arith.constant 0 : i32
    %dma_start3A_60 = arith.constant 0 : i32
    %dma_start3A_61 = tpu.memref_slice %arg5[%dma_start3A_59, %dma_start3A_60] : memref<100000x64xf32, #tpu.memory_space<hbm>> -> memref<100000x64xf32, #tpu.memory_space<hbm>>
    tpu.enqueue_indirect_dma source(%dma_start3A_61 : memref<100000x64xf32, #tpu.memory_space<hbm>>) target(%dma_start3A_55 : memref<128x64xf32, #tpu.memory_space<vmem>>) offsets(%dma_start3A_58 : memref<128xi32, #tpu.memory_space<vmem>>) semaphore(%arg13 : memref<!tpu.dma_semaphore, #tpu.memory_space<semaphore_mem>>)
    %dma_start3A_62 = arith.constant 3 : i32
    %dma_start3A_63 = arith.constant 384 : i32
    %dma_start3A_64 = arith.constant 0 : i32
    %dma_start3A_65 = tpu.memref_slice %arg9[%dma_start3A_63, %dma_start3A_64] : memref<512x64xf32, #tpu.memory_space<vmem>> -> memref<128x64xf32, #tpu.memory_space<vmem>>
    %dma_start3A_66 = arith.constant 0 : i32
    %dma_start3A_67 = tpu.memref_slice %arg7[%dma_start3A_62, %dma_start3A_66] : memref<4x128xi32, #tpu.memory_space<vmem>> -> memref<1x128xi32, #tpu.memory_space<vmem>>
    %dma_start3A_68 = tpu.memref_squeeze %dma_start3A_67 : memref<1x128xi32, #tpu.memory_space<vmem>> -> memref<128xi32, #tpu.memory_space<vmem>>
    %dma_start3A_69 = arith.constant 0 : i32
    %dma_start3A_70 = arith.constant 0 : i32
    %dma_start3A_71 = tpu.memref_slice %arg4[%dma_start3A_69, %dma_start3A_70] : memref<100000x64xf32, #tpu.memory_space<hbm>> -> memref<100000x64xf32, #tpu.memory_space<hbm>>
    tpu.enqueue_indirect_dma source(%dma_start3A_71 : memref<100000x64xf32, #tpu.memory_space<hbm>>) target(%dma_start3A_65 : memref<128x64xf32, #tpu.memory_space<vmem>>) offsets(%dma_start3A_68 : memref<128xi32, #tpu.memory_space<vmem>>) semaphore(%arg12 : memref<!tpu.dma_semaphore, #tpu.memory_space<semaphore_mem>>)
    %dma_start3A_72 = arith.constant 3 : i32
    %dma_start3A_73 = arith.constant 384 : i32
    %dma_start3A_74 = arith.constant 0 : i32
    %dma_start3A_75 = tpu.memref_slice %arg10[%dma_start3A_73, %dma_start3A_74] : memref<512x64xf32, #tpu.memory_space<vmem>> -> memref<128x64xf32, #tpu.memory_space<vmem>>
    %dma_start3A_76 = arith.constant 0 : i32
    %dma_start3A_77 = tpu.memref_slice %arg8[%dma_start3A_72, %dma_start3A_76] : memref<4x128xi32, #tpu.memory_space<vmem>> -> memref<1x128xi32, #tpu.memory_space<vmem>>
    %dma_start3A_78 = tpu.memref_squeeze %dma_start3A_77 : memref<1x128xi32, #tpu.memory_space<vmem>> -> memref<128xi32, #tpu.memory_space<vmem>>
    %dma_start3A_79 = arith.constant 0 : i32
    %dma_start3A_80 = arith.constant 0 : i32
    %dma_start3A_81 = tpu.memref_slice %arg5[%dma_start3A_79, %dma_start3A_80] : memref<100000x64xf32, #tpu.memory_space<hbm>> -> memref<100000x64xf32, #tpu.memory_space<hbm>>
    tpu.enqueue_indirect_dma source(%dma_start3A_81 : memref<100000x64xf32, #tpu.memory_space<hbm>>) target(%dma_start3A_75 : memref<128x64xf32, #tpu.memory_space<vmem>>) offsets(%dma_start3A_78 : memref<128xi32, #tpu.memory_space<vmem>>) semaphore(%arg13 : memref<!tpu.dma_semaphore, #tpu.memory_space<semaphore_mem>>)
    %dma_wait3A = arith.constant 0 : i32
    %dma_wait3A_82 = arith.constant 0 : i32
    %dma_wait3A_83 = arith.constant 0 : i32
    %dma_wait3A_84 = tpu.memref_slice %arg9[%dma_wait3A_82, %dma_wait3A_83] : memref<512x64xf32, #tpu.memory_space<vmem>> -> memref<128x64xf32, #tpu.memory_space<vmem>>
    %dma_wait3A_85 = arith.constant 0 : i32
    %dma_wait3A_86 = tpu.memref_slice %arg7[%dma_wait3A, %dma_wait3A_85] : memref<4x128xi32, #tpu.memory_space<vmem>> -> memref<1x128xi32, #tpu.memory_space<vmem>>
    %dma_wait3A_87 = tpu.memref_squeeze %dma_wait3A_86 : memref<1x128xi32, #tpu.memory_space<vmem>> -> memref<128xi32, #tpu.memory_space<vmem>>
    %dma_wait3A_88 = arith.constant 0 : i32
    %dma_wait3A_89 = arith.constant 0 : i32
    %dma_wait3A_90 = tpu.memref_slice %arg4[%dma_wait3A_88, %dma_wait3A_89] : memref<100000x64xf32, #tpu.memory_space<hbm>> -> memref<100000x64xf32, #tpu.memory_space<hbm>>
    tpu.wait_indirect_dma semaphore(%arg12 : memref<!tpu.dma_semaphore, #tpu.memory_space<semaphore_mem>>) src(%dma_wait3A_90 : memref<100000x64xf32, #tpu.memory_space<hbm>>) dst(%dma_wait3A_84 : memref<128x64xf32, #tpu.memory_space<vmem>>)
    %dma_wait3A_91 = arith.constant 0 : i32
    %dma_wait3A_92 = arith.constant 0 : i32
    %dma_wait3A_93 = arith.constant 0 : i32
    %dma_wait3A_94 = tpu.memref_slice %arg10[%dma_wait3A_92, %dma_wait3A_93] : memref<512x64xf32, #tpu.memory_space<vmem>> -> memref<128x64xf32, #tpu.memory_space<vmem>>
    %dma_wait3A_95 = arith.constant 0 : i32
    %dma_wait3A_96 = tpu.memref_slice %arg8[%dma_wait3A_91, %dma_wait3A_95] : memref<4x128xi32, #tpu.memory_space<vmem>> -> memref<1x128xi32, #tpu.memory_space<vmem>>
    %dma_wait3A_97 = tpu.memref_squeeze %dma_wait3A_96 : memref<1x128xi32, #tpu.memory_space<vmem>> -> memref<128xi32, #tpu.memory_space<vmem>>
    %dma_wait3A_98 = arith.constant 0 : i32
    %dma_wait3A_99 = arith.constant 0 : i32
    %dma_wait3A_100 = tpu.memref_slice %arg5[%dma_wait3A_98, %dma_wait3A_99] : memref<100000x64xf32, #tpu.memory_space<hbm>> -> memref<100000x64xf32, #tpu.memory_space<hbm>>
    tpu.wait_indirect_dma semaphore(%arg13 : memref<!tpu.dma_semaphore, #tpu.memory_space<semaphore_mem>>) src(%dma_wait3A_100 : memref<100000x64xf32, #tpu.memory_space<hbm>>) dst(%dma_wait3A_94 : memref<128x64xf32, #tpu.memory_space<vmem>>)
    %scan3A = arith.constant 0 : i32
    %scan3A_101 = arith.constant 0 : i32
    %scan3A_102 = arith.constant 8 : i32
    %scan3A_103 = arith.addi %scan3A_101, %scan3A_102 : i32
    %scan3A_104 = arith.constant 1 : i32
    %scan3A_105 = scf.for %scan3A_188 = %scan3A_101 to %scan3A_103 step %scan3A_104 iter_args(%scan3A_189 = %scan3A) -> (i32)  : i32 {
      %mul3A_190 = arith.constant 16 : i32
      %mul3A_191 = arith.muli %scan3A_188, %mul3A_190 : i32
      %add3A_192 = arith.constant 0 : i32
      %add3A_193 = arith.addi %add3A_192, %mul3A_191 : i32
      %iota3A = tpu.iota {dimensions = array<i32: 0>} : vector<16xi32>
      %add3A_194 = vector.broadcast %add3A_193 : i32 to vector<16xi32>
      %add3A_195 = arith.addi %add3A_194, %iota3A : vector<16xi32>
      %broadcast_in_dim3A = arith.constant 0.000000e+00 : f32
      %broadcast_in_dim3A_196 = vector.broadcast %broadcast_in_dim3A : f32 to vector<16xf32>
      %broadcast_in_dim3A_197 = arith.constant 0 : i32
      %broadcast_in_dim3A_198 = vector.broadcast %broadcast_in_dim3A_197 : i32 to vector<16xi32>
      %gather3A = tpu.vector_load_idx %arg9[%add3A_195, %broadcast_in_dim3A_198] : memref<512x64xf32, #tpu.memory_space<vmem>>[vector<16xi32>, vector<16xi32>], vector<16xf32>,
      %gather3A_199 = tpu.vector_load_idx %arg10[%add3A_195, %broadcast_in_dim3A_198] : memref<512x64xf32, #tpu.memory_space<vmem>>[vector<16xi32>, vector<16xi32>], vector<16xf32>,
      %mul3A_200 = arith.mulf %gather3A, %gather3A_199 : vector<16xf32>
      %add3A_201 = arith.addf %broadcast_in_dim3A_196, %mul3A_200 : vector<16xf32>
      %broadcast_in_dim3A_202 = arith.constant 1 : i32
      %broadcast_in_dim3A_203 = vector.broadcast %broadcast_in_dim3A_202 : i32 to vector<16xi32>
      %gather3A_204 = tpu.vector_load_idx %arg9[%add3A_195, %broadcast_in_dim3A_203] : memref<512x64xf32, #tpu.memory_space<vmem>>[vector<16xi32>, vector<16xi32>], vector<16xf32>,
      %gather3A_205 = tpu.vector_load_idx %arg10[%add3A_195, %broadcast_in_dim3A_203] : memref<512x64xf32, #tpu.memory_space<vmem>>[vector<16xi32>, vector<16xi32>], vector<16xf32>,
      %mul3A_206 = arith.mulf %gather3A_204, %gather3A_205 : vector<16xf32>
      %add3A_207 = arith.addf %add3A_201, %mul3A_206 : vector<16xf32>
      %broadcast_in_dim3A_208 = arith.constant 2 : i32
      %broadcast_in_dim3A_209 = vector.broadcast %broadcast_in_dim3A_208 : i32 to vector<16xi32>
      %gather3A_210 = tpu.vector_load_idx %arg9[%add3A_195, %broadcast_in_dim3A_209] : memref<512x64xf32, #tpu.memory_space<vmem>>[vector<16xi32>, vector<16xi32>], vector<16xf32>,
      %gather3A_211 = tpu.vector_load_idx %arg10[%add3A_195, %broadcast_in_dim3A_209] : memref<512x64xf32, #tpu.memory_space<vmem>>[vector<16xi32>, vector<16xi32>], vector<16xf32>,
      %mul3A_212 = arith.mulf %gather3A_210, %gather3A_211 : vector<16xf32>
      %add3A_213 = arith.addf %add3A_207, %mul3A_212 : vector<16xf32>
      %broadcast_in_dim3A_214 = arith.constant 3 : i32
      %broadcast_in_dim3A_215 = vector.broadcast %broadcast_in_dim3A_214 : i32 to vector<16xi32>
      %gather3A_216 = tpu.vector_load_idx %arg9[%add3A_195, %broadcast_in_dim3A_215] : memref<512x64xf32, #tpu.memory_space<vmem>>[vector<16xi32>, vector<16xi32>], vector<16xf32>,
      %gather3A_217 = tpu.vector_load_idx %arg10[%add3A_195, %broadcast_in_dim3A_215] : memref<512x64xf32, #tpu.memory_space<vmem>>[vector<16xi32>, vector<16xi32>], vector<16xf32>,
      %mul3A_218 = arith.mulf %gather3A_216, %gather3A_217 : vector<16xf32>
      %add3A_219 = arith.addf %add3A_213, %mul3A_218 : vector<16xf32>
      %broadcast_in_dim3A_220 = arith.constant 4 : i32
      %broadcast_in_dim3A_221 = vector.broadcast %broadcast_in_dim3A_220 : i32 to vector<16xi32>
      %gather3A_222 = tpu.vector_load_idx %arg9[%add3A_195, %broadcast_in_dim3A_221] : memref<512x64xf32, #tpu.memory_space<vmem>>[vector<16xi32>, vector<16xi32>], vector<16xf32>,
      %gather3A_223 = tpu.vector_load_idx %arg10[%add3A_195, %broadcast_in_dim3A_221] : memref<512x64xf32, #tpu.memory_space<vmem>>[vector<16xi32>, vector<16xi32>], vector<16xf32>,
      %mul3A_224 = arith.mulf %gather3A_222, %gather3A_223 : vector<16xf32>
      %add3A_225 = arith.addf %add3A_219, %mul3A_224 : vector<16xf32>
      %broadcast_in_dim3A_226 = arith.constant 5 : i32
      %broadcast_in_dim3A_227 = vector.broadcast %broadcast_in_dim3A_226 : i32 to vector<16xi32>
      %gather3A_228 = tpu.vector_load_idx %arg9[%add3A_195, %broadcast_in_dim3A_227] : memref<512x64xf32, #tpu.memory_space<vmem>>[vector<16xi32>, vector<16xi32>], vector<16xf32>,
      %gather3A_229 = tpu.vector_load_idx %arg10[%add3A_195, %broadcast_in_dim3A_227] : memref<512x64xf32, #tpu.memory_space<vmem>>[vector<16xi32>, vector<16xi32>], vector<16xf32>,
      %mul3A_230 = arith.mulf %gather3A_228, %gather3A_229 : vector<16xf32>
      %add3A_231 = arith.addf %add3A_225, %mul3A_230 : vector<16xf32>
      %broadcast_in_dim3A_232 = arith.constant 6 : i32
      %broadcast_in_dim3A_233 = vector.broadcast %broadcast_in_dim3A_232 : i32 to vector<16xi32>
      %gather3A_234 = tpu.vector_load_idx %arg9[%add3A_195, %broadcast_in_dim3A_233] : memref<512x64xf32, #tpu.memory_space<vmem>>[vector<16xi32>, vector<16xi32>], vector<16xf32>,
      %gather3A_235 = tpu.vector_load_idx %arg10[%add3A_195, %broadcast_in_dim3A_233] : memref<512x64xf32, #tpu.memory_space<vmem>>[vector<16xi32>, vector<16xi32>], vector<16xf32>,
      %mul3A_236 = arith.mulf %gather3A_234, %gather3A_235 : vector<16xf32>
      %add3A_237 = arith.addf %add3A_231, %mul3A_236 : vector<16xf32>
      %broadcast_in_dim3A_238 = arith.constant 7 : i32
      %broadcast_in_dim3A_239 = vector.broadcast %broadcast_in_dim3A_238 : i32 to vector<16xi32>
      %gather3A_240 = tpu.vector_load_idx %arg9[%add3A_195, %broadcast_in_dim3A_239] : memref<512x64xf32, #tpu.memory_space<vmem>>[vector<16xi32>, vector<16xi32>], vector<16xf32>,
      %gather3A_241 = tpu.vector_load_idx %arg10[%add3A_195, %broadcast_in_dim3A_239] : memref<512x64xf32, #tpu.memory_space<vmem>>[vector<16xi32>, vector<16xi32>], vector<16xf32>,
      %mul3A_242 = arith.mulf %gather3A_240, %gather3A_241 : vector<16xf32>
      %add3A_243 = arith.addf %add3A_237, %mul3A_242 : vector<16xf32>
      %broadcast_in_dim3A_244 = arith.constant 8 : i32
      %broadcast_in_dim3A_245 = vector.broadcast %broadcast_in_dim3A_244 : i32 to vector<16xi32>
      %gather3A_246 = tpu.vector_load_idx %arg9[%add3A_195, %broadcast_in_dim3A_245] : memref<512x64xf32, #tpu.memory_space<vmem>>[vector<16xi32>, vector<16xi32>], vector<16xf32>,
      %gather3A_247 = tpu.vector_load_idx %arg10[%add3A_195, %broadcast_in_dim3A_245] : memref<512x64xf32, #tpu.memory_space<vmem>>[vector<16xi32>, vector<16xi32>], vector<16xf32>,
      %mul3A_248 = arith.mulf %gather3A_246, %gather3A_247 : vector<16xf32>
      %add3A_249 = arith.addf %add3A_243, %mul3A_248 : vector<16xf32>
      %broadcast_in_dim3A_250 = arith.constant 9 : i32
      %broadcast_in_dim3A_251 = vector.broadcast %broadcast_in_dim3A_250 : i32 to vector<16xi32>
      %gather3A_252 = tpu.vector_load_idx %arg9[%add3A_195, %broadcast_in_dim3A_251] : memref<512x64xf32, #tpu.memory_space<vmem>>[vector<16xi32>, vector<16xi32>], vector<16xf32>,
      %gather3A_253 = tpu.vector_load_idx %arg10[%add3A_195, %broadcast_in_dim3A_251] : memref<512x64xf32, #tpu.memory_space<vmem>>[vector<16xi32>, vector<16xi32>], vector<16xf32>,
      %mul3A_254 = arith.mulf %gather3A_252, %gather3A_253 : vector<16xf32>
      %add3A_255 = arith.addf %add3A_249, %mul3A_254 : vector<16xf32>
      %broadcast_in_dim3A_256 = arith.constant 10 : i32
      %broadcast_in_dim3A_257 = vector.broadcast %broadcast_in_dim3A_256 : i32 to vector<16xi32>
      %gather3A_258 = tpu.vector_load_idx %arg9[%add3A_195, %broadcast_in_dim3A_257] : memref<512x64xf32, #tpu.memory_space<vmem>>[vector<16xi32>, vector<16xi32>], vector<16xf32>,
      %gather3A_259 = tpu.vector_load_idx %arg10[%add3A_195, %broadcast_in_dim3A_257] : memref<512x64xf32, #tpu.memory_space<vmem>>[vector<16xi32>, vector<16xi32>], vector<16xf32>,
      %mul3A_260 = arith.mulf %gather3A_258, %gather3A_259 : vector<16xf32>
      %add3A_261 = arith.addf %add3A_255, %mul3A_260 : vector<16xf32>
      %broadcast_in_dim3A_262 = arith.constant 11 : i32
      %broadcast_in_dim3A_263 = vector.broadcast %broadcast_in_dim3A_262 : i32 to vector<16xi32>
      %gather3A_264 = tpu.vector_load_idx %arg9[%add3A_195, %broadcast_in_dim3A_263] : memref<512x64xf32, #tpu.memory_space<vmem>>[vector<16xi32>, vector<16xi32>], vector<16xf32>,
      %gather3A_265 = tpu.vector_load_idx %arg10[%add3A_195, %broadcast_in_dim3A_263] : memref<512x64xf32, #tpu.memory_space<vmem>>[vector<16xi32>, vector<16xi32>], vector<16xf32>,
      %mul3A_266 = arith.mulf %gather3A_264, %gather3A_265 : vector<16xf32>
      %add3A_267 = arith.addf %add3A_261, %mul3A_266 : vector<16xf32>
      %broadcast_in_dim3A_268 = arith.constant 12 : i32
      %broadcast_in_dim3A_269 = vector.broadcast %broadcast_in_dim3A_268 : i32 to vector<16xi32>
      %gather3A_270 = tpu.vector_load_idx %arg9[%add3A_195, %broadcast_in_dim3A_269] : memref<512x64xf32, #tpu.memory_space<vmem>>[vector<16xi32>, vector<16xi32>], vector<16xf32>,
      %gather3A_271 = tpu.vector_load_idx %arg10[%add3A_195, %broadcast_in_dim3A_269] : memref<512x64xf32, #tpu.memory_space<vmem>>[vector<16xi32>, vector<16xi32>], vector<16xf32>,
      %mul3A_272 = arith.mulf %gather3A_270, %gather3A_271 : vector<16xf32>
      %add3A_273 = arith.addf %add3A_267, %mul3A_272 : vector<16xf32>
      %broadcast_in_dim3A_274 = arith.constant 13 : i32
      %broadcast_in_dim3A_275 = vector.broadcast %broadcast_in_dim3A_274 : i32 to vector<16xi32>
      %gather3A_276 = tpu.vector_load_idx %arg9[%add3A_195, %broadcast_in_dim3A_275] : memref<512x64xf32, #tpu.memory_space<vmem>>[vector<16xi32>, vector<16xi32>], vector<16xf32>,
      %gather3A_277 = tpu.vector_load_idx %arg10[%add3A_195, %broadcast_in_dim3A_275] : memref<512x64xf32, #tpu.memory_space<vmem>>[vector<16xi32>, vector<16xi32>], vector<16xf32>,
      %mul3A_278 = arith.mulf %gather3A_276, %gather3A_277 : vector<16xf32>
      %add3A_279 = arith.addf %add3A_273, %mul3A_278 : vector<16xf32>
      %broadcast_in_dim3A_280 = arith.constant 14 : i32
      %broadcast_in_dim3A_281 = vector.broadcast %broadcast_in_dim3A_280 : i32 to vector<16xi32>
      %gather3A_282 = tpu.vector_load_idx %arg9[%add3A_195, %broadcast_in_dim3A_281] : memref<512x64xf32, #tpu.memory_space<vmem>>[vector<16xi32>, vector<16xi32>], vector<16xf32>,
      %gather3A_283 = tpu.vector_load_idx %arg10[%add3A_195, %broadcast_in_dim3A_281] : memref<512x64xf32, #tpu.memory_space<vmem>>[vector<16xi32>, vector<16xi32>], vector<16xf32>,
      %mul3A_284 = arith.mulf %gather3A_282, %gather3A_283 : vector<16xf32>
      %add3A_285 = arith.addf %add3A_279, %mul3A_284 : vector<16xf32>
      %broadcast_in_dim3A_286 = arith.constant 15 : i32
      %broadcast_in_dim3A_287 = vector.broadcast %broadcast_in_dim3A_286 : i32 to vector<16xi32>
      %gather3A_288 = tpu.vector_load_idx %arg9[%add3A_195, %broadcast_in_dim3A_287] : memref<512x64xf32, #tpu.memory_space<vmem>>[vector<16xi32>, vector<16xi32>], vector<16xf32>,
      %gather3A_289 = tpu.vector_load_idx %arg10[%add3A_195, %broadcast_in_dim3A_287] : memref<512x64xf32, #tpu.memory_space<vmem>>[vector<16xi32>, vector<16xi32>], vector<16xf32>,
      %mul3A_290 = arith.mulf %gather3A_288, %gather3A_289 : vector<16xf32>
      %add3A_291 = arith.addf %add3A_285, %mul3A_290 : vector<16xf32>
      %broadcast_in_dim3A_292 = arith.constant 16 : i32
      %broadcast_in_dim3A_293 = vector.broadcast %broadcast_in_dim3A_292 : i32 to vector<16xi32>
      %gather3A_294 = tpu.vector_load_idx %arg9[%add3A_195, %broadcast_in_dim3A_293] : memref<512x64xf32, #tpu.memory_space<vmem>>[vector<16xi32>, vector<16xi32>], vector<16xf32>,
      %gather3A_295 = tpu.vector_load_idx %arg10[%add3A_195, %broadcast_in_dim3A_293] : memref<512x64xf32, #tpu.memory_space<vmem>>[vector<16xi32>, vector<16xi32>], vector<16xf32>,
      %mul3A_296 = arith.mulf %gather3A_294, %gather3A_295 : vector<16xf32>
      %add3A_297 = arith.addf %add3A_291, %mul3A_296 : vector<16xf32>
      %broadcast_in_dim3A_298 = arith.constant 17 : i32
      %broadcast_in_dim3A_299 = vector.broadcast %broadcast_in_dim3A_298 : i32 to vector<16xi32>
      %gather3A_300 = tpu.vector_load_idx %arg9[%add3A_195, %broadcast_in_dim3A_299] : memref<512x64xf32, #tpu.memory_space<vmem>>[vector<16xi32>, vector<16xi32>], vector<16xf32>,
      %gather3A_301 = tpu.vector_load_idx %arg10[%add3A_195, %broadcast_in_dim3A_299] : memref<512x64xf32, #tpu.memory_space<vmem>>[vector<16xi32>, vector<16xi32>], vector<16xf32>,
      %mul3A_302 = arith.mulf %gather3A_300, %gather3A_301 : vector<16xf32>
      %add3A_303 = arith.addf %add3A_297, %mul3A_302 : vector<16xf32>
      %broadcast_in_dim3A_304 = arith.constant 18 : i32
      %broadcast_in_dim3A_305 = vector.broadcast %broadcast_in_dim3A_304 : i32 to vector<16xi32>
      %gather3A_306 = tpu.vector_load_idx %arg9[%add3A_195, %broadcast_in_dim3A_305] : memref<512x64xf32, #tpu.memory_space<vmem>>[vector<16xi32>, vector<16xi32>], vector<16xf32>,
      %gather3A_307 = tpu.vector_load_idx %arg10[%add3A_195, %broadcast_in_dim3A_305] : memref<512x64xf32, #tpu.memory_space<vmem>>[vector<16xi32>, vector<16xi32>], vector<16xf32>,
      %mul3A_308 = arith.mulf %gather3A_306, %gather3A_307 : vector<16xf32>
      %add3A_309 = arith.addf %add3A_303, %mul3A_308 : vector<16xf32>
      %broadcast_in_dim3A_310 = arith.constant 19 : i32
      %broadcast_in_dim3A_311 = vector.broadcast %broadcast_in_dim3A_310 : i32 to vector<16xi32>
      %gather3A_312 = tpu.vector_load_idx %arg9[%add3A_195, %broadcast_in_dim3A_311] : memref<512x64xf32, #tpu.memory_space<vmem>>[vector<16xi32>, vector<16xi32>], vector<16xf32>,
      %gather3A_313 = tpu.vector_load_idx %arg10[%add3A_195, %broadcast_in_dim3A_311] : memref<512x64xf32, #tpu.memory_space<vmem>>[vector<16xi32>, vector<16xi32>], vector<16xf32>,
      %mul3A_314 = arith.mulf %gather3A_312, %gather3A_313 : vector<16xf32>
      %add3A_315 = arith.addf %add3A_309, %mul3A_314 : vector<16xf32>
      %broadcast_in_dim3A_316 = arith.constant 20 : i32
      %broadcast_in_dim3A_317 = vector.broadcast %broadcast_in_dim3A_316 : i32 to vector<16xi32>
      %gather3A_318 = tpu.vector_load_idx %arg9[%add3A_195, %broadcast_in_dim3A_317] : memref<512x64xf32, #tpu.memory_space<vmem>>[vector<16xi32>, vector<16xi32>], vector<16xf32>,
      %gather3A_319 = tpu.vector_load_idx %arg10[%add3A_195, %broadcast_in_dim3A_317] : memref<512x64xf32, #tpu.memory_space<vmem>>[vector<16xi32>, vector<16xi32>], vector<16xf32>,
      %mul3A_320 = arith.mulf %gather3A_318, %gather3A_319 : vector<16xf32>
      %add3A_321 = arith.addf %add3A_315, %mul3A_320 : vector<16xf32>
      %broadcast_in_dim3A_322 = arith.constant 21 : i32
      %broadcast_in_dim3A_323 = vector.broadcast %broadcast_in_dim3A_322 : i32 to vector<16xi32>
      %gather3A_324 = tpu.vector_load_idx %arg9[%add3A_195, %broadcast_in_dim3A_323] : memref<512x64xf32, #tpu.memory_space<vmem>>[vector<16xi32>, vector<16xi32>], vector<16xf32>,
      %gather3A_325 = tpu.vector_load_idx %arg10[%add3A_195, %broadcast_in_dim3A_323] : memref<512x64xf32, #tpu.memory_space<vmem>>[vector<16xi32>, vector<16xi32>], vector<16xf32>,
      %mul3A_326 = arith.mulf %gather3A_324, %gather3A_325 : vector<16xf32>
      %add3A_327 = arith.addf %add3A_321, %mul3A_326 : vector<16xf32>
      %broadcast_in_dim3A_328 = arith.constant 22 : i32
      %broadcast_in_dim3A_329 = vector.broadcast %broadcast_in_dim3A_328 : i32 to vector<16xi32>
      %gather3A_330 = tpu.vector_load_idx %arg9[%add3A_195, %broadcast_in_dim3A_329] : memref<512x64xf32, #tpu.memory_space<vmem>>[vector<16xi32>, vector<16xi32>], vector<16xf32>,
      %gather3A_331 = tpu.vector_load_idx %arg10[%add3A_195, %broadcast_in_dim3A_329] : memref<512x64xf32, #tpu.memory_space<vmem>>[vector<16xi32>, vector<16xi32>], vector<16xf32>,
      %mul3A_332 = arith.mulf %gather3A_330, %gather3A_331 : vector<16xf32>
      %add3A_333 = arith.addf %add3A_327, %mul3A_332 : vector<16xf32>
      %broadcast_in_dim3A_334 = arith.constant 23 : i32
      %broadcast_in_dim3A_335 = vector.broadcast %broadcast_in_dim3A_334 : i32 to vector<16xi32>
      %gather3A_336 = tpu.vector_load_idx %arg9[%add3A_195, %broadcast_in_dim3A_335] : memref<512x64xf32, #tpu.memory_space<vmem>>[vector<16xi32>, vector<16xi32>], vector<16xf32>,
      %gather3A_337 = tpu.vector_load_idx %arg10[%add3A_195, %broadcast_in_dim3A_335] : memref<512x64xf32, #tpu.memory_space<vmem>>[vector<16xi32>, vector<16xi32>], vector<16xf32>,
      %mul3A_338 = arith.mulf %gather3A_336, %gather3A_337 : vector<16xf32>
      %add3A_339 = arith.addf %add3A_333, %mul3A_338 : vector<16xf32>
      %broadcast_in_dim3A_340 = arith.constant 24 : i32
      %broadcast_in_dim3A_341 = vector.broadcast %broadcast_in_dim3A_340 : i32 to vector<16xi32>
      %gather3A_342 = tpu.vector_load_idx %arg9[%add3A_195, %broadcast_in_dim3A_341] : memref<512x64xf32, #tpu.memory_space<vmem>>[vector<16xi32>, vector<16xi32>], vector<16xf32>,
      %gather3A_343 = tpu.vector_load_idx %arg10[%add3A_195, %broadcast_in_dim3A_341] : memref<512x64xf32, #tpu.memory_space<vmem>>[vector<16xi32>, vector<16xi32>], vector<16xf32>,
      %mul3A_344 = arith.mulf %gather3A_342, %gather3A_343 : vector<16xf32>
      %add3A_345 = arith.addf %add3A_339, %mul3A_344 : vector<16xf32>
      %broadcast_in_dim3A_346 = arith.constant 25 : i32
      %broadcast_in_dim3A_347 = vector.broadcast %broadcast_in_dim3A_346 : i32 to vector<16xi32>
      %gather3A_348 = tpu.vector_load_idx %arg9[%add3A_195, %broadcast_in_dim3A_347] : memref<512x64xf32, #tpu.memory_space<vmem>>[vector<16xi32>, vector<16xi32>], vector<16xf32>,
      %gather3A_349 = tpu.vector_load_idx %arg10[%add3A_195, %broadcast_in_dim3A_347] : memref<512x64xf32, #tpu.memory_space<vmem>>[vector<16xi32>, vector<16xi32>], vector<16xf32>,
      %mul3A_350 = arith.mulf %gather3A_348, %gather3A_349 : vector<16xf32>
      %add3A_351 = arith.addf %add3A_345, %mul3A_350 : vector<16xf32>
      %broadcast_in_dim3A_352 = arith.constant 26 : i32
      %broadcast_in_dim3A_353 = vector.broadcast %broadcast_in_dim3A_352 : i32 to vector<16xi32>
      %gather3A_354 = tpu.vector_load_idx %arg9[%add3A_195, %broadcast_in_dim3A_353] : memref<512x64xf32, #tpu.memory_space<vmem>>[vector<16xi32>, vector<16xi32>], vector<16xf32>,
      %gather3A_355 = tpu.vector_load_idx %arg10[%add3A_195, %broadcast_in_dim3A_353] : memref<512x64xf32, #tpu.memory_space<vmem>>[vector<16xi32>, vector<16xi32>], vector<16xf32>,
      %mul3A_356 = arith.mulf %gather3A_354, %gather3A_355 : vector<16xf32>
      %add3A_357 = arith.addf %add3A_351, %mul3A_356 : vector<16xf32>
      %broadcast_in_dim3A_358 = arith.constant 27 : i32
      %broadcast_in_dim3A_359 = vector.broadcast %broadcast_in_dim3A_358 : i32 to vector<16xi32>
      %gather3A_360 = tpu.vector_load_idx %arg9[%add3A_195, %broadcast_in_dim3A_359] : memref<512x64xf32, #tpu.memory_space<vmem>>[vector<16xi32>, vector<16xi32>], vector<16xf32>,
      %gather3A_361 = tpu.vector_load_idx %arg10[%add3A_195, %broadcast_in_dim3A_359] : memref<512x64xf32, #tpu.memory_space<vmem>>[vector<16xi32>, vector<16xi32>], vector<16xf32>,
      %mul3A_362 = arith.mulf %gather3A_360, %gather3A_361 : vector<16xf32>
      %add3A_363 = arith.addf %add3A_357, %mul3A_362 : vector<16xf32>
      %broadcast_in_dim3A_364 = arith.constant 28 : i32
      %broadcast_in_dim3A_365 = vector.broadcast %broadcast_in_dim3A_364 : i32 to vector<16xi32>
      %gather3A_366 = tpu.vector_load_idx %arg9[%add3A_195, %broadcast_in_dim3A_365] : memref<512x64xf32, #tpu.memory_space<vmem>>[vector<16xi32>, vector<16xi32>], vector<16xf32>,
      %gather3A_367 = tpu.vector_load_idx %arg10[%add3A_195, %broadcast_in_dim3A_365] : memref<512x64xf32, #tpu.memory_space<vmem>>[vector<16xi32>, vector<16xi32>], vector<16xf32>,
      %mul3A_368 = arith.mulf %gather3A_366, %gather3A_367 : vector<16xf32>
      %add3A_369 = arith.addf %add3A_363, %mul3A_368 : vector<16xf32>
      %broadcast_in_dim3A_370 = arith.constant 29 : i32
      %broadcast_in_dim3A_371 = vector.broadcast %broadcast_in_dim3A_370 : i32 to vector<16xi32>
      %gather3A_372 = tpu.vector_load_idx %arg9[%add3A_195, %broadcast_in_dim3A_371] : memref<512x64xf32, #tpu.memory_space<vmem>>[vector<16xi32>, vector<16xi32>], vector<16xf32>,
      %gather3A_373 = tpu.vector_load_idx %arg10[%add3A_195, %broadcast_in_dim3A_371] : memref<512x64xf32, #tpu.memory_space<vmem>>[vector<16xi32>, vector<16xi32>], vector<16xf32>,
      %mul3A_374 = arith.mulf %gather3A_372, %gather3A_373 : vector<16xf32>
      %add3A_375 = arith.addf %add3A_369, %mul3A_374 : vector<16xf32>
      %broadcast_in_dim3A_376 = arith.constant 30 : i32
      %broadcast_in_dim3A_377 = vector.broadcast %broadcast_in_dim3A_376 : i32 to vector<16xi32>
      %gather3A_378 = tpu.vector_load_idx %arg9[%add3A_195, %broadcast_in_dim3A_377] : memref<512x64xf32, #tpu.memory_space<vmem>>[vector<16xi32>, vector<16xi32>], vector<16xf32>,
      %gather3A_379 = tpu.vector_load_idx %arg10[%add3A_195, %broadcast_in_dim3A_377] : memref<512x64xf32, #tpu.memory_space<vmem>>[vector<16xi32>, vector<16xi32>], vector<16xf32>,
      %mul3A_380 = arith.mulf %gather3A_378, %gather3A_379 : vector<16xf32>
      %add3A_381 = arith.addf %add3A_375, %mul3A_380 : vector<16xf32>
      %broadcast_in_dim3A_382 = arith.constant 31 : i32
      %broadcast_in_dim3A_383 = vector.broadcast %broadcast_in_dim3A_382 : i32 to vector<16xi32>
      %gather3A_384 = tpu.vector_load_idx %arg9[%add3A_195, %broadcast_in_dim3A_383] : memref<512x64xf32, #tpu.memory_space<vmem>>[vector<16xi32>, vector<16xi32>], vector<16xf32>,
      %gather3A_385 = tpu.vector_load_idx %arg10[%add3A_195, %broadcast_in_dim3A_383] : memref<512x64xf32, #tpu.memory_space<vmem>>[vector<16xi32>, vector<16xi32>], vector<16xf32>,
      %mul3A_386 = arith.mulf %gather3A_384, %gather3A_385 : vector<16xf32>
      %add3A_387 = arith.addf %add3A_381, %mul3A_386 : vector<16xf32>
      %broadcast_in_dim3A_388 = arith.constant 32 : i32
      %broadcast_in_dim3A_389 = vector.broadcast %broadcast_in_dim3A_388 : i32 to vector<16xi32>
      %gather3A_390 = tpu.vector_load_idx %arg9[%add3A_195, %broadcast_in_dim3A_389] : memref<512x64xf32, #tpu.memory_space<vmem>>[vector<16xi32>, vector<16xi32>], vector<16xf32>,
      %gather3A_391 = tpu.vector_load_idx %arg10[%add3A_195, %broadcast_in_dim3A_389] : memref<512x64xf32, #tpu.memory_space<vmem>>[vector<16xi32>, vector<16xi32>], vector<16xf32>,
      %mul3A_392 = arith.mulf %gather3A_390, %gather3A_391 : vector<16xf32>
      %add3A_393 = arith.addf %add3A_387, %mul3A_392 : vector<16xf32>
      %broadcast_in_dim3A_394 = arith.constant 33 : i32
      %broadcast_in_dim3A_395 = vector.broadcast %broadcast_in_dim3A_394 : i32 to vector<16xi32>
      %gather3A_396 = tpu.vector_load_idx %arg9[%add3A_195, %broadcast_in_dim3A_395] : memref<512x64xf32, #tpu.memory_space<vmem>>[vector<16xi32>, vector<16xi32>], vector<16xf32>,
      %gather3A_397 = tpu.vector_load_idx %arg10[%add3A_195, %broadcast_in_dim3A_395] : memref<512x64xf32, #tpu.memory_space<vmem>>[vector<16xi32>, vector<16xi32>], vector<16xf32>,
      %mul3A_398 = arith.mulf %gather3A_396, %gather3A_397 : vector<16xf32>
      %add3A_399 = arith.addf %add3A_393, %mul3A_398 : vector<16xf32>
      %broadcast_in_dim3A_400 = arith.constant 34 : i32
      %broadcast_in_dim3A_401 = vector.broadcast %broadcast_in_dim3A_400 : i32 to vector<16xi32>
      %gather3A_402 = tpu.vector_load_idx %arg9[%add3A_195, %broadcast_in_dim3A_401] : memref<512x64xf32, #tpu.memory_space<vmem>>[vector<16xi32>, vector<16xi32>], vector<16xf32>,
      %gather3A_403 = tpu.vector_load_idx %arg10[%add3A_195, %broadcast_in_dim3A_401] : memref<512x64xf32, #tpu.memory_space<vmem>>[vector<16xi32>, vector<16xi32>], vector<16xf32>,
      %mul3A_404 = arith.mulf %gather3A_402, %gather3A_403 : vector<16xf32>
      %add3A_405 = arith.addf %add3A_399, %mul3A_404 : vector<16xf32>
      %broadcast_in_dim3A_406 = arith.constant 35 : i32
      %broadcast_in_dim3A_407 = vector.broadcast %broadcast_in_dim3A_406 : i32 to vector<16xi32>
      %gather3A_408 = tpu.vector_load_idx %arg9[%add3A_195, %broadcast_in_dim3A_407] : memref<512x64xf32, #tpu.memory_space<vmem>>[vector<16xi32>, vector<16xi32>], vector<16xf32>,
      %gather3A_409 = tpu.vector_load_idx %arg10[%add3A_195, %broadcast_in_dim3A_407] : memref<512x64xf32, #tpu.memory_space<vmem>>[vector<16xi32>, vector<16xi32>], vector<16xf32>,
      %mul3A_410 = arith.mulf %gather3A_408, %gather3A_409 : vector<16xf32>
      %add3A_411 = arith.addf %add3A_405, %mul3A_410 : vector<16xf32>
      %broadcast_in_dim3A_412 = arith.constant 36 : i32
      %broadcast_in_dim3A_413 = vector.broadcast %broadcast_in_dim3A_412 : i32 to vector<16xi32>
      %gather3A_414 = tpu.vector_load_idx %arg9[%add3A_195, %broadcast_in_dim3A_413] : memref<512x64xf32, #tpu.memory_space<vmem>>[vector<16xi32>, vector<16xi32>], vector<16xf32>,
      %gather3A_415 = tpu.vector_load_idx %arg10[%add3A_195, %broadcast_in_dim3A_413] : memref<512x64xf32, #tpu.memory_space<vmem>>[vector<16xi32>, vector<16xi32>], vector<16xf32>,
      %mul3A_416 = arith.mulf %gather3A_414, %gather3A_415 : vector<16xf32>
      %add3A_417 = arith.addf %add3A_411, %mul3A_416 : vector<16xf32>
      %broadcast_in_dim3A_418 = arith.constant 37 : i32
      %broadcast_in_dim3A_419 = vector.broadcast %broadcast_in_dim3A_418 : i32 to vector<16xi32>
      %gather3A_420 = tpu.vector_load_idx %arg9[%add3A_195, %broadcast_in_dim3A_419] : memref<512x64xf32, #tpu.memory_space<vmem>>[vector<16xi32>, vector<16xi32>], vector<16xf32>,
      %gather3A_421 = tpu.vector_load_idx %arg10[%add3A_195, %broadcast_in_dim3A_419] : memref<512x64xf32, #tpu.memory_space<vmem>>[vector<16xi32>, vector<16xi32>], vector<16xf32>,
      %mul3A_422 = arith.mulf %gather3A_420, %gather3A_421 : vector<16xf32>
      %add3A_423 = arith.addf %add3A_417, %mul3A_422 : vector<16xf32>
      %broadcast_in_dim3A_424 = arith.constant 38 : i32
      %broadcast_in_dim3A_425 = vector.broadcast %broadcast_in_dim3A_424 : i32 to vector<16xi32>
      %gather3A_426 = tpu.vector_load_idx %arg9[%add3A_195, %broadcast_in_dim3A_425] : memref<512x64xf32, #tpu.memory_space<vmem>>[vector<16xi32>, vector<16xi32>], vector<16xf32>,
      %gather3A_427 = tpu.vector_load_idx %arg10[%add3A_195, %broadcast_in_dim3A_425] : memref<512x64xf32, #tpu.memory_space<vmem>>[vector<16xi32>, vector<16xi32>], vector<16xf32>,
      %mul3A_428 = arith.mulf %gather3A_426, %gather3A_427 : vector<16xf32>
      %add3A_429 = arith.addf %add3A_423, %mul3A_428 : vector<16xf32>
      %broadcast_in_dim3A_430 = arith.constant 39 : i32
      %broadcast_in_dim3A_431 = vector.broadcast %broadcast_in_dim3A_430 : i32 to vector<16xi32>
      %gather3A_432 = tpu.vector_load_idx %arg9[%add3A_195, %broadcast_in_dim3A_431] : memref<512x64xf32, #tpu.memory_space<vmem>>[vector<16xi32>, vector<16xi32>], vector<16xf32>,
      %gather3A_433 = tpu.vector_load_idx %arg10[%add3A_195, %broadcast_in_dim3A_431] : memref<512x64xf32, #tpu.memory_space<vmem>>[vector<16xi32>, vector<16xi32>], vector<16xf32>,
      %mul3A_434 = arith.mulf %gather3A_432, %gather3A_433 : vector<16xf32>
      %add3A_435 = arith.addf %add3A_429, %mul3A_434 : vector<16xf32>
      %broadcast_in_dim3A_436 = arith.constant 40 : i32
      %broadcast_in_dim3A_437 = vector.broadcast %broadcast_in_dim3A_436 : i32 to vector<16xi32>
      %gather3A_438 = tpu.vector_load_idx %arg9[%add3A_195, %broadcast_in_dim3A_437] : memref<512x64xf32, #tpu.memory_space<vmem>>[vector<16xi32>, vector<16xi32>], vector<16xf32>,
      %gather3A_439 = tpu.vector_load_idx %arg10[%add3A_195, %broadcast_in_dim3A_437] : memref<512x64xf32, #tpu.memory_space<vmem>>[vector<16xi32>, vector<16xi32>], vector<16xf32>,
      %mul3A_440 = arith.mulf %gather3A_438, %gather3A_439 : vector<16xf32>
      %add3A_441 = arith.addf %add3A_435, %mul3A_440 : vector<16xf32>
      %broadcast_in_dim3A_442 = arith.constant 41 : i32
      %broadcast_in_dim3A_443 = vector.broadcast %broadcast_in_dim3A_442 : i32 to vector<16xi32>
      %gather3A_444 = tpu.vector_load_idx %arg9[%add3A_195, %broadcast_in_dim3A_443] : memref<512x64xf32, #tpu.memory_space<vmem>>[vector<16xi32>, vector<16xi32>], vector<16xf32>,
      %gather3A_445 = tpu.vector_load_idx %arg10[%add3A_195, %broadcast_in_dim3A_443] : memref<512x64xf32, #tpu.memory_space<vmem>>[vector<16xi32>, vector<16xi32>], vector<16xf32>,
      %mul3A_446 = arith.mulf %gather3A_444, %gather3A_445 : vector<16xf32>
      %add3A_447 = arith.addf %add3A_441, %mul3A_446 : vector<16xf32>
      %broadcast_in_dim3A_448 = arith.constant 42 : i32
      %broadcast_in_dim3A_449 = vector.broadcast %broadcast_in_dim3A_448 : i32 to vector<16xi32>
      %gather3A_450 = tpu.vector_load_idx %arg9[%add3A_195, %broadcast_in_dim3A_449] : memref<512x64xf32, #tpu.memory_space<vmem>>[vector<16xi32>, vector<16xi32>], vector<16xf32>,
      %gather3A_451 = tpu.vector_load_idx %arg10[%add3A_195, %broadcast_in_dim3A_449] : memref<512x64xf32, #tpu.memory_space<vmem>>[vector<16xi32>, vector<16xi32>], vector<16xf32>,
      %mul3A_452 = arith.mulf %gather3A_450, %gather3A_451 : vector<16xf32>
      %add3A_453 = arith.addf %add3A_447, %mul3A_452 : vector<16xf32>
      %broadcast_in_dim3A_454 = arith.constant 43 : i32
      %broadcast_in_dim3A_455 = vector.broadcast %broadcast_in_dim3A_454 : i32 to vector<16xi32>
      %gather3A_456 = tpu.vector_load_idx %arg9[%add3A_195, %broadcast_in_dim3A_455] : memref<512x64xf32, #tpu.memory_space<vmem>>[vector<16xi32>, vector<16xi32>], vector<16xf32>,
      %gather3A_457 = tpu.vector_load_idx %arg10[%add3A_195, %broadcast_in_dim3A_455] : memref<512x64xf32, #tpu.memory_space<vmem>>[vector<16xi32>, vector<16xi32>], vector<16xf32>,
      %mul3A_458 = arith.mulf %gather3A_456, %gather3A_457 : vector<16xf32>
      %add3A_459 = arith.addf %add3A_453, %mul3A_458 : vector<16xf32>
      %broadcast_in_dim3A_460 = arith.constant 44 : i32
      %broadcast_in_dim3A_461 = vector.broadcast %broadcast_in_dim3A_460 : i32 to vector<16xi32>
      %gather3A_462 = tpu.vector_load_idx %arg9[%add3A_195, %broadcast_in_dim3A_461] : memref<512x64xf32, #tpu.memory_space<vmem>>[vector<16xi32>, vector<16xi32>], vector<16xf32>,
      %gather3A_463 = tpu.vector_load_idx %arg10[%add3A_195, %broadcast_in_dim3A_461] : memref<512x64xf32, #tpu.memory_space<vmem>>[vector<16xi32>, vector<16xi32>], vector<16xf32>,
      %mul3A_464 = arith.mulf %gather3A_462, %gather3A_463 : vector<16xf32>
      %add3A_465 = arith.addf %add3A_459, %mul3A_464 : vector<16xf32>
      %broadcast_in_dim3A_466 = arith.constant 45 : i32
      %broadcast_in_dim3A_467 = vector.broadcast %broadcast_in_dim3A_466 : i32 to vector<16xi32>
      %gather3A_468 = tpu.vector_load_idx %arg9[%add3A_195, %broadcast_in_dim3A_467] : memref<512x64xf32, #tpu.memory_space<vmem>>[vector<16xi32>, vector<16xi32>], vector<16xf32>,
      %gather3A_469 = tpu.vector_load_idx %arg10[%add3A_195, %broadcast_in_dim3A_467] : memref<512x64xf32, #tpu.memory_space<vmem>>[vector<16xi32>, vector<16xi32>], vector<16xf32>,
      %mul3A_470 = arith.mulf %gather3A_468, %gather3A_469 : vector<16xf32>
      %add3A_471 = arith.addf %add3A_465, %mul3A_470 : vector<16xf32>
      %broadcast_in_dim3A_472 = arith.constant 46 : i32
      %broadcast_in_dim3A_473 = vector.broadcast %broadcast_in_dim3A_472 : i32 to vector<16xi32>
      %gather3A_474 = tpu.vector_load_idx %arg9[%add3A_195, %broadcast_in_dim3A_473] : memref<512x64xf32, #tpu.memory_space<vmem>>[vector<16xi32>, vector<16xi32>], vector<16xf32>,
      %gather3A_475 = tpu.vector_load_idx %arg10[%add3A_195, %broadcast_in_dim3A_473] : memref<512x64xf32, #tpu.memory_space<vmem>>[vector<16xi32>, vector<16xi32>], vector<16xf32>,
      %mul3A_476 = arith.mulf %gather3A_474, %gather3A_475 : vector<16xf32>
      %add3A_477 = arith.addf %add3A_471, %mul3A_476 : vector<16xf32>
      %broadcast_in_dim3A_478 = arith.constant 47 : i32
      %broadcast_in_dim3A_479 = vector.broadcast %broadcast_in_dim3A_478 : i32 to vector<16xi32>
      %gather3A_480 = tpu.vector_load_idx %arg9[%add3A_195, %broadcast_in_dim3A_479] : memref<512x64xf32, #tpu.memory_space<vmem>>[vector<16xi32>, vector<16xi32>], vector<16xf32>,
      %gather3A_481 = tpu.vector_load_idx %arg10[%add3A_195, %broadcast_in_dim3A_479] : memref<512x64xf32, #tpu.memory_space<vmem>>[vector<16xi32>, vector<16xi32>], vector<16xf32>,
      %mul3A_482 = arith.mulf %gather3A_480, %gather3A_481 : vector<16xf32>
      %add3A_483 = arith.addf %add3A_477, %mul3A_482 : vector<16xf32>
      %broadcast_in_dim3A_484 = arith.constant 48 : i32
      %broadcast_in_dim3A_485 = vector.broadcast %broadcast_in_dim3A_484 : i32 to vector<16xi32>
      %gather3A_486 = tpu.vector_load_idx %arg9[%add3A_195, %broadcast_in_dim3A_485] : memref<512x64xf32, #tpu.memory_space<vmem>>[vector<16xi32>, vector<16xi32>], vector<16xf32>,
      %gather3A_487 = tpu.vector_load_idx %arg10[%add3A_195, %broadcast_in_dim3A_485] : memref<512x64xf32, #tpu.memory_space<vmem>>[vector<16xi32>, vector<16xi32>], vector<16xf32>,
      %mul3A_488 = arith.mulf %gather3A_486, %gather3A_487 : vector<16xf32>
      %add3A_489 = arith.addf %add3A_483, %mul3A_488 : vector<16xf32>
      %broadcast_in_dim3A_490 = arith.constant 49 : i32
      %broadcast_in_dim3A_491 = vector.broadcast %broadcast_in_dim3A_490 : i32 to vector<16xi32>
      %gather3A_492 = tpu.vector_load_idx %arg9[%add3A_195, %broadcast_in_dim3A_491] : memref<512x64xf32, #tpu.memory_space<vmem>>[vector<16xi32>, vector<16xi32>], vector<16xf32>,
      %gather3A_493 = tpu.vector_load_idx %arg10[%add3A_195, %broadcast_in_dim3A_491] : memref<512x64xf32, #tpu.memory_space<vmem>>[vector<16xi32>, vector<16xi32>], vector<16xf32>,
      %mul3A_494 = arith.mulf %gather3A_492, %gather3A_493 : vector<16xf32>
      %add3A_495 = arith.addf %add3A_489, %mul3A_494 : vector<16xf32>
      %broadcast_in_dim3A_496 = arith.constant 50 : i32
      %broadcast_in_dim3A_497 = vector.broadcast %broadcast_in_dim3A_496 : i32 to vector<16xi32>
      %gather3A_498 = tpu.vector_load_idx %arg9[%add3A_195, %broadcast_in_dim3A_497] : memref<512x64xf32, #tpu.memory_space<vmem>>[vector<16xi32>, vector<16xi32>], vector<16xf32>,
      %gather3A_499 = tpu.vector_load_idx %arg10[%add3A_195, %broadcast_in_dim3A_497] : memref<512x64xf32, #tpu.memory_space<vmem>>[vector<16xi32>, vector<16xi32>], vector<16xf32>,
      %mul3A_500 = arith.mulf %gather3A_498, %gather3A_499 : vector<16xf32>
      %add3A_501 = arith.addf %add3A_495, %mul3A_500 : vector<16xf32>
      %broadcast_in_dim3A_502 = arith.constant 51 : i32
      %broadcast_in_dim3A_503 = vector.broadcast %broadcast_in_dim3A_502 : i32 to vector<16xi32>
      %gather3A_504 = tpu.vector_load_idx %arg9[%add3A_195, %broadcast_in_dim3A_503] : memref<512x64xf32, #tpu.memory_space<vmem>>[vector<16xi32>, vector<16xi32>], vector<16xf32>,
      %gather3A_505 = tpu.vector_load_idx %arg10[%add3A_195, %broadcast_in_dim3A_503] : memref<512x64xf32, #tpu.memory_space<vmem>>[vector<16xi32>, vector<16xi32>], vector<16xf32>,
      %mul3A_506 = arith.mulf %gather3A_504, %gather3A_505 : vector<16xf32>
      %add3A_507 = arith.addf %add3A_501, %mul3A_506 : vector<16xf32>
      %broadcast_in_dim3A_508 = arith.constant 52 : i32
      %broadcast_in_dim3A_509 = vector.broadcast %broadcast_in_dim3A_508 : i32 to vector<16xi32>
      %gather3A_510 = tpu.vector_load_idx %arg9[%add3A_195, %broadcast_in_dim3A_509] : memref<512x64xf32, #tpu.memory_space<vmem>>[vector<16xi32>, vector<16xi32>], vector<16xf32>,
      %gather3A_511 = tpu.vector_load_idx %arg10[%add3A_195, %broadcast_in_dim3A_509] : memref<512x64xf32, #tpu.memory_space<vmem>>[vector<16xi32>, vector<16xi32>], vector<16xf32>,
      %mul3A_512 = arith.mulf %gather3A_510, %gather3A_511 : vector<16xf32>
      %add3A_513 = arith.addf %add3A_507, %mul3A_512 : vector<16xf32>
      %broadcast_in_dim3A_514 = arith.constant 53 : i32
      %broadcast_in_dim3A_515 = vector.broadcast %broadcast_in_dim3A_514 : i32 to vector<16xi32>
      %gather3A_516 = tpu.vector_load_idx %arg9[%add3A_195, %broadcast_in_dim3A_515] : memref<512x64xf32, #tpu.memory_space<vmem>>[vector<16xi32>, vector<16xi32>], vector<16xf32>,
      %gather3A_517 = tpu.vector_load_idx %arg10[%add3A_195, %broadcast_in_dim3A_515] : memref<512x64xf32, #tpu.memory_space<vmem>>[vector<16xi32>, vector<16xi32>], vector<16xf32>,
      %mul3A_518 = arith.mulf %gather3A_516, %gather3A_517 : vector<16xf32>
      %add3A_519 = arith.addf %add3A_513, %mul3A_518 : vector<16xf32>
      %broadcast_in_dim3A_520 = arith.constant 54 : i32
      %broadcast_in_dim3A_521 = vector.broadcast %broadcast_in_dim3A_520 : i32 to vector<16xi32>
      %gather3A_522 = tpu.vector_load_idx %arg9[%add3A_195, %broadcast_in_dim3A_521] : memref<512x64xf32, #tpu.memory_space<vmem>>[vector<16xi32>, vector<16xi32>], vector<16xf32>,
      %gather3A_523 = tpu.vector_load_idx %arg10[%add3A_195, %broadcast_in_dim3A_521] : memref<512x64xf32, #tpu.memory_space<vmem>>[vector<16xi32>, vector<16xi32>], vector<16xf32>,
      %mul3A_524 = arith.mulf %gather3A_522, %gather3A_523 : vector<16xf32>
      %add3A_525 = arith.addf %add3A_519, %mul3A_524 : vector<16xf32>
      %broadcast_in_dim3A_526 = arith.constant 55 : i32
      %broadcast_in_dim3A_527 = vector.broadcast %broadcast_in_dim3A_526 : i32 to vector<16xi32>
      %gather3A_528 = tpu.vector_load_idx %arg9[%add3A_195, %broadcast_in_dim3A_527] : memref<512x64xf32, #tpu.memory_space<vmem>>[vector<16xi32>, vector<16xi32>], vector<16xf32>,
      %gather3A_529 = tpu.vector_load_idx %arg10[%add3A_195, %broadcast_in_dim3A_527] : memref<512x64xf32, #tpu.memory_space<vmem>>[vector<16xi32>, vector<16xi32>], vector<16xf32>,
      %mul3A_530 = arith.mulf %gather3A_528, %gather3A_529 : vector<16xf32>
      %add3A_531 = arith.addf %add3A_525, %mul3A_530 : vector<16xf32>
      %broadcast_in_dim3A_532 = arith.constant 56 : i32
      %broadcast_in_dim3A_533 = vector.broadcast %broadcast_in_dim3A_532 : i32 to vector<16xi32>
      %gather3A_534 = tpu.vector_load_idx %arg9[%add3A_195, %broadcast_in_dim3A_533] : memref<512x64xf32, #tpu.memory_space<vmem>>[vector<16xi32>, vector<16xi32>], vector<16xf32>,
      %gather3A_535 = tpu.vector_load_idx %arg10[%add3A_195, %broadcast_in_dim3A_533] : memref<512x64xf32, #tpu.memory_space<vmem>>[vector<16xi32>, vector<16xi32>], vector<16xf32>,
      %mul3A_536 = arith.mulf %gather3A_534, %gather3A_535 : vector<16xf32>
      %add3A_537 = arith.addf %add3A_531, %mul3A_536 : vector<16xf32>
      %broadcast_in_dim3A_538 = arith.constant 57 : i32
      %broadcast_in_dim3A_539 = vector.broadcast %broadcast_in_dim3A_538 : i32 to vector<16xi32>
      %gather3A_540 = tpu.vector_load_idx %arg9[%add3A_195, %broadcast_in_dim3A_539] : memref<512x64xf32, #tpu.memory_space<vmem>>[vector<16xi32>, vector<16xi32>], vector<16xf32>,
      %gather3A_541 = tpu.vector_load_idx %arg10[%add3A_195, %broadcast_in_dim3A_539] : memref<512x64xf32, #tpu.memory_space<vmem>>[vector<16xi32>, vector<16xi32>], vector<16xf32>,
      %mul3A_542 = arith.mulf %gather3A_540, %gather3A_541 : vector<16xf32>
      %add3A_543 = arith.addf %add3A_537, %mul3A_542 : vector<16xf32>
      %broadcast_in_dim3A_544 = arith.constant 58 : i32
      %broadcast_in_dim3A_545 = vector.broadcast %broadcast_in_dim3A_544 : i32 to vector<16xi32>
      %gather3A_546 = tpu.vector_load_idx %arg9[%add3A_195, %broadcast_in_dim3A_545] : memref<512x64xf32, #tpu.memory_space<vmem>>[vector<16xi32>, vector<16xi32>], vector<16xf32>,
      %gather3A_547 = tpu.vector_load_idx %arg10[%add3A_195, %broadcast_in_dim3A_545] : memref<512x64xf32, #tpu.memory_space<vmem>>[vector<16xi32>, vector<16xi32>], vector<16xf32>,
      %mul3A_548 = arith.mulf %gather3A_546, %gather3A_547 : vector<16xf32>
      %add3A_549 = arith.addf %add3A_543, %mul3A_548 : vector<16xf32>
      %broadcast_in_dim3A_550 = arith.constant 59 : i32
      %broadcast_in_dim3A_551 = vector.broadcast %broadcast_in_dim3A_550 : i32 to vector<16xi32>
      %gather3A_552 = tpu.vector_load_idx %arg9[%add3A_195, %broadcast_in_dim3A_551] : memref<512x64xf32, #tpu.memory_space<vmem>>[vector<16xi32>, vector<16xi32>], vector<16xf32>,
      %gather3A_553 = tpu.vector_load_idx %arg10[%add3A_195, %broadcast_in_dim3A_551] : memref<512x64xf32, #tpu.memory_space<vmem>>[vector<16xi32>, vector<16xi32>], vector<16xf32>,
      %mul3A_554 = arith.mulf %gather3A_552, %gather3A_553 : vector<16xf32>
      %add3A_555 = arith.addf %add3A_549, %mul3A_554 : vector<16xf32>
      %broadcast_in_dim3A_556 = arith.constant 60 : i32
      %broadcast_in_dim3A_557 = vector.broadcast %broadcast_in_dim3A_556 : i32 to vector<16xi32>
      %gather3A_558 = tpu.vector_load_idx %arg9[%add3A_195, %broadcast_in_dim3A_557] : memref<512x64xf32, #tpu.memory_space<vmem>>[vector<16xi32>, vector<16xi32>], vector<16xf32>,
      %gather3A_559 = tpu.vector_load_idx %arg10[%add3A_195, %broadcast_in_dim3A_557] : memref<512x64xf32, #tpu.memory_space<vmem>>[vector<16xi32>, vector<16xi32>], vector<16xf32>,
      %mul3A_560 = arith.mulf %gather3A_558, %gather3A_559 : vector<16xf32>
      %add3A_561 = arith.addf %add3A_555, %mul3A_560 : vector<16xf32>
      %broadcast_in_dim3A_562 = arith.constant 61 : i32
      %broadcast_in_dim3A_563 = vector.broadcast %broadcast_in_dim3A_562 : i32 to vector<16xi32>
      %gather3A_564 = tpu.vector_load_idx %arg9[%add3A_195, %broadcast_in_dim3A_563] : memref<512x64xf32, #tpu.memory_space<vmem>>[vector<16xi32>, vector<16xi32>], vector<16xf32>,
      %gather3A_565 = tpu.vector_load_idx %arg10[%add3A_195, %broadcast_in_dim3A_563] : memref<512x64xf32, #tpu.memory_space<vmem>>[vector<16xi32>, vector<16xi32>], vector<16xf32>,
      %mul3A_566 = arith.mulf %gather3A_564, %gather3A_565 : vector<16xf32>
      %add3A_567 = arith.addf %add3A_561, %mul3A_566 : vector<16xf32>
      %broadcast_in_dim3A_568 = arith.constant 62 : i32
      %broadcast_in_dim3A_569 = vector.broadcast %broadcast_in_dim3A_568 : i32 to vector<16xi32>
      %gather3A_570 = tpu.vector_load_idx %arg9[%add3A_195, %broadcast_in_dim3A_569] : memref<512x64xf32, #tpu.memory_space<vmem>>[vector<16xi32>, vector<16xi32>], vector<16xf32>,
      %gather3A_571 = tpu.vector_load_idx %arg10[%add3A_195, %broadcast_in_dim3A_569] : memref<512x64xf32, #tpu.memory_space<vmem>>[vector<16xi32>, vector<16xi32>], vector<16xf32>,
      %mul3A_572 = arith.mulf %gather3A_570, %gather3A_571 : vector<16xf32>
      %add3A_573 = arith.addf %add3A_567, %mul3A_572 : vector<16xf32>
      %broadcast_in_dim3A_574 = arith.constant 63 : i32
      %broadcast_in_dim3A_575 = vector.broadcast %broadcast_in_dim3A_574 : i32 to vector<16xi32>
      %gather3A_576 = tpu.vector_load_idx %arg9[%add3A_195, %broadcast_in_dim3A_575] : memref<512x64xf32, #tpu.memory_space<vmem>>[vector<16xi32>, vector<16xi32>], vector<16xf32>,
      %gather3A_577 = tpu.vector_load_idx %arg10[%add3A_195, %broadcast_in_dim3A_575] : memref<512x64xf32, #tpu.memory_space<vmem>>[vector<16xi32>, vector<16xi32>], vector<16xf32>,
      %mul3A_578 = arith.mulf %gather3A_576, %gather3A_577 : vector<16xf32>
      %add3A_579 = arith.addf %add3A_573, %mul3A_578 : vector<16xf32>
      %mul3A_580 = arith.constant 16 : i32
      %mul3A_581 = arith.muli %scan3A_188, %mul3A_580 : i32
      %swap3A = arith.constant 0 : i32
      %swap3A_582 = arith.index_cast %swap3A : i32 to index
      %swap3A_583 = arith.index_cast %mul3A_581 : i32 to index
      %swap3A_584 = tpu.vector_load %arg11[%swap3A_582, %swap3A_583] {strides = array<i32>} : memref<4x128xf32, #tpu.memory_space<vmem>>, vector<16xf32>,
      tpu.vector_store %arg11[%swap3A_582, %swap3A_583], %add3A_579 {strides = array<i32>} : memref<4x128xf32, #tpu.memory_space<vmem>>, vector<16xf32>,
      %scan3A_585 = arith.constant 0 : i32
      scf.yield %scan3A_585 : i32
    }
    %scan3A_106 = arith.constant 8 : i32
    %dma_wait3A_107 = arith.constant 1 : i32
    %dma_wait3A_108 = arith.constant 128 : i32
    %dma_wait3A_109 = arith.constant 0 : i32
    %dma_wait3A_110 = tpu.memref_slice %arg9[%dma_wait3A_108, %dma_wait3A_109] : memref<512x64xf32, #tpu.memory_space<vmem>> -> memref<128x64xf32, #tpu.memory_space<vmem>>
    %dma_wait3A_111 = arith.constant 0 : i32
    %dma_wait3A_112 = tpu.memref_slice %arg7[%dma_wait3A_107, %dma_wait3A_111] : memref<4x128xi32, #tpu.memory_space<vmem>> -> memref<1x128xi32, #tpu.memory_space<vmem>>
    %dma_wait3A_113 = tpu.memref_squeeze %dma_wait3A_112 : memref<1x128xi32, #tpu.memory_space<vmem>> -> memref<128xi32, #tpu.memory_space<vmem>>
    %dma_wait3A_114 = arith.constant 0 : i32
    %dma_wait3A_115 = arith.constant 0 : i32
    %dma_wait3A_116 = tpu.memref_slice %arg4[%dma_wait3A_114, %dma_wait3A_115] : memref<100000x64xf32, #tpu.memory_space<hbm>> -> memref<100000x64xf32, #tpu.memory_space<hbm>>
    tpu.wait_indirect_dma semaphore(%arg12 : memref<!tpu.dma_semaphore, #tpu.memory_space<semaphore_mem>>) src(%dma_wait3A_116 : memref<100000x64xf32, #tpu.memory_space<hbm>>) dst(%dma_wait3A_110 : memref<128x64xf32, #tpu.memory_space<vmem>>)
    %dma_wait3A_117 = arith.constant 1 : i32
    %dma_wait3A_118 = arith.constant 128 : i32
    %dma_wait3A_119 = arith.constant 0 : i32
    %dma_wait3A_120 = tpu.memref_slice %arg10[%dma_wait3A_118, %dma_wait3A_119] : memref<512x64xf32, #tpu.memory_space<vmem>> -> memref<128x64xf32, #tpu.memory_space<vmem>>
    %dma_wait3A_121 = arith.constant 0 : i32
    %dma_wait3A_122 = tpu.memref_slice %arg8[%dma_wait3A_117, %dma_wait3A_121] : memref<4x128xi32, #tpu.memory_space<vmem>> -> memref<1x128xi32, #tpu.memory_space<vmem>>
    %dma_wait3A_123 = tpu.memref_squeeze %dma_wait3A_122 : memref<1x128xi32, #tpu.memory_space<vmem>> -> memref<128xi32, #tpu.memory_space<vmem>>
    %dma_wait3A_124 = arith.constant 0 : i32
    %dma_wait3A_125 = arith.constant 0 : i32
    %dma_wait3A_126 = tpu.memref_slice %arg5[%dma_wait3A_124, %dma_wait3A_125] : memref<100000x64xf32, #tpu.memory_space<hbm>> -> memref<100000x64xf32, #tpu.memory_space<hbm>>
    tpu.wait_indirect_dma semaphore(%arg13 : memref<!tpu.dma_semaphore, #tpu.memory_space<semaphore_mem>>) src(%dma_wait3A_126 : memref<100000x64xf32, #tpu.memory_space<hbm>>) dst(%dma_wait3A_120 : memref<128x64xf32, #tpu.memory_space<vmem>>)
    %scan3A_127 = arith.constant 0 : i32
    %scan3A_128 = arith.constant 0 : i32
    %scan3A_129 = arith.constant 8 : i32
    %scan3A_130 = arith.addi %scan3A_128, %scan3A_129 : i32
    %scan3A_131 = arith.constant 1 : i32
    %scan3A_132 = scf.for %scan3A_188 = %scan3A_128 to %scan3A_130 step %scan3A_131 iter_args(%scan3A_189 = %scan3A_127) -> (i32)  : i32 {
      %mul3A_190 = arith.constant 16 : i32
      %mul3A_191 = arith.muli %scan3A_188, %mul3A_190 : i32
      %add3A_192 = arith.constant 128 : i32
      %add3A_193 = arith.addi %add3A_192, %mul3A_191 : i32
      %iota3A = tpu.iota {dimensions = array<i32: 0>} : vector<16xi32>
      %add3A_194 = vector.broadcast %add3A_193 : i32 to vector<16xi32>
      %add3A_195 = arith.addi %add3A_194, %iota3A : vector<16xi32>
      %broadcast_in_dim3A = arith.constant 0.000000e+00 : f32
      %broadcast_in_dim3A_196 = vector.broadcast %broadcast_in_dim3A : f32 to vector<16xf32>
      %broadcast_in_dim3A_197 = arith.constant 0 : i32
      %broadcast_in_dim3A_198 = vector.broadcast %broadcast_in_dim3A_197 : i32 to vector<16xi32>
      %gather3A = tpu.vector_load_idx %arg9[%add3A_195, %broadcast_in_dim3A_198] : memref<512x64xf32, #tpu.memory_space<vmem>>[vector<16xi32>, vector<16xi32>], vector<16xf32>,
      %gather3A_199 = tpu.vector_load_idx %arg10[%add3A_195, %broadcast_in_dim3A_198] : memref<512x64xf32, #tpu.memory_space<vmem>>[vector<16xi32>, vector<16xi32>], vector<16xf32>,
      %mul3A_200 = arith.mulf %gather3A, %gather3A_199 : vector<16xf32>
      %add3A_201 = arith.addf %broadcast_in_dim3A_196, %mul3A_200 : vector<16xf32>
      %broadcast_in_dim3A_202 = arith.constant 1 : i32
      %broadcast_in_dim3A_203 = vector.broadcast %broadcast_in_dim3A_202 : i32 to vector<16xi32>
      %gather3A_204 = tpu.vector_load_idx %arg9[%add3A_195, %broadcast_in_dim3A_203] : memref<512x64xf32, #tpu.memory_space<vmem>>[vector<16xi32>, vector<16xi32>], vector<16xf32>,
      %gather3A_205 = tpu.vector_load_idx %arg10[%add3A_195, %broadcast_in_dim3A_203] : memref<512x64xf32, #tpu.memory_space<vmem>>[vector<16xi32>, vector<16xi32>], vector<16xf32>,
      %mul3A_206 = arith.mulf %gather3A_204, %gather3A_205 : vector<16xf32>
      %add3A_207 = arith.addf %add3A_201, %mul3A_206 : vector<16xf32>
      %broadcast_in_dim3A_208 = arith.constant 2 : i32
      %broadcast_in_dim3A_209 = vector.broadcast %broadcast_in_dim3A_208 : i32 to vector<16xi32>
      %gather3A_210 = tpu.vector_load_idx %arg9[%add3A_195, %broadcast_in_dim3A_209] : memref<512x64xf32, #tpu.memory_space<vmem>>[vector<16xi32>, vector<16xi32>], vector<16xf32>,
      %gather3A_211 = tpu.vector_load_idx %arg10[%add3A_195, %broadcast_in_dim3A_209] : memref<512x64xf32, #tpu.memory_space<vmem>>[vector<16xi32>, vector<16xi32>], vector<16xf32>,
      %mul3A_212 = arith.mulf %gather3A_210, %gather3A_211 : vector<16xf32>
      %add3A_213 = arith.addf %add3A_207, %mul3A_212 : vector<16xf32>
      %broadcast_in_dim3A_214 = arith.constant 3 : i32
      %broadcast_in_dim3A_215 = vector.broadcast %broadcast_in_dim3A_214 : i32 to vector<16xi32>
      %gather3A_216 = tpu.vector_load_idx %arg9[%add3A_195, %broadcast_in_dim3A_215] : memref<512x64xf32, #tpu.memory_space<vmem>>[vector<16xi32>, vector<16xi32>], vector<16xf32>,
      %gather3A_217 = tpu.vector_load_idx %arg10[%add3A_195, %broadcast_in_dim3A_215] : memref<512x64xf32, #tpu.memory_space<vmem>>[vector<16xi32>, vector<16xi32>], vector<16xf32>,
      %mul3A_218 = arith.mulf %gather3A_216, %gather3A_217 : vector<16xf32>
      %add3A_219 = arith.addf %add3A_213, %mul3A_218 : vector<16xf32>
      %broadcast_in_dim3A_220 = arith.constant 4 : i32
      %broadcast_in_dim3A_221 = vector.broadcast %broadcast_in_dim3A_220 : i32 to vector<16xi32>
      %gather3A_222 = tpu.vector_load_idx %arg9[%add3A_195, %broadcast_in_dim3A_221] : memref<512x64xf32, #tpu.memory_space<vmem>>[vector<16xi32>, vector<16xi32>], vector<16xf32>,
      %gather3A_223 = tpu.vector_load_idx %arg10[%add3A_195, %broadcast_in_dim3A_221] : memref<512x64xf32, #tpu.memory_space<vmem>>[vector<16xi32>, vector<16xi32>], vector<16xf32>,
      %mul3A_224 = arith.mulf %gather3A_222, %gather3A_223 : vector<16xf32>
      %add3A_225 = arith.addf %add3A_219, %mul3A_224 : vector<16xf32>
      %broadcast_in_dim3A_226 = arith.constant 5 : i32
      %broadcast_in_dim3A_227 = vector.broadcast %broadcast_in_dim3A_226 : i32 to vector<16xi32>
      %gather3A_228 = tpu.vector_load_idx %arg9[%add3A_195, %broadcast_in_dim3A_227] : memref<512x64xf32, #tpu.memory_space<vmem>>[vector<16xi32>, vector<16xi32>], vector<16xf32>,
      %gather3A_229 = tpu.vector_load_idx %arg10[%add3A_195, %broadcast_in_dim3A_227] : memref<512x64xf32, #tpu.memory_space<vmem>>[vector<16xi32>, vector<16xi32>], vector<16xf32>,
      %mul3A_230 = arith.mulf %gather3A_228, %gather3A_229 : vector<16xf32>
      %add3A_231 = arith.addf %add3A_225, %mul3A_230 : vector<16xf32>
      %broadcast_in_dim3A_232 = arith.constant 6 : i32
      %broadcast_in_dim3A_233 = vector.broadcast %broadcast_in_dim3A_232 : i32 to vector<16xi32>
      %gather3A_234 = tpu.vector_load_idx %arg9[%add3A_195, %broadcast_in_dim3A_233] : memref<512x64xf32, #tpu.memory_space<vmem>>[vector<16xi32>, vector<16xi32>], vector<16xf32>,
      %gather3A_235 = tpu.vector_load_idx %arg10[%add3A_195, %broadcast_in_dim3A_233] : memref<512x64xf32, #tpu.memory_space<vmem>>[vector<16xi32>, vector<16xi32>], vector<16xf32>,
      %mul3A_236 = arith.mulf %gather3A_234, %gather3A_235 : vector<16xf32>
      %add3A_237 = arith.addf %add3A_231, %mul3A_236 : vector<16xf32>
      %broadcast_in_dim3A_238 = arith.constant 7 : i32
      %broadcast_in_dim3A_239 = vector.broadcast %broadcast_in_dim3A_238 : i32 to vector<16xi32>
      %gather3A_240 = tpu.vector_load_idx %arg9[%add3A_195, %broadcast_in_dim3A_239] : memref<512x64xf32, #tpu.memory_space<vmem>>[vector<16xi32>, vector<16xi32>], vector<16xf32>,
      %gather3A_241 = tpu.vector_load_idx %arg10[%add3A_195, %broadcast_in_dim3A_239] : memref<512x64xf32, #tpu.memory_space<vmem>>[vector<16xi32>, vector<16xi32>], vector<16xf32>,
      %mul3A_242 = arith.mulf %gather3A_240, %gather3A_241 : vector<16xf32>
      %add3A_243 = arith.addf %add3A_237, %mul3A_242 : vector<16xf32>
      %broadcast_in_dim3A_244 = arith.constant 8 : i32
      %broadcast_in_dim3A_245 = vector.broadcast %broadcast_in_dim3A_244 : i32 to vector<16xi32>
      %gather3A_246 = tpu.vector_load_idx %arg9[%add3A_195, %broadcast_in_dim3A_245] : memref<512x64xf32, #tpu.memory_space<vmem>>[vector<16xi32>, vector<16xi32>], vector<16xf32>,
      %gather3A_247 = tpu.vector_load_idx %arg10[%add3A_195, %broadcast_in_dim3A_245] : memref<512x64xf32, #tpu.memory_space<vmem>>[vector<16xi32>, vector<16xi32>], vector<16xf32>,
      %mul3A_248 = arith.mulf %gather3A_246, %gather3A_247 : vector<16xf32>
      %add3A_249 = arith.addf %add3A_243, %mul3A_248 : vector<16xf32>
      %broadcast_in_dim3A_250 = arith.constant 9 : i32
      %broadcast_in_dim3A_251 = vector.broadcast %broadcast_in_dim3A_250 : i32 to vector<16xi32>
      %gather3A_252 = tpu.vector_load_idx %arg9[%add3A_195, %broadcast_in_dim3A_251] : memref<512x64xf32, #tpu.memory_space<vmem>>[vector<16xi32>, vector<16xi32>], vector<16xf32>,
      %gather3A_253 = tpu.vector_load_idx %arg10[%add3A_195, %broadcast_in_dim3A_251] : memref<512x64xf32, #tpu.memory_space<vmem>>[vector<16xi32>, vector<16xi32>], vector<16xf32>,
      %mul3A_254 = arith.mulf %gather3A_252, %gather3A_253 : vector<16xf32>
      %add3A_255 = arith.addf %add3A_249, %mul3A_254 : vector<16xf32>
      %broadcast_in_dim3A_256 = arith.constant 10 : i32
      %broadcast_in_dim3A_257 = vector.broadcast %broadcast_in_dim3A_256 : i32 to vector<16xi32>
      %gather3A_258 = tpu.vector_load_idx %arg9[%add3A_195, %broadcast_in_dim3A_257] : memref<512x64xf32, #tpu.memory_space<vmem>>[vector<16xi32>, vector<16xi32>], vector<16xf32>,
      %gather3A_259 = tpu.vector_load_idx %arg10[%add3A_195, %broadcast_in_dim3A_257] : memref<512x64xf32, #tpu.memory_space<vmem>>[vector<16xi32>, vector<16xi32>], vector<16xf32>,
      %mul3A_260 = arith.mulf %gather3A_258, %gather3A_259 : vector<16xf32>
      %add3A_261 = arith.addf %add3A_255, %mul3A_260 : vector<16xf32>
      %broadcast_in_dim3A_262 = arith.constant 11 : i32
      %broadcast_in_dim3A_263 = vector.broadcast %broadcast_in_dim3A_262 : i32 to vector<16xi32>
      %gather3A_264 = tpu.vector_load_idx %arg9[%add3A_195, %broadcast_in_dim3A_263] : memref<512x64xf32, #tpu.memory_space<vmem>>[vector<16xi32>, vector<16xi32>], vector<16xf32>,
      %gather3A_265 = tpu.vector_load_idx %arg10[%add3A_195, %broadcast_in_dim3A_263] : memref<512x64xf32, #tpu.memory_space<vmem>>[vector<16xi32>, vector<16xi32>], vector<16xf32>,
      %mul3A_266 = arith.mulf %gather3A_264, %gather3A_265 : vector<16xf32>
      %add3A_267 = arith.addf %add3A_261, %mul3A_266 : vector<16xf32>
      %broadcast_in_dim3A_268 = arith.constant 12 : i32
      %broadcast_in_dim3A_269 = vector.broadcast %broadcast_in_dim3A_268 : i32 to vector<16xi32>
      %gather3A_270 = tpu.vector_load_idx %arg9[%add3A_195, %broadcast_in_dim3A_269] : memref<512x64xf32, #tpu.memory_space<vmem>>[vector<16xi32>, vector<16xi32>], vector<16xf32>,
      %gather3A_271 = tpu.vector_load_idx %arg10[%add3A_195, %broadcast_in_dim3A_269] : memref<512x64xf32, #tpu.memory_space<vmem>>[vector<16xi32>, vector<16xi32>], vector<16xf32>,
      %mul3A_272 = arith.mulf %gather3A_270, %gather3A_271 : vector<16xf32>
      %add3A_273 = arith.addf %add3A_267, %mul3A_272 : vector<16xf32>
      %broadcast_in_dim3A_274 = arith.constant 13 : i32
      %broadcast_in_dim3A_275 = vector.broadcast %broadcast_in_dim3A_274 : i32 to vector<16xi32>
      %gather3A_276 = tpu.vector_load_idx %arg9[%add3A_195, %broadcast_in_dim3A_275] : memref<512x64xf32, #tpu.memory_space<vmem>>[vector<16xi32>, vector<16xi32>], vector<16xf32>,
      %gather3A_277 = tpu.vector_load_idx %arg10[%add3A_195, %broadcast_in_dim3A_275] : memref<512x64xf32, #tpu.memory_space<vmem>>[vector<16xi32>, vector<16xi32>], vector<16xf32>,
      %mul3A_278 = arith.mulf %gather3A_276, %gather3A_277 : vector<16xf32>
      %add3A_279 = arith.addf %add3A_273, %mul3A_278 : vector<16xf32>
      %broadcast_in_dim3A_280 = arith.constant 14 : i32
      %broadcast_in_dim3A_281 = vector.broadcast %broadcast_in_dim3A_280 : i32 to vector<16xi32>
      %gather3A_282 = tpu.vector_load_idx %arg9[%add3A_195, %broadcast_in_dim3A_281] : memref<512x64xf32, #tpu.memory_space<vmem>>[vector<16xi32>, vector<16xi32>], vector<16xf32>,
      %gather3A_283 = tpu.vector_load_idx %arg10[%add3A_195, %broadcast_in_dim3A_281] : memref<512x64xf32, #tpu.memory_space<vmem>>[vector<16xi32>, vector<16xi32>], vector<16xf32>,
      %mul3A_284 = arith.mulf %gather3A_282, %gather3A_283 : vector<16xf32>
      %add3A_285 = arith.addf %add3A_279, %mul3A_284 : vector<16xf32>
      %broadcast_in_dim3A_286 = arith.constant 15 : i32
      %broadcast_in_dim3A_287 = vector.broadcast %broadcast_in_dim3A_286 : i32 to vector<16xi32>
      %gather3A_288 = tpu.vector_load_idx %arg9[%add3A_195, %broadcast_in_dim3A_287] : memref<512x64xf32, #tpu.memory_space<vmem>>[vector<16xi32>, vector<16xi32>], vector<16xf32>,
      %gather3A_289 = tpu.vector_load_idx %arg10[%add3A_195, %broadcast_in_dim3A_287] : memref<512x64xf32, #tpu.memory_space<vmem>>[vector<16xi32>, vector<16xi32>], vector<16xf32>,
      %mul3A_290 = arith.mulf %gather3A_288, %gather3A_289 : vector<16xf32>
      %add3A_291 = arith.addf %add3A_285, %mul3A_290 : vector<16xf32>
      %broadcast_in_dim3A_292 = arith.constant 16 : i32
      %broadcast_in_dim3A_293 = vector.broadcast %broadcast_in_dim3A_292 : i32 to vector<16xi32>
      %gather3A_294 = tpu.vector_load_idx %arg9[%add3A_195, %broadcast_in_dim3A_293] : memref<512x64xf32, #tpu.memory_space<vmem>>[vector<16xi32>, vector<16xi32>], vector<16xf32>,
      %gather3A_295 = tpu.vector_load_idx %arg10[%add3A_195, %broadcast_in_dim3A_293] : memref<512x64xf32, #tpu.memory_space<vmem>>[vector<16xi32>, vector<16xi32>], vector<16xf32>,
      %mul3A_296 = arith.mulf %gather3A_294, %gather3A_295 : vector<16xf32>
      %add3A_297 = arith.addf %add3A_291, %mul3A_296 : vector<16xf32>
      %broadcast_in_dim3A_298 = arith.constant 17 : i32
      %broadcast_in_dim3A_299 = vector.broadcast %broadcast_in_dim3A_298 : i32 to vector<16xi32>
      %gather3A_300 = tpu.vector_load_idx %arg9[%add3A_195, %broadcast_in_dim3A_299] : memref<512x64xf32, #tpu.memory_space<vmem>>[vector<16xi32>, vector<16xi32>], vector<16xf32>,
      %gather3A_301 = tpu.vector_load_idx %arg10[%add3A_195, %broadcast_in_dim3A_299] : memref<512x64xf32, #tpu.memory_space<vmem>>[vector<16xi32>, vector<16xi32>], vector<16xf32>,
      %mul3A_302 = arith.mulf %gather3A_300, %gather3A_301 : vector<16xf32>
      %add3A_303 = arith.addf %add3A_297, %mul3A_302 : vector<16xf32>
      %broadcast_in_dim3A_304 = arith.constant 18 : i32
      %broadcast_in_dim3A_305 = vector.broadcast %broadcast_in_dim3A_304 : i32 to vector<16xi32>
      %gather3A_306 = tpu.vector_load_idx %arg9[%add3A_195, %broadcast_in_dim3A_305] : memref<512x64xf32, #tpu.memory_space<vmem>>[vector<16xi32>, vector<16xi32>], vector<16xf32>,
      %gather3A_307 = tpu.vector_load_idx %arg10[%add3A_195, %broadcast_in_dim3A_305] : memref<512x64xf32, #tpu.memory_space<vmem>>[vector<16xi32>, vector<16xi32>], vector<16xf32>,
      %mul3A_308 = arith.mulf %gather3A_306, %gather3A_307 : vector<16xf32>
      %add3A_309 = arith.addf %add3A_303, %mul3A_308 : vector<16xf32>
      %broadcast_in_dim3A_310 = arith.constant 19 : i32
      %broadcast_in_dim3A_311 = vector.broadcast %broadcast_in_dim3A_310 : i32 to vector<16xi32>
      %gather3A_312 = tpu.vector_load_idx %arg9[%add3A_195, %broadcast_in_dim3A_311] : memref<512x64xf32, #tpu.memory_space<vmem>>[vector<16xi32>, vector<16xi32>], vector<16xf32>,
      %gather3A_313 = tpu.vector_load_idx %arg10[%add3A_195, %broadcast_in_dim3A_311] : memref<512x64xf32, #tpu.memory_space<vmem>>[vector<16xi32>, vector<16xi32>], vector<16xf32>,
      %mul3A_314 = arith.mulf %gather3A_312, %gather3A_313 : vector<16xf32>
      %add3A_315 = arith.addf %add3A_309, %mul3A_314 : vector<16xf32>
      %broadcast_in_dim3A_316 = arith.constant 20 : i32
      %broadcast_in_dim3A_317 = vector.broadcast %broadcast_in_dim3A_316 : i32 to vector<16xi32>
      %gather3A_318 = tpu.vector_load_idx %arg9[%add3A_195, %broadcast_in_dim3A_317] : memref<512x64xf32, #tpu.memory_space<vmem>>[vector<16xi32>, vector<16xi32>], vector<16xf32>,
      %gather3A_319 = tpu.vector_load_idx %arg10[%add3A_195, %broadcast_in_dim3A_317] : memref<512x64xf32, #tpu.memory_space<vmem>>[vector<16xi32>, vector<16xi32>], vector<16xf32>,
      %mul3A_320 = arith.mulf %gather3A_318, %gather3A_319 : vector<16xf32>
      %add3A_321 = arith.addf %add3A_315, %mul3A_320 : vector<16xf32>
      %broadcast_in_dim3A_322 = arith.constant 21 : i32
      %broadcast_in_dim3A_323 = vector.broadcast %broadcast_in_dim3A_322 : i32 to vector<16xi32>
      %gather3A_324 = tpu.vector_load_idx %arg9[%add3A_195, %broadcast_in_dim3A_323] : memref<512x64xf32, #tpu.memory_space<vmem>>[vector<16xi32>, vector<16xi32>], vector<16xf32>,
      %gather3A_325 = tpu.vector_load_idx %arg10[%add3A_195, %broadcast_in_dim3A_323] : memref<512x64xf32, #tpu.memory_space<vmem>>[vector<16xi32>, vector<16xi32>], vector<16xf32>,
      %mul3A_326 = arith.mulf %gather3A_324, %gather3A_325 : vector<16xf32>
      %add3A_327 = arith.addf %add3A_321, %mul3A_326 : vector<16xf32>
      %broadcast_in_dim3A_328 = arith.constant 22 : i32
      %broadcast_in_dim3A_329 = vector.broadcast %broadcast_in_dim3A_328 : i32 to vector<16xi32>
      %gather3A_330 = tpu.vector_load_idx %arg9[%add3A_195, %broadcast_in_dim3A_329] : memref<512x64xf32, #tpu.memory_space<vmem>>[vector<16xi32>, vector<16xi32>], vector<16xf32>,
      %gather3A_331 = tpu.vector_load_idx %arg10[%add3A_195, %broadcast_in_dim3A_329] : memref<512x64xf32, #tpu.memory_space<vmem>>[vector<16xi32>, vector<16xi32>], vector<16xf32>,
      %mul3A_332 = arith.mulf %gather3A_330, %gather3A_331 : vector<16xf32>
      %add3A_333 = arith.addf %add3A_327, %mul3A_332 : vector<16xf32>
      %broadcast_in_dim3A_334 = arith.constant 23 : i32
      %broadcast_in_dim3A_335 = vector.broadcast %broadcast_in_dim3A_334 : i32 to vector<16xi32>
      %gather3A_336 = tpu.vector_load_idx %arg9[%add3A_195, %broadcast_in_dim3A_335] : memref<512x64xf32, #tpu.memory_space<vmem>>[vector<16xi32>, vector<16xi32>], vector<16xf32>,
      %gather3A_337 = tpu.vector_load_idx %arg10[%add3A_195, %broadcast_in_dim3A_335] : memref<512x64xf32, #tpu.memory_space<vmem>>[vector<16xi32>, vector<16xi32>], vector<16xf32>,
      %mul3A_338 = arith.mulf %gather3A_336, %gather3A_337 : vector<16xf32>
      %add3A_339 = arith.addf %add3A_333, %mul3A_338 : vector<16xf32>
      %broadcast_in_dim3A_340 = arith.constant 24 : i32
      %broadcast_in_dim3A_341 = vector.broadcast %broadcast_in_dim3A_340 : i32 to vector<16xi32>
      %gather3A_342 = tpu.vector_load_idx %arg9[%add3A_195, %broadcast_in_dim3A_341] : memref<512x64xf32, #tpu.memory_space<vmem>>[vector<16xi32>, vector<16xi32>], vector<16xf32>,
      %gather3A_343 = tpu.vector_load_idx %arg10[%add3A_195, %broadcast_in_dim3A_341] : memref<512x64xf32, #tpu.memory_space<vmem>>[vector<16xi32>, vector<16xi32>], vector<16xf32>,
      %mul3A_344 = arith.mulf %gather3A_342, %gather3A_343 : vector<16xf32>
      %add3A_345 = arith.addf %add3A_339, %mul3A_344 : vector<16xf32>
      %broadcast_in_dim3A_346 = arith.constant 25 : i32
      %broadcast_in_dim3A_347 = vector.broadcast %broadcast_in_dim3A_346 : i32 to vector<16xi32>
      %gather3A_348 = tpu.vector_load_idx %arg9[%add3A_195, %broadcast_in_dim3A_347] : memref<512x64xf32, #tpu.memory_space<vmem>>[vector<16xi32>, vector<16xi32>], vector<16xf32>,
      %gather3A_349 = tpu.vector_load_idx %arg10[%add3A_195, %broadcast_in_dim3A_347] : memref<512x64xf32, #tpu.memory_space<vmem>>[vector<16xi32>, vector<16xi32>], vector<16xf32>,
      %mul3A_350 = arith.mulf %gather3A_348, %gather3A_349 : vector<16xf32>
      %add3A_351 = arith.addf %add3A_345, %mul3A_350 : vector<16xf32>
      %broadcast_in_dim3A_352 = arith.constant 26 : i32
      %broadcast_in_dim3A_353 = vector.broadcast %broadcast_in_dim3A_352 : i32 to vector<16xi32>
      %gather3A_354 = tpu.vector_load_idx %arg9[%add3A_195, %broadcast_in_dim3A_353] : memref<512x64xf32, #tpu.memory_space<vmem>>[vector<16xi32>, vector<16xi32>], vector<16xf32>,
      %gather3A_355 = tpu.vector_load_idx %arg10[%add3A_195, %broadcast_in_dim3A_353] : memref<512x64xf32, #tpu.memory_space<vmem>>[vector<16xi32>, vector<16xi32>], vector<16xf32>,
      %mul3A_356 = arith.mulf %gather3A_354, %gather3A_355 : vector<16xf32>
      %add3A_357 = arith.addf %add3A_351, %mul3A_356 : vector<16xf32>
      %broadcast_in_dim3A_358 = arith.constant 27 : i32
      %broadcast_in_dim3A_359 = vector.broadcast %broadcast_in_dim3A_358 : i32 to vector<16xi32>
      %gather3A_360 = tpu.vector_load_idx %arg9[%add3A_195, %broadcast_in_dim3A_359] : memref<512x64xf32, #tpu.memory_space<vmem>>[vector<16xi32>, vector<16xi32>], vector<16xf32>,
      %gather3A_361 = tpu.vector_load_idx %arg10[%add3A_195, %broadcast_in_dim3A_359] : memref<512x64xf32, #tpu.memory_space<vmem>>[vector<16xi32>, vector<16xi32>], vector<16xf32>,
      %mul3A_362 = arith.mulf %gather3A_360, %gather3A_361 : vector<16xf32>
      %add3A_363 = arith.addf %add3A_357, %mul3A_362 : vector<16xf32>
      %broadcast_in_dim3A_364 = arith.constant 28 : i32
      %broadcast_in_dim3A_365 = vector.broadcast %broadcast_in_dim3A_364 : i32 to vector<16xi32>
      %gather3A_366 = tpu.vector_load_idx %arg9[%add3A_195, %broadcast_in_dim3A_365] : memref<512x64xf32, #tpu.memory_space<vmem>>[vector<16xi32>, vector<16xi32>], vector<16xf32>,
      %gather3A_367 = tpu.vector_load_idx %arg10[%add3A_195, %broadcast_in_dim3A_365] : memref<512x64xf32, #tpu.memory_space<vmem>>[vector<16xi32>, vector<16xi32>], vector<16xf32>,
      %mul3A_368 = arith.mulf %gather3A_366, %gather3A_367 : vector<16xf32>
      %add3A_369 = arith.addf %add3A_363, %mul3A_368 : vector<16xf32>
      %broadcast_in_dim3A_370 = arith.constant 29 : i32
      %broadcast_in_dim3A_371 = vector.broadcast %broadcast_in_dim3A_370 : i32 to vector<16xi32>
      %gather3A_372 = tpu.vector_load_idx %arg9[%add3A_195, %broadcast_in_dim3A_371] : memref<512x64xf32, #tpu.memory_space<vmem>>[vector<16xi32>, vector<16xi32>], vector<16xf32>,
      %gather3A_373 = tpu.vector_load_idx %arg10[%add3A_195, %broadcast_in_dim3A_371] : memref<512x64xf32, #tpu.memory_space<vmem>>[vector<16xi32>, vector<16xi32>], vector<16xf32>,
      %mul3A_374 = arith.mulf %gather3A_372, %gather3A_373 : vector<16xf32>
      %add3A_375 = arith.addf %add3A_369, %mul3A_374 : vector<16xf32>
      %broadcast_in_dim3A_376 = arith.constant 30 : i32
      %broadcast_in_dim3A_377 = vector.broadcast %broadcast_in_dim3A_376 : i32 to vector<16xi32>
      %gather3A_378 = tpu.vector_load_idx %arg9[%add3A_195, %broadcast_in_dim3A_377] : memref<512x64xf32, #tpu.memory_space<vmem>>[vector<16xi32>, vector<16xi32>], vector<16xf32>,
      %gather3A_379 = tpu.vector_load_idx %arg10[%add3A_195, %broadcast_in_dim3A_377] : memref<512x64xf32, #tpu.memory_space<vmem>>[vector<16xi32>, vector<16xi32>], vector<16xf32>,
      %mul3A_380 = arith.mulf %gather3A_378, %gather3A_379 : vector<16xf32>
      %add3A_381 = arith.addf %add3A_375, %mul3A_380 : vector<16xf32>
      %broadcast_in_dim3A_382 = arith.constant 31 : i32
      %broadcast_in_dim3A_383 = vector.broadcast %broadcast_in_dim3A_382 : i32 to vector<16xi32>
      %gather3A_384 = tpu.vector_load_idx %arg9[%add3A_195, %broadcast_in_dim3A_383] : memref<512x64xf32, #tpu.memory_space<vmem>>[vector<16xi32>, vector<16xi32>], vector<16xf32>,
      %gather3A_385 = tpu.vector_load_idx %arg10[%add3A_195, %broadcast_in_dim3A_383] : memref<512x64xf32, #tpu.memory_space<vmem>>[vector<16xi32>, vector<16xi32>], vector<16xf32>,
      %mul3A_386 = arith.mulf %gather3A_384, %gather3A_385 : vector<16xf32>
      %add3A_387 = arith.addf %add3A_381, %mul3A_386 : vector<16xf32>
      %broadcast_in_dim3A_388 = arith.constant 32 : i32
      %broadcast_in_dim3A_389 = vector.broadcast %broadcast_in_dim3A_388 : i32 to vector<16xi32>
      %gather3A_390 = tpu.vector_load_idx %arg9[%add3A_195, %broadcast_in_dim3A_389] : memref<512x64xf32, #tpu.memory_space<vmem>>[vector<16xi32>, vector<16xi32>], vector<16xf32>,
      %gather3A_391 = tpu.vector_load_idx %arg10[%add3A_195, %broadcast_in_dim3A_389] : memref<512x64xf32, #tpu.memory_space<vmem>>[vector<16xi32>, vector<16xi32>], vector<16xf32>,
      %mul3A_392 = arith.mulf %gather3A_390, %gather3A_391 : vector<16xf32>
      %add3A_393 = arith.addf %add3A_387, %mul3A_392 : vector<16xf32>
      %broadcast_in_dim3A_394 = arith.constant 33 : i32
      %broadcast_in_dim3A_395 = vector.broadcast %broadcast_in_dim3A_394 : i32 to vector<16xi32>
      %gather3A_396 = tpu.vector_load_idx %arg9[%add3A_195, %broadcast_in_dim3A_395] : memref<512x64xf32, #tpu.memory_space<vmem>>[vector<16xi32>, vector<16xi32>], vector<16xf32>,
      %gather3A_397 = tpu.vector_load_idx %arg10[%add3A_195, %broadcast_in_dim3A_395] : memref<512x64xf32, #tpu.memory_space<vmem>>[vector<16xi32>, vector<16xi32>], vector<16xf32>,
      %mul3A_398 = arith.mulf %gather3A_396, %gather3A_397 : vector<16xf32>
      %add3A_399 = arith.addf %add3A_393, %mul3A_398 : vector<16xf32>
      %broadcast_in_dim3A_400 = arith.constant 34 : i32
      %broadcast_in_dim3A_401 = vector.broadcast %broadcast_in_dim3A_400 : i32 to vector<16xi32>
      %gather3A_402 = tpu.vector_load_idx %arg9[%add3A_195, %broadcast_in_dim3A_401] : memref<512x64xf32, #tpu.memory_space<vmem>>[vector<16xi32>, vector<16xi32>], vector<16xf32>,
      %gather3A_403 = tpu.vector_load_idx %arg10[%add3A_195, %broadcast_in_dim3A_401] : memref<512x64xf32, #tpu.memory_space<vmem>>[vector<16xi32>, vector<16xi32>], vector<16xf32>,
      %mul3A_404 = arith.mulf %gather3A_402, %gather3A_403 : vector<16xf32>
      %add3A_405 = arith.addf %add3A_399, %mul3A_404 : vector<16xf32>
      %broadcast_in_dim3A_406 = arith.constant 35 : i32
      %broadcast_in_dim3A_407 = vector.broadcast %broadcast_in_dim3A_406 : i32 to vector<16xi32>
      %gather3A_408 = tpu.vector_load_idx %arg9[%add3A_195, %broadcast_in_dim3A_407] : memref<512x64xf32, #tpu.memory_space<vmem>>[vector<16xi32>, vector<16xi32>], vector<16xf32>,
      %gather3A_409 = tpu.vector_load_idx %arg10[%add3A_195, %broadcast_in_dim3A_407] : memref<512x64xf32, #tpu.memory_space<vmem>>[vector<16xi32>, vector<16xi32>], vector<16xf32>,
      %mul3A_410 = arith.mulf %gather3A_408, %gather3A_409 : vector<16xf32>
      %add3A_411 = arith.addf %add3A_405, %mul3A_410 : vector<16xf32>
      %broadcast_in_dim3A_412 = arith.constant 36 : i32
      %broadcast_in_dim3A_413 = vector.broadcast %broadcast_in_dim3A_412 : i32 to vector<16xi32>
      %gather3A_414 = tpu.vector_load_idx %arg9[%add3A_195, %broadcast_in_dim3A_413] : memref<512x64xf32, #tpu.memory_space<vmem>>[vector<16xi32>, vector<16xi32>], vector<16xf32>,
      %gather3A_415 = tpu.vector_load_idx %arg10[%add3A_195, %broadcast_in_dim3A_413] : memref<512x64xf32, #tpu.memory_space<vmem>>[vector<16xi32>, vector<16xi32>], vector<16xf32>,
      %mul3A_416 = arith.mulf %gather3A_414, %gather3A_415 : vector<16xf32>
      %add3A_417 = arith.addf %add3A_411, %mul3A_416 : vector<16xf32>
      %broadcast_in_dim3A_418 = arith.constant 37 : i32
      %broadcast_in_dim3A_419 = vector.broadcast %broadcast_in_dim3A_418 : i32 to vector<16xi32>
      %gather3A_420 = tpu.vector_load_idx %arg9[%add3A_195, %broadcast_in_dim3A_419] : memref<512x64xf32, #tpu.memory_space<vmem>>[vector<16xi32>, vector<16xi32>], vector<16xf32>,
      %gather3A_421 = tpu.vector_load_idx %arg10[%add3A_195, %broadcast_in_dim3A_419] : memref<512x64xf32, #tpu.memory_space<vmem>>[vector<16xi32>, vector<16xi32>], vector<16xf32>,
      %mul3A_422 = arith.mulf %gather3A_420, %gather3A_421 : vector<16xf32>
      %add3A_423 = arith.addf %add3A_417, %mul3A_422 : vector<16xf32>
      %broadcast_in_dim3A_424 = arith.constant 38 : i32
      %broadcast_in_dim3A_425 = vector.broadcast %broadcast_in_dim3A_424 : i32 to vector<16xi32>
      %gather3A_426 = tpu.vector_load_idx %arg9[%add3A_195, %broadcast_in_dim3A_425] : memref<512x64xf32, #tpu.memory_space<vmem>>[vector<16xi32>, vector<16xi32>], vector<16xf32>,
      %gather3A_427 = tpu.vector_load_idx %arg10[%add3A_195, %broadcast_in_dim3A_425] : memref<512x64xf32, #tpu.memory_space<vmem>>[vector<16xi32>, vector<16xi32>], vector<16xf32>,
      %mul3A_428 = arith.mulf %gather3A_426, %gather3A_427 : vector<16xf32>
      %add3A_429 = arith.addf %add3A_423, %mul3A_428 : vector<16xf32>
      %broadcast_in_dim3A_430 = arith.constant 39 : i32
      %broadcast_in_dim3A_431 = vector.broadcast %broadcast_in_dim3A_430 : i32 to vector<16xi32>
      %gather3A_432 = tpu.vector_load_idx %arg9[%add3A_195, %broadcast_in_dim3A_431] : memref<512x64xf32, #tpu.memory_space<vmem>>[vector<16xi32>, vector<16xi32>], vector<16xf32>,
      %gather3A_433 = tpu.vector_load_idx %arg10[%add3A_195, %broadcast_in_dim3A_431] : memref<512x64xf32, #tpu.memory_space<vmem>>[vector<16xi32>, vector<16xi32>], vector<16xf32>,
      %mul3A_434 = arith.mulf %gather3A_432, %gather3A_433 : vector<16xf32>
      %add3A_435 = arith.addf %add3A_429, %mul3A_434 : vector<16xf32>
      %broadcast_in_dim3A_436 = arith.constant 40 : i32
      %broadcast_in_dim3A_437 = vector.broadcast %broadcast_in_dim3A_436 : i32 to vector<16xi32>
      %gather3A_438 = tpu.vector_load_idx %arg9[%add3A_195, %broadcast_in_dim3A_437] : memref<512x64xf32, #tpu.memory_space<vmem>>[vector<16xi32>, vector<16xi32>], vector<16xf32>,
      %gather3A_439 = tpu.vector_load_idx %arg10[%add3A_195, %broadcast_in_dim3A_437] : memref<512x64xf32, #tpu.memory_space<vmem>>[vector<16xi32>, vector<16xi32>], vector<16xf32>,
      %mul3A_440 = arith.mulf %gather3A_438, %gather3A_439 : vector<16xf32>
      %add3A_441 = arith.addf %add3A_435, %mul3A_440 : vector<16xf32>
      %broadcast_in_dim3A_442 = arith.constant 41 : i32
      %broadcast_in_dim3A_443 = vector.broadcast %broadcast_in_dim3A_442 : i32 to vector<16xi32>
      %gather3A_444 = tpu.vector_load_idx %arg9[%add3A_195, %broadcast_in_dim3A_443] : memref<512x64xf32, #tpu.memory_space<vmem>>[vector<16xi32>, vector<16xi32>], vector<16xf32>,
      %gather3A_445 = tpu.vector_load_idx %arg10[%add3A_195, %broadcast_in_dim3A_443] : memref<512x64xf32, #tpu.memory_space<vmem>>[vector<16xi32>, vector<16xi32>], vector<16xf32>,
      %mul3A_446 = arith.mulf %gather3A_444, %gather3A_445 : vector<16xf32>
      %add3A_447 = arith.addf %add3A_441, %mul3A_446 : vector<16xf32>
      %broadcast_in_dim3A_448 = arith.constant 42 : i32
      %broadcast_in_dim3A_449 = vector.broadcast %broadcast_in_dim3A_448 : i32 to vector<16xi32>
      %gather3A_450 = tpu.vector_load_idx %arg9[%add3A_195, %broadcast_in_dim3A_449] : memref<512x64xf32, #tpu.memory_space<vmem>>[vector<16xi32>, vector<16xi32>], vector<16xf32>,
      %gather3A_451 = tpu.vector_load_idx %arg10[%add3A_195, %broadcast_in_dim3A_449] : memref<512x64xf32, #tpu.memory_space<vmem>>[vector<16xi32>, vector<16xi32>], vector<16xf32>,
      %mul3A_452 = arith.mulf %gather3A_450, %gather3A_451 : vector<16xf32>
      %add3A_453 = arith.addf %add3A_447, %mul3A_452 : vector<16xf32>
      %broadcast_in_dim3A_454 = arith.constant 43 : i32
      %broadcast_in_dim3A_455 = vector.broadcast %broadcast_in_dim3A_454 : i32 to vector<16xi32>
      %gather3A_456 = tpu.vector_load_idx %arg9[%add3A_195, %broadcast_in_dim3A_455] : memref<512x64xf32, #tpu.memory_space<vmem>>[vector<16xi32>, vector<16xi32>], vector<16xf32>,
      %gather3A_457 = tpu.vector_load_idx %arg10[%add3A_195, %broadcast_in_dim3A_455] : memref<512x64xf32, #tpu.memory_space<vmem>>[vector<16xi32>, vector<16xi32>], vector<16xf32>,
      %mul3A_458 = arith.mulf %gather3A_456, %gather3A_457 : vector<16xf32>
      %add3A_459 = arith.addf %add3A_453, %mul3A_458 : vector<16xf32>
      %broadcast_in_dim3A_460 = arith.constant 44 : i32
      %broadcast_in_dim3A_461 = vector.broadcast %broadcast_in_dim3A_460 : i32 to vector<16xi32>
      %gather3A_462 = tpu.vector_load_idx %arg9[%add3A_195, %broadcast_in_dim3A_461] : memref<512x64xf32, #tpu.memory_space<vmem>>[vector<16xi32>, vector<16xi32>], vector<16xf32>,
      %gather3A_463 = tpu.vector_load_idx %arg10[%add3A_195, %broadcast_in_dim3A_461] : memref<512x64xf32, #tpu.memory_space<vmem>>[vector<16xi32>, vector<16xi32>], vector<16xf32>,
      %mul3A_464 = arith.mulf %gather3A_462, %gather3A_463 : vector<16xf32>
      %add3A_465 = arith.addf %add3A_459, %mul3A_464 : vector<16xf32>
      %broadcast_in_dim3A_466 = arith.constant 45 : i32
      %broadcast_in_dim3A_467 = vector.broadcast %broadcast_in_dim3A_466 : i32 to vector<16xi32>
      %gather3A_468 = tpu.vector_load_idx %arg9[%add3A_195, %broadcast_in_dim3A_467] : memref<512x64xf32, #tpu.memory_space<vmem>>[vector<16xi32>, vector<16xi32>], vector<16xf32>,
      %gather3A_469 = tpu.vector_load_idx %arg10[%add3A_195, %broadcast_in_dim3A_467] : memref<512x64xf32, #tpu.memory_space<vmem>>[vector<16xi32>, vector<16xi32>], vector<16xf32>,
      %mul3A_470 = arith.mulf %gather3A_468, %gather3A_469 : vector<16xf32>
      %add3A_471 = arith.addf %add3A_465, %mul3A_470 : vector<16xf32>
      %broadcast_in_dim3A_472 = arith.constant 46 : i32
      %broadcast_in_dim3A_473 = vector.broadcast %broadcast_in_dim3A_472 : i32 to vector<16xi32>
      %gather3A_474 = tpu.vector_load_idx %arg9[%add3A_195, %broadcast_in_dim3A_473] : memref<512x64xf32, #tpu.memory_space<vmem>>[vector<16xi32>, vector<16xi32>], vector<16xf32>,
      %gather3A_475 = tpu.vector_load_idx %arg10[%add3A_195, %broadcast_in_dim3A_473] : memref<512x64xf32, #tpu.memory_space<vmem>>[vector<16xi32>, vector<16xi32>], vector<16xf32>,
      %mul3A_476 = arith.mulf %gather3A_474, %gather3A_475 : vector<16xf32>
      %add3A_477 = arith.addf %add3A_471, %mul3A_476 : vector<16xf32>
      %broadcast_in_dim3A_478 = arith.constant 47 : i32
      %broadcast_in_dim3A_479 = vector.broadcast %broadcast_in_dim3A_478 : i32 to vector<16xi32>
      %gather3A_480 = tpu.vector_load_idx %arg9[%add3A_195, %broadcast_in_dim3A_479] : memref<512x64xf32, #tpu.memory_space<vmem>>[vector<16xi32>, vector<16xi32>], vector<16xf32>,
      %gather3A_481 = tpu.vector_load_idx %arg10[%add3A_195, %broadcast_in_dim3A_479] : memref<512x64xf32, #tpu.memory_space<vmem>>[vector<16xi32>, vector<16xi32>], vector<16xf32>,
      %mul3A_482 = arith.mulf %gather3A_480, %gather3A_481 : vector<16xf32>
      %add3A_483 = arith.addf %add3A_477, %mul3A_482 : vector<16xf32>
      %broadcast_in_dim3A_484 = arith.constant 48 : i32
      %broadcast_in_dim3A_485 = vector.broadcast %broadcast_in_dim3A_484 : i32 to vector<16xi32>
      %gather3A_486 = tpu.vector_load_idx %arg9[%add3A_195, %broadcast_in_dim3A_485] : memref<512x64xf32, #tpu.memory_space<vmem>>[vector<16xi32>, vector<16xi32>], vector<16xf32>,
      %gather3A_487 = tpu.vector_load_idx %arg10[%add3A_195, %broadcast_in_dim3A_485] : memref<512x64xf32, #tpu.memory_space<vmem>>[vector<16xi32>, vector<16xi32>], vector<16xf32>,
      %mul3A_488 = arith.mulf %gather3A_486, %gather3A_487 : vector<16xf32>
      %add3A_489 = arith.addf %add3A_483, %mul3A_488 : vector<16xf32>
      %broadcast_in_dim3A_490 = arith.constant 49 : i32
      %broadcast_in_dim3A_491 = vector.broadcast %broadcast_in_dim3A_490 : i32 to vector<16xi32>
      %gather3A_492 = tpu.vector_load_idx %arg9[%add3A_195, %broadcast_in_dim3A_491] : memref<512x64xf32, #tpu.memory_space<vmem>>[vector<16xi32>, vector<16xi32>], vector<16xf32>,
      %gather3A_493 = tpu.vector_load_idx %arg10[%add3A_195, %broadcast_in_dim3A_491] : memref<512x64xf32, #tpu.memory_space<vmem>>[vector<16xi32>, vector<16xi32>], vector<16xf32>,
      %mul3A_494 = arith.mulf %gather3A_492, %gather3A_493 : vector<16xf32>
      %add3A_495 = arith.addf %add3A_489, %mul3A_494 : vector<16xf32>
      %broadcast_in_dim3A_496 = arith.constant 50 : i32
      %broadcast_in_dim3A_497 = vector.broadcast %broadcast_in_dim3A_496 : i32 to vector<16xi32>
      %gather3A_498 = tpu.vector_load_idx %arg9[%add3A_195, %broadcast_in_dim3A_497] : memref<512x64xf32, #tpu.memory_space<vmem>>[vector<16xi32>, vector<16xi32>], vector<16xf32>,
      %gather3A_499 = tpu.vector_load_idx %arg10[%add3A_195, %broadcast_in_dim3A_497] : memref<512x64xf32, #tpu.memory_space<vmem>>[vector<16xi32>, vector<16xi32>], vector<16xf32>,
      %mul3A_500 = arith.mulf %gather3A_498, %gather3A_499 : vector<16xf32>
      %add3A_501 = arith.addf %add3A_495, %mul3A_500 : vector<16xf32>
      %broadcast_in_dim3A_502 = arith.constant 51 : i32
      %broadcast_in_dim3A_503 = vector.broadcast %broadcast_in_dim3A_502 : i32 to vector<16xi32>
      %gather3A_504 = tpu.vector_load_idx %arg9[%add3A_195, %broadcast_in_dim3A_503] : memref<512x64xf32, #tpu.memory_space<vmem>>[vector<16xi32>, vector<16xi32>], vector<16xf32>,
      %gather3A_505 = tpu.vector_load_idx %arg10[%add3A_195, %broadcast_in_dim3A_503] : memref<512x64xf32, #tpu.memory_space<vmem>>[vector<16xi32>, vector<16xi32>], vector<16xf32>,
      %mul3A_506 = arith.mulf %gather3A_504, %gather3A_505 : vector<16xf32>
      %add3A_507 = arith.addf %add3A_501, %mul3A_506 : vector<16xf32>
      %broadcast_in_dim3A_508 = arith.constant 52 : i32
      %broadcast_in_dim3A_509 = vector.broadcast %broadcast_in_dim3A_508 : i32 to vector<16xi32>
      %gather3A_510 = tpu.vector_load_idx %arg9[%add3A_195, %broadcast_in_dim3A_509] : memref<512x64xf32, #tpu.memory_space<vmem>>[vector<16xi32>, vector<16xi32>], vector<16xf32>,
      %gather3A_511 = tpu.vector_load_idx %arg10[%add3A_195, %broadcast_in_dim3A_509] : memref<512x64xf32, #tpu.memory_space<vmem>>[vector<16xi32>, vector<16xi32>], vector<16xf32>,
      %mul3A_512 = arith.mulf %gather3A_510, %gather3A_511 : vector<16xf32>
      %add3A_513 = arith.addf %add3A_507, %mul3A_512 : vector<16xf32>
      %broadcast_in_dim3A_514 = arith.constant 53 : i32
      %broadcast_in_dim3A_515 = vector.broadcast %broadcast_in_dim3A_514 : i32 to vector<16xi32>
      %gather3A_516 = tpu.vector_load_idx %arg9[%add3A_195, %broadcast_in_dim3A_515] : memref<512x64xf32, #tpu.memory_space<vmem>>[vector<16xi32>, vector<16xi32>], vector<16xf32>,
      %gather3A_517 = tpu.vector_load_idx %arg10[%add3A_195, %broadcast_in_dim3A_515] : memref<512x64xf32, #tpu.memory_space<vmem>>[vector<16xi32>, vector<16xi32>], vector<16xf32>,
      %mul3A_518 = arith.mulf %gather3A_516, %gather3A_517 : vector<16xf32>
      %add3A_519 = arith.addf %add3A_513, %mul3A_518 : vector<16xf32>
      %broadcast_in_dim3A_520 = arith.constant 54 : i32
      %broadcast_in_dim3A_521 = vector.broadcast %broadcast_in_dim3A_520 : i32 to vector<16xi32>
      %gather3A_522 = tpu.vector_load_idx %arg9[%add3A_195, %broadcast_in_dim3A_521] : memref<512x64xf32, #tpu.memory_space<vmem>>[vector<16xi32>, vector<16xi32>], vector<16xf32>,
      %gather3A_523 = tpu.vector_load_idx %arg10[%add3A_195, %broadcast_in_dim3A_521] : memref<512x64xf32, #tpu.memory_space<vmem>>[vector<16xi32>, vector<16xi32>], vector<16xf32>,
      %mul3A_524 = arith.mulf %gather3A_522, %gather3A_523 : vector<16xf32>
      %add3A_525 = arith.addf %add3A_519, %mul3A_524 : vector<16xf32>
      %broadcast_in_dim3A_526 = arith.constant 55 : i32
      %broadcast_in_dim3A_527 = vector.broadcast %broadcast_in_dim3A_526 : i32 to vector<16xi32>
      %gather3A_528 = tpu.vector_load_idx %arg9[%add3A_195, %broadcast_in_dim3A_527] : memref<512x64xf32, #tpu.memory_space<vmem>>[vector<16xi32>, vector<16xi32>], vector<16xf32>,
      %gather3A_529 = tpu.vector_load_idx %arg10[%add3A_195, %broadcast_in_dim3A_527] : memref<512x64xf32, #tpu.memory_space<vmem>>[vector<16xi32>, vector<16xi32>], vector<16xf32>,
      %mul3A_530 = arith.mulf %gather3A_528, %gather3A_529 : vector<16xf32>
      %add3A_531 = arith.addf %add3A_525, %mul3A_530 : vector<16xf32>
      %broadcast_in_dim3A_532 = arith.constant 56 : i32
      %broadcast_in_dim3A_533 = vector.broadcast %broadcast_in_dim3A_532 : i32 to vector<16xi32>
      %gather3A_534 = tpu.vector_load_idx %arg9[%add3A_195, %broadcast_in_dim3A_533] : memref<512x64xf32, #tpu.memory_space<vmem>>[vector<16xi32>, vector<16xi32>], vector<16xf32>,
      %gather3A_535 = tpu.vector_load_idx %arg10[%add3A_195, %broadcast_in_dim3A_533] : memref<512x64xf32, #tpu.memory_space<vmem>>[vector<16xi32>, vector<16xi32>], vector<16xf32>,
      %mul3A_536 = arith.mulf %gather3A_534, %gather3A_535 : vector<16xf32>
      %add3A_537 = arith.addf %add3A_531, %mul3A_536 : vector<16xf32>
      %broadcast_in_dim3A_538 = arith.constant 57 : i32
      %broadcast_in_dim3A_539 = vector.broadcast %broadcast_in_dim3A_538 : i32 to vector<16xi32>
      %gather3A_540 = tpu.vector_load_idx %arg9[%add3A_195, %broadcast_in_dim3A_539] : memref<512x64xf32, #tpu.memory_space<vmem>>[vector<16xi32>, vector<16xi32>], vector<16xf32>,
      %gather3A_541 = tpu.vector_load_idx %arg10[%add3A_195, %broadcast_in_dim3A_539] : memref<512x64xf32, #tpu.memory_space<vmem>>[vector<16xi32>, vector<16xi32>], vector<16xf32>,
      %mul3A_542 = arith.mulf %gather3A_540, %gather3A_541 : vector<16xf32>
      %add3A_543 = arith.addf %add3A_537, %mul3A_542 : vector<16xf32>
      %broadcast_in_dim3A_544 = arith.constant 58 : i32
      %broadcast_in_dim3A_545 = vector.broadcast %broadcast_in_dim3A_544 : i32 to vector<16xi32>
      %gather3A_546 = tpu.vector_load_idx %arg9[%add3A_195, %broadcast_in_dim3A_545] : memref<512x64xf32, #tpu.memory_space<vmem>>[vector<16xi32>, vector<16xi32>], vector<16xf32>,
      %gather3A_547 = tpu.vector_load_idx %arg10[%add3A_195, %broadcast_in_dim3A_545] : memref<512x64xf32, #tpu.memory_space<vmem>>[vector<16xi32>, vector<16xi32>], vector<16xf32>,
      %mul3A_548 = arith.mulf %gather3A_546, %gather3A_547 : vector<16xf32>
      %add3A_549 = arith.addf %add3A_543, %mul3A_548 : vector<16xf32>
      %broadcast_in_dim3A_550 = arith.constant 59 : i32
      %broadcast_in_dim3A_551 = vector.broadcast %broadcast_in_dim3A_550 : i32 to vector<16xi32>
      %gather3A_552 = tpu.vector_load_idx %arg9[%add3A_195, %broadcast_in_dim3A_551] : memref<512x64xf32, #tpu.memory_space<vmem>>[vector<16xi32>, vector<16xi32>], vector<16xf32>,
      %gather3A_553 = tpu.vector_load_idx %arg10[%add3A_195, %broadcast_in_dim3A_551] : memref<512x64xf32, #tpu.memory_space<vmem>>[vector<16xi32>, vector<16xi32>], vector<16xf32>,
      %mul3A_554 = arith.mulf %gather3A_552, %gather3A_553 : vector<16xf32>
      %add3A_555 = arith.addf %add3A_549, %mul3A_554 : vector<16xf32>
      %broadcast_in_dim3A_556 = arith.constant 60 : i32
      %broadcast_in_dim3A_557 = vector.broadcast %broadcast_in_dim3A_556 : i32 to vector<16xi32>
      %gather3A_558 = tpu.vector_load_idx %arg9[%add3A_195, %broadcast_in_dim3A_557] : memref<512x64xf32, #tpu.memory_space<vmem>>[vector<16xi32>, vector<16xi32>], vector<16xf32>,
      %gather3A_559 = tpu.vector_load_idx %arg10[%add3A_195, %broadcast_in_dim3A_557] : memref<512x64xf32, #tpu.memory_space<vmem>>[vector<16xi32>, vector<16xi32>], vector<16xf32>,
      %mul3A_560 = arith.mulf %gather3A_558, %gather3A_559 : vector<16xf32>
      %add3A_561 = arith.addf %add3A_555, %mul3A_560 : vector<16xf32>
      %broadcast_in_dim3A_562 = arith.constant 61 : i32
      %broadcast_in_dim3A_563 = vector.broadcast %broadcast_in_dim3A_562 : i32 to vector<16xi32>
      %gather3A_564 = tpu.vector_load_idx %arg9[%add3A_195, %broadcast_in_dim3A_563] : memref<512x64xf32, #tpu.memory_space<vmem>>[vector<16xi32>, vector<16xi32>], vector<16xf32>,
      %gather3A_565 = tpu.vector_load_idx %arg10[%add3A_195, %broadcast_in_dim3A_563] : memref<512x64xf32, #tpu.memory_space<vmem>>[vector<16xi32>, vector<16xi32>], vector<16xf32>,
      %mul3A_566 = arith.mulf %gather3A_564, %gather3A_565 : vector<16xf32>
      %add3A_567 = arith.addf %add3A_561, %mul3A_566 : vector<16xf32>
      %broadcast_in_dim3A_568 = arith.constant 62 : i32
      %broadcast_in_dim3A_569 = vector.broadcast %broadcast_in_dim3A_568 : i32 to vector<16xi32>
      %gather3A_570 = tpu.vector_load_idx %arg9[%add3A_195, %broadcast_in_dim3A_569] : memref<512x64xf32, #tpu.memory_space<vmem>>[vector<16xi32>, vector<16xi32>], vector<16xf32>,
      %gather3A_571 = tpu.vector_load_idx %arg10[%add3A_195, %broadcast_in_dim3A_569] : memref<512x64xf32, #tpu.memory_space<vmem>>[vector<16xi32>, vector<16xi32>], vector<16xf32>,
      %mul3A_572 = arith.mulf %gather3A_570, %gather3A_571 : vector<16xf32>
      %add3A_573 = arith.addf %add3A_567, %mul3A_572 : vector<16xf32>
      %broadcast_in_dim3A_574 = arith.constant 63 : i32
      %broadcast_in_dim3A_575 = vector.broadcast %broadcast_in_dim3A_574 : i32 to vector<16xi32>
      %gather3A_576 = tpu.vector_load_idx %arg9[%add3A_195, %broadcast_in_dim3A_575] : memref<512x64xf32, #tpu.memory_space<vmem>>[vector<16xi32>, vector<16xi32>], vector<16xf32>,
      %gather3A_577 = tpu.vector_load_idx %arg10[%add3A_195, %broadcast_in_dim3A_575] : memref<512x64xf32, #tpu.memory_space<vmem>>[vector<16xi32>, vector<16xi32>], vector<16xf32>,
      %mul3A_578 = arith.mulf %gather3A_576, %gather3A_577 : vector<16xf32>
      %add3A_579 = arith.addf %add3A_573, %mul3A_578 : vector<16xf32>
      %mul3A_580 = arith.constant 16 : i32
      %mul3A_581 = arith.muli %scan3A_188, %mul3A_580 : i32
      %swap3A = arith.constant 1 : i32
      %swap3A_582 = arith.index_cast %swap3A : i32 to index
      %swap3A_583 = arith.index_cast %mul3A_581 : i32 to index
      %swap3A_584 = tpu.vector_load %arg11[%swap3A_582, %swap3A_583] {strides = array<i32>} : memref<4x128xf32, #tpu.memory_space<vmem>>, vector<16xf32>,
      tpu.vector_store %arg11[%swap3A_582, %swap3A_583], %add3A_579 {strides = array<i32>} : memref<4x128xf32, #tpu.memory_space<vmem>>, vector<16xf32>,
      %scan3A_585 = arith.constant 0 : i32
      scf.yield %scan3A_585 : i32
    }
    %scan3A_133 = arith.constant 8 : i32
    %dma_wait3A_134 = arith.constant 2 : i32
    %dma_wait3A_135 = arith.constant 256 : i32
    %dma_wait3A_136 = arith.constant 0 : i32
    %dma_wait3A_137 = tpu.memref_slice %arg9[%dma_wait3A_135, %dma_wait3A_136] : memref<512x64xf32, #tpu.memory_space<vmem>> -> memref<128x64xf32, #tpu.memory_space<vmem>>
    %dma_wait3A_138 = arith.constant 0 : i32
    %dma_wait3A_139 = tpu.memref_slice %arg7[%dma_wait3A_134, %dma_wait3A_138] : memref<4x128xi32, #tpu.memory_space<vmem>> -> memref<1x128xi32, #tpu.memory_space<vmem>>
    %dma_wait3A_140 = tpu.memref_squeeze %dma_wait3A_139 : memref<1x128xi32, #tpu.memory_space<vmem>> -> memref<128xi32, #tpu.memory_space<vmem>>
    %dma_wait3A_141 = arith.constant 0 : i32
    %dma_wait3A_142 = arith.constant 0 : i32
    %dma_wait3A_143 = tpu.memref_slice %arg4[%dma_wait3A_141, %dma_wait3A_142] : memref<100000x64xf32, #tpu.memory_space<hbm>> -> memref<100000x64xf32, #tpu.memory_space<hbm>>
    tpu.wait_indirect_dma semaphore(%arg12 : memref<!tpu.dma_semaphore, #tpu.memory_space<semaphore_mem>>) src(%dma_wait3A_143 : memref<100000x64xf32, #tpu.memory_space<hbm>>) dst(%dma_wait3A_137 : memref<128x64xf32, #tpu.memory_space<vmem>>)
    %dma_wait3A_144 = arith.constant 2 : i32
    %dma_wait3A_145 = arith.constant 256 : i32
    %dma_wait3A_146 = arith.constant 0 : i32
    %dma_wait3A_147 = tpu.memref_slice %arg10[%dma_wait3A_145, %dma_wait3A_146] : memref<512x64xf32, #tpu.memory_space<vmem>> -> memref<128x64xf32, #tpu.memory_space<vmem>>
    %dma_wait3A_148 = arith.constant 0 : i32
    %dma_wait3A_149 = tpu.memref_slice %arg8[%dma_wait3A_144, %dma_wait3A_148] : memref<4x128xi32, #tpu.memory_space<vmem>> -> memref<1x128xi32, #tpu.memory_space<vmem>>
    %dma_wait3A_150 = tpu.memref_squeeze %dma_wait3A_149 : memref<1x128xi32, #tpu.memory_space<vmem>> -> memref<128xi32, #tpu.memory_space<vmem>>
    %dma_wait3A_151 = arith.constant 0 : i32
    %dma_wait3A_152 = arith.constant 0 : i32
    %dma_wait3A_153 = tpu.memref_slice %arg5[%dma_wait3A_151, %dma_wait3A_152] : memref<100000x64xf32, #tpu.memory_space<hbm>> -> memref<100000x64xf32, #tpu.memory_space<hbm>>
    tpu.wait_indirect_dma semaphore(%arg13 : memref<!tpu.dma_semaphore, #tpu.memory_space<semaphore_mem>>) src(%dma_wait3A_153 : memref<100000x64xf32, #tpu.memory_space<hbm>>) dst(%dma_wait3A_147 : memref<128x64xf32, #tpu.memory_space<vmem>>)
    %scan3A_154 = arith.constant 0 : i32
    %scan3A_155 = arith.constant 0 : i32
    %scan3A_156 = arith.constant 8 : i32
    %scan3A_157 = arith.addi %scan3A_155, %scan3A_156 : i32
    %scan3A_158 = arith.constant 1 : i32
    %scan3A_159 = scf.for %scan3A_188 = %scan3A_155 to %scan3A_157 step %scan3A_158 iter_args(%scan3A_189 = %scan3A_154) -> (i32)  : i32 {
      %mul3A_190 = arith.constant 16 : i32
      %mul3A_191 = arith.muli %scan3A_188, %mul3A_190 : i32
      %add3A_192 = arith.constant 256 : i32
      %add3A_193 = arith.addi %add3A_192, %mul3A_191 : i32
      %iota3A = tpu.iota {dimensions = array<i32: 0>} : vector<16xi32>
      %add3A_194 = vector.broadcast %add3A_193 : i32 to vector<16xi32>
      %add3A_195 = arith.addi %add3A_194, %iota3A : vector<16xi32>
      %broadcast_in_dim3A = arith.constant 0.000000e+00 : f32
      %broadcast_in_dim3A_196 = vector.broadcast %broadcast_in_dim3A : f32 to vector<16xf32>
      %broadcast_in_dim3A_197 = arith.constant 0 : i32
      %broadcast_in_dim3A_198 = vector.broadcast %broadcast_in_dim3A_197 : i32 to vector<16xi32>
      %gather3A = tpu.vector_load_idx %arg9[%add3A_195, %broadcast_in_dim3A_198] : memref<512x64xf32, #tpu.memory_space<vmem>>[vector<16xi32>, vector<16xi32>], vector<16xf32>,
      %gather3A_199 = tpu.vector_load_idx %arg10[%add3A_195, %broadcast_in_dim3A_198] : memref<512x64xf32, #tpu.memory_space<vmem>>[vector<16xi32>, vector<16xi32>], vector<16xf32>,
      %mul3A_200 = arith.mulf %gather3A, %gather3A_199 : vector<16xf32>
      %add3A_201 = arith.addf %broadcast_in_dim3A_196, %mul3A_200 : vector<16xf32>
      %broadcast_in_dim3A_202 = arith.constant 1 : i32
      %broadcast_in_dim3A_203 = vector.broadcast %broadcast_in_dim3A_202 : i32 to vector<16xi32>
      %gather3A_204 = tpu.vector_load_idx %arg9[%add3A_195, %broadcast_in_dim3A_203] : memref<512x64xf32, #tpu.memory_space<vmem>>[vector<16xi32>, vector<16xi32>], vector<16xf32>,
      %gather3A_205 = tpu.vector_load_idx %arg10[%add3A_195, %broadcast_in_dim3A_203] : memref<512x64xf32, #tpu.memory_space<vmem>>[vector<16xi32>, vector<16xi32>], vector<16xf32>,
      %mul3A_206 = arith.mulf %gather3A_204, %gather3A_205 : vector<16xf32>
      %add3A_207 = arith.addf %add3A_201, %mul3A_206 : vector<16xf32>
      %broadcast_in_dim3A_208 = arith.constant 2 : i32
      %broadcast_in_dim3A_209 = vector.broadcast %broadcast_in_dim3A_208 : i32 to vector<16xi32>
      %gather3A_210 = tpu.vector_load_idx %arg9[%add3A_195, %broadcast_in_dim3A_209] : memref<512x64xf32, #tpu.memory_space<vmem>>[vector<16xi32>, vector<16xi32>], vector<16xf32>,
      %gather3A_211 = tpu.vector_load_idx %arg10[%add3A_195, %broadcast_in_dim3A_209] : memref<512x64xf32, #tpu.memory_space<vmem>>[vector<16xi32>, vector<16xi32>], vector<16xf32>,
      %mul3A_212 = arith.mulf %gather3A_210, %gather3A_211 : vector<16xf32>
      %add3A_213 = arith.addf %add3A_207, %mul3A_212 : vector<16xf32>
      %broadcast_in_dim3A_214 = arith.constant 3 : i32
      %broadcast_in_dim3A_215 = vector.broadcast %broadcast_in_dim3A_214 : i32 to vector<16xi32>
      %gather3A_216 = tpu.vector_load_idx %arg9[%add3A_195, %broadcast_in_dim3A_215] : memref<512x64xf32, #tpu.memory_space<vmem>>[vector<16xi32>, vector<16xi32>], vector<16xf32>,
      %gather3A_217 = tpu.vector_load_idx %arg10[%add3A_195, %broadcast_in_dim3A_215] : memref<512x64xf32, #tpu.memory_space<vmem>>[vector<16xi32>, vector<16xi32>], vector<16xf32>,
      %mul3A_218 = arith.mulf %gather3A_216, %gather3A_217 : vector<16xf32>
      %add3A_219 = arith.addf %add3A_213, %mul3A_218 : vector<16xf32>
      %broadcast_in_dim3A_220 = arith.constant 4 : i32
      %broadcast_in_dim3A_221 = vector.broadcast %broadcast_in_dim3A_220 : i32 to vector<16xi32>
      %gather3A_222 = tpu.vector_load_idx %arg9[%add3A_195, %broadcast_in_dim3A_221] : memref<512x64xf32, #tpu.memory_space<vmem>>[vector<16xi32>, vector<16xi32>], vector<16xf32>,
      %gather3A_223 = tpu.vector_load_idx %arg10[%add3A_195, %broadcast_in_dim3A_221] : memref<512x64xf32, #tpu.memory_space<vmem>>[vector<16xi32>, vector<16xi32>], vector<16xf32>,
      %mul3A_224 = arith.mulf %gather3A_222, %gather3A_223 : vector<16xf32>
      %add3A_225 = arith.addf %add3A_219, %mul3A_224 : vector<16xf32>
      %broadcast_in_dim3A_226 = arith.constant 5 : i32
      %broadcast_in_dim3A_227 = vector.broadcast %broadcast_in_dim3A_226 : i32 to vector<16xi32>
      %gather3A_228 = tpu.vector_load_idx %arg9[%add3A_195, %broadcast_in_dim3A_227] : memref<512x64xf32, #tpu.memory_space<vmem>>[vector<16xi32>, vector<16xi32>], vector<16xf32>,
      %gather3A_229 = tpu.vector_load_idx %arg10[%add3A_195, %broadcast_in_dim3A_227] : memref<512x64xf32, #tpu.memory_space<vmem>>[vector<16xi32>, vector<16xi32>], vector<16xf32>,
      %mul3A_230 = arith.mulf %gather3A_228, %gather3A_229 : vector<16xf32>
      %add3A_231 = arith.addf %add3A_225, %mul3A_230 : vector<16xf32>
      %broadcast_in_dim3A_232 = arith.constant 6 : i32
      %broadcast_in_dim3A_233 = vector.broadcast %broadcast_in_dim3A_232 : i32 to vector<16xi32>
      %gather3A_234 = tpu.vector_load_idx %arg9[%add3A_195, %broadcast_in_dim3A_233] : memref<512x64xf32, #tpu.memory_space<vmem>>[vector<16xi32>, vector<16xi32>], vector<16xf32>,
      %gather3A_235 = tpu.vector_load_idx %arg10[%add3A_195, %broadcast_in_dim3A_233] : memref<512x64xf32, #tpu.memory_space<vmem>>[vector<16xi32>, vector<16xi32>], vector<16xf32>,
      %mul3A_236 = arith.mulf %gather3A_234, %gather3A_235 : vector<16xf32>
      %add3A_237 = arith.addf %add3A_231, %mul3A_236 : vector<16xf32>
      %broadcast_in_dim3A_238 = arith.constant 7 : i32
      %broadcast_in_dim3A_239 = vector.broadcast %broadcast_in_dim3A_238 : i32 to vector<16xi32>
      %gather3A_240 = tpu.vector_load_idx %arg9[%add3A_195, %broadcast_in_dim3A_239] : memref<512x64xf32, #tpu.memory_space<vmem>>[vector<16xi32>, vector<16xi32>], vector<16xf32>,
      %gather3A_241 = tpu.vector_load_idx %arg10[%add3A_195, %broadcast_in_dim3A_239] : memref<512x64xf32, #tpu.memory_space<vmem>>[vector<16xi32>, vector<16xi32>], vector<16xf32>,
      %mul3A_242 = arith.mulf %gather3A_240, %gather3A_241 : vector<16xf32>
      %add3A_243 = arith.addf %add3A_237, %mul3A_242 : vector<16xf32>
      %broadcast_in_dim3A_244 = arith.constant 8 : i32
      %broadcast_in_dim3A_245 = vector.broadcast %broadcast_in_dim3A_244 : i32 to vector<16xi32>
      %gather3A_246 = tpu.vector_load_idx %arg9[%add3A_195, %broadcast_in_dim3A_245] : memref<512x64xf32, #tpu.memory_space<vmem>>[vector<16xi32>, vector<16xi32>], vector<16xf32>,
      %gather3A_247 = tpu.vector_load_idx %arg10[%add3A_195, %broadcast_in_dim3A_245] : memref<512x64xf32, #tpu.memory_space<vmem>>[vector<16xi32>, vector<16xi32>], vector<16xf32>,
      %mul3A_248 = arith.mulf %gather3A_246, %gather3A_247 : vector<16xf32>
      %add3A_249 = arith.addf %add3A_243, %mul3A_248 : vector<16xf32>
      %broadcast_in_dim3A_250 = arith.constant 9 : i32
      %broadcast_in_dim3A_251 = vector.broadcast %broadcast_in_dim3A_250 : i32 to vector<16xi32>
      %gather3A_252 = tpu.vector_load_idx %arg9[%add3A_195, %broadcast_in_dim3A_251] : memref<512x64xf32, #tpu.memory_space<vmem>>[vector<16xi32>, vector<16xi32>], vector<16xf32>,
      %gather3A_253 = tpu.vector_load_idx %arg10[%add3A_195, %broadcast_in_dim3A_251] : memref<512x64xf32, #tpu.memory_space<vmem>>[vector<16xi32>, vector<16xi32>], vector<16xf32>,
      %mul3A_254 = arith.mulf %gather3A_252, %gather3A_253 : vector<16xf32>
      %add3A_255 = arith.addf %add3A_249, %mul3A_254 : vector<16xf32>
      %broadcast_in_dim3A_256 = arith.constant 10 : i32
      %broadcast_in_dim3A_257 = vector.broadcast %broadcast_in_dim3A_256 : i32 to vector<16xi32>
      %gather3A_258 = tpu.vector_load_idx %arg9[%add3A_195, %broadcast_in_dim3A_257] : memref<512x64xf32, #tpu.memory_space<vmem>>[vector<16xi32>, vector<16xi32>], vector<16xf32>,
      %gather3A_259 = tpu.vector_load_idx %arg10[%add3A_195, %broadcast_in_dim3A_257] : memref<512x64xf32, #tpu.memory_space<vmem>>[vector<16xi32>, vector<16xi32>], vector<16xf32>,
      %mul3A_260 = arith.mulf %gather3A_258, %gather3A_259 : vector<16xf32>
      %add3A_261 = arith.addf %add3A_255, %mul3A_260 : vector<16xf32>
      %broadcast_in_dim3A_262 = arith.constant 11 : i32
      %broadcast_in_dim3A_263 = vector.broadcast %broadcast_in_dim3A_262 : i32 to vector<16xi32>
      %gather3A_264 = tpu.vector_load_idx %arg9[%add3A_195, %broadcast_in_dim3A_263] : memref<512x64xf32, #tpu.memory_space<vmem>>[vector<16xi32>, vector<16xi32>], vector<16xf32>,
      %gather3A_265 = tpu.vector_load_idx %arg10[%add3A_195, %broadcast_in_dim3A_263] : memref<512x64xf32, #tpu.memory_space<vmem>>[vector<16xi32>, vector<16xi32>], vector<16xf32>,
      %mul3A_266 = arith.mulf %gather3A_264, %gather3A_265 : vector<16xf32>
      %add3A_267 = arith.addf %add3A_261, %mul3A_266 : vector<16xf32>
      %broadcast_in_dim3A_268 = arith.constant 12 : i32
      %broadcast_in_dim3A_269 = vector.broadcast %broadcast_in_dim3A_268 : i32 to vector<16xi32>
      %gather3A_270 = tpu.vector_load_idx %arg9[%add3A_195, %broadcast_in_dim3A_269] : memref<512x64xf32, #tpu.memory_space<vmem>>[vector<16xi32>, vector<16xi32>], vector<16xf32>,
      %gather3A_271 = tpu.vector_load_idx %arg10[%add3A_195, %broadcast_in_dim3A_269] : memref<512x64xf32, #tpu.memory_space<vmem>>[vector<16xi32>, vector<16xi32>], vector<16xf32>,
      %mul3A_272 = arith.mulf %gather3A_270, %gather3A_271 : vector<16xf32>
      %add3A_273 = arith.addf %add3A_267, %mul3A_272 : vector<16xf32>
      %broadcast_in_dim3A_274 = arith.constant 13 : i32
      %broadcast_in_dim3A_275 = vector.broadcast %broadcast_in_dim3A_274 : i32 to vector<16xi32>
      %gather3A_276 = tpu.vector_load_idx %arg9[%add3A_195, %broadcast_in_dim3A_275] : memref<512x64xf32, #tpu.memory_space<vmem>>[vector<16xi32>, vector<16xi32>], vector<16xf32>,
      %gather3A_277 = tpu.vector_load_idx %arg10[%add3A_195, %broadcast_in_dim3A_275] : memref<512x64xf32, #tpu.memory_space<vmem>>[vector<16xi32>, vector<16xi32>], vector<16xf32>,
      %mul3A_278 = arith.mulf %gather3A_276, %gather3A_277 : vector<16xf32>
      %add3A_279 = arith.addf %add3A_273, %mul3A_278 : vector<16xf32>
      %broadcast_in_dim3A_280 = arith.constant 14 : i32
      %broadcast_in_dim3A_281 = vector.broadcast %broadcast_in_dim3A_280 : i32 to vector<16xi32>
      %gather3A_282 = tpu.vector_load_idx %arg9[%add3A_195, %broadcast_in_dim3A_281] : memref<512x64xf32, #tpu.memory_space<vmem>>[vector<16xi32>, vector<16xi32>], vector<16xf32>,
      %gather3A_283 = tpu.vector_load_idx %arg10[%add3A_195, %broadcast_in_dim3A_281] : memref<512x64xf32, #tpu.memory_space<vmem>>[vector<16xi32>, vector<16xi32>], vector<16xf32>,
      %mul3A_284 = arith.mulf %gather3A_282, %gather3A_283 : vector<16xf32>
      %add3A_285 = arith.addf %add3A_279, %mul3A_284 : vector<16xf32>
      %broadcast_in_dim3A_286 = arith.constant 15 : i32
      %broadcast_in_dim3A_287 = vector.broadcast %broadcast_in_dim3A_286 : i32 to vector<16xi32>
      %gather3A_288 = tpu.vector_load_idx %arg9[%add3A_195, %broadcast_in_dim3A_287] : memref<512x64xf32, #tpu.memory_space<vmem>>[vector<16xi32>, vector<16xi32>], vector<16xf32>,
      %gather3A_289 = tpu.vector_load_idx %arg10[%add3A_195, %broadcast_in_dim3A_287] : memref<512x64xf32, #tpu.memory_space<vmem>>[vector<16xi32>, vector<16xi32>], vector<16xf32>,
      %mul3A_290 = arith.mulf %gather3A_288, %gather3A_289 : vector<16xf32>
      %add3A_291 = arith.addf %add3A_285, %mul3A_290 : vector<16xf32>
      %broadcast_in_dim3A_292 = arith.constant 16 : i32
      %broadcast_in_dim3A_293 = vector.broadcast %broadcast_in_dim3A_292 : i32 to vector<16xi32>
      %gather3A_294 = tpu.vector_load_idx %arg9[%add3A_195, %broadcast_in_dim3A_293] : memref<512x64xf32, #tpu.memory_space<vmem>>[vector<16xi32>, vector<16xi32>], vector<16xf32>,
      %gather3A_295 = tpu.vector_load_idx %arg10[%add3A_195, %broadcast_in_dim3A_293] : memref<512x64xf32, #tpu.memory_space<vmem>>[vector<16xi32>, vector<16xi32>], vector<16xf32>,
      %mul3A_296 = arith.mulf %gather3A_294, %gather3A_295 : vector<16xf32>
      %add3A_297 = arith.addf %add3A_291, %mul3A_296 : vector<16xf32>
      %broadcast_in_dim3A_298 = arith.constant 17 : i32
      %broadcast_in_dim3A_299 = vector.broadcast %broadcast_in_dim3A_298 : i32 to vector<16xi32>
      %gather3A_300 = tpu.vector_load_idx %arg9[%add3A_195, %broadcast_in_dim3A_299] : memref<512x64xf32, #tpu.memory_space<vmem>>[vector<16xi32>, vector<16xi32>], vector<16xf32>,
      %gather3A_301 = tpu.vector_load_idx %arg10[%add3A_195, %broadcast_in_dim3A_299] : memref<512x64xf32, #tpu.memory_space<vmem>>[vector<16xi32>, vector<16xi32>], vector<16xf32>,
      %mul3A_302 = arith.mulf %gather3A_300, %gather3A_301 : vector<16xf32>
      %add3A_303 = arith.addf %add3A_297, %mul3A_302 : vector<16xf32>
      %broadcast_in_dim3A_304 = arith.constant 18 : i32
      %broadcast_in_dim3A_305 = vector.broadcast %broadcast_in_dim3A_304 : i32 to vector<16xi32>
      %gather3A_306 = tpu.vector_load_idx %arg9[%add3A_195, %broadcast_in_dim3A_305] : memref<512x64xf32, #tpu.memory_space<vmem>>[vector<16xi32>, vector<16xi32>], vector<16xf32>,
      %gather3A_307 = tpu.vector_load_idx %arg10[%add3A_195, %broadcast_in_dim3A_305] : memref<512x64xf32, #tpu.memory_space<vmem>>[vector<16xi32>, vector<16xi32>], vector<16xf32>,
      %mul3A_308 = arith.mulf %gather3A_306, %gather3A_307 : vector<16xf32>
      %add3A_309 = arith.addf %add3A_303, %mul3A_308 : vector<16xf32>
      %broadcast_in_dim3A_310 = arith.constant 19 : i32
      %broadcast_in_dim3A_311 = vector.broadcast %broadcast_in_dim3A_310 : i32 to vector<16xi32>
      %gather3A_312 = tpu.vector_load_idx %arg9[%add3A_195, %broadcast_in_dim3A_311] : memref<512x64xf32, #tpu.memory_space<vmem>>[vector<16xi32>, vector<16xi32>], vector<16xf32>,
      %gather3A_313 = tpu.vector_load_idx %arg10[%add3A_195, %broadcast_in_dim3A_311] : memref<512x64xf32, #tpu.memory_space<vmem>>[vector<16xi32>, vector<16xi32>], vector<16xf32>,
      %mul3A_314 = arith.mulf %gather3A_312, %gather3A_313 : vector<16xf32>
      %add3A_315 = arith.addf %add3A_309, %mul3A_314 : vector<16xf32>
      %broadcast_in_dim3A_316 = arith.constant 20 : i32
      %broadcast_in_dim3A_317 = vector.broadcast %broadcast_in_dim3A_316 : i32 to vector<16xi32>
      %gather3A_318 = tpu.vector_load_idx %arg9[%add3A_195, %broadcast_in_dim3A_317] : memref<512x64xf32, #tpu.memory_space<vmem>>[vector<16xi32>, vector<16xi32>], vector<16xf32>,
      %gather3A_319 = tpu.vector_load_idx %arg10[%add3A_195, %broadcast_in_dim3A_317] : memref<512x64xf32, #tpu.memory_space<vmem>>[vector<16xi32>, vector<16xi32>], vector<16xf32>,
      %mul3A_320 = arith.mulf %gather3A_318, %gather3A_319 : vector<16xf32>
      %add3A_321 = arith.addf %add3A_315, %mul3A_320 : vector<16xf32>
      %broadcast_in_dim3A_322 = arith.constant 21 : i32
      %broadcast_in_dim3A_323 = vector.broadcast %broadcast_in_dim3A_322 : i32 to vector<16xi32>
      %gather3A_324 = tpu.vector_load_idx %arg9[%add3A_195, %broadcast_in_dim3A_323] : memref<512x64xf32, #tpu.memory_space<vmem>>[vector<16xi32>, vector<16xi32>], vector<16xf32>,
      %gather3A_325 = tpu.vector_load_idx %arg10[%add3A_195, %broadcast_in_dim3A_323] : memref<512x64xf32, #tpu.memory_space<vmem>>[vector<16xi32>, vector<16xi32>], vector<16xf32>,
      %mul3A_326 = arith.mulf %gather3A_324, %gather3A_325 : vector<16xf32>
      %add3A_327 = arith.addf %add3A_321, %mul3A_326 : vector<16xf32>
      %broadcast_in_dim3A_328 = arith.constant 22 : i32
      %broadcast_in_dim3A_329 = vector.broadcast %broadcast_in_dim3A_328 : i32 to vector<16xi32>
      %gather3A_330 = tpu.vector_load_idx %arg9[%add3A_195, %broadcast_in_dim3A_329] : memref<512x64xf32, #tpu.memory_space<vmem>>[vector<16xi32>, vector<16xi32>], vector<16xf32>,
      %gather3A_331 = tpu.vector_load_idx %arg10[%add3A_195, %broadcast_in_dim3A_329] : memref<512x64xf32, #tpu.memory_space<vmem>>[vector<16xi32>, vector<16xi32>], vector<16xf32>,
      %mul3A_332 = arith.mulf %gather3A_330, %gather3A_331 : vector<16xf32>
      %add3A_333 = arith.addf %add3A_327, %mul3A_332 : vector<16xf32>
      %broadcast_in_dim3A_334 = arith.constant 23 : i32
      %broadcast_in_dim3A_335 = vector.broadcast %broadcast_in_dim3A_334 : i32 to vector<16xi32>
      %gather3A_336 = tpu.vector_load_idx %arg9[%add3A_195, %broadcast_in_dim3A_335] : memref<512x64xf32, #tpu.memory_space<vmem>>[vector<16xi32>, vector<16xi32>], vector<16xf32>,
      %gather3A_337 = tpu.vector_load_idx %arg10[%add3A_195, %broadcast_in_dim3A_335] : memref<512x64xf32, #tpu.memory_space<vmem>>[vector<16xi32>, vector<16xi32>], vector<16xf32>,
      %mul3A_338 = arith.mulf %gather3A_336, %gather3A_337 : vector<16xf32>
      %add3A_339 = arith.addf %add3A_333, %mul3A_338 : vector<16xf32>
      %broadcast_in_dim3A_340 = arith.constant 24 : i32
      %broadcast_in_dim3A_341 = vector.broadcast %broadcast_in_dim3A_340 : i32 to vector<16xi32>
      %gather3A_342 = tpu.vector_load_idx %arg9[%add3A_195, %broadcast_in_dim3A_341] : memref<512x64xf32, #tpu.memory_space<vmem>>[vector<16xi32>, vector<16xi32>], vector<16xf32>,
      %gather3A_343 = tpu.vector_load_idx %arg10[%add3A_195, %broadcast_in_dim3A_341] : memref<512x64xf32, #tpu.memory_space<vmem>>[vector<16xi32>, vector<16xi32>], vector<16xf32>,
      %mul3A_344 = arith.mulf %gather3A_342, %gather3A_343 : vector<16xf32>
      %add3A_345 = arith.addf %add3A_339, %mul3A_344 : vector<16xf32>
      %broadcast_in_dim3A_346 = arith.constant 25 : i32
      %broadcast_in_dim3A_347 = vector.broadcast %broadcast_in_dim3A_346 : i32 to vector<16xi32>
      %gather3A_348 = tpu.vector_load_idx %arg9[%add3A_195, %broadcast_in_dim3A_347] : memref<512x64xf32, #tpu.memory_space<vmem>>[vector<16xi32>, vector<16xi32>], vector<16xf32>,
      %gather3A_349 = tpu.vector_load_idx %arg10[%add3A_195, %broadcast_in_dim3A_347] : memref<512x64xf32, #tpu.memory_space<vmem>>[vector<16xi32>, vector<16xi32>], vector<16xf32>,
      %mul3A_350 = arith.mulf %gather3A_348, %gather3A_349 : vector<16xf32>
      %add3A_351 = arith.addf %add3A_345, %mul3A_350 : vector<16xf32>
      %broadcast_in_dim3A_352 = arith.constant 26 : i32
      %broadcast_in_dim3A_353 = vector.broadcast %broadcast_in_dim3A_352 : i32 to vector<16xi32>
      %gather3A_354 = tpu.vector_load_idx %arg9[%add3A_195, %broadcast_in_dim3A_353] : memref<512x64xf32, #tpu.memory_space<vmem>>[vector<16xi32>, vector<16xi32>], vector<16xf32>,
      %gather3A_355 = tpu.vector_load_idx %arg10[%add3A_195, %broadcast_in_dim3A_353] : memref<512x64xf32, #tpu.memory_space<vmem>>[vector<16xi32>, vector<16xi32>], vector<16xf32>,
      %mul3A_356 = arith.mulf %gather3A_354, %gather3A_355 : vector<16xf32>
      %add3A_357 = arith.addf %add3A_351, %mul3A_356 : vector<16xf32>
      %broadcast_in_dim3A_358 = arith.constant 27 : i32
      %broadcast_in_dim3A_359 = vector.broadcast %broadcast_in_dim3A_358 : i32 to vector<16xi32>
      %gather3A_360 = tpu.vector_load_idx %arg9[%add3A_195, %broadcast_in_dim3A_359] : memref<512x64xf32, #tpu.memory_space<vmem>>[vector<16xi32>, vector<16xi32>], vector<16xf32>,
      %gather3A_361 = tpu.vector_load_idx %arg10[%add3A_195, %broadcast_in_dim3A_359] : memref<512x64xf32, #tpu.memory_space<vmem>>[vector<16xi32>, vector<16xi32>], vector<16xf32>,
      %mul3A_362 = arith.mulf %gather3A_360, %gather3A_361 : vector<16xf32>
      %add3A_363 = arith.addf %add3A_357, %mul3A_362 : vector<16xf32>
      %broadcast_in_dim3A_364 = arith.constant 28 : i32
      %broadcast_in_dim3A_365 = vector.broadcast %broadcast_in_dim3A_364 : i32 to vector<16xi32>
      %gather3A_366 = tpu.vector_load_idx %arg9[%add3A_195, %broadcast_in_dim3A_365] : memref<512x64xf32, #tpu.memory_space<vmem>>[vector<16xi32>, vector<16xi32>], vector<16xf32>,
      %gather3A_367 = tpu.vector_load_idx %arg10[%add3A_195, %broadcast_in_dim3A_365] : memref<512x64xf32, #tpu.memory_space<vmem>>[vector<16xi32>, vector<16xi32>], vector<16xf32>,
      %mul3A_368 = arith.mulf %gather3A_366, %gather3A_367 : vector<16xf32>
      %add3A_369 = arith.addf %add3A_363, %mul3A_368 : vector<16xf32>
      %broadcast_in_dim3A_370 = arith.constant 29 : i32
      %broadcast_in_dim3A_371 = vector.broadcast %broadcast_in_dim3A_370 : i32 to vector<16xi32>
      %gather3A_372 = tpu.vector_load_idx %arg9[%add3A_195, %broadcast_in_dim3A_371] : memref<512x64xf32, #tpu.memory_space<vmem>>[vector<16xi32>, vector<16xi32>], vector<16xf32>,
      %gather3A_373 = tpu.vector_load_idx %arg10[%add3A_195, %broadcast_in_dim3A_371] : memref<512x64xf32, #tpu.memory_space<vmem>>[vector<16xi32>, vector<16xi32>], vector<16xf32>,
      %mul3A_374 = arith.mulf %gather3A_372, %gather3A_373 : vector<16xf32>
      %add3A_375 = arith.addf %add3A_369, %mul3A_374 : vector<16xf32>
      %broadcast_in_dim3A_376 = arith.constant 30 : i32
      %broadcast_in_dim3A_377 = vector.broadcast %broadcast_in_dim3A_376 : i32 to vector<16xi32>
      %gather3A_378 = tpu.vector_load_idx %arg9[%add3A_195, %broadcast_in_dim3A_377] : memref<512x64xf32, #tpu.memory_space<vmem>>[vector<16xi32>, vector<16xi32>], vector<16xf32>,
      %gather3A_379 = tpu.vector_load_idx %arg10[%add3A_195, %broadcast_in_dim3A_377] : memref<512x64xf32, #tpu.memory_space<vmem>>[vector<16xi32>, vector<16xi32>], vector<16xf32>,
      %mul3A_380 = arith.mulf %gather3A_378, %gather3A_379 : vector<16xf32>
      %add3A_381 = arith.addf %add3A_375, %mul3A_380 : vector<16xf32>
      %broadcast_in_dim3A_382 = arith.constant 31 : i32
      %broadcast_in_dim3A_383 = vector.broadcast %broadcast_in_dim3A_382 : i32 to vector<16xi32>
      %gather3A_384 = tpu.vector_load_idx %arg9[%add3A_195, %broadcast_in_dim3A_383] : memref<512x64xf32, #tpu.memory_space<vmem>>[vector<16xi32>, vector<16xi32>], vector<16xf32>,
      %gather3A_385 = tpu.vector_load_idx %arg10[%add3A_195, %broadcast_in_dim3A_383] : memref<512x64xf32, #tpu.memory_space<vmem>>[vector<16xi32>, vector<16xi32>], vector<16xf32>,
      %mul3A_386 = arith.mulf %gather3A_384, %gather3A_385 : vector<16xf32>
      %add3A_387 = arith.addf %add3A_381, %mul3A_386 : vector<16xf32>
      %broadcast_in_dim3A_388 = arith.constant 32 : i32
      %broadcast_in_dim3A_389 = vector.broadcast %broadcast_in_dim3A_388 : i32 to vector<16xi32>
      %gather3A_390 = tpu.vector_load_idx %arg9[%add3A_195, %broadcast_in_dim3A_389] : memref<512x64xf32, #tpu.memory_space<vmem>>[vector<16xi32>, vector<16xi32>], vector<16xf32>,
      %gather3A_391 = tpu.vector_load_idx %arg10[%add3A_195, %broadcast_in_dim3A_389] : memref<512x64xf32, #tpu.memory_space<vmem>>[vector<16xi32>, vector<16xi32>], vector<16xf32>,
      %mul3A_392 = arith.mulf %gather3A_390, %gather3A_391 : vector<16xf32>
      %add3A_393 = arith.addf %add3A_387, %mul3A_392 : vector<16xf32>
      %broadcast_in_dim3A_394 = arith.constant 33 : i32
      %broadcast_in_dim3A_395 = vector.broadcast %broadcast_in_dim3A_394 : i32 to vector<16xi32>
      %gather3A_396 = tpu.vector_load_idx %arg9[%add3A_195, %broadcast_in_dim3A_395] : memref<512x64xf32, #tpu.memory_space<vmem>>[vector<16xi32>, vector<16xi32>], vector<16xf32>,
      %gather3A_397 = tpu.vector_load_idx %arg10[%add3A_195, %broadcast_in_dim3A_395] : memref<512x64xf32, #tpu.memory_space<vmem>>[vector<16xi32>, vector<16xi32>], vector<16xf32>,
      %mul3A_398 = arith.mulf %gather3A_396, %gather3A_397 : vector<16xf32>
      %add3A_399 = arith.addf %add3A_393, %mul3A_398 : vector<16xf32>
      %broadcast_in_dim3A_400 = arith.constant 34 : i32
      %broadcast_in_dim3A_401 = vector.broadcast %broadcast_in_dim3A_400 : i32 to vector<16xi32>
      %gather3A_402 = tpu.vector_load_idx %arg9[%add3A_195, %broadcast_in_dim3A_401] : memref<512x64xf32, #tpu.memory_space<vmem>>[vector<16xi32>, vector<16xi32>], vector<16xf32>,
      %gather3A_403 = tpu.vector_load_idx %arg10[%add3A_195, %broadcast_in_dim3A_401] : memref<512x64xf32, #tpu.memory_space<vmem>>[vector<16xi32>, vector<16xi32>], vector<16xf32>,
      %mul3A_404 = arith.mulf %gather3A_402, %gather3A_403 : vector<16xf32>
      %add3A_405 = arith.addf %add3A_399, %mul3A_404 : vector<16xf32>
      %broadcast_in_dim3A_406 = arith.constant 35 : i32
      %broadcast_in_dim3A_407 = vector.broadcast %broadcast_in_dim3A_406 : i32 to vector<16xi32>
      %gather3A_408 = tpu.vector_load_idx %arg9[%add3A_195, %broadcast_in_dim3A_407] : memref<512x64xf32, #tpu.memory_space<vmem>>[vector<16xi32>, vector<16xi32>], vector<16xf32>,
      %gather3A_409 = tpu.vector_load_idx %arg10[%add3A_195, %broadcast_in_dim3A_407] : memref<512x64xf32, #tpu.memory_space<vmem>>[vector<16xi32>, vector<16xi32>], vector<16xf32>,
      %mul3A_410 = arith.mulf %gather3A_408, %gather3A_409 : vector<16xf32>
      %add3A_411 = arith.addf %add3A_405, %mul3A_410 : vector<16xf32>
      %broadcast_in_dim3A_412 = arith.constant 36 : i32
      %broadcast_in_dim3A_413 = vector.broadcast %broadcast_in_dim3A_412 : i32 to vector<16xi32>
      %gather3A_414 = tpu.vector_load_idx %arg9[%add3A_195, %broadcast_in_dim3A_413] : memref<512x64xf32, #tpu.memory_space<vmem>>[vector<16xi32>, vector<16xi32>], vector<16xf32>,
      %gather3A_415 = tpu.vector_load_idx %arg10[%add3A_195, %broadcast_in_dim3A_413] : memref<512x64xf32, #tpu.memory_space<vmem>>[vector<16xi32>, vector<16xi32>], vector<16xf32>,
      %mul3A_416 = arith.mulf %gather3A_414, %gather3A_415 : vector<16xf32>
      %add3A_417 = arith.addf %add3A_411, %mul3A_416 : vector<16xf32>
      %broadcast_in_dim3A_418 = arith.constant 37 : i32
      %broadcast_in_dim3A_419 = vector.broadcast %broadcast_in_dim3A_418 : i32 to vector<16xi32>
      %gather3A_420 = tpu.vector_load_idx %arg9[%add3A_195, %broadcast_in_dim3A_419] : memref<512x64xf32, #tpu.memory_space<vmem>>[vector<16xi32>, vector<16xi32>], vector<16xf32>,
      %gather3A_421 = tpu.vector_load_idx %arg10[%add3A_195, %broadcast_in_dim3A_419] : memref<512x64xf32, #tpu.memory_space<vmem>>[vector<16xi32>, vector<16xi32>], vector<16xf32>,
      %mul3A_422 = arith.mulf %gather3A_420, %gather3A_421 : vector<16xf32>
      %add3A_423 = arith.addf %add3A_417, %mul3A_422 : vector<16xf32>
      %broadcast_in_dim3A_424 = arith.constant 38 : i32
      %broadcast_in_dim3A_425 = vector.broadcast %broadcast_in_dim3A_424 : i32 to vector<16xi32>
      %gather3A_426 = tpu.vector_load_idx %arg9[%add3A_195, %broadcast_in_dim3A_425] : memref<512x64xf32, #tpu.memory_space<vmem>>[vector<16xi32>, vector<16xi32>], vector<16xf32>,
      %gather3A_427 = tpu.vector_load_idx %arg10[%add3A_195, %broadcast_in_dim3A_425] : memref<512x64xf32, #tpu.memory_space<vmem>>[vector<16xi32>, vector<16xi32>], vector<16xf32>,
      %mul3A_428 = arith.mulf %gather3A_426, %gather3A_427 : vector<16xf32>
      %add3A_429 = arith.addf %add3A_423, %mul3A_428 : vector<16xf32>
      %broadcast_in_dim3A_430 = arith.constant 39 : i32
      %broadcast_in_dim3A_431 = vector.broadcast %broadcast_in_dim3A_430 : i32 to vector<16xi32>
      %gather3A_432 = tpu.vector_load_idx %arg9[%add3A_195, %broadcast_in_dim3A_431] : memref<512x64xf32, #tpu.memory_space<vmem>>[vector<16xi32>, vector<16xi32>], vector<16xf32>,
      %gather3A_433 = tpu.vector_load_idx %arg10[%add3A_195, %broadcast_in_dim3A_431] : memref<512x64xf32, #tpu.memory_space<vmem>>[vector<16xi32>, vector<16xi32>], vector<16xf32>,
      %mul3A_434 = arith.mulf %gather3A_432, %gather3A_433 : vector<16xf32>
      %add3A_435 = arith.addf %add3A_429, %mul3A_434 : vector<16xf32>
      %broadcast_in_dim3A_436 = arith.constant 40 : i32
      %broadcast_in_dim3A_437 = vector.broadcast %broadcast_in_dim3A_436 : i32 to vector<16xi32>
      %gather3A_438 = tpu.vector_load_idx %arg9[%add3A_195, %broadcast_in_dim3A_437] : memref<512x64xf32, #tpu.memory_space<vmem>>[vector<16xi32>, vector<16xi32>], vector<16xf32>,
      %gather3A_439 = tpu.vector_load_idx %arg10[%add3A_195, %broadcast_in_dim3A_437] : memref<512x64xf32, #tpu.memory_space<vmem>>[vector<16xi32>, vector<16xi32>], vector<16xf32>,
      %mul3A_440 = arith.mulf %gather3A_438, %gather3A_439 : vector<16xf32>
      %add3A_441 = arith.addf %add3A_435, %mul3A_440 : vector<16xf32>
      %broadcast_in_dim3A_442 = arith.constant 41 : i32
      %broadcast_in_dim3A_443 = vector.broadcast %broadcast_in_dim3A_442 : i32 to vector<16xi32>
      %gather3A_444 = tpu.vector_load_idx %arg9[%add3A_195, %broadcast_in_dim3A_443] : memref<512x64xf32, #tpu.memory_space<vmem>>[vector<16xi32>, vector<16xi32>], vector<16xf32>,
      %gather3A_445 = tpu.vector_load_idx %arg10[%add3A_195, %broadcast_in_dim3A_443] : memref<512x64xf32, #tpu.memory_space<vmem>>[vector<16xi32>, vector<16xi32>], vector<16xf32>,
      %mul3A_446 = arith.mulf %gather3A_444, %gather3A_445 : vector<16xf32>
      %add3A_447 = arith.addf %add3A_441, %mul3A_446 : vector<16xf32>
      %broadcast_in_dim3A_448 = arith.constant 42 : i32
      %broadcast_in_dim3A_449 = vector.broadcast %broadcast_in_dim3A_448 : i32 to vector<16xi32>
      %gather3A_450 = tpu.vector_load_idx %arg9[%add3A_195, %broadcast_in_dim3A_449] : memref<512x64xf32, #tpu.memory_space<vmem>>[vector<16xi32>, vector<16xi32>], vector<16xf32>,
      %gather3A_451 = tpu.vector_load_idx %arg10[%add3A_195, %broadcast_in_dim3A_449] : memref<512x64xf32, #tpu.memory_space<vmem>>[vector<16xi32>, vector<16xi32>], vector<16xf32>,
      %mul3A_452 = arith.mulf %gather3A_450, %gather3A_451 : vector<16xf32>
      %add3A_453 = arith.addf %add3A_447, %mul3A_452 : vector<16xf32>
      %broadcast_in_dim3A_454 = arith.constant 43 : i32
      %broadcast_in_dim3A_455 = vector.broadcast %broadcast_in_dim3A_454 : i32 to vector<16xi32>
      %gather3A_456 = tpu.vector_load_idx %arg9[%add3A_195, %broadcast_in_dim3A_455] : memref<512x64xf32, #tpu.memory_space<vmem>>[vector<16xi32>, vector<16xi32>], vector<16xf32>,
      %gather3A_457 = tpu.vector_load_idx %arg10[%add3A_195, %broadcast_in_dim3A_455] : memref<512x64xf32, #tpu.memory_space<vmem>>[vector<16xi32>, vector<16xi32>], vector<16xf32>,
      %mul3A_458 = arith.mulf %gather3A_456, %gather3A_457 : vector<16xf32>
      %add3A_459 = arith.addf %add3A_453, %mul3A_458 : vector<16xf32>
      %broadcast_in_dim3A_460 = arith.constant 44 : i32
      %broadcast_in_dim3A_461 = vector.broadcast %broadcast_in_dim3A_460 : i32 to vector<16xi32>
      %gather3A_462 = tpu.vector_load_idx %arg9[%add3A_195, %broadcast_in_dim3A_461] : memref<512x64xf32, #tpu.memory_space<vmem>>[vector<16xi32>, vector<16xi32>], vector<16xf32>,
      %gather3A_463 = tpu.vector_load_idx %arg10[%add3A_195, %broadcast_in_dim3A_461] : memref<512x64xf32, #tpu.memory_space<vmem>>[vector<16xi32>, vector<16xi32>], vector<16xf32>,
      %mul3A_464 = arith.mulf %gather3A_462, %gather3A_463 : vector<16xf32>
      %add3A_465 = arith.addf %add3A_459, %mul3A_464 : vector<16xf32>
      %broadcast_in_dim3A_466 = arith.constant 45 : i32
      %broadcast_in_dim3A_467 = vector.broadcast %broadcast_in_dim3A_466 : i32 to vector<16xi32>
      %gather3A_468 = tpu.vector_load_idx %arg9[%add3A_195, %broadcast_in_dim3A_467] : memref<512x64xf32, #tpu.memory_space<vmem>>[vector<16xi32>, vector<16xi32>], vector<16xf32>,
      %gather3A_469 = tpu.vector_load_idx %arg10[%add3A_195, %broadcast_in_dim3A_467] : memref<512x64xf32, #tpu.memory_space<vmem>>[vector<16xi32>, vector<16xi32>], vector<16xf32>,
      %mul3A_470 = arith.mulf %gather3A_468, %gather3A_469 : vector<16xf32>
      %add3A_471 = arith.addf %add3A_465, %mul3A_470 : vector<16xf32>
      %broadcast_in_dim3A_472 = arith.constant 46 : i32
      %broadcast_in_dim3A_473 = vector.broadcast %broadcast_in_dim3A_472 : i32 to vector<16xi32>
      %gather3A_474 = tpu.vector_load_idx %arg9[%add3A_195, %broadcast_in_dim3A_473] : memref<512x64xf32, #tpu.memory_space<vmem>>[vector<16xi32>, vector<16xi32>], vector<16xf32>,
      %gather3A_475 = tpu.vector_load_idx %arg10[%add3A_195, %broadcast_in_dim3A_473] : memref<512x64xf32, #tpu.memory_space<vmem>>[vector<16xi32>, vector<16xi32>], vector<16xf32>,
      %mul3A_476 = arith.mulf %gather3A_474, %gather3A_475 : vector<16xf32>
      %add3A_477 = arith.addf %add3A_471, %mul3A_476 : vector<16xf32>
      %broadcast_in_dim3A_478 = arith.constant 47 : i32
      %broadcast_in_dim3A_479 = vector.broadcast %broadcast_in_dim3A_478 : i32 to vector<16xi32>
      %gather3A_480 = tpu.vector_load_idx %arg9[%add3A_195, %broadcast_in_dim3A_479] : memref<512x64xf32, #tpu.memory_space<vmem>>[vector<16xi32>, vector<16xi32>], vector<16xf32>,
      %gather3A_481 = tpu.vector_load_idx %arg10[%add3A_195, %broadcast_in_dim3A_479] : memref<512x64xf32, #tpu.memory_space<vmem>>[vector<16xi32>, vector<16xi32>], vector<16xf32>,
      %mul3A_482 = arith.mulf %gather3A_480, %gather3A_481 : vector<16xf32>
      %add3A_483 = arith.addf %add3A_477, %mul3A_482 : vector<16xf32>
      %broadcast_in_dim3A_484 = arith.constant 48 : i32
      %broadcast_in_dim3A_485 = vector.broadcast %broadcast_in_dim3A_484 : i32 to vector<16xi32>
      %gather3A_486 = tpu.vector_load_idx %arg9[%add3A_195, %broadcast_in_dim3A_485] : memref<512x64xf32, #tpu.memory_space<vmem>>[vector<16xi32>, vector<16xi32>], vector<16xf32>,
      %gather3A_487 = tpu.vector_load_idx %arg10[%add3A_195, %broadcast_in_dim3A_485] : memref<512x64xf32, #tpu.memory_space<vmem>>[vector<16xi32>, vector<16xi32>], vector<16xf32>,
      %mul3A_488 = arith.mulf %gather3A_486, %gather3A_487 : vector<16xf32>
      %add3A_489 = arith.addf %add3A_483, %mul3A_488 : vector<16xf32>
      %broadcast_in_dim3A_490 = arith.constant 49 : i32
      %broadcast_in_dim3A_491 = vector.broadcast %broadcast_in_dim3A_490 : i32 to vector<16xi32>
      %gather3A_492 = tpu.vector_load_idx %arg9[%add3A_195, %broadcast_in_dim3A_491] : memref<512x64xf32, #tpu.memory_space<vmem>>[vector<16xi32>, vector<16xi32>], vector<16xf32>,
      %gather3A_493 = tpu.vector_load_idx %arg10[%add3A_195, %broadcast_in_dim3A_491] : memref<512x64xf32, #tpu.memory_space<vmem>>[vector<16xi32>, vector<16xi32>], vector<16xf32>,
      %mul3A_494 = arith.mulf %gather3A_492, %gather3A_493 : vector<16xf32>
      %add3A_495 = arith.addf %add3A_489, %mul3A_494 : vector<16xf32>
      %broadcast_in_dim3A_496 = arith.constant 50 : i32
      %broadcast_in_dim3A_497 = vector.broadcast %broadcast_in_dim3A_496 : i32 to vector<16xi32>
      %gather3A_498 = tpu.vector_load_idx %arg9[%add3A_195, %broadcast_in_dim3A_497] : memref<512x64xf32, #tpu.memory_space<vmem>>[vector<16xi32>, vector<16xi32>], vector<16xf32>,
      %gather3A_499 = tpu.vector_load_idx %arg10[%add3A_195, %broadcast_in_dim3A_497] : memref<512x64xf32, #tpu.memory_space<vmem>>[vector<16xi32>, vector<16xi32>], vector<16xf32>,
      %mul3A_500 = arith.mulf %gather3A_498, %gather3A_499 : vector<16xf32>
      %add3A_501 = arith.addf %add3A_495, %mul3A_500 : vector<16xf32>
      %broadcast_in_dim3A_502 = arith.constant 51 : i32
      %broadcast_in_dim3A_503 = vector.broadcast %broadcast_in_dim3A_502 : i32 to vector<16xi32>
      %gather3A_504 = tpu.vector_load_idx %arg9[%add3A_195, %broadcast_in_dim3A_503] : memref<512x64xf32, #tpu.memory_space<vmem>>[vector<16xi32>, vector<16xi32>], vector<16xf32>,
      %gather3A_505 = tpu.vector_load_idx %arg10[%add3A_195, %broadcast_in_dim3A_503] : memref<512x64xf32, #tpu.memory_space<vmem>>[vector<16xi32>, vector<16xi32>], vector<16xf32>,
      %mul3A_506 = arith.mulf %gather3A_504, %gather3A_505 : vector<16xf32>
      %add3A_507 = arith.addf %add3A_501, %mul3A_506 : vector<16xf32>
      %broadcast_in_dim3A_508 = arith.constant 52 : i32
      %broadcast_in_dim3A_509 = vector.broadcast %broadcast_in_dim3A_508 : i32 to vector<16xi32>
      %gather3A_510 = tpu.vector_load_idx %arg9[%add3A_195, %broadcast_in_dim3A_509] : memref<512x64xf32, #tpu.memory_space<vmem>>[vector<16xi32>, vector<16xi32>], vector<16xf32>,
      %gather3A_511 = tpu.vector_load_idx %arg10[%add3A_195, %broadcast_in_dim3A_509] : memref<512x64xf32, #tpu.memory_space<vmem>>[vector<16xi32>, vector<16xi32>], vector<16xf32>,
      %mul3A_512 = arith.mulf %gather3A_510, %gather3A_511 : vector<16xf32>
      %add3A_513 = arith.addf %add3A_507, %mul3A_512 : vector<16xf32>
      %broadcast_in_dim3A_514 = arith.constant 53 : i32
      %broadcast_in_dim3A_515 = vector.broadcast %broadcast_in_dim3A_514 : i32 to vector<16xi32>
      %gather3A_516 = tpu.vector_load_idx %arg9[%add3A_195, %broadcast_in_dim3A_515] : memref<512x64xf32, #tpu.memory_space<vmem>>[vector<16xi32>, vector<16xi32>], vector<16xf32>,
      %gather3A_517 = tpu.vector_load_idx %arg10[%add3A_195, %broadcast_in_dim3A_515] : memref<512x64xf32, #tpu.memory_space<vmem>>[vector<16xi32>, vector<16xi32>], vector<16xf32>,
      %mul3A_518 = arith.mulf %gather3A_516, %gather3A_517 : vector<16xf32>
      %add3A_519 = arith.addf %add3A_513, %mul3A_518 : vector<16xf32>
      %broadcast_in_dim3A_520 = arith.constant 54 : i32
      %broadcast_in_dim3A_521 = vector.broadcast %broadcast_in_dim3A_520 : i32 to vector<16xi32>
      %gather3A_522 = tpu.vector_load_idx %arg9[%add3A_195, %broadcast_in_dim3A_521] : memref<512x64xf32, #tpu.memory_space<vmem>>[vector<16xi32>, vector<16xi32>], vector<16xf32>,
      %gather3A_523 = tpu.vector_load_idx %arg10[%add3A_195, %broadcast_in_dim3A_521] : memref<512x64xf32, #tpu.memory_space<vmem>>[vector<16xi32>, vector<16xi32>], vector<16xf32>,
      %mul3A_524 = arith.mulf %gather3A_522, %gather3A_523 : vector<16xf32>
      %add3A_525 = arith.addf %add3A_519, %mul3A_524 : vector<16xf32>
      %broadcast_in_dim3A_526 = arith.constant 55 : i32
      %broadcast_in_dim3A_527 = vector.broadcast %broadcast_in_dim3A_526 : i32 to vector<16xi32>
      %gather3A_528 = tpu.vector_load_idx %arg9[%add3A_195, %broadcast_in_dim3A_527] : memref<512x64xf32, #tpu.memory_space<vmem>>[vector<16xi32>, vector<16xi32>], vector<16xf32>,
      %gather3A_529 = tpu.vector_load_idx %arg10[%add3A_195, %broadcast_in_dim3A_527] : memref<512x64xf32, #tpu.memory_space<vmem>>[vector<16xi32>, vector<16xi32>], vector<16xf32>,
      %mul3A_530 = arith.mulf %gather3A_528, %gather3A_529 : vector<16xf32>
      %add3A_531 = arith.addf %add3A_525, %mul3A_530 : vector<16xf32>
      %broadcast_in_dim3A_532 = arith.constant 56 : i32
      %broadcast_in_dim3A_533 = vector.broadcast %broadcast_in_dim3A_532 : i32 to vector<16xi32>
      %gather3A_534 = tpu.vector_load_idx %arg9[%add3A_195, %broadcast_in_dim3A_533] : memref<512x64xf32, #tpu.memory_space<vmem>>[vector<16xi32>, vector<16xi32>], vector<16xf32>,
      %gather3A_535 = tpu.vector_load_idx %arg10[%add3A_195, %broadcast_in_dim3A_533] : memref<512x64xf32, #tpu.memory_space<vmem>>[vector<16xi32>, vector<16xi32>], vector<16xf32>,
      %mul3A_536 = arith.mulf %gather3A_534, %gather3A_535 : vector<16xf32>
      %add3A_537 = arith.addf %add3A_531, %mul3A_536 : vector<16xf32>
      %broadcast_in_dim3A_538 = arith.constant 57 : i32
      %broadcast_in_dim3A_539 = vector.broadcast %broadcast_in_dim3A_538 : i32 to vector<16xi32>
      %gather3A_540 = tpu.vector_load_idx %arg9[%add3A_195, %broadcast_in_dim3A_539] : memref<512x64xf32, #tpu.memory_space<vmem>>[vector<16xi32>, vector<16xi32>], vector<16xf32>,
      %gather3A_541 = tpu.vector_load_idx %arg10[%add3A_195, %broadcast_in_dim3A_539] : memref<512x64xf32, #tpu.memory_space<vmem>>[vector<16xi32>, vector<16xi32>], vector<16xf32>,
      %mul3A_542 = arith.mulf %gather3A_540, %gather3A_541 : vector<16xf32>
      %add3A_543 = arith.addf %add3A_537, %mul3A_542 : vector<16xf32>
      %broadcast_in_dim3A_544 = arith.constant 58 : i32
      %broadcast_in_dim3A_545 = vector.broadcast %broadcast_in_dim3A_544 : i32 to vector<16xi32>
      %gather3A_546 = tpu.vector_load_idx %arg9[%add3A_195, %broadcast_in_dim3A_545] : memref<512x64xf32, #tpu.memory_space<vmem>>[vector<16xi32>, vector<16xi32>], vector<16xf32>,
      %gather3A_547 = tpu.vector_load_idx %arg10[%add3A_195, %broadcast_in_dim3A_545] : memref<512x64xf32, #tpu.memory_space<vmem>>[vector<16xi32>, vector<16xi32>], vector<16xf32>,
      %mul3A_548 = arith.mulf %gather3A_546, %gather3A_547 : vector<16xf32>
      %add3A_549 = arith.addf %add3A_543, %mul3A_548 : vector<16xf32>
      %broadcast_in_dim3A_550 = arith.constant 59 : i32
      %broadcast_in_dim3A_551 = vector.broadcast %broadcast_in_dim3A_550 : i32 to vector<16xi32>
      %gather3A_552 = tpu.vector_load_idx %arg9[%add3A_195, %broadcast_in_dim3A_551] : memref<512x64xf32, #tpu.memory_space<vmem>>[vector<16xi32>, vector<16xi32>], vector<16xf32>,
      %gather3A_553 = tpu.vector_load_idx %arg10[%add3A_195, %broadcast_in_dim3A_551] : memref<512x64xf32, #tpu.memory_space<vmem>>[vector<16xi32>, vector<16xi32>], vector<16xf32>,
      %mul3A_554 = arith.mulf %gather3A_552, %gather3A_553 : vector<16xf32>
      %add3A_555 = arith.addf %add3A_549, %mul3A_554 : vector<16xf32>
      %broadcast_in_dim3A_556 = arith.constant 60 : i32
      %broadcast_in_dim3A_557 = vector.broadcast %broadcast_in_dim3A_556 : i32 to vector<16xi32>
      %gather3A_558 = tpu.vector_load_idx %arg9[%add3A_195, %broadcast_in_dim3A_557] : memref<512x64xf32, #tpu.memory_space<vmem>>[vector<16xi32>, vector<16xi32>], vector<16xf32>,
      %gather3A_559 = tpu.vector_load_idx %arg10[%add3A_195, %broadcast_in_dim3A_557] : memref<512x64xf32, #tpu.memory_space<vmem>>[vector<16xi32>, vector<16xi32>], vector<16xf32>,
      %mul3A_560 = arith.mulf %gather3A_558, %gather3A_559 : vector<16xf32>
      %add3A_561 = arith.addf %add3A_555, %mul3A_560 : vector<16xf32>
      %broadcast_in_dim3A_562 = arith.constant 61 : i32
      %broadcast_in_dim3A_563 = vector.broadcast %broadcast_in_dim3A_562 : i32 to vector<16xi32>
      %gather3A_564 = tpu.vector_load_idx %arg9[%add3A_195, %broadcast_in_dim3A_563] : memref<512x64xf32, #tpu.memory_space<vmem>>[vector<16xi32>, vector<16xi32>], vector<16xf32>,
      %gather3A_565 = tpu.vector_load_idx %arg10[%add3A_195, %broadcast_in_dim3A_563] : memref<512x64xf32, #tpu.memory_space<vmem>>[vector<16xi32>, vector<16xi32>], vector<16xf32>,
      %mul3A_566 = arith.mulf %gather3A_564, %gather3A_565 : vector<16xf32>
      %add3A_567 = arith.addf %add3A_561, %mul3A_566 : vector<16xf32>
      %broadcast_in_dim3A_568 = arith.constant 62 : i32
      %broadcast_in_dim3A_569 = vector.broadcast %broadcast_in_dim3A_568 : i32 to vector<16xi32>
      %gather3A_570 = tpu.vector_load_idx %arg9[%add3A_195, %broadcast_in_dim3A_569] : memref<512x64xf32, #tpu.memory_space<vmem>>[vector<16xi32>, vector<16xi32>], vector<16xf32>,
      %gather3A_571 = tpu.vector_load_idx %arg10[%add3A_195, %broadcast_in_dim3A_569] : memref<512x64xf32, #tpu.memory_space<vmem>>[vector<16xi32>, vector<16xi32>], vector<16xf32>,
      %mul3A_572 = arith.mulf %gather3A_570, %gather3A_571 : vector<16xf32>
      %add3A_573 = arith.addf %add3A_567, %mul3A_572 : vector<16xf32>
      %broadcast_in_dim3A_574 = arith.constant 63 : i32
      %broadcast_in_dim3A_575 = vector.broadcast %broadcast_in_dim3A_574 : i32 to vector<16xi32>
      %gather3A_576 = tpu.vector_load_idx %arg9[%add3A_195, %broadcast_in_dim3A_575] : memref<512x64xf32, #tpu.memory_space<vmem>>[vector<16xi32>, vector<16xi32>], vector<16xf32>,
      %gather3A_577 = tpu.vector_load_idx %arg10[%add3A_195, %broadcast_in_dim3A_575] : memref<512x64xf32, #tpu.memory_space<vmem>>[vector<16xi32>, vector<16xi32>], vector<16xf32>,
      %mul3A_578 = arith.mulf %gather3A_576, %gather3A_577 : vector<16xf32>
      %add3A_579 = arith.addf %add3A_573, %mul3A_578 : vector<16xf32>
      %mul3A_580 = arith.constant 16 : i32
      %mul3A_581 = arith.muli %scan3A_188, %mul3A_580 : i32
      %swap3A = arith.constant 2 : i32
      %swap3A_582 = arith.index_cast %swap3A : i32 to index
      %swap3A_583 = arith.index_cast %mul3A_581 : i32 to index
      %swap3A_584 = tpu.vector_load %arg11[%swap3A_582, %swap3A_583] {strides = array<i32>} : memref<4x128xf32, #tpu.memory_space<vmem>>, vector<16xf32>,
      tpu.vector_store %arg11[%swap3A_582, %swap3A_583], %add3A_579 {strides = array<i32>} : memref<4x128xf32, #tpu.memory_space<vmem>>, vector<16xf32>,
      %scan3A_585 = arith.constant 0 : i32
      scf.yield %scan3A_585 : i32
    }
    %scan3A_160 = arith.constant 8 : i32
    %dma_wait3A_161 = arith.constant 3 : i32
    %dma_wait3A_162 = arith.constant 384 : i32
    %dma_wait3A_163 = arith.constant 0 : i32
    %dma_wait3A_164 = tpu.memref_slice %arg9[%dma_wait3A_162, %dma_wait3A_163] : memref<512x64xf32, #tpu.memory_space<vmem>> -> memref<128x64xf32, #tpu.memory_space<vmem>>
    %dma_wait3A_165 = arith.constant 0 : i32
    %dma_wait3A_166 = tpu.memref_slice %arg7[%dma_wait3A_161, %dma_wait3A_165] : memref<4x128xi32, #tpu.memory_space<vmem>> -> memref<1x128xi32, #tpu.memory_space<vmem>>
    %dma_wait3A_167 = tpu.memref_squeeze %dma_wait3A_166 : memref<1x128xi32, #tpu.memory_space<vmem>> -> memref<128xi32, #tpu.memory_space<vmem>>
    %dma_wait3A_168 = arith.constant 0 : i32
    %dma_wait3A_169 = arith.constant 0 : i32
    %dma_wait3A_170 = tpu.memref_slice %arg4[%dma_wait3A_168, %dma_wait3A_169] : memref<100000x64xf32, #tpu.memory_space<hbm>> -> memref<100000x64xf32, #tpu.memory_space<hbm>>
    tpu.wait_indirect_dma semaphore(%arg12 : memref<!tpu.dma_semaphore, #tpu.memory_space<semaphore_mem>>) src(%dma_wait3A_170 : memref<100000x64xf32, #tpu.memory_space<hbm>>) dst(%dma_wait3A_164 : memref<128x64xf32, #tpu.memory_space<vmem>>)
    %dma_wait3A_171 = arith.constant 3 : i32
    %dma_wait3A_172 = arith.constant 384 : i32
    %dma_wait3A_173 = arith.constant 0 : i32
    %dma_wait3A_174 = tpu.memref_slice %arg10[%dma_wait3A_172, %dma_wait3A_173] : memref<512x64xf32, #tpu.memory_space<vmem>> -> memref<128x64xf32, #tpu.memory_space<vmem>>
    %dma_wait3A_175 = arith.constant 0 : i32
    %dma_wait3A_176 = tpu.memref_slice %arg8[%dma_wait3A_171, %dma_wait3A_175] : memref<4x128xi32, #tpu.memory_space<vmem>> -> memref<1x128xi32, #tpu.memory_space<vmem>>
    %dma_wait3A_177 = tpu.memref_squeeze %dma_wait3A_176 : memref<1x128xi32, #tpu.memory_space<vmem>> -> memref<128xi32, #tpu.memory_space<vmem>>
    %dma_wait3A_178 = arith.constant 0 : i32
    %dma_wait3A_179 = arith.constant 0 : i32
    %dma_wait3A_180 = tpu.memref_slice %arg5[%dma_wait3A_178, %dma_wait3A_179] : memref<100000x64xf32, #tpu.memory_space<hbm>> -> memref<100000x64xf32, #tpu.memory_space<hbm>>
    tpu.wait_indirect_dma semaphore(%arg13 : memref<!tpu.dma_semaphore, #tpu.memory_space<semaphore_mem>>) src(%dma_wait3A_180 : memref<100000x64xf32, #tpu.memory_space<hbm>>) dst(%dma_wait3A_174 : memref<128x64xf32, #tpu.memory_space<vmem>>)
    %scan3A_181 = arith.constant 0 : i32
    %scan3A_182 = arith.constant 0 : i32
    %scan3A_183 = arith.constant 8 : i32
    %scan3A_184 = arith.addi %scan3A_182, %scan3A_183 : i32
    %scan3A_185 = arith.constant 1 : i32
    %scan3A_186 = scf.for %scan3A_188 = %scan3A_182 to %scan3A_184 step %scan3A_185 iter_args(%scan3A_189 = %scan3A_181) -> (i32)  : i32 {
      %mul3A_190 = arith.constant 16 : i32
      %mul3A_191 = arith.muli %scan3A_188, %mul3A_190 : i32
      %add3A_192 = arith.constant 384 : i32
      %add3A_193 = arith.addi %add3A_192, %mul3A_191 : i32
      %iota3A = tpu.iota {dimensions = array<i32: 0>} : vector<16xi32>
      %add3A_194 = vector.broadcast %add3A_193 : i32 to vector<16xi32>
      %add3A_195 = arith.addi %add3A_194, %iota3A : vector<16xi32>
      %broadcast_in_dim3A = arith.constant 0.000000e+00 : f32
      %broadcast_in_dim3A_196 = vector.broadcast %broadcast_in_dim3A : f32 to vector<16xf32>
      %broadcast_in_dim3A_197 = arith.constant 0 : i32
      %broadcast_in_dim3A_198 = vector.broadcast %broadcast_in_dim3A_197 : i32 to vector<16xi32>
      %gather3A = tpu.vector_load_idx %arg9[%add3A_195, %broadcast_in_dim3A_198] : memref<512x64xf32, #tpu.memory_space<vmem>>[vector<16xi32>, vector<16xi32>], vector<16xf32>,
      %gather3A_199 = tpu.vector_load_idx %arg10[%add3A_195, %broadcast_in_dim3A_198] : memref<512x64xf32, #tpu.memory_space<vmem>>[vector<16xi32>, vector<16xi32>], vector<16xf32>,
      %mul3A_200 = arith.mulf %gather3A, %gather3A_199 : vector<16xf32>
      %add3A_201 = arith.addf %broadcast_in_dim3A_196, %mul3A_200 : vector<16xf32>
      %broadcast_in_dim3A_202 = arith.constant 1 : i32
      %broadcast_in_dim3A_203 = vector.broadcast %broadcast_in_dim3A_202 : i32 to vector<16xi32>
      %gather3A_204 = tpu.vector_load_idx %arg9[%add3A_195, %broadcast_in_dim3A_203] : memref<512x64xf32, #tpu.memory_space<vmem>>[vector<16xi32>, vector<16xi32>], vector<16xf32>,
      %gather3A_205 = tpu.vector_load_idx %arg10[%add3A_195, %broadcast_in_dim3A_203] : memref<512x64xf32, #tpu.memory_space<vmem>>[vector<16xi32>, vector<16xi32>], vector<16xf32>,
      %mul3A_206 = arith.mulf %gather3A_204, %gather3A_205 : vector<16xf32>
      %add3A_207 = arith.addf %add3A_201, %mul3A_206 : vector<16xf32>
      %broadcast_in_dim3A_208 = arith.constant 2 : i32
      %broadcast_in_dim3A_209 = vector.broadcast %broadcast_in_dim3A_208 : i32 to vector<16xi32>
      %gather3A_210 = tpu.vector_load_idx %arg9[%add3A_195, %broadcast_in_dim3A_209] : memref<512x64xf32, #tpu.memory_space<vmem>>[vector<16xi32>, vector<16xi32>], vector<16xf32>,
      %gather3A_211 = tpu.vector_load_idx %arg10[%add3A_195, %broadcast_in_dim3A_209] : memref<512x64xf32, #tpu.memory_space<vmem>>[vector<16xi32>, vector<16xi32>], vector<16xf32>,
      %mul3A_212 = arith.mulf %gather3A_210, %gather3A_211 : vector<16xf32>
      %add3A_213 = arith.addf %add3A_207, %mul3A_212 : vector<16xf32>
      %broadcast_in_dim3A_214 = arith.constant 3 : i32
      %broadcast_in_dim3A_215 = vector.broadcast %broadcast_in_dim3A_214 : i32 to vector<16xi32>
      %gather3A_216 = tpu.vector_load_idx %arg9[%add3A_195, %broadcast_in_dim3A_215] : memref<512x64xf32, #tpu.memory_space<vmem>>[vector<16xi32>, vector<16xi32>], vector<16xf32>,
      %gather3A_217 = tpu.vector_load_idx %arg10[%add3A_195, %broadcast_in_dim3A_215] : memref<512x64xf32, #tpu.memory_space<vmem>>[vector<16xi32>, vector<16xi32>], vector<16xf32>,
      %mul3A_218 = arith.mulf %gather3A_216, %gather3A_217 : vector<16xf32>
      %add3A_219 = arith.addf %add3A_213, %mul3A_218 : vector<16xf32>
      %broadcast_in_dim3A_220 = arith.constant 4 : i32
      %broadcast_in_dim3A_221 = vector.broadcast %broadcast_in_dim3A_220 : i32 to vector<16xi32>
      %gather3A_222 = tpu.vector_load_idx %arg9[%add3A_195, %broadcast_in_dim3A_221] : memref<512x64xf32, #tpu.memory_space<vmem>>[vector<16xi32>, vector<16xi32>], vector<16xf32>,
      %gather3A_223 = tpu.vector_load_idx %arg10[%add3A_195, %broadcast_in_dim3A_221] : memref<512x64xf32, #tpu.memory_space<vmem>>[vector<16xi32>, vector<16xi32>], vector<16xf32>,
      %mul3A_224 = arith.mulf %gather3A_222, %gather3A_223 : vector<16xf32>
      %add3A_225 = arith.addf %add3A_219, %mul3A_224 : vector<16xf32>
      %broadcast_in_dim3A_226 = arith.constant 5 : i32
      %broadcast_in_dim3A_227 = vector.broadcast %broadcast_in_dim3A_226 : i32 to vector<16xi32>
      %gather3A_228 = tpu.vector_load_idx %arg9[%add3A_195, %broadcast_in_dim3A_227] : memref<512x64xf32, #tpu.memory_space<vmem>>[vector<16xi32>, vector<16xi32>], vector<16xf32>,
      %gather3A_229 = tpu.vector_load_idx %arg10[%add3A_195, %broadcast_in_dim3A_227] : memref<512x64xf32, #tpu.memory_space<vmem>>[vector<16xi32>, vector<16xi32>], vector<16xf32>,
      %mul3A_230 = arith.mulf %gather3A_228, %gather3A_229 : vector<16xf32>
      %add3A_231 = arith.addf %add3A_225, %mul3A_230 : vector<16xf32>
      %broadcast_in_dim3A_232 = arith.constant 6 : i32
      %broadcast_in_dim3A_233 = vector.broadcast %broadcast_in_dim3A_232 : i32 to vector<16xi32>
      %gather3A_234 = tpu.vector_load_idx %arg9[%add3A_195, %broadcast_in_dim3A_233] : memref<512x64xf32, #tpu.memory_space<vmem>>[vector<16xi32>, vector<16xi32>], vector<16xf32>,
      %gather3A_235 = tpu.vector_load_idx %arg10[%add3A_195, %broadcast_in_dim3A_233] : memref<512x64xf32, #tpu.memory_space<vmem>>[vector<16xi32>, vector<16xi32>], vector<16xf32>,
      %mul3A_236 = arith.mulf %gather3A_234, %gather3A_235 : vector<16xf32>
      %add3A_237 = arith.addf %add3A_231, %mul3A_236 : vector<16xf32>
      %broadcast_in_dim3A_238 = arith.constant 7 : i32
      %broadcast_in_dim3A_239 = vector.broadcast %broadcast_in_dim3A_238 : i32 to vector<16xi32>
      %gather3A_240 = tpu.vector_load_idx %arg9[%add3A_195, %broadcast_in_dim3A_239] : memref<512x64xf32, #tpu.memory_space<vmem>>[vector<16xi32>, vector<16xi32>], vector<16xf32>,
      %gather3A_241 = tpu.vector_load_idx %arg10[%add3A_195, %broadcast_in_dim3A_239] : memref<512x64xf32, #tpu.memory_space<vmem>>[vector<16xi32>, vector<16xi32>], vector<16xf32>,
      %mul3A_242 = arith.mulf %gather3A_240, %gather3A_241 : vector<16xf32>
      %add3A_243 = arith.addf %add3A_237, %mul3A_242 : vector<16xf32>
      %broadcast_in_dim3A_244 = arith.constant 8 : i32
      %broadcast_in_dim3A_245 = vector.broadcast %broadcast_in_dim3A_244 : i32 to vector<16xi32>
      %gather3A_246 = tpu.vector_load_idx %arg9[%add3A_195, %broadcast_in_dim3A_245] : memref<512x64xf32, #tpu.memory_space<vmem>>[vector<16xi32>, vector<16xi32>], vector<16xf32>,
      %gather3A_247 = tpu.vector_load_idx %arg10[%add3A_195, %broadcast_in_dim3A_245] : memref<512x64xf32, #tpu.memory_space<vmem>>[vector<16xi32>, vector<16xi32>], vector<16xf32>,
      %mul3A_248 = arith.mulf %gather3A_246, %gather3A_247 : vector<16xf32>
      %add3A_249 = arith.addf %add3A_243, %mul3A_248 : vector<16xf32>
      %broadcast_in_dim3A_250 = arith.constant 9 : i32
      %broadcast_in_dim3A_251 = vector.broadcast %broadcast_in_dim3A_250 : i32 to vector<16xi32>
      %gather3A_252 = tpu.vector_load_idx %arg9[%add3A_195, %broadcast_in_dim3A_251] : memref<512x64xf32, #tpu.memory_space<vmem>>[vector<16xi32>, vector<16xi32>], vector<16xf32>,
      %gather3A_253 = tpu.vector_load_idx %arg10[%add3A_195, %broadcast_in_dim3A_251] : memref<512x64xf32, #tpu.memory_space<vmem>>[vector<16xi32>, vector<16xi32>], vector<16xf32>,
      %mul3A_254 = arith.mulf %gather3A_252, %gather3A_253 : vector<16xf32>
      %add3A_255 = arith.addf %add3A_249, %mul3A_254 : vector<16xf32>
      %broadcast_in_dim3A_256 = arith.constant 10 : i32
      %broadcast_in_dim3A_257 = vector.broadcast %broadcast_in_dim3A_256 : i32 to vector<16xi32>
      %gather3A_258 = tpu.vector_load_idx %arg9[%add3A_195, %broadcast_in_dim3A_257] : memref<512x64xf32, #tpu.memory_space<vmem>>[vector<16xi32>, vector<16xi32>], vector<16xf32>,
      %gather3A_259 = tpu.vector_load_idx %arg10[%add3A_195, %broadcast_in_dim3A_257] : memref<512x64xf32, #tpu.memory_space<vmem>>[vector<16xi32>, vector<16xi32>], vector<16xf32>,
      %mul3A_260 = arith.mulf %gather3A_258, %gather3A_259 : vector<16xf32>
      %add3A_261 = arith.addf %add3A_255, %mul3A_260 : vector<16xf32>
      %broadcast_in_dim3A_262 = arith.constant 11 : i32
      %broadcast_in_dim3A_263 = vector.broadcast %broadcast_in_dim3A_262 : i32 to vector<16xi32>
      %gather3A_264 = tpu.vector_load_idx %arg9[%add3A_195, %broadcast_in_dim3A_263] : memref<512x64xf32, #tpu.memory_space<vmem>>[vector<16xi32>, vector<16xi32>], vector<16xf32>,
      %gather3A_265 = tpu.vector_load_idx %arg10[%add3A_195, %broadcast_in_dim3A_263] : memref<512x64xf32, #tpu.memory_space<vmem>>[vector<16xi32>, vector<16xi32>], vector<16xf32>,
      %mul3A_266 = arith.mulf %gather3A_264, %gather3A_265 : vector<16xf32>
      %add3A_267 = arith.addf %add3A_261, %mul3A_266 : vector<16xf32>
      %broadcast_in_dim3A_268 = arith.constant 12 : i32
      %broadcast_in_dim3A_269 = vector.broadcast %broadcast_in_dim3A_268 : i32 to vector<16xi32>
      %gather3A_270 = tpu.vector_load_idx %arg9[%add3A_195, %broadcast_in_dim3A_269] : memref<512x64xf32, #tpu.memory_space<vmem>>[vector<16xi32>, vector<16xi32>], vector<16xf32>,
      %gather3A_271 = tpu.vector_load_idx %arg10[%add3A_195, %broadcast_in_dim3A_269] : memref<512x64xf32, #tpu.memory_space<vmem>>[vector<16xi32>, vector<16xi32>], vector<16xf32>,
      %mul3A_272 = arith.mulf %gather3A_270, %gather3A_271 : vector<16xf32>
      %add3A_273 = arith.addf %add3A_267, %mul3A_272 : vector<16xf32>
      %broadcast_in_dim3A_274 = arith.constant 13 : i32
      %broadcast_in_dim3A_275 = vector.broadcast %broadcast_in_dim3A_274 : i32 to vector<16xi32>
      %gather3A_276 = tpu.vector_load_idx %arg9[%add3A_195, %broadcast_in_dim3A_275] : memref<512x64xf32, #tpu.memory_space<vmem>>[vector<16xi32>, vector<16xi32>], vector<16xf32>,
      %gather3A_277 = tpu.vector_load_idx %arg10[%add3A_195, %broadcast_in_dim3A_275] : memref<512x64xf32, #tpu.memory_space<vmem>>[vector<16xi32>, vector<16xi32>], vector<16xf32>,
      %mul3A_278 = arith.mulf %gather3A_276, %gather3A_277 : vector<16xf32>
      %add3A_279 = arith.addf %add3A_273, %mul3A_278 : vector<16xf32>
      %broadcast_in_dim3A_280 = arith.constant 14 : i32
      %broadcast_in_dim3A_281 = vector.broadcast %broadcast_in_dim3A_280 : i32 to vector<16xi32>
      %gather3A_282 = tpu.vector_load_idx %arg9[%add3A_195, %broadcast_in_dim3A_281] : memref<512x64xf32, #tpu.memory_space<vmem>>[vector<16xi32>, vector<16xi32>], vector<16xf32>,
      %gather3A_283 = tpu.vector_load_idx %arg10[%add3A_195, %broadcast_in_dim3A_281] : memref<512x64xf32, #tpu.memory_space<vmem>>[vector<16xi32>, vector<16xi32>], vector<16xf32>,
      %mul3A_284 = arith.mulf %gather3A_282, %gather3A_283 : vector<16xf32>
      %add3A_285 = arith.addf %add3A_279, %mul3A_284 : vector<16xf32>
      %broadcast_in_dim3A_286 = arith.constant 15 : i32
      %broadcast_in_dim3A_287 = vector.broadcast %broadcast_in_dim3A_286 : i32 to vector<16xi32>
      %gather3A_288 = tpu.vector_load_idx %arg9[%add3A_195, %broadcast_in_dim3A_287] : memref<512x64xf32, #tpu.memory_space<vmem>>[vector<16xi32>, vector<16xi32>], vector<16xf32>,
      %gather3A_289 = tpu.vector_load_idx %arg10[%add3A_195, %broadcast_in_dim3A_287] : memref<512x64xf32, #tpu.memory_space<vmem>>[vector<16xi32>, vector<16xi32>], vector<16xf32>,
      %mul3A_290 = arith.mulf %gather3A_288, %gather3A_289 : vector<16xf32>
      %add3A_291 = arith.addf %add3A_285, %mul3A_290 : vector<16xf32>
      %broadcast_in_dim3A_292 = arith.constant 16 : i32
      %broadcast_in_dim3A_293 = vector.broadcast %broadcast_in_dim3A_292 : i32 to vector<16xi32>
      %gather3A_294 = tpu.vector_load_idx %arg9[%add3A_195, %broadcast_in_dim3A_293] : memref<512x64xf32, #tpu.memory_space<vmem>>[vector<16xi32>, vector<16xi32>], vector<16xf32>,
      %gather3A_295 = tpu.vector_load_idx %arg10[%add3A_195, %broadcast_in_dim3A_293] : memref<512x64xf32, #tpu.memory_space<vmem>>[vector<16xi32>, vector<16xi32>], vector<16xf32>,
      %mul3A_296 = arith.mulf %gather3A_294, %gather3A_295 : vector<16xf32>
      %add3A_297 = arith.addf %add3A_291, %mul3A_296 : vector<16xf32>
      %broadcast_in_dim3A_298 = arith.constant 17 : i32
      %broadcast_in_dim3A_299 = vector.broadcast %broadcast_in_dim3A_298 : i32 to vector<16xi32>
      %gather3A_300 = tpu.vector_load_idx %arg9[%add3A_195, %broadcast_in_dim3A_299] : memref<512x64xf32, #tpu.memory_space<vmem>>[vector<16xi32>, vector<16xi32>], vector<16xf32>,
      %gather3A_301 = tpu.vector_load_idx %arg10[%add3A_195, %broadcast_in_dim3A_299] : memref<512x64xf32, #tpu.memory_space<vmem>>[vector<16xi32>, vector<16xi32>], vector<16xf32>,
      %mul3A_302 = arith.mulf %gather3A_300, %gather3A_301 : vector<16xf32>
      %add3A_303 = arith.addf %add3A_297, %mul3A_302 : vector<16xf32>
      %broadcast_in_dim3A_304 = arith.constant 18 : i32
      %broadcast_in_dim3A_305 = vector.broadcast %broadcast_in_dim3A_304 : i32 to vector<16xi32>
      %gather3A_306 = tpu.vector_load_idx %arg9[%add3A_195, %broadcast_in_dim3A_305] : memref<512x64xf32, #tpu.memory_space<vmem>>[vector<16xi32>, vector<16xi32>], vector<16xf32>,
      %gather3A_307 = tpu.vector_load_idx %arg10[%add3A_195, %broadcast_in_dim3A_305] : memref<512x64xf32, #tpu.memory_space<vmem>>[vector<16xi32>, vector<16xi32>], vector<16xf32>,
      %mul3A_308 = arith.mulf %gather3A_306, %gather3A_307 : vector<16xf32>
      %add3A_309 = arith.addf %add3A_303, %mul3A_308 : vector<16xf32>
      %broadcast_in_dim3A_310 = arith.constant 19 : i32
      %broadcast_in_dim3A_311 = vector.broadcast %broadcast_in_dim3A_310 : i32 to vector<16xi32>
      %gather3A_312 = tpu.vector_load_idx %arg9[%add3A_195, %broadcast_in_dim3A_311] : memref<512x64xf32, #tpu.memory_space<vmem>>[vector<16xi32>, vector<16xi32>], vector<16xf32>,
      %gather3A_313 = tpu.vector_load_idx %arg10[%add3A_195, %broadcast_in_dim3A_311] : memref<512x64xf32, #tpu.memory_space<vmem>>[vector<16xi32>, vector<16xi32>], vector<16xf32>,
      %mul3A_314 = arith.mulf %gather3A_312, %gather3A_313 : vector<16xf32>
      %add3A_315 = arith.addf %add3A_309, %mul3A_314 : vector<16xf32>
      %broadcast_in_dim3A_316 = arith.constant 20 : i32
      %broadcast_in_dim3A_317 = vector.broadcast %broadcast_in_dim3A_316 : i32 to vector<16xi32>
      %gather3A_318 = tpu.vector_load_idx %arg9[%add3A_195, %broadcast_in_dim3A_317] : memref<512x64xf32, #tpu.memory_space<vmem>>[vector<16xi32>, vector<16xi32>], vector<16xf32>,
      %gather3A_319 = tpu.vector_load_idx %arg10[%add3A_195, %broadcast_in_dim3A_317] : memref<512x64xf32, #tpu.memory_space<vmem>>[vector<16xi32>, vector<16xi32>], vector<16xf32>,
      %mul3A_320 = arith.mulf %gather3A_318, %gather3A_319 : vector<16xf32>
      %add3A_321 = arith.addf %add3A_315, %mul3A_320 : vector<16xf32>
      %broadcast_in_dim3A_322 = arith.constant 21 : i32
      %broadcast_in_dim3A_323 = vector.broadcast %broadcast_in_dim3A_322 : i32 to vector<16xi32>
      %gather3A_324 = tpu.vector_load_idx %arg9[%add3A_195, %broadcast_in_dim3A_323] : memref<512x64xf32, #tpu.memory_space<vmem>>[vector<16xi32>, vector<16xi32>], vector<16xf32>,
      %gather3A_325 = tpu.vector_load_idx %arg10[%add3A_195, %broadcast_in_dim3A_323] : memref<512x64xf32, #tpu.memory_space<vmem>>[vector<16xi32>, vector<16xi32>], vector<16xf32>,
      %mul3A_326 = arith.mulf %gather3A_324, %gather3A_325 : vector<16xf32>
      %add3A_327 = arith.addf %add3A_321, %mul3A_326 : vector<16xf32>
      %broadcast_in_dim3A_328 = arith.constant 22 : i32
      %broadcast_in_dim3A_329 = vector.broadcast %broadcast_in_dim3A_328 : i32 to vector<16xi32>
      %gather3A_330 = tpu.vector_load_idx %arg9[%add3A_195, %broadcast_in_dim3A_329] : memref<512x64xf32, #tpu.memory_space<vmem>>[vector<16xi32>, vector<16xi32>], vector<16xf32>,
      %gather3A_331 = tpu.vector_load_idx %arg10[%add3A_195, %broadcast_in_dim3A_329] : memref<512x64xf32, #tpu.memory_space<vmem>>[vector<16xi32>, vector<16xi32>], vector<16xf32>,
      %mul3A_332 = arith.mulf %gather3A_330, %gather3A_331 : vector<16xf32>
      %add3A_333 = arith.addf %add3A_327, %mul3A_332 : vector<16xf32>
      %broadcast_in_dim3A_334 = arith.constant 23 : i32
      %broadcast_in_dim3A_335 = vector.broadcast %broadcast_in_dim3A_334 : i32 to vector<16xi32>
      %gather3A_336 = tpu.vector_load_idx %arg9[%add3A_195, %broadcast_in_dim3A_335] : memref<512x64xf32, #tpu.memory_space<vmem>>[vector<16xi32>, vector<16xi32>], vector<16xf32>,
      %gather3A_337 = tpu.vector_load_idx %arg10[%add3A_195, %broadcast_in_dim3A_335] : memref<512x64xf32, #tpu.memory_space<vmem>>[vector<16xi32>, vector<16xi32>], vector<16xf32>,
      %mul3A_338 = arith.mulf %gather3A_336, %gather3A_337 : vector<16xf32>
      %add3A_339 = arith.addf %add3A_333, %mul3A_338 : vector<16xf32>
      %broadcast_in_dim3A_340 = arith.constant 24 : i32
      %broadcast_in_dim3A_341 = vector.broadcast %broadcast_in_dim3A_340 : i32 to vector<16xi32>
      %gather3A_342 = tpu.vector_load_idx %arg9[%add3A_195, %broadcast_in_dim3A_341] : memref<512x64xf32, #tpu.memory_space<vmem>>[vector<16xi32>, vector<16xi32>], vector<16xf32>,
      %gather3A_343 = tpu.vector_load_idx %arg10[%add3A_195, %broadcast_in_dim3A_341] : memref<512x64xf32, #tpu.memory_space<vmem>>[vector<16xi32>, vector<16xi32>], vector<16xf32>,
      %mul3A_344 = arith.mulf %gather3A_342, %gather3A_343 : vector<16xf32>
      %add3A_345 = arith.addf %add3A_339, %mul3A_344 : vector<16xf32>
      %broadcast_in_dim3A_346 = arith.constant 25 : i32
      %broadcast_in_dim3A_347 = vector.broadcast %broadcast_in_dim3A_346 : i32 to vector<16xi32>
      %gather3A_348 = tpu.vector_load_idx %arg9[%add3A_195, %broadcast_in_dim3A_347] : memref<512x64xf32, #tpu.memory_space<vmem>>[vector<16xi32>, vector<16xi32>], vector<16xf32>,
      %gather3A_349 = tpu.vector_load_idx %arg10[%add3A_195, %broadcast_in_dim3A_347] : memref<512x64xf32, #tpu.memory_space<vmem>>[vector<16xi32>, vector<16xi32>], vector<16xf32>,
      %mul3A_350 = arith.mulf %gather3A_348, %gather3A_349 : vector<16xf32>
      %add3A_351 = arith.addf %add3A_345, %mul3A_350 : vector<16xf32>
      %broadcast_in_dim3A_352 = arith.constant 26 : i32
      %broadcast_in_dim3A_353 = vector.broadcast %broadcast_in_dim3A_352 : i32 to vector<16xi32>
      %gather3A_354 = tpu.vector_load_idx %arg9[%add3A_195, %broadcast_in_dim3A_353] : memref<512x64xf32, #tpu.memory_space<vmem>>[vector<16xi32>, vector<16xi32>], vector<16xf32>,
      %gather3A_355 = tpu.vector_load_idx %arg10[%add3A_195, %broadcast_in_dim3A_353] : memref<512x64xf32, #tpu.memory_space<vmem>>[vector<16xi32>, vector<16xi32>], vector<16xf32>,
      %mul3A_356 = arith.mulf %gather3A_354, %gather3A_355 : vector<16xf32>
      %add3A_357 = arith.addf %add3A_351, %mul3A_356 : vector<16xf32>
      %broadcast_in_dim3A_358 = arith.constant 27 : i32
      %broadcast_in_dim3A_359 = vector.broadcast %broadcast_in_dim3A_358 : i32 to vector<16xi32>
      %gather3A_360 = tpu.vector_load_idx %arg9[%add3A_195, %broadcast_in_dim3A_359] : memref<512x64xf32, #tpu.memory_space<vmem>>[vector<16xi32>, vector<16xi32>], vector<16xf32>,
      %gather3A_361 = tpu.vector_load_idx %arg10[%add3A_195, %broadcast_in_dim3A_359] : memref<512x64xf32, #tpu.memory_space<vmem>>[vector<16xi32>, vector<16xi32>], vector<16xf32>,
      %mul3A_362 = arith.mulf %gather3A_360, %gather3A_361 : vector<16xf32>
      %add3A_363 = arith.addf %add3A_357, %mul3A_362 : vector<16xf32>
      %broadcast_in_dim3A_364 = arith.constant 28 : i32
      %broadcast_in_dim3A_365 = vector.broadcast %broadcast_in_dim3A_364 : i32 to vector<16xi32>
      %gather3A_366 = tpu.vector_load_idx %arg9[%add3A_195, %broadcast_in_dim3A_365] : memref<512x64xf32, #tpu.memory_space<vmem>>[vector<16xi32>, vector<16xi32>], vector<16xf32>,
      %gather3A_367 = tpu.vector_load_idx %arg10[%add3A_195, %broadcast_in_dim3A_365] : memref<512x64xf32, #tpu.memory_space<vmem>>[vector<16xi32>, vector<16xi32>], vector<16xf32>,
      %mul3A_368 = arith.mulf %gather3A_366, %gather3A_367 : vector<16xf32>
      %add3A_369 = arith.addf %add3A_363, %mul3A_368 : vector<16xf32>
      %broadcast_in_dim3A_370 = arith.constant 29 : i32
      %broadcast_in_dim3A_371 = vector.broadcast %broadcast_in_dim3A_370 : i32 to vector<16xi32>
      %gather3A_372 = tpu.vector_load_idx %arg9[%add3A_195, %broadcast_in_dim3A_371] : memref<512x64xf32, #tpu.memory_space<vmem>>[vector<16xi32>, vector<16xi32>], vector<16xf32>,
      %gather3A_373 = tpu.vector_load_idx %arg10[%add3A_195, %broadcast_in_dim3A_371] : memref<512x64xf32, #tpu.memory_space<vmem>>[vector<16xi32>, vector<16xi32>], vector<16xf32>,
      %mul3A_374 = arith.mulf %gather3A_372, %gather3A_373 : vector<16xf32>
      %add3A_375 = arith.addf %add3A_369, %mul3A_374 : vector<16xf32>
      %broadcast_in_dim3A_376 = arith.constant 30 : i32
      %broadcast_in_dim3A_377 = vector.broadcast %broadcast_in_dim3A_376 : i32 to vector<16xi32>
      %gather3A_378 = tpu.vector_load_idx %arg9[%add3A_195, %broadcast_in_dim3A_377] : memref<512x64xf32, #tpu.memory_space<vmem>>[vector<16xi32>, vector<16xi32>], vector<16xf32>,
      %gather3A_379 = tpu.vector_load_idx %arg10[%add3A_195, %broadcast_in_dim3A_377] : memref<512x64xf32, #tpu.memory_space<vmem>>[vector<16xi32>, vector<16xi32>], vector<16xf32>,
      %mul3A_380 = arith.mulf %gather3A_378, %gather3A_379 : vector<16xf32>
      %add3A_381 = arith.addf %add3A_375, %mul3A_380 : vector<16xf32>
      %broadcast_in_dim3A_382 = arith.constant 31 : i32
      %broadcast_in_dim3A_383 = vector.broadcast %broadcast_in_dim3A_382 : i32 to vector<16xi32>
      %gather3A_384 = tpu.vector_load_idx %arg9[%add3A_195, %broadcast_in_dim3A_383] : memref<512x64xf32, #tpu.memory_space<vmem>>[vector<16xi32>, vector<16xi32>], vector<16xf32>,
      %gather3A_385 = tpu.vector_load_idx %arg10[%add3A_195, %broadcast_in_dim3A_383] : memref<512x64xf32, #tpu.memory_space<vmem>>[vector<16xi32>, vector<16xi32>], vector<16xf32>,
      %mul3A_386 = arith.mulf %gather3A_384, %gather3A_385 : vector<16xf32>
      %add3A_387 = arith.addf %add3A_381, %mul3A_386 : vector<16xf32>
      %broadcast_in_dim3A_388 = arith.constant 32 : i32
      %broadcast_in_dim3A_389 = vector.broadcast %broadcast_in_dim3A_388 : i32 to vector<16xi32>
      %gather3A_390 = tpu.vector_load_idx %arg9[%add3A_195, %broadcast_in_dim3A_389] : memref<512x64xf32, #tpu.memory_space<vmem>>[vector<16xi32>, vector<16xi32>], vector<16xf32>,
      %gather3A_391 = tpu.vector_load_idx %arg10[%add3A_195, %broadcast_in_dim3A_389] : memref<512x64xf32, #tpu.memory_space<vmem>>[vector<16xi32>, vector<16xi32>], vector<16xf32>,
      %mul3A_392 = arith.mulf %gather3A_390, %gather3A_391 : vector<16xf32>
      %add3A_393 = arith.addf %add3A_387, %mul3A_392 : vector<16xf32>
      %broadcast_in_dim3A_394 = arith.constant 33 : i32
      %broadcast_in_dim3A_395 = vector.broadcast %broadcast_in_dim3A_394 : i32 to vector<16xi32>
      %gather3A_396 = tpu.vector_load_idx %arg9[%add3A_195, %broadcast_in_dim3A_395] : memref<512x64xf32, #tpu.memory_space<vmem>>[vector<16xi32>, vector<16xi32>], vector<16xf32>,
      %gather3A_397 = tpu.vector_load_idx %arg10[%add3A_195, %broadcast_in_dim3A_395] : memref<512x64xf32, #tpu.memory_space<vmem>>[vector<16xi32>, vector<16xi32>], vector<16xf32>,
      %mul3A_398 = arith.mulf %gather3A_396, %gather3A_397 : vector<16xf32>
      %add3A_399 = arith.addf %add3A_393, %mul3A_398 : vector<16xf32>
      %broadcast_in_dim3A_400 = arith.constant 34 : i32
      %broadcast_in_dim3A_401 = vector.broadcast %broadcast_in_dim3A_400 : i32 to vector<16xi32>
      %gather3A_402 = tpu.vector_load_idx %arg9[%add3A_195, %broadcast_in_dim3A_401] : memref<512x64xf32, #tpu.memory_space<vmem>>[vector<16xi32>, vector<16xi32>], vector<16xf32>,
      %gather3A_403 = tpu.vector_load_idx %arg10[%add3A_195, %broadcast_in_dim3A_401] : memref<512x64xf32, #tpu.memory_space<vmem>>[vector<16xi32>, vector<16xi32>], vector<16xf32>,
      %mul3A_404 = arith.mulf %gather3A_402, %gather3A_403 : vector<16xf32>
      %add3A_405 = arith.addf %add3A_399, %mul3A_404 : vector<16xf32>
      %broadcast_in_dim3A_406 = arith.constant 35 : i32
      %broadcast_in_dim3A_407 = vector.broadcast %broadcast_in_dim3A_406 : i32 to vector<16xi32>
      %gather3A_408 = tpu.vector_load_idx %arg9[%add3A_195, %broadcast_in_dim3A_407] : memref<512x64xf32, #tpu.memory_space<vmem>>[vector<16xi32>, vector<16xi32>], vector<16xf32>,
      %gather3A_409 = tpu.vector_load_idx %arg10[%add3A_195, %broadcast_in_dim3A_407] : memref<512x64xf32, #tpu.memory_space<vmem>>[vector<16xi32>, vector<16xi32>], vector<16xf32>,
      %mul3A_410 = arith.mulf %gather3A_408, %gather3A_409 : vector<16xf32>
      %add3A_411 = arith.addf %add3A_405, %mul3A_410 : vector<16xf32>
      %broadcast_in_dim3A_412 = arith.constant 36 : i32
      %broadcast_in_dim3A_413 = vector.broadcast %broadcast_in_dim3A_412 : i32 to vector<16xi32>
      %gather3A_414 = tpu.vector_load_idx %arg9[%add3A_195, %broadcast_in_dim3A_413] : memref<512x64xf32, #tpu.memory_space<vmem>>[vector<16xi32>, vector<16xi32>], vector<16xf32>,
      %gather3A_415 = tpu.vector_load_idx %arg10[%add3A_195, %broadcast_in_dim3A_413] : memref<512x64xf32, #tpu.memory_space<vmem>>[vector<16xi32>, vector<16xi32>], vector<16xf32>,
      %mul3A_416 = arith.mulf %gather3A_414, %gather3A_415 : vector<16xf32>
      %add3A_417 = arith.addf %add3A_411, %mul3A_416 : vector<16xf32>
      %broadcast_in_dim3A_418 = arith.constant 37 : i32
      %broadcast_in_dim3A_419 = vector.broadcast %broadcast_in_dim3A_418 : i32 to vector<16xi32>
      %gather3A_420 = tpu.vector_load_idx %arg9[%add3A_195, %broadcast_in_dim3A_419] : memref<512x64xf32, #tpu.memory_space<vmem>>[vector<16xi32>, vector<16xi32>], vector<16xf32>,
      %gather3A_421 = tpu.vector_load_idx %arg10[%add3A_195, %broadcast_in_dim3A_419] : memref<512x64xf32, #tpu.memory_space<vmem>>[vector<16xi32>, vector<16xi32>], vector<16xf32>,
      %mul3A_422 = arith.mulf %gather3A_420, %gather3A_421 : vector<16xf32>
      %add3A_423 = arith.addf %add3A_417, %mul3A_422 : vector<16xf32>
      %broadcast_in_dim3A_424 = arith.constant 38 : i32
      %broadcast_in_dim3A_425 = vector.broadcast %broadcast_in_dim3A_424 : i32 to vector<16xi32>
      %gather3A_426 = tpu.vector_load_idx %arg9[%add3A_195, %broadcast_in_dim3A_425] : memref<512x64xf32, #tpu.memory_space<vmem>>[vector<16xi32>, vector<16xi32>], vector<16xf32>,
      %gather3A_427 = tpu.vector_load_idx %arg10[%add3A_195, %broadcast_in_dim3A_425] : memref<512x64xf32, #tpu.memory_space<vmem>>[vector<16xi32>, vector<16xi32>], vector<16xf32>,
      %mul3A_428 = arith.mulf %gather3A_426, %gather3A_427 : vector<16xf32>
      %add3A_429 = arith.addf %add3A_423, %mul3A_428 : vector<16xf32>
      %broadcast_in_dim3A_430 = arith.constant 39 : i32
      %broadcast_in_dim3A_431 = vector.broadcast %broadcast_in_dim3A_430 : i32 to vector<16xi32>
      %gather3A_432 = tpu.vector_load_idx %arg9[%add3A_195, %broadcast_in_dim3A_431] : memref<512x64xf32, #tpu.memory_space<vmem>>[vector<16xi32>, vector<16xi32>], vector<16xf32>,
      %gather3A_433 = tpu.vector_load_idx %arg10[%add3A_195, %broadcast_in_dim3A_431] : memref<512x64xf32, #tpu.memory_space<vmem>>[vector<16xi32>, vector<16xi32>], vector<16xf32>,
      %mul3A_434 = arith.mulf %gather3A_432, %gather3A_433 : vector<16xf32>
      %add3A_435 = arith.addf %add3A_429, %mul3A_434 : vector<16xf32>
      %broadcast_in_dim3A_436 = arith.constant 40 : i32
      %broadcast_in_dim3A_437 = vector.broadcast %broadcast_in_dim3A_436 : i32 to vector<16xi32>
      %gather3A_438 = tpu.vector_load_idx %arg9[%add3A_195, %broadcast_in_dim3A_437] : memref<512x64xf32, #tpu.memory_space<vmem>>[vector<16xi32>, vector<16xi32>], vector<16xf32>,
      %gather3A_439 = tpu.vector_load_idx %arg10[%add3A_195, %broadcast_in_dim3A_437] : memref<512x64xf32, #tpu.memory_space<vmem>>[vector<16xi32>, vector<16xi32>], vector<16xf32>,
      %mul3A_440 = arith.mulf %gather3A_438, %gather3A_439 : vector<16xf32>
      %add3A_441 = arith.addf %add3A_435, %mul3A_440 : vector<16xf32>
      %broadcast_in_dim3A_442 = arith.constant 41 : i32
      %broadcast_in_dim3A_443 = vector.broadcast %broadcast_in_dim3A_442 : i32 to vector<16xi32>
      %gather3A_444 = tpu.vector_load_idx %arg9[%add3A_195, %broadcast_in_dim3A_443] : memref<512x64xf32, #tpu.memory_space<vmem>>[vector<16xi32>, vector<16xi32>], vector<16xf32>,
      %gather3A_445 = tpu.vector_load_idx %arg10[%add3A_195, %broadcast_in_dim3A_443] : memref<512x64xf32, #tpu.memory_space<vmem>>[vector<16xi32>, vector<16xi32>], vector<16xf32>,
      %mul3A_446 = arith.mulf %gather3A_444, %gather3A_445 : vector<16xf32>
      %add3A_447 = arith.addf %add3A_441, %mul3A_446 : vector<16xf32>
      %broadcast_in_dim3A_448 = arith.constant 42 : i32
      %broadcast_in_dim3A_449 = vector.broadcast %broadcast_in_dim3A_448 : i32 to vector<16xi32>
      %gather3A_450 = tpu.vector_load_idx %arg9[%add3A_195, %broadcast_in_dim3A_449] : memref<512x64xf32, #tpu.memory_space<vmem>>[vector<16xi32>, vector<16xi32>], vector<16xf32>,
      %gather3A_451 = tpu.vector_load_idx %arg10[%add3A_195, %broadcast_in_dim3A_449] : memref<512x64xf32, #tpu.memory_space<vmem>>[vector<16xi32>, vector<16xi32>], vector<16xf32>,
      %mul3A_452 = arith.mulf %gather3A_450, %gather3A_451 : vector<16xf32>
      %add3A_453 = arith.addf %add3A_447, %mul3A_452 : vector<16xf32>
      %broadcast_in_dim3A_454 = arith.constant 43 : i32
      %broadcast_in_dim3A_455 = vector.broadcast %broadcast_in_dim3A_454 : i32 to vector<16xi32>
      %gather3A_456 = tpu.vector_load_idx %arg9[%add3A_195, %broadcast_in_dim3A_455] : memref<512x64xf32, #tpu.memory_space<vmem>>[vector<16xi32>, vector<16xi32>], vector<16xf32>,
      %gather3A_457 = tpu.vector_load_idx %arg10[%add3A_195, %broadcast_in_dim3A_455] : memref<512x64xf32, #tpu.memory_space<vmem>>[vector<16xi32>, vector<16xi32>], vector<16xf32>,
      %mul3A_458 = arith.mulf %gather3A_456, %gather3A_457 : vector<16xf32>
      %add3A_459 = arith.addf %add3A_453, %mul3A_458 : vector<16xf32>
      %broadcast_in_dim3A_460 = arith.constant 44 : i32
      %broadcast_in_dim3A_461 = vector.broadcast %broadcast_in_dim3A_460 : i32 to vector<16xi32>
      %gather3A_462 = tpu.vector_load_idx %arg9[%add3A_195, %broadcast_in_dim3A_461] : memref<512x64xf32, #tpu.memory_space<vmem>>[vector<16xi32>, vector<16xi32>], vector<16xf32>,
      %gather3A_463 = tpu.vector_load_idx %arg10[%add3A_195, %broadcast_in_dim3A_461] : memref<512x64xf32, #tpu.memory_space<vmem>>[vector<16xi32>, vector<16xi32>], vector<16xf32>,
      %mul3A_464 = arith.mulf %gather3A_462, %gather3A_463 : vector<16xf32>
      %add3A_465 = arith.addf %add3A_459, %mul3A_464 : vector<16xf32>
      %broadcast_in_dim3A_466 = arith.constant 45 : i32
      %broadcast_in_dim3A_467 = vector.broadcast %broadcast_in_dim3A_466 : i32 to vector<16xi32>
      %gather3A_468 = tpu.vector_load_idx %arg9[%add3A_195, %broadcast_in_dim3A_467] : memref<512x64xf32, #tpu.memory_space<vmem>>[vector<16xi32>, vector<16xi32>], vector<16xf32>,
      %gather3A_469 = tpu.vector_load_idx %arg10[%add3A_195, %broadcast_in_dim3A_467] : memref<512x64xf32, #tpu.memory_space<vmem>>[vector<16xi32>, vector<16xi32>], vector<16xf32>,
      %mul3A_470 = arith.mulf %gather3A_468, %gather3A_469 : vector<16xf32>
      %add3A_471 = arith.addf %add3A_465, %mul3A_470 : vector<16xf32>
      %broadcast_in_dim3A_472 = arith.constant 46 : i32
      %broadcast_in_dim3A_473 = vector.broadcast %broadcast_in_dim3A_472 : i32 to vector<16xi32>
      %gather3A_474 = tpu.vector_load_idx %arg9[%add3A_195, %broadcast_in_dim3A_473] : memref<512x64xf32, #tpu.memory_space<vmem>>[vector<16xi32>, vector<16xi32>], vector<16xf32>,
      %gather3A_475 = tpu.vector_load_idx %arg10[%add3A_195, %broadcast_in_dim3A_473] : memref<512x64xf32, #tpu.memory_space<vmem>>[vector<16xi32>, vector<16xi32>], vector<16xf32>,
      %mul3A_476 = arith.mulf %gather3A_474, %gather3A_475 : vector<16xf32>
      %add3A_477 = arith.addf %add3A_471, %mul3A_476 : vector<16xf32>
      %broadcast_in_dim3A_478 = arith.constant 47 : i32
      %broadcast_in_dim3A_479 = vector.broadcast %broadcast_in_dim3A_478 : i32 to vector<16xi32>
      %gather3A_480 = tpu.vector_load_idx %arg9[%add3A_195, %broadcast_in_dim3A_479] : memref<512x64xf32, #tpu.memory_space<vmem>>[vector<16xi32>, vector<16xi32>], vector<16xf32>,
      %gather3A_481 = tpu.vector_load_idx %arg10[%add3A_195, %broadcast_in_dim3A_479] : memref<512x64xf32, #tpu.memory_space<vmem>>[vector<16xi32>, vector<16xi32>], vector<16xf32>,
      %mul3A_482 = arith.mulf %gather3A_480, %gather3A_481 : vector<16xf32>
      %add3A_483 = arith.addf %add3A_477, %mul3A_482 : vector<16xf32>
      %broadcast_in_dim3A_484 = arith.constant 48 : i32
      %broadcast_in_dim3A_485 = vector.broadcast %broadcast_in_dim3A_484 : i32 to vector<16xi32>
      %gather3A_486 = tpu.vector_load_idx %arg9[%add3A_195, %broadcast_in_dim3A_485] : memref<512x64xf32, #tpu.memory_space<vmem>>[vector<16xi32>, vector<16xi32>], vector<16xf32>,
      %gather3A_487 = tpu.vector_load_idx %arg10[%add3A_195, %broadcast_in_dim3A_485] : memref<512x64xf32, #tpu.memory_space<vmem>>[vector<16xi32>, vector<16xi32>], vector<16xf32>,
      %mul3A_488 = arith.mulf %gather3A_486, %gather3A_487 : vector<16xf32>
      %add3A_489 = arith.addf %add3A_483, %mul3A_488 : vector<16xf32>
      %broadcast_in_dim3A_490 = arith.constant 49 : i32
      %broadcast_in_dim3A_491 = vector.broadcast %broadcast_in_dim3A_490 : i32 to vector<16xi32>
      %gather3A_492 = tpu.vector_load_idx %arg9[%add3A_195, %broadcast_in_dim3A_491] : memref<512x64xf32, #tpu.memory_space<vmem>>[vector<16xi32>, vector<16xi32>], vector<16xf32>,
      %gather3A_493 = tpu.vector_load_idx %arg10[%add3A_195, %broadcast_in_dim3A_491] : memref<512x64xf32, #tpu.memory_space<vmem>>[vector<16xi32>, vector<16xi32>], vector<16xf32>,
      %mul3A_494 = arith.mulf %gather3A_492, %gather3A_493 : vector<16xf32>
      %add3A_495 = arith.addf %add3A_489, %mul3A_494 : vector<16xf32>
      %broadcast_in_dim3A_496 = arith.constant 50 : i32
      %broadcast_in_dim3A_497 = vector.broadcast %broadcast_in_dim3A_496 : i32 to vector<16xi32>
      %gather3A_498 = tpu.vector_load_idx %arg9[%add3A_195, %broadcast_in_dim3A_497] : memref<512x64xf32, #tpu.memory_space<vmem>>[vector<16xi32>, vector<16xi32>], vector<16xf32>,
      %gather3A_499 = tpu.vector_load_idx %arg10[%add3A_195, %broadcast_in_dim3A_497] : memref<512x64xf32, #tpu.memory_space<vmem>>[vector<16xi32>, vector<16xi32>], vector<16xf32>,
      %mul3A_500 = arith.mulf %gather3A_498, %gather3A_499 : vector<16xf32>
      %add3A_501 = arith.addf %add3A_495, %mul3A_500 : vector<16xf32>
      %broadcast_in_dim3A_502 = arith.constant 51 : i32
      %broadcast_in_dim3A_503 = vector.broadcast %broadcast_in_dim3A_502 : i32 to vector<16xi32>
      %gather3A_504 = tpu.vector_load_idx %arg9[%add3A_195, %broadcast_in_dim3A_503] : memref<512x64xf32, #tpu.memory_space<vmem>>[vector<16xi32>, vector<16xi32>], vector<16xf32>,
      %gather3A_505 = tpu.vector_load_idx %arg10[%add3A_195, %broadcast_in_dim3A_503] : memref<512x64xf32, #tpu.memory_space<vmem>>[vector<16xi32>, vector<16xi32>], vector<16xf32>,
      %mul3A_506 = arith.mulf %gather3A_504, %gather3A_505 : vector<16xf32>
      %add3A_507 = arith.addf %add3A_501, %mul3A_506 : vector<16xf32>
      %broadcast_in_dim3A_508 = arith.constant 52 : i32
      %broadcast_in_dim3A_509 = vector.broadcast %broadcast_in_dim3A_508 : i32 to vector<16xi32>
      %gather3A_510 = tpu.vector_load_idx %arg9[%add3A_195, %broadcast_in_dim3A_509] : memref<512x64xf32, #tpu.memory_space<vmem>>[vector<16xi32>, vector<16xi32>], vector<16xf32>,
      %gather3A_511 = tpu.vector_load_idx %arg10[%add3A_195, %broadcast_in_dim3A_509] : memref<512x64xf32, #tpu.memory_space<vmem>>[vector<16xi32>, vector<16xi32>], vector<16xf32>,
      %mul3A_512 = arith.mulf %gather3A_510, %gather3A_511 : vector<16xf32>
      %add3A_513 = arith.addf %add3A_507, %mul3A_512 : vector<16xf32>
      %broadcast_in_dim3A_514 = arith.constant 53 : i32
      %broadcast_in_dim3A_515 = vector.broadcast %broadcast_in_dim3A_514 : i32 to vector<16xi32>
      %gather3A_516 = tpu.vector_load_idx %arg9[%add3A_195, %broadcast_in_dim3A_515] : memref<512x64xf32, #tpu.memory_space<vmem>>[vector<16xi32>, vector<16xi32>], vector<16xf32>,
      %gather3A_517 = tpu.vector_load_idx %arg10[%add3A_195, %broadcast_in_dim3A_515] : memref<512x64xf32, #tpu.memory_space<vmem>>[vector<16xi32>, vector<16xi32>], vector<16xf32>,
      %mul3A_518 = arith.mulf %gather3A_516, %gather3A_517 : vector<16xf32>
      %add3A_519 = arith.addf %add3A_513, %mul3A_518 : vector<16xf32>
      %broadcast_in_dim3A_520 = arith.constant 54 : i32
      %broadcast_in_dim3A_521 = vector.broadcast %broadcast_in_dim3A_520 : i32 to vector<16xi32>
      %gather3A_522 = tpu.vector_load_idx %arg9[%add3A_195, %broadcast_in_dim3A_521] : memref<512x64xf32, #tpu.memory_space<vmem>>[vector<16xi32>, vector<16xi32>], vector<16xf32>,
      %gather3A_523 = tpu.vector_load_idx %arg10[%add3A_195, %broadcast_in_dim3A_521] : memref<512x64xf32, #tpu.memory_space<vmem>>[vector<16xi32>, vector<16xi32>], vector<16xf32>,
      %mul3A_524 = arith.mulf %gather3A_522, %gather3A_523 : vector<16xf32>
      %add3A_525 = arith.addf %add3A_519, %mul3A_524 : vector<16xf32>
      %broadcast_in_dim3A_526 = arith.constant 55 : i32
      %broadcast_in_dim3A_527 = vector.broadcast %broadcast_in_dim3A_526 : i32 to vector<16xi32>
      %gather3A_528 = tpu.vector_load_idx %arg9[%add3A_195, %broadcast_in_dim3A_527] : memref<512x64xf32, #tpu.memory_space<vmem>>[vector<16xi32>, vector<16xi32>], vector<16xf32>,
      %gather3A_529 = tpu.vector_load_idx %arg10[%add3A_195, %broadcast_in_dim3A_527] : memref<512x64xf32, #tpu.memory_space<vmem>>[vector<16xi32>, vector<16xi32>], vector<16xf32>,
      %mul3A_530 = arith.mulf %gather3A_528, %gather3A_529 : vector<16xf32>
      %add3A_531 = arith.addf %add3A_525, %mul3A_530 : vector<16xf32>
      %broadcast_in_dim3A_532 = arith.constant 56 : i32
      %broadcast_in_dim3A_533 = vector.broadcast %broadcast_in_dim3A_532 : i32 to vector<16xi32>
      %gather3A_534 = tpu.vector_load_idx %arg9[%add3A_195, %broadcast_in_dim3A_533] : memref<512x64xf32, #tpu.memory_space<vmem>>[vector<16xi32>, vector<16xi32>], vector<16xf32>,
      %gather3A_535 = tpu.vector_load_idx %arg10[%add3A_195, %broadcast_in_dim3A_533] : memref<512x64xf32, #tpu.memory_space<vmem>>[vector<16xi32>, vector<16xi32>], vector<16xf32>,
      %mul3A_536 = arith.mulf %gather3A_534, %gather3A_535 : vector<16xf32>
      %add3A_537 = arith.addf %add3A_531, %mul3A_536 : vector<16xf32>
      %broadcast_in_dim3A_538 = arith.constant 57 : i32
      %broadcast_in_dim3A_539 = vector.broadcast %broadcast_in_dim3A_538 : i32 to vector<16xi32>
      %gather3A_540 = tpu.vector_load_idx %arg9[%add3A_195, %broadcast_in_dim3A_539] : memref<512x64xf32, #tpu.memory_space<vmem>>[vector<16xi32>, vector<16xi32>], vector<16xf32>,
      %gather3A_541 = tpu.vector_load_idx %arg10[%add3A_195, %broadcast_in_dim3A_539] : memref<512x64xf32, #tpu.memory_space<vmem>>[vector<16xi32>, vector<16xi32>], vector<16xf32>,
      %mul3A_542 = arith.mulf %gather3A_540, %gather3A_541 : vector<16xf32>
      %add3A_543 = arith.addf %add3A_537, %mul3A_542 : vector<16xf32>
      %broadcast_in_dim3A_544 = arith.constant 58 : i32
      %broadcast_in_dim3A_545 = vector.broadcast %broadcast_in_dim3A_544 : i32 to vector<16xi32>
      %gather3A_546 = tpu.vector_load_idx %arg9[%add3A_195, %broadcast_in_dim3A_545] : memref<512x64xf32, #tpu.memory_space<vmem>>[vector<16xi32>, vector<16xi32>], vector<16xf32>,
      %gather3A_547 = tpu.vector_load_idx %arg10[%add3A_195, %broadcast_in_dim3A_545] : memref<512x64xf32, #tpu.memory_space<vmem>>[vector<16xi32>, vector<16xi32>], vector<16xf32>,
      %mul3A_548 = arith.mulf %gather3A_546, %gather3A_547 : vector<16xf32>
      %add3A_549 = arith.addf %add3A_543, %mul3A_548 : vector<16xf32>
      %broadcast_in_dim3A_550 = arith.constant 59 : i32
      %broadcast_in_dim3A_551 = vector.broadcast %broadcast_in_dim3A_550 : i32 to vector<16xi32>
      %gather3A_552 = tpu.vector_load_idx %arg9[%add3A_195, %broadcast_in_dim3A_551] : memref<512x64xf32, #tpu.memory_space<vmem>>[vector<16xi32>, vector<16xi32>], vector<16xf32>,
      %gather3A_553 = tpu.vector_load_idx %arg10[%add3A_195, %broadcast_in_dim3A_551] : memref<512x64xf32, #tpu.memory_space<vmem>>[vector<16xi32>, vector<16xi32>], vector<16xf32>,
      %mul3A_554 = arith.mulf %gather3A_552, %gather3A_553 : vector<16xf32>
      %add3A_555 = arith.addf %add3A_549, %mul3A_554 : vector<16xf32>
      %broadcast_in_dim3A_556 = arith.constant 60 : i32
      %broadcast_in_dim3A_557 = vector.broadcast %broadcast_in_dim3A_556 : i32 to vector<16xi32>
      %gather3A_558 = tpu.vector_load_idx %arg9[%add3A_195, %broadcast_in_dim3A_557] : memref<512x64xf32, #tpu.memory_space<vmem>>[vector<16xi32>, vector<16xi32>], vector<16xf32>,
      %gather3A_559 = tpu.vector_load_idx %arg10[%add3A_195, %broadcast_in_dim3A_557] : memref<512x64xf32, #tpu.memory_space<vmem>>[vector<16xi32>, vector<16xi32>], vector<16xf32>,
      %mul3A_560 = arith.mulf %gather3A_558, %gather3A_559 : vector<16xf32>
      %add3A_561 = arith.addf %add3A_555, %mul3A_560 : vector<16xf32>
      %broadcast_in_dim3A_562 = arith.constant 61 : i32
      %broadcast_in_dim3A_563 = vector.broadcast %broadcast_in_dim3A_562 : i32 to vector<16xi32>
      %gather3A_564 = tpu.vector_load_idx %arg9[%add3A_195, %broadcast_in_dim3A_563] : memref<512x64xf32, #tpu.memory_space<vmem>>[vector<16xi32>, vector<16xi32>], vector<16xf32>,
      %gather3A_565 = tpu.vector_load_idx %arg10[%add3A_195, %broadcast_in_dim3A_563] : memref<512x64xf32, #tpu.memory_space<vmem>>[vector<16xi32>, vector<16xi32>], vector<16xf32>,
      %mul3A_566 = arith.mulf %gather3A_564, %gather3A_565 : vector<16xf32>
      %add3A_567 = arith.addf %add3A_561, %mul3A_566 : vector<16xf32>
      %broadcast_in_dim3A_568 = arith.constant 62 : i32
      %broadcast_in_dim3A_569 = vector.broadcast %broadcast_in_dim3A_568 : i32 to vector<16xi32>
      %gather3A_570 = tpu.vector_load_idx %arg9[%add3A_195, %broadcast_in_dim3A_569] : memref<512x64xf32, #tpu.memory_space<vmem>>[vector<16xi32>, vector<16xi32>], vector<16xf32>,
      %gather3A_571 = tpu.vector_load_idx %arg10[%add3A_195, %broadcast_in_dim3A_569] : memref<512x64xf32, #tpu.memory_space<vmem>>[vector<16xi32>, vector<16xi32>], vector<16xf32>,
      %mul3A_572 = arith.mulf %gather3A_570, %gather3A_571 : vector<16xf32>
      %add3A_573 = arith.addf %add3A_567, %mul3A_572 : vector<16xf32>
      %broadcast_in_dim3A_574 = arith.constant 63 : i32
      %broadcast_in_dim3A_575 = vector.broadcast %broadcast_in_dim3A_574 : i32 to vector<16xi32>
      %gather3A_576 = tpu.vector_load_idx %arg9[%add3A_195, %broadcast_in_dim3A_575] : memref<512x64xf32, #tpu.memory_space<vmem>>[vector<16xi32>, vector<16xi32>], vector<16xf32>,
      %gather3A_577 = tpu.vector_load_idx %arg10[%add3A_195, %broadcast_in_dim3A_575] : memref<512x64xf32, #tpu.memory_space<vmem>>[vector<16xi32>, vector<16xi32>], vector<16xf32>,
      %mul3A_578 = arith.mulf %gather3A_576, %gather3A_577 : vector<16xf32>
      %add3A_579 = arith.addf %add3A_573, %mul3A_578 : vector<16xf32>
      %mul3A_580 = arith.constant 16 : i32
      %mul3A_581 = arith.muli %scan3A_188, %mul3A_580 : i32
      %swap3A = arith.constant 3 : i32
      %swap3A_582 = arith.index_cast %swap3A : i32 to index
      %swap3A_583 = arith.index_cast %mul3A_581 : i32 to index
      %swap3A_584 = tpu.vector_load %arg11[%swap3A_582, %swap3A_583] {strides = array<i32>} : memref<4x128xf32, #tpu.memory_space<vmem>>, vector<16xf32>,
      tpu.vector_store %arg11[%swap3A_582, %swap3A_583], %add3A_579 {strides = array<i32>} : memref<4x128xf32, #tpu.memory_space<vmem>>, vector<16xf32>,
      %scan3A_585 = arith.constant 0 : i32
      scf.yield %scan3A_585 : i32
    }
    %scan3A_187 = arith.constant 8 : i32
    "tpu.region"() ({
      %run_scoped3A = tpu.sem_alloc : memref<!tpu.dma_semaphore, #tpu.memory_space<semaphore_mem>>
      %dma_start3A_188 = arith.constant 0 : i32
      %dma_start3A_189 = tpu.memref_slice %arg6[%mul3A_2, %dma_start3A_188] : memref<128x128xf32, #tpu.memory_space<hbm>> -> memref<4x128xf32, #tpu.memory_space<hbm>>
      %dma_start3A_190 = arith.constant 0 : i32
      %dma_start3A_191 = tpu.memref_slice %arg6[%mul3A_2, %dma_start3A_190] : memref<128x128xf32, #tpu.memory_space<hbm>> -> memref<4x128xf32, #tpu.memory_space<hbm>>
      tpu.enqueue_dma source(%arg11 : memref<4x128xf32, #tpu.memory_space<vmem>>) target(%dma_start3A_191 : memref<4x128xf32, #tpu.memory_space<hbm>>) target_semaphore(%run_scoped3A : memref<!tpu.dma_semaphore, #tpu.memory_space<semaphore_mem>>)
      %dma_wait3A_192 = arith.constant 0 : i32
      %dma_wait3A_193 = tpu.memref_slice %arg6[%mul3A_2, %dma_wait3A_192] : memref<128x128xf32, #tpu.memory_space<hbm>> -> memref<4x128xf32, #tpu.memory_space<hbm>>
      %dma_wait3A_194 = arith.constant 0 : i32
      %dma_wait3A_195 = tpu.memref_slice %arg6[%mul3A_2, %dma_wait3A_194] : memref<128x128xf32, #tpu.memory_space<hbm>> -> memref<4x128xf32, #tpu.memory_space<hbm>>
      tpu.wait_dma2 semaphore(%run_scoped3A : memref<!tpu.dma_semaphore, #tpu.memory_space<semaphore_mem>>) src(%arg11 : memref<4x128xf32, #tpu.memory_space<vmem>>) dst(%dma_wait3A_195 : memref<4x128xf32, #tpu.memory_space<hbm>>)
      tpu.yield
    }) : () -> ()
    return
  }
}

</mosaic_0001>

<sc_bundles>
// kernel: kernel.3.cloned.1.call-start
scs
__scs_entry_jumppad:
0x0: {  	(pc) =	sbr.rel $0x88, $3  }
0x1: {  	(tag) =	ssettag $0x0;
	lr =	simm.s32 $0x1  }
0x2: {  	[smem:$0x3F9D] =	sst lr;
	_ =	strace $0xD0000000  }
0x3: {  	_ = 	snop  }
0x4: {  	_ = 	snop  }
0x5: {  	_ = 	snop  }
0x6: {  	_ = 	snop  }
0x7: {  	_ = 	snop  }
__scs_overlays_trampoline_lowered:
0x8: {  	[smem:$0x3FAC] =	sst s0  }
0x9: {  	[smem:$0x3FAD] =	sst s1  }
0xa: {  	[smem:$0x3FAE] =	sst s2  }
0xb: {  	[smem:$0x3FAF] =	sst s3  }
0xc: {  	[smem:$0x3FB0] =	sst s4  }
0xd: {  	[smem:$0x3FB1] =	sst s5  }
0xe: {  	[smem:$0x3FB2] =	sst s6  }
0xf: {  	[smem:$0x3FB3] =	sst s7  }
0x10: {  	[smem:$0x3FB4] =	sst s8  }
0x11: {  	[smem:$0x3FB5] =	sst s9;
	s0 =	simm.s32 @!p0 $0x0  }
0x12: {  	s1 =	sld [smem:$0x3F9B];
	s0 =	simm.s32 @p0 $0x1  }
0x13: {  	[smem:$0x3FB6] =	sst s0;
	s0 =	simm.s32 @!p1 $0x0  }
0x14: {  	s2 =	sld [smem:$0x3F9A];
	s0 =	simm.s32 @p1 $0x1  }
0x15: {  	[smem:$0x3FB7] =	sst s0;
	s0 =	simm.s32 @!p2 $0x0  }
0x16: {  	s3 =	sld [smem:$0x3FDB];
	s0 =	simm.s32 @p2 $0x1  }
0x17: {  	s4 =	simm.s32 $0x1BF5;
	[smem:$0x3FB9] =	sst s0  }
0x18: {  	s0 =	sld [smem:$0x3F9C];
	_ =	swait.ge [sflag:s4], $0x0  }
0x19: {  	s7 =	sld [smem:$0x3F9D]  }
0x1a: {  	s8 =	sadd.s32 $0xFFFFE003, lr  }
0x1b: {  	s9 =	sadd.s32 $0xFFFFFEF7, lr;
	s5 =	simm.s32 $0xFFFFFFFF;
	p2 =	slt.u32 s8, $0xFFFFF086  }
0x1c: {  	p1 =	slt.u32 s9, $0xF7A;
	s5 =	simm.s32 @!p2 $0x0  }
0x1d: {  	s5 =	simm.s32 @p1 $0x1;
	p0 =	seq.s32 s7, s2  }
0x1e: {  	s7 =	smul.u32 @!p0 $0xF7A, s2;
	p2 =	seq.s32 @!p0 s5, $0x0  }
0x1f: {  	s9 =	smul.u32 $0xF7A, s1;
	s8 =	simm.s32 @!p0 $0x1BF5;
	p2 =	por !p2, p0  }
0x20: {  	[sflag:s8] =	ssyncset.s32 @!p0 $0xFFFFF086;
	s6 =	sadd.s32 @!p0 s3, s7;
	s7 =	simm.s32 @!p0 $0x108  }
0x21: {  	s3 =	sadd.s32 s3, s9;
	s6 =	sadd.s32 @!p0 $0x88, s6;
	s7 =	simm.s32 @p2 $0x1082  }
0x22: {  	[simem:s7], [sflag:s8] =	dma.local @!p0 [hbm:s6], $0xF7A  }
0x23: {  	s9 =	sor.u32 $0xD0000000, s2;
	s6 =	simm.s32 $0x108;
	_ =	swait.ge @!p0 [sflag:s8], $0x0  }
0x24: {  	s3 =	sadd.s32 $0x88, s3;
	s6 =	simm.s32 @!p1 $0x1082;
	[sflag:s4] =	ssyncset.s32 $0xFFFFF086  }
0x25: {  	[simem:s6], [sflag:s4] =	dma.local [hbm:s3], $0xF7A  }
0x26: {  	[smem:$0x3F9D] =	sst s1;
	(tag) =	ssettag s2;
	_ =	strace s9  }
0x27: {  	s1 =	sld [smem:$0x3FAD]  }
0x28: {  	s2 =	sld [smem:$0x3FAE]  }
0x29: {  	s4 =	sld [smem:$0x3FB0]  }
0x2a: {  	p0 =	seq.s32 s5, $0x0;
	s5 =	sld [smem:$0x3FB1]  }
0x2b: {  	s6 =	sld [smem:$0x3FB2]  }
0x2c: {  	s7 =	sld [smem:$0x3FB3]  }
0x2d: {  	s3 =	simm.s32 $0x108;
	s8 =	sld [smem:$0x3FB4]  }
0x2e: {  	s3 =	simm.s32 @!p0 $0x1082;
	s9 =	sld [smem:$0x3FB5]  }
0x2f: {  	lr =	sadd.s32 s0, s3;
	s0 =	sld [smem:$0x3FAC]  }
0x30: {  	s3 =	sld [smem:$0x3FAF]  }
0x31: {  	[smem:$0x3FB8] =	sst s10  }
0x32: {  	s10 =	sld [smem:$0x3FB6];
	_ =	sdelay $0x3  }
0x33: {  	p0 =	seq.s32 s10, $0x1;
	s10 =	sld [smem:$0x3FB8];
	_ =	sdelay $0x3  }
0x34: {  	[smem:$0x3FB8] =	sst s10  }
0x35: {  	s10 =	sld [smem:$0x3FB7];
	_ =	sdelay $0x3  }
0x36: {  	p1 =	seq.s32 s10, $0x1;
	s10 =	sld [smem:$0x3FB8];
	_ =	sdelay $0x3  }
0x37: {  	[smem:$0x3FB8] =	sst s10  }
0x38: {  	s10 =	sld [smem:$0x3FB9]  }
0x39: {  	_ = 	snop;
	(pc) =	sbr.ind lr, $3  }
0x3a: {  	_ = 	snop  }
0x3b: {  	_ = 	snop  }
0x3c: {  	p2 =	seq.s32 s10, $0x1;
	s10 =	sld [smem:$0x3FB8]  }
0x3d: {  	_ =	shalt  }
0x3e: {  	_ =	shalt  }
0x3f: {  	_ =	shalt  }
0x40: {  	_ =	shalt  }
0x41: {  	_ =	shalt  }
0x42: {  	_ =	shalt  }
0x43: {  	_ =	shalt  }
0x44: {  	_ =	shalt  }
0x45: {  	_ =	shalt  }
0x46: {  	_ =	shalt  }
0x47: {  	_ =	shalt  }
0x48: {  	_ =	shalt  }
0x49: {  	_ =	shalt  }
0x4a: {  	_ =	shalt  }
0x4b: {  	_ =	shalt  }
0x4c: {  	_ =	shalt  }
0x4d: {  	_ =	shalt  }
0x4e: {  	_ =	shalt  }
0x4f: {  	_ =	shalt  }
0x50: {  	_ =	shalt  }
0x51: {  	_ =	shalt  }
0x52: {  	_ =	shalt  }
0x53: {  	_ =	shalt  }
0x54: {  	_ =	shalt  }
0x55: {  	_ =	shalt  }
0x56: {  	_ =	shalt  }
0x57: {  	_ =	shalt  }
0x58: {  	_ =	shalt  }
0x59: {  	_ =	shalt  }
0x5a: {  	_ =	shalt  }
0x5b: {  	_ =	shalt  }
0x5c: {  	_ =	shalt  }
0x5d: {  	_ =	shalt  }
0x5e: {  	_ =	shalt  }
0x5f: {  	_ =	shalt  }
0x60: {  	_ =	shalt  }
0x61: {  	_ =	shalt  }
0x62: {  	_ =	shalt  }
0x63: {  	_ =	shalt  }
0x64: {  	_ =	shalt  }
0x65: {  	_ =	shalt  }
0x66: {  	_ =	shalt  }
0x67: {  	_ =	shalt  }
0x68: {  	_ =	shalt  }
0x69: {  	_ =	shalt  }
0x6a: {  	_ =	shalt  }
0x6b: {  	_ =	shalt  }
0x6c: {  	_ =	shalt  }
0x6d: {  	_ =	shalt  }
0x6e: {  	_ =	shalt  }
0x6f: {  	_ =	shalt  }
0x70: {  	_ =	shalt  }
0x71: {  	_ =	shalt  }
0x72: {  	_ =	shalt  }
0x73: {  	_ =	shalt  }
0x74: {  	_ =	shalt  }
0x75: {  	_ =	shalt  }
0x76: {  	_ =	shalt  }
0x77: {  	_ =	shalt  }
0x78: {  	_ =	shalt  }
0x79: {  	_ =	shalt  }
0x7a: {  	_ =	shalt  }
0x7b: {  	_ =	shalt  }
0x7c: {  	_ =	shalt  }
0x7d: {  	_ =	shalt  }
0x7e: {  	_ =	shalt  }
0x7f: {  	_ =	shalt  }
0x80: {  	_ =	shalt  }
0x81: {  	_ =	shalt  }
0x82: {  	_ =	shalt  }
0x83: {  	_ =	shalt  }
0x84: {  	_ =	shalt  }
0x85: {  	_ =	shalt  }
0x86: {  	_ =	shalt  }
0x87: {  	_ =	shalt  }
.Lfunc_end0:
.L_simem_size_0:
called_computation_lowered:
.L_overlay_start_0:
0x88: {  	s2 =	sld [smem:$0x3FD9]  }
0x89: {  	s3 =	sld [smem:$0x3FFE];
	_ =	sdelay $0x1  }
0x8a: {  	s1 =	srdreg.scid  }
0x8b: {  	s0 =	sand.u32 $0x1, s1  }
0x8c: {  	s17 =	sshll.u32 s0, $0xA;
	s2 =	sadd.s32 s3, s2  }
0x8d: {  	s2 =	sadd.s32 s2, s17  }
0x8e: {  	[smem:$0x3FC4] =	sst s2  }
0x8f: {  	_ = 	snop  }
0x90: {  	s2 =	sld [smem:$0x3FC9]  }
0x91: {  	s18 =	sld [smem:$0x3FC8]  }
0x92: {  	s4 =	sld [smem:$0x3FD0];
	(tm) =	ssettm $0x1  }
0x93: {  	s5 =	sld [smem:$0x3FFB];
	_ =	sdelay $0x3  }
0x94: {  	_ =	strace s5  }
0x95: {  	s5 =	sld [smem:$0x3FFC];
	_ =	sdelay $0x3  }
0x96: {  	_ =	strace s5  }
0x97: {  	s5 =	sld [smem:$0x3FFD];
	_ =	sdelay $0x3  }
0x98: {  	_ =	strace s5  }
0x99: {  	_ =	strace $0x8FFFFFFF  }
0x9a: {  	s19 =	sld [smem:$0x3FDB];
	_ =	sdelay $0x1  }
0x9b: {  	s6 =	simm.s32 $_scs_section_size  }
0x9c: {  	s7 =	simm.s32 $_size__tile_overlayer_lowered;
	s8 =	simm.s32 $_tile_overlayer_lowered  }
0x9d: {  	s22 =	simm.s32 $0x1BFF;
	s21 =	sshll.u32 s8, $0x1;
	s5 =	sadd.s32 s6, s19  }
0x9e: {  	s9 =	simm.s32 $0x0;
	s20 =	sshll.u32 s7, $0x1;
	s7 =	sadd.s32 s21, s5  }
0x9f: {  	[timem:s9], [sflag:s22] =	dma.local [hbm:s7], s20  }
0xa0: {  	_ =	swait.ge [sflag:s22], s20  }
0xa1: {  	s6 =	ssub.s32 $0x0, s20;
	[sflag:s22] =	ssyncset.done $0x0  }
0xa2: {  	[sflag:s22] =	ssyncadd.s32 s6;
	_ =	sdelay $0x1  }
0xa3: {  	s23 =	simm.s32 $0x1B8B  }
0xa4: {  	_ =	swait.ge [sflag:s23], $0x1  }
0xa5: {  	[sflag:s23] =	ssyncset.done $0x0  }
0xa6: {  	s25 =	simm.s32 $0x1B8E;
	s24 =	sld [smem:$0x3FFE];
	[sflag:s23] =	ssyncadd.s32 $0xFFFFFFFF  }
0xa7: {  	s26 =	simm.s32 $execute0_lowered;
	[smem:$0x3FD2] =	sst s25  }
0xa8: {  	s7 =	sshll.u32 s26, $0x1;
	_ =	strace $0x80000046;
	[dreg:$0x1] =	wrdreg $0xFFFFFFFF  }
0xa9: {  	s28 =	simm.s32 $_size_execute0_lowered;
	s5 =	sadd.s32 s5, s7;
	[dreg:$0x0] =	wrdreg $0x0  }
0xaa: {  	s7 =	sshll.u32 s28, $0x1;
	[dreg:$0x2] =	wrdreg s5  }
0xab: {  	[dreg:$0x3] =	wrdreg s7  }
0xac: {  	[dreg:$0x4] =	wrdreg $0xC0  }
0xad: {  	_ =	task [dreg:s9], $0x5FFFF  }
0xae: {  	[dreg:$0x1] =	wrdreg $0xFFFFFFFF  }
0xaf: {  	[dreg:$0x0] =	wrdreg $0x60  }
0xb0: {  	[dreg:$0x2] =	wrdreg s2  }
0xb1: {  	[dreg:$0x3] =	wrdreg s18  }
0xb2: {  	[dreg:$0x4] =	wrdreg s24  }
0xb3: {  	[dreg:$0x5] =	wrdreg s4  }
0xb4: {  	[dreg:$0x6] =	wrdreg $0x9  }
0xb5: {  	_ =	task.clear_ibuf [dreg:s9], $0x7FFFF;
	_ =	strace $0x90000046  }
0xb6: {  	s29 =	simm.s32 $0x9;
	_ =	strace $0x80000048  }
0xb7: {  	_ =	swait.ge [sflag:s29], $0x1  }
0xb8: {  	[sflag:s29] =	ssyncadd.s32 $0xFFFFFFFF  }
0xb9: {  	_ =	strace $0x90000048  }
0xba: {  	_ =	sfence  }
0xbb: {  	s30 =	sld [smem:$0x0];
	_ =	sdelay $0x2  }
0xbc: {  	s31 =	sshll.u32 s1, $0xD;
	s1 =	sshrl.u32 s1, $0x2  }
0xbd: {  	s3 =	sand.u32 $0x4000, s31;
	s1 =	sadd.s32 s1, s30  }
0xbe: {  	s0 =	sor.u32 s3, s0;
	s1 =	sshll.u32 s1, $0x11  }
0xbf: {  	s0 =	sor.u32 s1, s0  }
0xc0: {  	s0 =	sadd.s32 $0x8F2B, s0  }
0xc1: {  	[sflag:s0] =	ssyncadd.remote.s32 $0x1  }
0xc2: {  	_ =	sfence.sel $0xFFFF  }
0xc3: {  	[dreg:$0x0] =	wrdreg $0xFFFFFFFF;
	(pc) =	sbr.abs _section_cstart, $3  }
0xc4: {  	[dreg:$0x1] =	wrdreg $0xFFFFFFFF  }
0xc5: {  	_ =	task.clear_ibuf [dreg:s9], $0x2FFFF;
	_ =	strace $0x9FFFFFFF  }
0xc6: {  	(tm) =	ssettm $0x7FFFFFFF  }
0xc7: {  	_ =	shalt  }
tec
execute0_lowered:
.L_overlay_start_1:
0x0: {  	(tag) =	ssettag $0x1  }
0x1: {  	s5 =	rddreg [dreg:$0x0]  }
0x2: {  	s6 =	rddreg [dreg:$0x1]  }
0x3: {  	s4 =	rddreg [dreg:$0x2]  }
0x4: {  	s7 =	rddreg [dreg:$0x3]  }
0x5: {  	s0 =	rddreg [dreg:$0x4];
	s1 =	simm.s32 $0x0;
	s2 =	srdreg.scid  }
0x6: {  	s12 =	simm.s32 $0x400;
	s13 =	simm.s32 $0x8400;
	s14 =	simm.s32 $0x2400  }
0x7: {  	s15 =	simm.s32 $0x280;
	s16 =	simm.s32 $0xA400;
	s17 =	simm.s32 $0x100  }
0x8: {  	s18 =	simm.s32 $0x4400;
	s19 =	simm.s32 $0x300;
	s20 =	simm.s32 $0xC400  }
0x9: {  	s21 =	simm.s32 $0x180;
	s22 =	simm.s32 $0x6400;
	s23 =	simm.s32 $0x380  }
0xa: {  	s24 =	simm.s32 $0xE400;
	s25 =	simm.s32 $0x1;
	s26 =	simm.s32 $0x2  }
0xb: {  	s28 =	simm.s32 $0x10400;
	s29 =	simm.s32 $0x0;
	[smem:$0x7FF] =	sst s1  }
0xc: {  	s8 =	sand.u32 $0x1, s2;
	s3 =	sadd.s32 $0x188A00, s4;
	s2 =	stileid.u32  }
0xd: {  	s4 =	sadd.s32 $0x24C000, s4;
	_ =	strace $0x80000047;
	s9 =	ssub.s32 $0x2, s8  }
0xe: {  	s11 =	sshll.u32 s2, $0x7;
	s8 =	sshll.u32 s8, $0x6;
	s10 =	sshrl.u32 s9, $0x1  }
0xf: {  	v0 =	vlaneseq.u32;
	s8 =	sor.u32 s8, s11;
	s11 =	simm.s32 $0x80;
	s9 =	ssub.s32 s9, s10  }
0x10: {  	v0 =	vmul.u32 $0x40, v0;
	s5 =	sadd.s32 s5, s8;
	s6 =	sadd.s32 s6, s8;
	s7 =	sadd.s32 s7, s8  }
0x11: {  	s10 =	simm.s32 $0x200;
	s8 =	smax.u32 s9, $0x1;
	s9 =	simm.s32 $0x3  }
.LBB2_1:
0x12: {  	[tilespmem:s1], [sflag:$0x3] =	stream.linear.gather [hbm4b:s5+s1], $0x200, $0x38;
	[tilespmem:$0x10600] =	vst v63  }
0x13: {  	_ =	swait.ge [sflag:s9], $0x200  }
0x14: {  	[sflag:s9] =	ssyncset.done $0x0  }
0x15: {  	[sflag:s9] =	ssyncadd.s32 $0xFFFFFE00  }
0x16: {  	[tilespmem:s10], [sflag:$0x3] =	stream.linear.gather [hbm4b:s6+s1], $0x200, $0x38;
	[tilespmem:$0x10600] =	vst v63  }
0x17: {  	_ =	swait.ge [sflag:s9], $0x200  }
0x18: {  	[sflag:s9] =	ssyncset.done $0x0  }
0x19: {  	[sflag:s9] =	ssyncadd.s32 $0xFFFFFE00  }
0x1a: {  	[tilespmem:s12], [sflag:$0x1] =	stream.indirect.gather [hbm4b:s3+s11], $0x40, s1, s11, $0xb8;
	[tilespmem:$0x10600] =	vst v63  }
0x1b: {  	_ = 	snop  }
0x1c: {  	[tilespmem:s13], [sflag:$0x2] =	stream.indirect.gather [hbm4b:s4+s11], $0x40, s10, s11, $0xb8;
	[tilespmem:$0x10600] =	vst v63  }
0x1d: {  	_ = 	snop  }
0x1e: {  	[tilespmem:s14], [sflag:$0x1] =	stream.indirect.gather [hbm4b:s3+s11], $0x40, s11, s11, $0xb8;
	[tilespmem:$0x10600] =	vst v63  }
0x1f: {  	_ = 	snop  }
0x20: {  	[tilespmem:s16], [sflag:$0x2] =	stream.indirect.gather [hbm4b:s4+s11], $0x40, s15, s11, $0xb8;
	[tilespmem:$0x10600] =	vst v63  }
0x21: {  	_ = 	snop  }
0x22: {  	[tilespmem:s18], [sflag:$0x1] =	stream.indirect.gather [hbm4b:s3+s11], $0x40, s17, s11, $0xb8;
	[tilespmem:$0x10600] =	vst v63  }
0x23: {  	_ = 	snop  }
0x24: {  	[tilespmem:s20], [sflag:$0x2] =	stream.indirect.gather [hbm4b:s4+s11], $0x40, s19, s11, $0xb8;
	[tilespmem:$0x10600] =	vst v63  }
0x25: {  	_ = 	snop  }
0x26: {  	[tilespmem:s22], [sflag:$0x1] =	stream.indirect.gather [hbm4b:s3+s11], $0x40, s21, s11, $0xb8;
	[tilespmem:$0x10600] =	vst v63  }
0x27: {  	_ = 	snop  }
0x28: {  	v1 =	vmov s1;
	[tilespmem:s24], [sflag:$0x2] =	stream.indirect.gather [hbm4b:s4+s11], $0x40, s23, s11, $0xb8;
	[tilespmem:$0x10600] =	vst v63  }
0x29: {  	v1 =	vshll.u32 v1, $0x6;
	_ =	swait.ge [sflag:s25], $0x2000  }
0x2a: {  	v1 =	vor.u32 v0, v1;
	[sflag:s25] =	ssyncset.done $0x0  }
0x2b: {  	[sflag:s25] =	ssyncadd.s32 $0xFFFFE000  }
0x2c: {  	v2 =	vor.u32 $0x1, v1;
	_ =	swait.ge [sflag:s26], $0x2000  }
0x2d: {  	[sflag:s26] =	ssyncset.done $0x0  }
0x2e: {  	v3 =	vor.u32 $0x2, v1;
	[sflag:s26] =	ssyncadd.s32 $0xFFFFE000  }
0x2f: {  	v4 =	vld.idx.msk [tilespmem:v1+s13+$0x0], $0xffff  }
0x30: {  	v6 =	vor.u32 $0x3, v1;
	v5 =	vld.idx.msk [tilespmem:v1+s12+$0x0], $0xffff  }
0x31: {  	v7 =	vld.idx.msk [tilespmem:v2+s12+$0x0], $0xffff  }
0x32: {  	v8 =	vor.u32 $0x4, v1;
	v2 =	vld.idx.msk [tilespmem:v2+s13+$0x0], $0xffff  }
0x33: {  	v9 =	vld.idx.msk [tilespmem:v3+s12+$0x0], $0xffff  }
0x34: {  	v10 =	vor.u32 $0x5, v1;
	v3 =	vld.idx.msk [tilespmem:v3+s13+$0x0], $0xffff  }
0x35: {  	v11 =	vld.idx.msk [tilespmem:v6+s12+$0x0], $0xffff;
	v4 =	vmul.f32 v4, v5  }
0x36: {  	v5 =	vld.idx.msk [tilespmem:v6+s13+$0x0], $0xffff;
	v6 =	vor.u32 $0x6, v1  }
0x37: {  	v12 =	vld.idx.msk [tilespmem:v8+s12+$0x0], $0xffff;
	v2 =	vmul.f32 v2, v7;
	v4 =	vadd.f32 $0.0e+00, v4  }
0x38: {  	v61 =	vor.u32 $0x7, v1;
	v7 =	vld.idx.msk [tilespmem:v8+s13+$0x0], $0xffff  }
0x39: {  	v13 =	vld.idx.msk [tilespmem:v10+s12+$0x0], $0xffff;
	v3 =	vmul.f32 v3, v9;
	v2 =	vadd.f32 v2, v4  }
0x3a: {  	v62 =	vor.u32 $0x8, v1;
	v4 =	vld.idx.msk [tilespmem:v10+s13+$0x0], $0xffff  }
0x3b: {  	v63 =	vld.idx.msk [tilespmem:v6+s12+$0x0], $0xffff;
	v2 =	vadd.f32 v3, v2;
	v3 =	vmul.f32 v5, v11  }
0x3c: {  	v5 =	vld.idx.msk [tilespmem:v6+s13+$0x0], $0xffff;
	v6 =	vor.u32 $0x9, v1  }
0x3d: {  	v16 =	vld.idx.msk [tilespmem:v61+s12+$0x0], $0xffff;
	v2 =	vadd.f32 v3, v2;
	v3 =	vmul.f32 v7, v12  }
0x3e: {  	v17 =	vor.u32 $0xA, v1;
	v7 =	vld.idx.msk [tilespmem:v61+s13+$0x0], $0xffff  }
0x3f: {  	v18 =	vld.idx.msk [tilespmem:v62+s12+$0x0], $0xffff;
	v2 =	vadd.f32 v3, v2;
	v3 =	vmul.f32 v4, v13  }
0x40: {  	v19 =	vor.u32 $0xB, v1;
	v4 =	vld.idx.msk [tilespmem:v62+s13+$0x0], $0xffff  }
0x41: {  	v20 =	vld.idx.msk [tilespmem:v6+s12+$0x0], $0xffff;
	v2 =	vadd.f32 v3, v2;
	v3 =	vmul.f32 v5, v63  }
0x42: {  	v5 =	vld.idx.msk [tilespmem:v6+s13+$0x0], $0xffff;
	v6 =	vor.u32 $0xC, v1  }
0x43: {  	v21 =	vld.idx.msk [tilespmem:v17+s12+$0x0], $0xffff;
	v2 =	vadd.f32 v3, v2;
	v3 =	vmul.f32 v7, v16  }
0x44: {  	v22 =	vor.u32 $0xD, v1;
	v7 =	vld.idx.msk [tilespmem:v17+s13+$0x0], $0xffff  }
0x45: {  	v23 =	vld.idx.msk [tilespmem:v19+s12+$0x0], $0xffff;
	v2 =	vadd.f32 v3, v2;
	v3 =	vmul.f32 v4, v18  }
0x46: {  	v24 =	vor.u32 $0xE, v1;
	v4 =	vld.idx.msk [tilespmem:v19+s13+$0x0], $0xffff  }
0x47: {  	v25 =	vld.idx.msk [tilespmem:v6+s12+$0x0], $0xffff;
	v2 =	vadd.f32 v3, v2;
	v3 =	vmul.f32 v5, v20  }
0x48: {  	v5 =	vld.idx.msk [tilespmem:v6+s13+$0x0], $0xffff;
	v6 =	vor.u32 $0xF, v1  }
0x49: {  	v26 =	vld.idx.msk [tilespmem:v22+s12+$0x0], $0xffff;
	v2 =	vadd.f32 v3, v2;
	v3 =	vmul.f32 v7, v21  }
0x4a: {  	v27 =	vor.u32 $0x10, v1;
	v7 =	vld.idx.msk [tilespmem:v22+s13+$0x0], $0xffff  }
0x4b: {  	v28 =	vld.idx.msk [tilespmem:v24+s12+$0x0], $0xffff;
	v2 =	vadd.f32 v3, v2;
	v3 =	vmul.f32 v4, v23  }
0x4c: {  	v29 =	vor.u32 $0x11, v1;
	v4 =	vld.idx.msk [tilespmem:v24+s13+$0x0], $0xffff  }
0x4d: {  	v30 =	vld.idx.msk [tilespmem:v6+s12+$0x0], $0xffff;
	v2 =	vadd.f32 v3, v2;
	v3 =	vmul.f32 v5, v25  }
0x4e: {  	v5 =	vld.idx.msk [tilespmem:v6+s13+$0x0], $0xffff;
	v6 =	vor.u32 $0x12, v1  }
0x4f: {  	v31 =	vld.idx.msk [tilespmem:v27+s12+$0x0], $0xffff;
	v2 =	vadd.f32 v3, v2;
	v3 =	vmul.f32 v7, v26  }
0x50: {  	v32 =	vor.u32 $0x13, v1;
	v7 =	vld.idx.msk [tilespmem:v27+s13+$0x0], $0xffff  }
0x51: {  	v33 =	vld.idx.msk [tilespmem:v29+s12+$0x0], $0xffff;
	v2 =	vadd.f32 v3, v2;
	v3 =	vmul.f32 v4, v28  }
0x52: {  	v34 =	vor.u32 $0x14, v1;
	v4 =	vld.idx.msk [tilespmem:v29+s13+$0x0], $0xffff  }
0x53: {  	v35 =	vld.idx.msk [tilespmem:v6+s12+$0x0], $0xffff;
	v2 =	vadd.f32 v3, v2;
	v3 =	vmul.f32 v5, v30  }
0x54: {  	v5 =	vld.idx.msk [tilespmem:v6+s13+$0x0], $0xffff;
	v6 =	vor.u32 $0x15, v1  }
0x55: {  	v36 =	vld.idx.msk [tilespmem:v32+s12+$0x0], $0xffff;
	v2 =	vadd.f32 v3, v2;
	v3 =	vmul.f32 v7, v31  }
0x56: {  	v37 =	vor.u32 $0x16, v1;
	v7 =	vld.idx.msk [tilespmem:v32+s13+$0x0], $0xffff  }
0x57: {  	v38 =	vld.idx.msk [tilespmem:v34+s12+$0x0], $0xffff;
	v2 =	vadd.f32 v3, v2;
	v3 =	vmul.f32 v4, v33  }
0x58: {  	v39 =	vor.u32 $0x17, v1;
	v4 =	vld.idx.msk [tilespmem:v34+s13+$0x0], $0xffff  }
0x59: {  	v40 =	vld.idx.msk [tilespmem:v6+s12+$0x0], $0xffff;
	v2 =	vadd.f32 v3, v2;
	v3 =	vmul.f32 v5, v35  }
0x5a: {  	v5 =	vld.idx.msk [tilespmem:v6+s13+$0x0], $0xffff;
	v6 =	vor.u32 $0x18, v1  }
0x5b: {  	v41 =	vld.idx.msk [tilespmem:v37+s12+$0x0], $0xffff;
	v2 =	vadd.f32 v3, v2;
	v3 =	vmul.f32 v7, v36  }
0x5c: {  	v42 =	vor.u32 $0x19, v1;
	v7 =	vld.idx.msk [tilespmem:v37+s13+$0x0], $0xffff  }
0x5d: {  	v43 =	vld.idx.msk [tilespmem:v39+s12+$0x0], $0xffff;
	v2 =	vadd.f32 v3, v2;
	v3 =	vmul.f32 v4, v38  }
0x5e: {  	v44 =	vor.u32 $0x1A, v1;
	v4 =	vld.idx.msk [tilespmem:v39+s13+$0x0], $0xffff  }
0x5f: {  	v45 =	vld.idx.msk [tilespmem:v6+s12+$0x0], $0xffff;
	v2 =	vadd.f32 v3, v2;
	v3 =	vmul.f32 v5, v40  }
0x60: {  	v5 =	vld.idx.msk [tilespmem:v6+s13+$0x0], $0xffff;
	v6 =	vor.u32 $0x1B, v1  }
0x61: {  	v46 =	vld.idx.msk [tilespmem:v42+s12+$0x0], $0xffff;
	v2 =	vadd.f32 v3, v2;
	v3 =	vmul.f32 v7, v41  }
0x62: {  	v47 =	vor.u32 $0x1C, v1;
	v7 =	vld.idx.msk [tilespmem:v42+s13+$0x0], $0xffff  }
0x63: {  	v48 =	vld.idx.msk [tilespmem:v44+s12+$0x0], $0xffff;
	v2 =	vadd.f32 v3, v2;
	v3 =	vmul.f32 v4, v43  }
0x64: {  	v49 =	vor.u32 $0x1D, v1;
	v4 =	vld.idx.msk [tilespmem:v44+s13+$0x0], $0xffff  }
0x65: {  	v50 =	vld.idx.msk [tilespmem:v6+s12+$0x0], $0xffff;
	v2 =	vadd.f32 v3, v2;
	v3 =	vmul.f32 v5, v45  }
0x66: {  	v5 =	vld.idx.msk [tilespmem:v6+s13+$0x0], $0xffff;
	v6 =	vor.u32 $0x1E, v1  }
0x67: {  	v51 =	vld.idx.msk [tilespmem:v47+s12+$0x0], $0xffff;
	v2 =	vadd.f32 v3, v2;
	v3 =	vmul.f32 v7, v46  }
0x68: {  	v52 =	vor.u32 $0x1F, v1;
	v7 =	vld.idx.msk [tilespmem:v47+s13+$0x0], $0xffff  }
0x69: {  	v53 =	vld.idx.msk [tilespmem:v49+s12+$0x0], $0xffff;
	v2 =	vadd.f32 v3, v2;
	v3 =	vmul.f32 v4, v48  }
0x6a: {  	v54 =	vor.u32 $0x20, v1;
	v4 =	vld.idx.msk [tilespmem:v49+s13+$0x0], $0xffff  }
0x6b: {  	v55 =	vld.idx.msk [tilespmem:v6+s12+$0x0], $0xffff;
	v2 =	vadd.f32 v3, v2;
	v3 =	vmul.f32 v5, v50  }
0x6c: {  	v5 =	vld.idx.msk [tilespmem:v6+s13+$0x0], $0xffff;
	v6 =	vor.u32 $0x21, v1  }
0x6d: {  	v56 =	vld.idx.msk [tilespmem:v52+s12+$0x0], $0xffff;
	v2 =	vadd.f32 v3, v2;
	v3 =	vmul.f32 v7, v51  }
0x6e: {  	v57 =	vor.u32 $0x22, v1;
	v7 =	vld.idx.msk [tilespmem:v52+s13+$0x0], $0xffff  }
0x6f: {  	v58 =	vld.idx.msk [tilespmem:v54+s12+$0x0], $0xffff;
	v2 =	vadd.f32 v3, v2;
	v3 =	vmul.f32 v4, v53  }
0x70: {  	v59 =	vor.u32 $0x23, v1;
	v4 =	vld.idx.msk [tilespmem:v54+s13+$0x0], $0xffff  }
0x71: {  	v60 =	vld.idx.msk [tilespmem:v6+s12+$0x0], $0xffff;
	v2 =	vadd.f32 v3, v2;
	v3 =	vmul.f32 v5, v55  }
0x72: {  	v5 =	vld.idx.msk [tilespmem:v6+s13+$0x0], $0xffff;
	v6 =	vor.u32 $0x24, v1  }
0x73: {  	v61 =	vld.idx.msk [tilespmem:v57+s12+$0x0], $0xffff;
	v2 =	vadd.f32 v3, v2;
	v3 =	vmul.f32 v7, v56  }
0x74: {  	v62 =	vor.u32 $0x25, v1;
	v7 =	vld.idx.msk [tilespmem:v57+s13+$0x0], $0xffff  }
0x75: {  	v63 =	vld.idx.msk [tilespmem:v59+s12+$0x0], $0xffff;
	v2 =	vadd.f32 v3, v2;
	v3 =	vmul.f32 v4, v58  }
0x76: {  	v16 =	vor.u32 $0x26, v1;
	v4 =	vld.idx.msk [tilespmem:v59+s13+$0x0], $0xffff  }
0x77: {  	v17 =	vld.idx.msk [tilespmem:v6+s12+$0x0], $0xffff;
	v2 =	vadd.f32 v3, v2;
	v3 =	vmul.f32 v5, v60  }
0x78: {  	v5 =	vld.idx.msk [tilespmem:v6+s13+$0x0], $0xffff;
	v6 =	vor.u32 $0x27, v1  }
0x79: {  	v18 =	vld.idx.msk [tilespmem:v62+s12+$0x0], $0xffff;
	v2 =	vadd.f32 v3, v2;
	v3 =	vmul.f32 v7, v61  }
0x7a: {  	v19 =	vor.u32 $0x28, v1;
	v7 =	vld.idx.msk [tilespmem:v62+s13+$0x0], $0xffff  }
0x7b: {  	v20 =	vld.idx.msk [tilespmem:v16+s12+$0x0], $0xffff;
	v2 =	vadd.f32 v3, v2;
	v3 =	vmul.f32 v4, v63  }
0x7c: {  	v21 =	vor.u32 $0x29, v1;
	v4 =	vld.idx.msk [tilespmem:v16+s13+$0x0], $0xffff  }
0x7d: {  	v22 =	vld.idx.msk [tilespmem:v6+s12+$0x0], $0xffff;
	v2 =	vadd.f32 v3, v2;
	v3 =	vmul.f32 v5, v17  }
0x7e: {  	v5 =	vld.idx.msk [tilespmem:v6+s13+$0x0], $0xffff;
	v6 =	vor.u32 $0x2A, v1  }
0x7f: {  	v23 =	vld.idx.msk [tilespmem:v19+s12+$0x0], $0xffff;
	v2 =	vadd.f32 v3, v2;
	v3 =	vmul.f32 v7, v18  }
0x80: {  	v24 =	vor.u32 $0x2B, v1;
	v7 =	vld.idx.msk [tilespmem:v19+s13+$0x0], $0xffff  }
0x81: {  	v25 =	vld.idx.msk [tilespmem:v21+s12+$0x0], $0xffff;
	v2 =	vadd.f32 v3, v2;
	v3 =	vmul.f32 v4, v20  }
0x82: {  	v26 =	vor.u32 $0x2C, v1;
	v4 =	vld.idx.msk [tilespmem:v21+s13+$0x0], $0xffff  }
0x83: {  	v27 =	vld.idx.msk [tilespmem:v6+s12+$0x0], $0xffff;
	v2 =	vadd.f32 v3, v2;
	v3 =	vmul.f32 v5, v22  }
0x84: {  	v5 =	vld.idx.msk [tilespmem:v6+s13+$0x0], $0xffff;
	v6 =	vor.u32 $0x2D, v1  }
0x85: {  	v28 =	vld.idx.msk [tilespmem:v24+s12+$0x0], $0xffff;
	v2 =	vadd.f32 v3, v2;
	v3 =	vmul.f32 v7, v23  }
0x86: {  	v29 =	vor.u32 $0x2E, v1;
	v7 =	vld.idx.msk [tilespmem:v24+s13+$0x0], $0xffff  }
0x87: {  	v30 =	vld.idx.msk [tilespmem:v26+s12+$0x0], $0xffff;
	v2 =	vadd.f32 v3, v2;
	v3 =	vmul.f32 v4, v25  }
0x88: {  	v31 =	vor.u32 $0x2F, v1;
	v4 =	vld.idx.msk [tilespmem:v26+s13+$0x0], $0xffff  }
0x89: {  	v32 =	vld.idx.msk [tilespmem:v6+s12+$0x0], $0xffff;
	v2 =	vadd.f32 v3, v2;
	v3 =	vmul.f32 v5, v27  }
0x8a: {  	v5 =	vld.idx.msk [tilespmem:v6+s13+$0x0], $0xffff;
	v6 =	vor.u32 $0x30, v1  }
0x8b: {  	v33 =	vld.idx.msk [tilespmem:v29+s12+$0x0], $0xffff;
	v2 =	vadd.f32 v3, v2;
	v3 =	vmul.f32 v7, v28  }
0x8c: {  	v34 =	vor.u32 $0x31, v1;
	v7 =	vld.idx.msk [tilespmem:v29+s13+$0x0], $0xffff  }
0x8d: {  	v35 =	vld.idx.msk [tilespmem:v31+s12+$0x0], $0xffff;
	v2 =	vadd.f32 v3, v2;
	v3 =	vmul.f32 v4, v30  }
0x8e: {  	v36 =	vor.u32 $0x32, v1;
	v4 =	vld.idx.msk [tilespmem:v31+s13+$0x0], $0xffff  }
0x8f: {  	v37 =	vld.idx.msk [tilespmem:v6+s12+$0x0], $0xffff;
	v2 =	vadd.f32 v3, v2;
	v3 =	vmul.f32 v5, v32  }
0x90: {  	v5 =	vld.idx.msk [tilespmem:v6+s13+$0x0], $0xffff;
	v6 =	vor.u32 $0x33, v1  }
0x91: {  	v38 =	vld.idx.msk [tilespmem:v34+s12+$0x0], $0xffff;
	v2 =	vadd.f32 v3, v2;
	v3 =	vmul.f32 v7, v33  }
0x92: {  	v39 =	vor.u32 $0x34, v1;
	v7 =	vld.idx.msk [tilespmem:v34+s13+$0x0], $0xffff  }
0x93: {  	v40 =	vld.idx.msk [tilespmem:v36+s12+$0x0], $0xffff;
	v2 =	vadd.f32 v3, v2;
	v3 =	vmul.f32 v4, v35  }
0x94: {  	v41 =	vor.u32 $0x35, v1;
	v4 =	vld.idx.msk [tilespmem:v36+s13+$0x0], $0xffff  }
0x95: {  	v42 =	vld.idx.msk [tilespmem:v6+s12+$0x0], $0xffff;
	v2 =	vadd.f32 v3, v2;
	v3 =	vmul.f32 v5, v37  }
0x96: {  	v5 =	vld.idx.msk [tilespmem:v6+s13+$0x0], $0xffff;
	v6 =	vor.u32 $0x36, v1  }
0x97: {  	v43 =	vld.idx.msk [tilespmem:v39+s12+$0x0], $0xffff;
	v2 =	vadd.f32 v3, v2;
	v3 =	vmul.f32 v7, v38  }
0x98: {  	v44 =	vor.u32 $0x37, v1;
	v7 =	vld.idx.msk [tilespmem:v39+s13+$0x0], $0xffff  }
0x99: {  	v45 =	vld.idx.msk [tilespmem:v41+s12+$0x0], $0xffff;
	v2 =	vadd.f32 v3, v2;
	v3 =	vmul.f32 v4, v40  }
0x9a: {  	v46 =	vor.u32 $0x38, v1;
	v4 =	vld.idx.msk [tilespmem:v41+s13+$0x0], $0xffff  }
0x9b: {  	v47 =	vld.idx.msk [tilespmem:v6+s12+$0x0], $0xffff;
	v2 =	vadd.f32 v3, v2;
	v3 =	vmul.f32 v5, v42  }
0x9c: {  	v5 =	vld.idx.msk [tilespmem:v6+s13+$0x0], $0xffff;
	v6 =	vor.u32 $0x39, v1  }
0x9d: {  	v48 =	vld.idx.msk [tilespmem:v44+s12+$0x0], $0xffff;
	v2 =	vadd.f32 v3, v2;
	v3 =	vmul.f32 v7, v43  }
0x9e: {  	v49 =	vor.u32 $0x3A, v1;
	v7 =	vld.idx.msk [tilespmem:v44+s13+$0x0], $0xffff  }
0x9f: {  	v50 =	vld.idx.msk [tilespmem:v46+s12+$0x0], $0xffff;
	v2 =	vadd.f32 v3, v2;
	v3 =	vmul.f32 v4, v45  }
0xa0: {  	v51 =	vor.u32 $0x3B, v1;
	v4 =	vld.idx.msk [tilespmem:v46+s13+$0x0], $0xffff  }
0xa1: {  	v52 =	vld.idx.msk [tilespmem:v6+s12+$0x0], $0xffff;
	v2 =	vadd.f32 v3, v2;
	v3 =	vmul.f32 v5, v47  }
0xa2: {  	v5 =	vld.idx.msk [tilespmem:v6+s13+$0x0], $0xffff;
	v6 =	vor.u32 $0x3C, v1  }
0xa3: {  	v53 =	vld.idx.msk [tilespmem:v49+s12+$0x0], $0xffff;
	v2 =	vadd.f32 v3, v2;
	v3 =	vmul.f32 v7, v48  }
0xa4: {  	v54 =	vor.u32 $0x3D, v1;
	v7 =	vld.idx.msk [tilespmem:v49+s13+$0x0], $0xffff  }
0xa5: {  	v55 =	vld.idx.msk [tilespmem:v51+s12+$0x0], $0xffff;
	v2 =	vadd.f32 v3, v2;
	v3 =	vmul.f32 v4, v50  }
0xa6: {  	v56 =	vor.u32 $0x3E, v1;
	v4 =	vld.idx.msk [tilespmem:v51+s13+$0x0], $0xffff  }
0xa7: {  	v57 =	vld.idx.msk [tilespmem:v6+s12+$0x0], $0xffff;
	v2 =	vadd.f32 v3, v2;
	v3 =	vmul.f32 v5, v52  }
0xa8: {  	v1 =	vor.u32 $0x3F, v1;
	v5 =	vld.idx.msk [tilespmem:v6+s13+$0x0], $0xffff  }
0xa9: {  	v6 =	vld.idx.msk [tilespmem:v54+s12+$0x0], $0xffff;
	v2 =	vadd.f32 v3, v2;
	v3 =	vmul.f32 v7, v53  }
0xaa: {  	v7 =	vld.idx.msk [tilespmem:v54+s13+$0x0], $0xffff  }
0xab: {  	v58 =	vld.idx.msk [tilespmem:v56+s12+$0x0], $0xffff;
	v2 =	vadd.f32 v3, v2;
	v3 =	vmul.f32 v4, v55  }
0xac: {  	v4 =	vld.idx.msk [tilespmem:v56+s13+$0x0], $0xffff  }
0xad: {  	v59 =	vld.idx.msk [tilespmem:v1+s12+$0x0], $0xffff;
	v2 =	vadd.f32 v3, v2;
	v3 =	vmul.f32 v5, v57  }
0xae: {  	v5 =	vld.idx.msk [tilespmem:v1+s13+$0x0], $0xffff  }
0xaf: {  	v1 =	vadd.f32 v3, v2;
	v2 =	vmul.f32 v7, v6  }
0xb0: {  	s30 =	simm.s32 $0x10  }
0xb1: {  	v3 =	vmov s30;
	v4 =	vmul.f32 v4, v58;
	v2 =	vadd.f32 v2, v1  }
0xb2: {  	v1 =	vshll.u32 v3, $0x6  }
0xb3: {  	v1 =	vor.u32 v0, v1;
	v3 =	vmul.f32 v5, v59;
	v2 =	vadd.f32 v4, v2;
	_ =	sdelay $0x1  }
0xb4: {  	v4 =	vor.u32 $0x1, v1;
	v2 =	vadd.f32 v3, v2;
	_ =	sdelay $0x1  }
0xb5: {  	v3 =	vor.u32 $0x2, v1;
	[tilespmem:s28+$0x0] =	vst v2  }
0xb6: {  	v2 =	vld.idx.msk [tilespmem:v1+s13+$0x0], $0xffff  }
0xb7: {  	v6 =	vor.u32 $0x3, v1;
	v5 =	vld.idx.msk [tilespmem:v1+s12+$0x0], $0xffff  }
0xb8: {  	v7 =	vld.idx.msk [tilespmem:v4+s12+$0x0], $0xffff  }
0xb9: {  	v60 =	vor.u32 $0x4, v1;
	v4 =	vld.idx.msk [tilespmem:v4+s13+$0x0], $0xffff  }
0xba: {  	v61 =	vld.idx.msk [tilespmem:v3+s12+$0x0], $0xffff  }
0xbb: {  	v62 =	vor.u32 $0x5, v1;
	v3 =	vld.idx.msk [tilespmem:v3+s13+$0x0], $0xffff  }
0xbc: {  	v63 =	vld.idx.msk [tilespmem:v6+s12+$0x0], $0xffff;
	v2 =	vmul.f32 v2, v5  }
0xbd: {  	v5 =	vld.idx.msk [tilespmem:v6+s13+$0x0], $0xffff;
	v6 =	vor.u32 $0x6, v1  }
0xbe: {  	v16 =	vld.idx.msk [tilespmem:v60+s12+$0x0], $0xffff;
	v4 =	vmul.f32 v4, v7;
	v2 =	vadd.f32 $0.0e+00, v2  }
0xbf: {  	v17 =	vor.u32 $0x7, v1;
	v7 =	vld.idx.msk [tilespmem:v60+s13+$0x0], $0xffff  }
0xc0: {  	v18 =	vld.idx.msk [tilespmem:v62+s12+$0x0], $0xffff;
	v3 =	vmul.f32 v3, v61;
	v2 =	vadd.f32 v4, v2  }
0xc1: {  	v19 =	vor.u32 $0x8, v1;
	v4 =	vld.idx.msk [tilespmem:v62+s13+$0x0], $0xffff  }
0xc2: {  	v20 =	vld.idx.msk [tilespmem:v6+s12+$0x0], $0xffff;
	v2 =	vadd.f32 v3, v2;
	v3 =	vmul.f32 v5, v63  }
0xc3: {  	v5 =	vld.idx.msk [tilespmem:v6+s13+$0x0], $0xffff;
	v6 =	vor.u32 $0x9, v1  }
0xc4: {  	v21 =	vld.idx.msk [tilespmem:v17+s12+$0x0], $0xffff;
	v2 =	vadd.f32 v3, v2;
	v3 =	vmul.f32 v7, v16  }
0xc5: {  	v22 =	vor.u32 $0xA, v1;
	v7 =	vld.idx.msk [tilespmem:v17+s13+$0x0], $0xffff  }
0xc6: {  	v23 =	vld.idx.msk [tilespmem:v19+s12+$0x0], $0xffff;
	v2 =	vadd.f32 v3, v2;
	v3 =	vmul.f32 v4, v18  }
0xc7: {  	v24 =	vor.u32 $0xB, v1;
	v4 =	vld.idx.msk [tilespmem:v19+s13+$0x0], $0xffff  }
0xc8: {  	v25 =	vld.idx.msk [tilespmem:v6+s12+$0x0], $0xffff;
	v2 =	vadd.f32 v3, v2;
	v3 =	vmul.f32 v5, v20  }
0xc9: {  	v5 =	vld.idx.msk [tilespmem:v6+s13+$0x0], $0xffff;
	v6 =	vor.u32 $0xC, v1  }
0xca: {  	v26 =	vld.idx.msk [tilespmem:v22+s12+$0x0], $0xffff;
	v2 =	vadd.f32 v3, v2;
	v3 =	vmul.f32 v7, v21  }
0xcb: {  	v27 =	vor.u32 $0xD, v1;
	v7 =	vld.idx.msk [tilespmem:v22+s13+$0x0], $0xffff  }
0xcc: {  	v28 =	vld.idx.msk [tilespmem:v24+s12+$0x0], $0xffff;
	v2 =	vadd.f32 v3, v2;
	v3 =	vmul.f32 v4, v23  }
0xcd: {  	v29 =	vor.u32 $0xE, v1;
	v4 =	vld.idx.msk [tilespmem:v24+s13+$0x0], $0xffff  }
0xce: {  	v30 =	vld.idx.msk [tilespmem:v6+s12+$0x0], $0xffff;
	v2 =	vadd.f32 v3, v2;
	v3 =	vmul.f32 v5, v25  }
0xcf: {  	v5 =	vld.idx.msk [tilespmem:v6+s13+$0x0], $0xffff;
	v6 =	vor.u32 $0xF, v1  }
0xd0: {  	v31 =	vld.idx.msk [tilespmem:v27+s12+$0x0], $0xffff;
	v2 =	vadd.f32 v3, v2;
	v3 =	vmul.f32 v7, v26  }
0xd1: {  	v32 =	vor.u32 $0x10, v1;
	v7 =	vld.idx.msk [tilespmem:v27+s13+$0x0], $0xffff  }
0xd2: {  	v33 =	vld.idx.msk [tilespmem:v29+s12+$0x0], $0xffff;
	v2 =	vadd.f32 v3, v2;
	v3 =	vmul.f32 v4, v28  }
0xd3: {  	v34 =	vor.u32 $0x11, v1;
	v4 =	vld.idx.msk [tilespmem:v29+s13+$0x0], $0xffff  }
0xd4: {  	v35 =	vld.idx.msk [tilespmem:v6+s12+$0x0], $0xffff;
	v2 =	vadd.f32 v3, v2;
	v3 =	vmul.f32 v5, v30  }
0xd5: {  	v5 =	vld.idx.msk [tilespmem:v6+s13+$0x0], $0xffff;
	v6 =	vor.u32 $0x12, v1  }
0xd6: {  	v36 =	vld.idx.msk [tilespmem:v32+s12+$0x0], $0xffff;
	v2 =	vadd.f32 v3, v2;
	v3 =	vmul.f32 v7, v31  }
0xd7: {  	v37 =	vor.u32 $0x13, v1;
	v7 =	vld.idx.msk [tilespmem:v32+s13+$0x0], $0xffff  }
0xd8: {  	v38 =	vld.idx.msk [tilespmem:v34+s12+$0x0], $0xffff;
	v2 =	vadd.f32 v3, v2;
	v3 =	vmul.f32 v4, v33  }
0xd9: {  	v39 =	vor.u32 $0x14, v1;
	v4 =	vld.idx.msk [tilespmem:v34+s13+$0x0], $0xffff  }
0xda: {  	v40 =	vld.idx.msk [tilespmem:v6+s12+$0x0], $0xffff;
	v2 =	vadd.f32 v3, v2;
	v3 =	vmul.f32 v5, v35  }
0xdb: {  	v5 =	vld.idx.msk [tilespmem:v6+s13+$0x0], $0xffff;
	v6 =	vor.u32 $0x15, v1  }
0xdc: {  	v41 =	vld.idx.msk [tilespmem:v37+s12+$0x0], $0xffff;
	v2 =	vadd.f32 v3, v2;
	v3 =	vmul.f32 v7, v36  }
0xdd: {  	v42 =	vor.u32 $0x16, v1;
	v7 =	vld.idx.msk [tilespmem:v37+s13+$0x0], $0xffff  }
0xde: {  	v43 =	vld.idx.msk [tilespmem:v39+s12+$0x0], $0xffff;
	v2 =	vadd.f32 v3, v2;
	v3 =	vmul.f32 v4, v38  }
0xdf: {  	v44 =	vor.u32 $0x17, v1;
	v4 =	vld.idx.msk [tilespmem:v39+s13+$0x0], $0xffff  }
0xe0: {  	v45 =	vld.idx.msk [tilespmem:v6+s12+$0x0], $0xffff;
	v2 =	vadd.f32 v3, v2;
	v3 =	vmul.f32 v5, v40  }
0xe1: {  	v5 =	vld.idx.msk [tilespmem:v6+s13+$0x0], $0xffff;
	v6 =	vor.u32 $0x18, v1  }
0xe2: {  	v46 =	vld.idx.msk [tilespmem:v42+s12+$0x0], $0xffff;
	v2 =	vadd.f32 v3, v2;
	v3 =	vmul.f32 v7, v41  }
0xe3: {  	v47 =	vor.u32 $0x19, v1;
	v7 =	vld.idx.msk [tilespmem:v42+s13+$0x0], $0xffff  }
0xe4: {  	v48 =	vld.idx.msk [tilespmem:v44+s12+$0x0], $0xffff;
	v2 =	vadd.f32 v3, v2;
	v3 =	vmul.f32 v4, v43  }
0xe5: {  	v49 =	vor.u32 $0x1A, v1;
	v4 =	vld.idx.msk [tilespmem:v44+s13+$0x0], $0xffff  }
0xe6: {  	v50 =	vld.idx.msk [tilespmem:v6+s12+$0x0], $0xffff;
	v2 =	vadd.f32 v3, v2;
	v3 =	vmul.f32 v5, v45  }
0xe7: {  	v5 =	vld.idx.msk [tilespmem:v6+s13+$0x0], $0xffff;
	v6 =	vor.u32 $0x1B, v1  }
0xe8: {  	v51 =	vld.idx.msk [tilespmem:v47+s12+$0x0], $0xffff;
	v2 =	vadd.f32 v3, v2;
	v3 =	vmul.f32 v7, v46  }
0xe9: {  	v52 =	vor.u32 $0x1C, v1;
	v7 =	vld.idx.msk [tilespmem:v47+s13+$0x0], $0xffff  }
0xea: {  	v53 =	vld.idx.msk [tilespmem:v49+s12+$0x0], $0xffff;
	v2 =	vadd.f32 v3, v2;
	v3 =	vmul.f32 v4, v48  }
0xeb: {  	v54 =	vor.u32 $0x1D, v1;
	v4 =	vld.idx.msk [tilespmem:v49+s13+$0x0], $0xffff  }
0xec: {  	v55 =	vld.idx.msk [tilespmem:v6+s12+$0x0], $0xffff;
	v2 =	vadd.f32 v3, v2;
	v3 =	vmul.f32 v5, v50  }
0xed: {  	v5 =	vld.idx.msk [tilespmem:v6+s13+$0x0], $0xffff;
	v6 =	vor.u32 $0x1E, v1  }
0xee: {  	v56 =	vld.idx.msk [tilespmem:v52+s12+$0x0], $0xffff;
	v2 =	vadd.f32 v3, v2;
	v3 =	vmul.f32 v7, v51  }
0xef: {  	v57 =	vor.u32 $0x1F, v1;
	v7 =	vld.idx.msk [tilespmem:v52+s13+$0x0], $0xffff  }
0xf0: {  	v58 =	vld.idx.msk [tilespmem:v54+s12+$0x0], $0xffff;
	v2 =	vadd.f32 v3, v2;
	v3 =	vmul.f32 v4, v53  }
0xf1: {  	v59 =	vor.u32 $0x20, v1;
	v4 =	vld.idx.msk [tilespmem:v54+s13+$0x0], $0xffff  }
0xf2: {  	v60 =	vld.idx.msk [tilespmem:v6+s12+$0x0], $0xffff;
	v2 =	vadd.f32 v3, v2;
	v3 =	vmul.f32 v5, v55  }
0xf3: {  	v5 =	vld.idx.msk [tilespmem:v6+s13+$0x0], $0xffff;
	v6 =	vor.u32 $0x21, v1  }
0xf4: {  	v61 =	vld.idx.msk [tilespmem:v57+s12+$0x0], $0xffff;
	v2 =	vadd.f32 v3, v2;
	v3 =	vmul.f32 v7, v56  }
0xf5: {  	v62 =	vor.u32 $0x22, v1;
	v7 =	vld.idx.msk [tilespmem:v57+s13+$0x0], $0xffff  }
0xf6: {  	v63 =	vld.idx.msk [tilespmem:v59+s12+$0x0], $0xffff;
	v2 =	vadd.f32 v3, v2;
	v3 =	vmul.f32 v4, v58  }
0xf7: {  	v16 =	vor.u32 $0x23, v1;
	v4 =	vld.idx.msk [tilespmem:v59+s13+$0x0], $0xffff  }
0xf8: {  	v17 =	vld.idx.msk [tilespmem:v6+s12+$0x0], $0xffff;
	v2 =	vadd.f32 v3, v2;
	v3 =	vmul.f32 v5, v60  }
0xf9: {  	v5 =	vld.idx.msk [tilespmem:v6+s13+$0x0], $0xffff;
	v6 =	vor.u32 $0x24, v1  }
0xfa: {  	v18 =	vld.idx.msk [tilespmem:v62+s12+$0x0], $0xffff;
	v2 =	vadd.f32 v3, v2;
	v3 =	vmul.f32 v7, v61  }
0xfb: {  	v19 =	vor.u32 $0x25, v1;
	v7 =	vld.idx.msk [tilespmem:v62+s13+$0x0], $0xffff  }
0xfc: {  	v20 =	vld.idx.msk [tilespmem:v16+s12+$0x0], $0xffff;
	v2 =	vadd.f32 v3, v2;
	v3 =	vmul.f32 v4, v63  }
0xfd: {  	v21 =	vor.u32 $0x26, v1;
	v4 =	vld.idx.msk [tilespmem:v16+s13+$0x0], $0xffff  }
0xfe: {  	v22 =	vld.idx.msk [tilespmem:v6+s12+$0x0], $0xffff;
	v2 =	vadd.f32 v3, v2;
	v3 =	vmul.f32 v5, v17  }
0xff: {  	v5 =	vld.idx.msk [tilespmem:v6+s13+$0x0], $0xffff;
	v6 =	vor.u32 $0x27, v1  }
0x100: {  	v23 =	vld.idx.msk [tilespmem:v19+s12+$0x0], $0xffff;
	v2 =	vadd.f32 v3, v2;
	v3 =	vmul.f32 v7, v18  }
0x101: {  	v24 =	vor.u32 $0x28, v1;
	v7 =	vld.idx.msk [tilespmem:v19+s13+$0x0], $0xffff  }
0x102: {  	v25 =	vld.idx.msk [tilespmem:v21+s12+$0x0], $0xffff;
	v2 =	vadd.f32 v3, v2;
	v3 =	vmul.f32 v4, v20  }
0x103: {  	v26 =	vor.u32 $0x29, v1;
	v4 =	vld.idx.msk [tilespmem:v21+s13+$0x0], $0xffff  }
0x104: {  	v27 =	vld.idx.msk [tilespmem:v6+s12+$0x0], $0xffff;
	v2 =	vadd.f32 v3, v2;
	v3 =	vmul.f32 v5, v22  }
0x105: {  	v5 =	vld.idx.msk [tilespmem:v6+s13+$0x0], $0xffff;
	v6 =	vor.u32 $0x2A, v1  }
0x106: {  	v28 =	vld.idx.msk [tilespmem:v24+s12+$0x0], $0xffff;
	v2 =	vadd.f32 v3, v2;
	v3 =	vmul.f32 v7, v23  }
0x107: {  	v29 =	vor.u32 $0x2B, v1;
	v7 =	vld.idx.msk [tilespmem:v24+s13+$0x0], $0xffff  }
0x108: {  	v30 =	vld.idx.msk [tilespmem:v26+s12+$0x0], $0xffff;
	v2 =	vadd.f32 v3, v2;
	v3 =	vmul.f32 v4, v25  }
0x109: {  	v31 =	vor.u32 $0x2C, v1;
	v4 =	vld.idx.msk [tilespmem:v26+s13+$0x0], $0xffff  }
0x10a: {  	v32 =	vld.idx.msk [tilespmem:v6+s12+$0x0], $0xffff;
	v2 =	vadd.f32 v3, v2;
	v3 =	vmul.f32 v5, v27  }
0x10b: {  	v5 =	vld.idx.msk [tilespmem:v6+s13+$0x0], $0xffff;
	v6 =	vor.u32 $0x2D, v1  }
0x10c: {  	v33 =	vld.idx.msk [tilespmem:v29+s12+$0x0], $0xffff;
	v2 =	vadd.f32 v3, v2;
	v3 =	vmul.f32 v7, v28  }
0x10d: {  	v34 =	vor.u32 $0x2E, v1;
	v7 =	vld.idx.msk [tilespmem:v29+s13+$0x0], $0xffff  }
0x10e: {  	v35 =	vld.idx.msk [tilespmem:v31+s12+$0x0], $0xffff;
	v2 =	vadd.f32 v3, v2;
	v3 =	vmul.f32 v4, v30  }
0x10f: {  	v36 =	vor.u32 $0x2F, v1;
	v4 =	vld.idx.msk [tilespmem:v31+s13+$0x0], $0xffff  }
0x110: {  	v37 =	vld.idx.msk [tilespmem:v6+s12+$0x0], $0xffff;
	v2 =	vadd.f32 v3, v2;
	v3 =	vmul.f32 v5, v32  }
0x111: {  	v5 =	vld.idx.msk [tilespmem:v6+s13+$0x0], $0xffff;
	v6 =	vor.u32 $0x30, v1  }
0x112: {  	v38 =	vld.idx.msk [tilespmem:v34+s12+$0x0], $0xffff;
	v2 =	vadd.f32 v3, v2;
	v3 =	vmul.f32 v7, v33  }
0x113: {  	v39 =	vor.u32 $0x31, v1;
	v7 =	vld.idx.msk [tilespmem:v34+s13+$0x0], $0xffff  }
0x114: {  	v40 =	vld.idx.msk [tilespmem:v36+s12+$0x0], $0xffff;
	v2 =	vadd.f32 v3, v2;
	v3 =	vmul.f32 v4, v35  }
0x115: {  	v41 =	vor.u32 $0x32, v1;
	v4 =	vld.idx.msk [tilespmem:v36+s13+$0x0], $0xffff  }
0x116: {  	v42 =	vld.idx.msk [tilespmem:v6+s12+$0x0], $0xffff;
	v2 =	vadd.f32 v3, v2;
	v3 =	vmul.f32 v5, v37  }
0x117: {  	v5 =	vld.idx.msk [tilespmem:v6+s13+$0x0], $0xffff;
	v6 =	vor.u32 $0x33, v1  }
0x118: {  	v43 =	vld.idx.msk [tilespmem:v39+s12+$0x0], $0xffff;
	v2 =	vadd.f32 v3, v2;
	v3 =	vmul.f32 v7, v38  }
0x119: {  	v44 =	vor.u32 $0x34, v1;
	v7 =	vld.idx.msk [tilespmem:v39+s13+$0x0], $0xffff  }
0x11a: {  	v45 =	vld.idx.msk [tilespmem:v41+s12+$0x0], $0xffff;
	v2 =	vadd.f32 v3, v2;
	v3 =	vmul.f32 v4, v40  }
0x11b: {  	v46 =	vor.u32 $0x35, v1;
	v4 =	vld.idx.msk [tilespmem:v41+s13+$0x0], $0xffff  }
0x11c: {  	v47 =	vld.idx.msk [tilespmem:v6+s12+$0x0], $0xffff;
	v2 =	vadd.f32 v3, v2;
	v3 =	vmul.f32 v5, v42  }
0x11d: {  	v5 =	vld.idx.msk [tilespmem:v6+s13+$0x0], $0xffff;
	v6 =	vor.u32 $0x36, v1  }
0x11e: {  	v48 =	vld.idx.msk [tilespmem:v44+s12+$0x0], $0xffff;
	v2 =	vadd.f32 v3, v2;
	v3 =	vmul.f32 v7, v43  }
0x11f: {  	v49 =	vor.u32 $0x37, v1;
	v7 =	vld.idx.msk [tilespmem:v44+s13+$0x0], $0xffff  }
0x120: {  	v50 =	vld.idx.msk [tilespmem:v46+s12+$0x0], $0xffff;
	v2 =	vadd.f32 v3, v2;
	v3 =	vmul.f32 v4, v45  }
0x121: {  	v51 =	vor.u32 $0x38, v1;
	v4 =	vld.idx.msk [tilespmem:v46+s13+$0x0], $0xffff  }
0x122: {  	v52 =	vld.idx.msk [tilespmem:v6+s12+$0x0], $0xffff;
	v2 =	vadd.f32 v3, v2;
	v3 =	vmul.f32 v5, v47  }
0x123: {  	v5 =	vld.idx.msk [tilespmem:v6+s13+$0x0], $0xffff;
	v6 =	vor.u32 $0x39, v1  }
0x124: {  	v53 =	vld.idx.msk [tilespmem:v49+s12+$0x0], $0xffff;
	v2 =	vadd.f32 v3, v2;
	v3 =	vmul.f32 v7, v48  }
0x125: {  	v54 =	vor.u32 $0x3A, v1;
	v7 =	vld.idx.msk [tilespmem:v49+s13+$0x0], $0xffff  }
0x126: {  	v55 =	vld.idx.msk [tilespmem:v51+s12+$0x0], $0xffff;
	v2 =	vadd.f32 v3, v2;
	v3 =	vmul.f32 v4, v50  }
0x127: {  	v56 =	vor.u32 $0x3B, v1;
	v4 =	vld.idx.msk [tilespmem:v51+s13+$0x0], $0xffff  }
0x128: {  	v57 =	vld.idx.msk [tilespmem:v6+s12+$0x0], $0xffff;
	v2 =	vadd.f32 v3, v2;
	v3 =	vmul.f32 v5, v52  }
0x129: {  	v5 =	vld.idx.msk [tilespmem:v6+s13+$0x0], $0xffff;
	v6 =	vor.u32 $0x3C, v1  }
0x12a: {  	v58 =	vld.idx.msk [tilespmem:v54+s12+$0x0], $0xffff;
	v2 =	vadd.f32 v3, v2;
	v3 =	vmul.f32 v7, v53  }
0x12b: {  	v7 =	vld.idx.msk [tilespmem:v54+s13+$0x0], $0xffff  }
0x12c: {  	v60 =	vld.idx.msk [tilespmem:v56+s12+$0x0], $0xffff;
	v2 =	vadd.f32 v3, v2;
	v3 =	vmul.f32 v4, v55  }
0x12d: {  	v59 =	vor.u32 $0x3D, v1;
	v4 =	vld.idx.msk [tilespmem:v56+s13+$0x0], $0xffff  }
0x12e: {  	v62 =	vld.idx.msk [tilespmem:v6+s12+$0x0], $0xffff;
	v2 =	vadd.f32 v3, v2;
	v3 =	vmul.f32 v5, v57  }
0x12f: {  	v61 =	vor.u32 $0x3E, v1;
	v5 =	vld.idx.msk [tilespmem:v6+s13+$0x0], $0xffff  }
0x130: {  	v2 =	vadd.f32 v3, v2;
	v3 =	vmul.f32 v7, v58  }
0x131: {  	v1 =	vor.u32 $0x3F, v1  }
0x132: {  	v6 =	vld.idx.msk [tilespmem:v59+s12+$0x0], $0xffff;
	v2 =	vadd.f32 v3, v2;
	v3 =	vmul.f32 v4, v60  }
0x133: {  	v7 =	vld.idx.msk [tilespmem:v59+s13+$0x0], $0xffff  }
0x134: {  	v63 =	vld.idx.msk [tilespmem:v61+s12+$0x0], $0xffff;
	v2 =	vadd.f32 v3, v2;
	v3 =	vmul.f32 v5, v62  }
0x135: {  	v9 =	vld.idx.msk [tilespmem:v61+s13+$0x0], $0xffff  }
0x136: {  	v4 =	vadd.f32 v3, v2;
	v2 =	vld.idx.msk [tilespmem:v1+s12+$0x0], $0xffff  }
0x137: {  	v3 =	vld.idx.msk [tilespmem:v1+s13+$0x0], $0xffff  }
0x138: {  	v5 =	vmul.f32 v7, v6  }
0x139: {  	s30 =	simm.s32 $0x20  }
0x13a: {  	v6 =	vmov s30;
	v4 =	vadd.f32 v5, v4;
	v5 =	vmul.f32 v9, v63  }
0x13b: {  	s31 =	simm.s32 $0x30;
	s30 =	simm.s32 $0x10400;
	v1 =	vshll.u32 v6, $0x6  }
.LBB2_2:
0x13c: {  	p0 =	sne.s32 s31, $0x70;
	v1 =	vor.u32 v0, v1;
	v4 =	vadd.f32 v5, v4;
	v2 =	vmul.f32 v3, v2;
	_ =	sdelay $0x1  }
0x13d: {  	v3 =	vor.u32 $0x1, v1;
	v2 =	vadd.f32 v2, v4  }
0x13e: {  	s30 =	sadd.s32 $0x10, s30  }
0x13f: {  	v4 =	vor.u32 $0x2, v1;
	[tilespmem:s30+$0x0] =	vst v2  }
0x140: {  	v2 =	vld.idx.msk [tilespmem:v1+s13+$0x0], $0xffff  }
0x141: {  	v6 =	vor.u32 $0x3, v1;
	v5 =	vld.idx.msk [tilespmem:v1+s12+$0x0], $0xffff  }
0x142: {  	v7 =	vld.idx.msk [tilespmem:v3+s12+$0x0], $0xffff  }
0x143: {  	v8 =	vor.u32 $0x4, v1;
	v3 =	vld.idx.msk [tilespmem:v3+s13+$0x0], $0xffff  }
0x144: {  	v9 =	vld.idx.msk [tilespmem:v4+s12+$0x0], $0xffff  }
0x145: {  	v10 =	vor.u32 $0x5, v1;
	v4 =	vld.idx.msk [tilespmem:v4+s13+$0x0], $0xffff  }
0x146: {  	v11 =	vld.idx.msk [tilespmem:v6+s12+$0x0], $0xffff  }
0x147: {  	v2 =	vmul.f32 v2, v5;
	v5 =	vld.idx.msk [tilespmem:v6+s13+$0x0], $0xffff;
	v6 =	vor.u32 $0x6, v1  }
0x148: {  	v12 =	vld.idx.msk [tilespmem:v8+s12+$0x0], $0xffff  }
0x149: {  	v2 =	vadd.f32 $0.0e+00, v2;
	v3 =	vmul.f32 v3, v7;
	v7 =	vld.idx.msk [tilespmem:v8+s13+$0x0], $0xffff;
	v8 =	vor.u32 $0x7, v1  }
0x14a: {  	v13 =	vld.idx.msk [tilespmem:v10+s12+$0x0], $0xffff  }
0x14b: {  	v2 =	vadd.f32 v3, v2;
	v3 =	vmul.f32 v4, v9;
	v9 =	vor.u32 $0x8, v1;
	v4 =	vld.idx.msk [tilespmem:v10+s13+$0x0], $0xffff  }
0x14c: {  	v10 =	vld.idx.msk [tilespmem:v6+s12+$0x0], $0xffff  }
0x14d: {  	v2 =	vadd.f32 v3, v2;
	v3 =	vmul.f32 v5, v11;
	v5 =	vld.idx.msk [tilespmem:v6+s13+$0x0], $0xffff;
	v6 =	vor.u32 $0x9, v1  }
0x14e: {  	v11 =	vld.idx.msk [tilespmem:v8+s12+$0x0], $0xffff  }
0x14f: {  	v2 =	vadd.f32 v3, v2;
	v3 =	vmul.f32 v7, v12;
	v7 =	vld.idx.msk [tilespmem:v8+s13+$0x0], $0xffff;
	v8 =	vor.u32 $0xA, v1  }
0x150: {  	v12 =	vld.idx.msk [tilespmem:v9+s12+$0x0], $0xffff  }
0x151: {  	v2 =	vadd.f32 v3, v2;
	v3 =	vmul.f32 v4, v13;
	v4 =	vld.idx.msk [tilespmem:v9+s13+$0x0], $0xffff;
	v9 =	vor.u32 $0xB, v1  }
0x152: {  	v13 =	vld.idx.msk [tilespmem:v6+s12+$0x0], $0xffff  }
0x153: {  	v2 =	vadd.f32 v3, v2;
	v3 =	vmul.f32 v5, v10;
	v5 =	vld.idx.msk [tilespmem:v6+s13+$0x0], $0xffff;
	v6 =	vor.u32 $0xC, v1  }
0x154: {  	v10 =	vld.idx.msk [tilespmem:v8+s12+$0x0], $0xffff  }
0x155: {  	v2 =	vadd.f32 v3, v2;
	v3 =	vmul.f32 v7, v11;
	v7 =	vld.idx.msk [tilespmem:v8+s13+$0x0], $0xffff;
	v8 =	vor.u32 $0xD, v1  }
0x156: {  	v11 =	vld.idx.msk [tilespmem:v9+s12+$0x0], $0xffff  }
0x157: {  	v2 =	vadd.f32 v3, v2;
	v3 =	vmul.f32 v4, v12;
	v4 =	vld.idx.msk [tilespmem:v9+s13+$0x0], $0xffff;
	v9 =	vor.u32 $0xE, v1  }
0x158: {  	v12 =	vld.idx.msk [tilespmem:v6+s12+$0x0], $0xffff  }
0x159: {  	v2 =	vadd.f32 v3, v2;
	v3 =	vmul.f32 v5, v13;
	v5 =	vld.idx.msk [tilespmem:v6+s13+$0x0], $0xffff;
	v6 =	vor.u32 $0xF, v1  }
0x15a: {  	v13 =	vld.idx.msk [tilespmem:v8+s12+$0x0], $0xffff  }
0x15b: {  	v2 =	vadd.f32 v3, v2;
	v3 =	vmul.f32 v7, v10;
	v7 =	vld.idx.msk [tilespmem:v8+s13+$0x0], $0xffff;
	v8 =	vor.u32 $0x10, v1  }
0x15c: {  	v10 =	vld.idx.msk [tilespmem:v9+s12+$0x0], $0xffff  }
0x15d: {  	v2 =	vadd.f32 v3, v2;
	v3 =	vmul.f32 v4, v11;
	v4 =	vld.idx.msk [tilespmem:v9+s13+$0x0], $0xffff;
	v9 =	vor.u32 $0x11, v1  }
0x15e: {  	v11 =	vld.idx.msk [tilespmem:v6+s12+$0x0], $0xffff  }
0x15f: {  	v2 =	vadd.f32 v3, v2;
	v3 =	vmul.f32 v5, v12;
	v5 =	vld.idx.msk [tilespmem:v6+s13+$0x0], $0xffff;
	v6 =	vor.u32 $0x12, v1  }
0x160: {  	v12 =	vld.idx.msk [tilespmem:v8+s12+$0x0], $0xffff  }
0x161: {  	v2 =	vadd.f32 v3, v2;
	v3 =	vmul.f32 v7, v13;
	v7 =	vld.idx.msk [tilespmem:v8+s13+$0x0], $0xffff;
	v8 =	vor.u32 $0x13, v1  }
0x162: {  	v13 =	vld.idx.msk [tilespmem:v9+s12+$0x0], $0xffff  }
0x163: {  	v2 =	vadd.f32 v3, v2;
	v3 =	vmul.f32 v4, v10;
	v4 =	vld.idx.msk [tilespmem:v9+s13+$0x0], $0xffff;
	v9 =	vor.u32 $0x14, v1  }
0x164: {  	v10 =	vld.idx.msk [tilespmem:v6+s12+$0x0], $0xffff  }
0x165: {  	v2 =	vadd.f32 v3, v2;
	v3 =	vmul.f32 v5, v11;
	v5 =	vld.idx.msk [tilespmem:v6+s13+$0x0], $0xffff;
	v6 =	vor.u32 $0x15, v1  }
0x166: {  	v11 =	vld.idx.msk [tilespmem:v8+s12+$0x0], $0xffff  }
0x167: {  	v2 =	vadd.f32 v3, v2;
	v3 =	vmul.f32 v7, v12;
	v7 =	vld.idx.msk [tilespmem:v8+s13+$0x0], $0xffff;
	v8 =	vor.u32 $0x16, v1  }
0x168: {  	v12 =	vld.idx.msk [tilespmem:v9+s12+$0x0], $0xffff  }
0x169: {  	v2 =	vadd.f32 v3, v2;
	v3 =	vmul.f32 v4, v13;
	v4 =	vld.idx.msk [tilespmem:v9+s13+$0x0], $0xffff;
	v9 =	vor.u32 $0x17, v1  }
0x16a: {  	v13 =	vld.idx.msk [tilespmem:v6+s12+$0x0], $0xffff  }
0x16b: {  	v2 =	vadd.f32 v3, v2;
	v3 =	vmul.f32 v5, v10;
	v5 =	vld.idx.msk [tilespmem:v6+s13+$0x0], $0xffff;
	v6 =	vor.u32 $0x18, v1  }
0x16c: {  	v10 =	vld.idx.msk [tilespmem:v8+s12+$0x0], $0xffff  }
0x16d: {  	v2 =	vadd.f32 v3, v2;
	v3 =	vmul.f32 v7, v11;
	v7 =	vld.idx.msk [tilespmem:v8+s13+$0x0], $0xffff;
	v8 =	vor.u32 $0x19, v1  }
0x16e: {  	v11 =	vld.idx.msk [tilespmem:v9+s12+$0x0], $0xffff  }
0x16f: {  	v2 =	vadd.f32 v3, v2;
	v3 =	vmul.f32 v4, v12;
	v4 =	vld.idx.msk [tilespmem:v9+s13+$0x0], $0xffff;
	v9 =	vor.u32 $0x1A, v1  }
0x170: {  	v12 =	vld.idx.msk [tilespmem:v6+s12+$0x0], $0xffff  }
0x171: {  	v2 =	vadd.f32 v3, v2;
	v3 =	vmul.f32 v5, v13;
	v5 =	vld.idx.msk [tilespmem:v6+s13+$0x0], $0xffff;
	v6 =	vor.u32 $0x1B, v1  }
0x172: {  	v13 =	vld.idx.msk [tilespmem:v8+s12+$0x0], $0xffff  }
0x173: {  	v2 =	vadd.f32 v3, v2;
	v3 =	vmul.f32 v7, v10;
	v7 =	vld.idx.msk [tilespmem:v8+s13+$0x0], $0xffff;
	v8 =	vor.u32 $0x1C, v1  }
0x174: {  	v10 =	vld.idx.msk [tilespmem:v9+s12+$0x0], $0xffff  }
0x175: {  	v2 =	vadd.f32 v3, v2;
	v3 =	vmul.f32 v4, v11;
	v4 =	vld.idx.msk [tilespmem:v9+s13+$0x0], $0xffff;
	v9 =	vor.u32 $0x1D, v1  }
0x176: {  	v11 =	vld.idx.msk [tilespmem:v6+s12+$0x0], $0xffff  }
0x177: {  	v2 =	vadd.f32 v3, v2;
	v3 =	vmul.f32 v5, v12;
	v5 =	vld.idx.msk [tilespmem:v6+s13+$0x0], $0xffff;
	v6 =	vor.u32 $0x1E, v1  }
0x178: {  	v12 =	vld.idx.msk [tilespmem:v8+s12+$0x0], $0xffff  }
0x179: {  	v2 =	vadd.f32 v3, v2;
	v3 =	vmul.f32 v7, v13;
	v7 =	vld.idx.msk [tilespmem:v8+s13+$0x0], $0xffff;
	v8 =	vor.u32 $0x1F, v1  }
0x17a: {  	v13 =	vld.idx.msk [tilespmem:v9+s12+$0x0], $0xffff  }
0x17b: {  	v2 =	vadd.f32 v3, v2;
	v3 =	vmul.f32 v4, v10;
	v4 =	vld.idx.msk [tilespmem:v9+s13+$0x0], $0xffff;
	v9 =	vor.u32 $0x20, v1  }
0x17c: {  	v10 =	vld.idx.msk [tilespmem:v6+s12+$0x0], $0xffff  }
0x17d: {  	v2 =	vadd.f32 v3, v2;
	v3 =	vmul.f32 v5, v11;
	v5 =	vld.idx.msk [tilespmem:v6+s13+$0x0], $0xffff;
	v6 =	vor.u32 $0x21, v1  }
0x17e: {  	v11 =	vld.idx.msk [tilespmem:v8+s12+$0x0], $0xffff  }
0x17f: {  	v2 =	vadd.f32 v3, v2;
	v3 =	vmul.f32 v7, v12;
	v7 =	vld.idx.msk [tilespmem:v8+s13+$0x0], $0xffff;
	v8 =	vor.u32 $0x22, v1  }
0x180: {  	v12 =	vld.idx.msk [tilespmem:v9+s12+$0x0], $0xffff  }
0x181: {  	v2 =	vadd.f32 v3, v2;
	v3 =	vmul.f32 v4, v13;
	v4 =	vld.idx.msk [tilespmem:v9+s13+$0x0], $0xffff;
	v9 =	vor.u32 $0x23, v1  }
0x182: {  	v13 =	vld.idx.msk [tilespmem:v6+s12+$0x0], $0xffff  }
0x183: {  	v2 =	vadd.f32 v3, v2;
	v3 =	vmul.f32 v5, v10;
	v5 =	vld.idx.msk [tilespmem:v6+s13+$0x0], $0xffff;
	v6 =	vor.u32 $0x24, v1  }
0x184: {  	v10 =	vld.idx.msk [tilespmem:v8+s12+$0x0], $0xffff  }
0x185: {  	v2 =	vadd.f32 v3, v2;
	v3 =	vmul.f32 v7, v11;
	v7 =	vld.idx.msk [tilespmem:v8+s13+$0x0], $0xffff;
	v8 =	vor.u32 $0x25, v1  }
0x186: {  	v11 =	vld.idx.msk [tilespmem:v9+s12+$0x0], $0xffff  }
0x187: {  	v2 =	vadd.f32 v3, v2;
	v3 =	vmul.f32 v4, v12;
	v4 =	vld.idx.msk [tilespmem:v9+s13+$0x0], $0xffff;
	v9 =	vor.u32 $0x26, v1  }
0x188: {  	v12 =	vld.idx.msk [tilespmem:v6+s12+$0x0], $0xffff  }
0x189: {  	v2 =	vadd.f32 v3, v2;
	v3 =	vmul.f32 v5, v13;
	v5 =	vld.idx.msk [tilespmem:v6+s13+$0x0], $0xffff;
	v6 =	vor.u32 $0x27, v1  }
0x18a: {  	v13 =	vld.idx.msk [tilespmem:v8+s12+$0x0], $0xffff  }
0x18b: {  	v2 =	vadd.f32 v3, v2;
	v3 =	vmul.f32 v7, v10;
	v7 =	vld.idx.msk [tilespmem:v8+s13+$0x0], $0xffff;
	v8 =	vor.u32 $0x28, v1  }
0x18c: {  	v10 =	vld.idx.msk [tilespmem:v9+s12+$0x0], $0xffff  }
0x18d: {  	v2 =	vadd.f32 v3, v2;
	v3 =	vmul.f32 v4, v11;
	v4 =	vld.idx.msk [tilespmem:v9+s13+$0x0], $0xffff;
	v9 =	vor.u32 $0x29, v1  }
0x18e: {  	v11 =	vld.idx.msk [tilespmem:v6+s12+$0x0], $0xffff  }
0x18f: {  	v2 =	vadd.f32 v3, v2;
	v3 =	vmul.f32 v5, v12;
	v5 =	vld.idx.msk [tilespmem:v6+s13+$0x0], $0xffff;
	v6 =	vor.u32 $0x2A, v1  }
0x190: {  	v12 =	vld.idx.msk [tilespmem:v8+s12+$0x0], $0xffff  }
0x191: {  	v2 =	vadd.f32 v3, v2;
	v3 =	vmul.f32 v7, v13;
	v7 =	vld.idx.msk [tilespmem:v8+s13+$0x0], $0xffff;
	v8 =	vor.u32 $0x2B, v1  }
0x192: {  	v13 =	vld.idx.msk [tilespmem:v9+s12+$0x0], $0xffff  }
0x193: {  	v2 =	vadd.f32 v3, v2;
	v3 =	vmul.f32 v4, v10;
	v4 =	vld.idx.msk [tilespmem:v9+s13+$0x0], $0xffff;
	v9 =	vor.u32 $0x2C, v1  }
0x194: {  	v10 =	vld.idx.msk [tilespmem:v6+s12+$0x0], $0xffff  }
0x195: {  	v2 =	vadd.f32 v3, v2;
	v3 =	vmul.f32 v5, v11;
	v5 =	vld.idx.msk [tilespmem:v6+s13+$0x0], $0xffff;
	v6 =	vor.u32 $0x2D, v1  }
0x196: {  	v11 =	vld.idx.msk [tilespmem:v8+s12+$0x0], $0xffff  }
0x197: {  	v2 =	vadd.f32 v3, v2;
	v3 =	vmul.f32 v7, v12;
	v7 =	vld.idx.msk [tilespmem:v8+s13+$0x0], $0xffff;
	v8 =	vor.u32 $0x2E, v1  }
0x198: {  	v12 =	vld.idx.msk [tilespmem:v9+s12+$0x0], $0xffff  }
0x199: {  	v2 =	vadd.f32 v3, v2;
	v3 =	vmul.f32 v4, v13;
	v4 =	vld.idx.msk [tilespmem:v9+s13+$0x0], $0xffff;
	v9 =	vor.u32 $0x2F, v1  }
0x19a: {  	v13 =	vld.idx.msk [tilespmem:v6+s12+$0x0], $0xffff  }
0x19b: {  	v2 =	vadd.f32 v3, v2;
	v3 =	vmul.f32 v5, v10;
	v5 =	vld.idx.msk [tilespmem:v6+s13+$0x0], $0xffff;
	v6 =	vor.u32 $0x30, v1  }
0x19c: {  	v10 =	vld.idx.msk [tilespmem:v8+s12+$0x0], $0xffff  }
0x19d: {  	v2 =	vadd.f32 v3, v2;
	v3 =	vmul.f32 v7, v11;
	v7 =	vld.idx.msk [tilespmem:v8+s13+$0x0], $0xffff;
	v8 =	vor.u32 $0x31, v1  }
0x19e: {  	v11 =	vld.idx.msk [tilespmem:v9+s12+$0x0], $0xffff  }
0x19f: {  	v2 =	vadd.f32 v3, v2;
	v3 =	vmul.f32 v4, v12;
	v4 =	vld.idx.msk [tilespmem:v9+s13+$0x0], $0xffff;
	v9 =	vor.u32 $0x32, v1  }
0x1a0: {  	v12 =	vld.idx.msk [tilespmem:v6+s12+$0x0], $0xffff  }
0x1a1: {  	v2 =	vadd.f32 v3, v2;
	v3 =	vmul.f32 v5, v13;
	v5 =	vld.idx.msk [tilespmem:v6+s13+$0x0], $0xffff;
	v6 =	vor.u32 $0x33, v1  }
0x1a2: {  	v13 =	vld.idx.msk [tilespmem:v8+s12+$0x0], $0xffff  }
0x1a3: {  	v2 =	vadd.f32 v3, v2;
	v3 =	vmul.f32 v7, v10;
	v7 =	vld.idx.msk [tilespmem:v8+s13+$0x0], $0xffff;
	v8 =	vor.u32 $0x34, v1  }
0x1a4: {  	v10 =	vld.idx.msk [tilespmem:v9+s12+$0x0], $0xffff  }
0x1a5: {  	v2 =	vadd.f32 v3, v2;
	v3 =	vmul.f32 v4, v11;
	v4 =	vld.idx.msk [tilespmem:v9+s13+$0x0], $0xffff;
	v9 =	vor.u32 $0x35, v1  }
0x1a6: {  	v11 =	vld.idx.msk [tilespmem:v6+s12+$0x0], $0xffff  }
0x1a7: {  	v2 =	vadd.f32 v3, v2;
	v3 =	vmul.f32 v5, v12;
	v5 =	vld.idx.msk [tilespmem:v6+s13+$0x0], $0xffff;
	v6 =	vor.u32 $0x36, v1  }
0x1a8: {  	v12 =	vld.idx.msk [tilespmem:v8+s12+$0x0], $0xffff  }
0x1a9: {  	v2 =	vadd.f32 v3, v2;
	v3 =	vmul.f32 v7, v13;
	v7 =	vld.idx.msk [tilespmem:v8+s13+$0x0], $0xffff;
	v8 =	vor.u32 $0x37, v1  }
0x1aa: {  	v13 =	vld.idx.msk [tilespmem:v9+s12+$0x0], $0xffff  }
0x1ab: {  	v2 =	vadd.f32 v3, v2;
	v3 =	vmul.f32 v4, v10;
	v4 =	vld.idx.msk [tilespmem:v9+s13+$0x0], $0xffff;
	v9 =	vor.u32 $0x38, v1  }
0x1ac: {  	v10 =	vld.idx.msk [tilespmem:v6+s12+$0x0], $0xffff  }
0x1ad: {  	v2 =	vadd.f32 v3, v2;
	v3 =	vmul.f32 v5, v11;
	v5 =	vld.idx.msk [tilespmem:v6+s13+$0x0], $0xffff;
	v6 =	vor.u32 $0x39, v1  }
0x1ae: {  	v11 =	vld.idx.msk [tilespmem:v8+s12+$0x0], $0xffff  }
0x1af: {  	v2 =	vadd.f32 v3, v2;
	v3 =	vmul.f32 v7, v12;
	v7 =	vld.idx.msk [tilespmem:v8+s13+$0x0], $0xffff;
	v8 =	vor.u32 $0x3A, v1  }
0x1b0: {  	v12 =	vld.idx.msk [tilespmem:v9+s12+$0x0], $0xffff  }
0x1b1: {  	v2 =	vadd.f32 v3, v2;
	v3 =	vmul.f32 v4, v13;
	v4 =	vld.idx.msk [tilespmem:v9+s13+$0x0], $0xffff;
	v9 =	vor.u32 $0x3B, v1  }
0x1b2: {  	v13 =	vld.idx.msk [tilespmem:v6+s12+$0x0], $0xffff  }
0x1b3: {  	v2 =	vadd.f32 v3, v2;
	v3 =	vmul.f32 v5, v10;
	v5 =	vld.idx.msk [tilespmem:v6+s13+$0x0], $0xffff;
	v6 =	vor.u32 $0x3C, v1  }
0x1b4: {  	v10 =	vld.idx.msk [tilespmem:v8+s12+$0x0], $0xffff  }
0x1b5: {  	v2 =	vadd.f32 v3, v2;
	v3 =	vmul.f32 v7, v11;
	v7 =	vld.idx.msk [tilespmem:v8+s13+$0x0], $0xffff;
	v8 =	vor.u32 $0x3D, v1  }
0x1b6: {  	v11 =	vld.idx.msk [tilespmem:v9+s12+$0x0], $0xffff  }
0x1b7: {  	v2 =	vadd.f32 v3, v2;
	v3 =	vmul.f32 v4, v12;
	v4 =	vld.idx.msk [tilespmem:v9+s13+$0x0], $0xffff;
	v9 =	vor.u32 $0x3E, v1  }
0x1b8: {  	v12 =	vld.idx.msk [tilespmem:v6+s12+$0x0], $0xffff  }
0x1b9: {  	v1 =	vor.u32 $0x3F, v1;
	v2 =	vadd.f32 v3, v2;
	v3 =	vmul.f32 v5, v13;
	v5 =	vld.idx.msk [tilespmem:v6+s13+$0x0], $0xffff  }
0x1ba: {  	v6 =	vld.idx.msk [tilespmem:v8+s12+$0x0], $0xffff  }
0x1bb: {  	v2 =	vadd.f32 v3, v2;
	v3 =	vmul.f32 v7, v10;
	v7 =	vld.idx.msk [tilespmem:v8+s13+$0x0], $0xffff  }
0x1bc: {  	v8 =	vld.idx.msk [tilespmem:v9+s12+$0x0], $0xffff  }
0x1bd: {  	v3 =	vadd.f32 v3, v2;
	v4 =	vmul.f32 v4, v11;
	v9 =	vld.idx.msk [tilespmem:v9+s13+$0x0], $0xffff  }
0x1be: {  	v2 =	vld.idx.msk [tilespmem:v1+s12+$0x0], $0xffff  }
0x1bf: {  	v4 =	vadd.f32 v4, v3;
	v5 =	vmul.f32 v5, v12;
	v3 =	vld.idx.msk [tilespmem:v1+s13+$0x0], $0xffff  }
.Ltmp0:
0x1c0: {  	(pc) =	sbr.rel @p0 .LBB2_2-.Ltmp0, $3  }
0x1c1: {  	v1 =	vadd.f32 v5, v4;
	v4 =	vmul.f32 v7, v6;
	_ =	sdelay $0x1  }
0x1c2: {  	v6 =	vmov s31;
	v4 =	vadd.f32 v4, v1;
	v5 =	vmul.f32 v9, v8  }
0x1c3: {  	s31 =	sadd.s32 $0x10, s31;
	v1 =	vshll.u32 v6, $0x6  }
0x1c4: {  	v1 =	vor.u32 v0, v1;
	v4 =	vadd.f32 v5, v4;
	v2 =	vmul.f32 v3, v2;
	_ =	sdelay $0x1  }
0x1c5: {  	v3 =	vor.u32 $0x1, v1;
	v2 =	vadd.f32 v2, v4  }
0x1c6: {  	s30 =	sadd.s32 $0x10, s30  }
0x1c7: {  	v4 =	vor.u32 $0x2, v1;
	[tilespmem:s30+$0x0] =	vst v2  }
0x1c8: {  	v2 =	vld.idx.msk [tilespmem:v1+s13+$0x0], $0xffff  }
0x1c9: {  	v6 =	vor.u32 $0x3, v1;
	v5 =	vld.idx.msk [tilespmem:v1+s12+$0x0], $0xffff  }
0x1ca: {  	v7 =	vld.idx.msk [tilespmem:v3+s12+$0x0], $0xffff  }
0x1cb: {  	v8 =	vor.u32 $0x4, v1;
	v3 =	vld.idx.msk [tilespmem:v3+s13+$0x0], $0xffff  }
0x1cc: {  	v9 =	vld.idx.msk [tilespmem:v4+s12+$0x0], $0xffff  }
0x1cd: {  	v10 =	vor.u32 $0x5, v1;
	v4 =	vld.idx.msk [tilespmem:v4+s13+$0x0], $0xffff  }
0x1ce: {  	v11 =	vld.idx.msk [tilespmem:v6+s12+$0x0], $0xffff;
	v2 =	vmul.f32 v2, v5  }
0x1cf: {  	v5 =	vld.idx.msk [tilespmem:v6+s13+$0x0], $0xffff;
	v6 =	vor.u32 $0x6, v1  }
0x1d0: {  	v12 =	vld.idx.msk [tilespmem:v8+s12+$0x0], $0xffff;
	v3 =	vmul.f32 v3, v7;
	v2 =	vadd.f32 $0.0e+00, v2  }
0x1d1: {  	v56 =	vor.u32 $0x7, v1;
	v7 =	vld.idx.msk [tilespmem:v8+s13+$0x0], $0xffff  }
0x1d2: {  	v13 =	vld.idx.msk [tilespmem:v10+s12+$0x0], $0xffff;
	v2 =	vadd.f32 v3, v2;
	v3 =	vmul.f32 v4, v9  }
0x1d3: {  	v57 =	vor.u32 $0x8, v1;
	v4 =	vld.idx.msk [tilespmem:v10+s13+$0x0], $0xffff  }
0x1d4: {  	v58 =	vld.idx.msk [tilespmem:v6+s12+$0x0], $0xffff;
	v2 =	vadd.f32 v3, v2;
	v3 =	vmul.f32 v5, v11  }
0x1d5: {  	v5 =	vld.idx.msk [tilespmem:v6+s13+$0x0], $0xffff;
	v6 =	vor.u32 $0x9, v1  }
0x1d6: {  	v59 =	vld.idx.msk [tilespmem:v56+s12+$0x0], $0xffff;
	v2 =	vadd.f32 v3, v2;
	v3 =	vmul.f32 v7, v12  }
0x1d7: {  	v60 =	vor.u32 $0xA, v1;
	v7 =	vld.idx.msk [tilespmem:v56+s13+$0x0], $0xffff  }
0x1d8: {  	v61 =	vld.idx.msk [tilespmem:v57+s12+$0x0], $0xffff;
	v2 =	vadd.f32 v3, v2;
	v3 =	vmul.f32 v4, v13  }
0x1d9: {  	v62 =	vor.u32 $0xB, v1;
	v4 =	vld.idx.msk [tilespmem:v57+s13+$0x0], $0xffff  }
0x1da: {  	v63 =	vld.idx.msk [tilespmem:v6+s12+$0x0], $0xffff;
	v2 =	vadd.f32 v3, v2;
	v3 =	vmul.f32 v5, v58  }
0x1db: {  	v5 =	vld.idx.msk [tilespmem:v6+s13+$0x0], $0xffff;
	v6 =	vor.u32 $0xC, v1  }
0x1dc: {  	v16 =	vld.idx.msk [tilespmem:v60+s12+$0x0], $0xffff;
	v2 =	vadd.f32 v3, v2;
	v3 =	vmul.f32 v7, v59  }
0x1dd: {  	v17 =	vor.u32 $0xD, v1;
	v7 =	vld.idx.msk [tilespmem:v60+s13+$0x0], $0xffff  }
0x1de: {  	v18 =	vld.idx.msk [tilespmem:v62+s12+$0x0], $0xffff;
	v2 =	vadd.f32 v3, v2;
	v3 =	vmul.f32 v4, v61  }
0x1df: {  	v19 =	vor.u32 $0xE, v1;
	v4 =	vld.idx.msk [tilespmem:v62+s13+$0x0], $0xffff  }
0x1e0: {  	v20 =	vld.idx.msk [tilespmem:v6+s12+$0x0], $0xffff;
	v2 =	vadd.f32 v3, v2;
	v3 =	vmul.f32 v5, v63  }
0x1e1: {  	v5 =	vld.idx.msk [tilespmem:v6+s13+$0x0], $0xffff;
	v6 =	vor.u32 $0xF, v1  }
0x1e2: {  	v21 =	vld.idx.msk [tilespmem:v17+s12+$0x0], $0xffff;
	v2 =	vadd.f32 v3, v2;
	v3 =	vmul.f32 v7, v16  }
0x1e3: {  	v22 =	vor.u32 $0x10, v1;
	v7 =	vld.idx.msk [tilespmem:v17+s13+$0x0], $0xffff  }
0x1e4: {  	v23 =	vld.idx.msk [tilespmem:v19+s12+$0x0], $0xffff;
	v2 =	vadd.f32 v3, v2;
	v3 =	vmul.f32 v4, v18  }
0x1e5: {  	v24 =	vor.u32 $0x11, v1;
	v4 =	vld.idx.msk [tilespmem:v19+s13+$0x0], $0xffff  }
0x1e6: {  	v25 =	vld.idx.msk [tilespmem:v6+s12+$0x0], $0xffff;
	v2 =	vadd.f32 v3, v2;
	v3 =	vmul.f32 v5, v20  }
0x1e7: {  	v5 =	vld.idx.msk [tilespmem:v6+s13+$0x0], $0xffff;
	v6 =	vor.u32 $0x12, v1  }
0x1e8: {  	v26 =	vld.idx.msk [tilespmem:v22+s12+$0x0], $0xffff;
	v2 =	vadd.f32 v3, v2;
	v3 =	vmul.f32 v7, v21  }
0x1e9: {  	v27 =	vor.u32 $0x13, v1;
	v7 =	vld.idx.msk [tilespmem:v22+s13+$0x0], $0xffff  }
0x1ea: {  	v28 =	vld.idx.msk [tilespmem:v24+s12+$0x0], $0xffff;
	v2 =	vadd.f32 v3, v2;
	v3 =	vmul.f32 v4, v23  }
0x1eb: {  	v29 =	vor.u32 $0x14, v1;
	v4 =	vld.idx.msk [tilespmem:v24+s13+$0x0], $0xffff  }
0x1ec: {  	v30 =	vld.idx.msk [tilespmem:v6+s12+$0x0], $0xffff;
	v2 =	vadd.f32 v3, v2;
	v3 =	vmul.f32 v5, v25  }
0x1ed: {  	v5 =	vld.idx.msk [tilespmem:v6+s13+$0x0], $0xffff;
	v6 =	vor.u32 $0x15, v1  }
0x1ee: {  	v31 =	vld.idx.msk [tilespmem:v27+s12+$0x0], $0xffff;
	v2 =	vadd.f32 v3, v2;
	v3 =	vmul.f32 v7, v26  }
0x1ef: {  	v32 =	vor.u32 $0x16, v1;
	v7 =	vld.idx.msk [tilespmem:v27+s13+$0x0], $0xffff  }
0x1f0: {  	v33 =	vld.idx.msk [tilespmem:v29+s12+$0x0], $0xffff;
	v2 =	vadd.f32 v3, v2;
	v3 =	vmul.f32 v4, v28  }
0x1f1: {  	v34 =	vor.u32 $0x17, v1;
	v4 =	vld.idx.msk [tilespmem:v29+s13+$0x0], $0xffff  }
0x1f2: {  	v35 =	vld.idx.msk [tilespmem:v6+s12+$0x0], $0xffff;
	v2 =	vadd.f32 v3, v2;
	v3 =	vmul.f32 v5, v30  }
0x1f3: {  	v5 =	vld.idx.msk [tilespmem:v6+s13+$0x0], $0xffff;
	v6 =	vor.u32 $0x18, v1  }
0x1f4: {  	v36 =	vld.idx.msk [tilespmem:v32+s12+$0x0], $0xffff;
	v2 =	vadd.f32 v3, v2;
	v3 =	vmul.f32 v7, v31  }
0x1f5: {  	v37 =	vor.u32 $0x19, v1;
	v7 =	vld.idx.msk [tilespmem:v32+s13+$0x0], $0xffff  }
0x1f6: {  	v38 =	vld.idx.msk [tilespmem:v34+s12+$0x0], $0xffff;
	v2 =	vadd.f32 v3, v2;
	v3 =	vmul.f32 v4, v33  }
0x1f7: {  	v39 =	vor.u32 $0x1A, v1;
	v4 =	vld.idx.msk [tilespmem:v34+s13+$0x0], $0xffff  }
0x1f8: {  	v40 =	vld.idx.msk [tilespmem:v6+s12+$0x0], $0xffff;
	v2 =	vadd.f32 v3, v2;
	v3 =	vmul.f32 v5, v35  }
0x1f9: {  	v5 =	vld.idx.msk [tilespmem:v6+s13+$0x0], $0xffff;
	v6 =	vor.u32 $0x1B, v1  }
0x1fa: {  	v41 =	vld.idx.msk [tilespmem:v37+s12+$0x0], $0xffff;
	v2 =	vadd.f32 v3, v2;
	v3 =	vmul.f32 v7, v36  }
0x1fb: {  	v42 =	vor.u32 $0x1C, v1;
	v7 =	vld.idx.msk [tilespmem:v37+s13+$0x0], $0xffff  }
0x1fc: {  	v43 =	vld.idx.msk [tilespmem:v39+s12+$0x0], $0xffff;
	v2 =	vadd.f32 v3, v2;
	v3 =	vmul.f32 v4, v38  }
0x1fd: {  	v44 =	vor.u32 $0x1D, v1;
	v4 =	vld.idx.msk [tilespmem:v39+s13+$0x0], $0xffff  }
0x1fe: {  	v45 =	vld.idx.msk [tilespmem:v6+s12+$0x0], $0xffff;
	v2 =	vadd.f32 v3, v2;
	v3 =	vmul.f32 v5, v40  }
0x1ff: {  	v5 =	vld.idx.msk [tilespmem:v6+s13+$0x0], $0xffff;
	v6 =	vor.u32 $0x1E, v1  }
0x200: {  	v46 =	vld.idx.msk [tilespmem:v42+s12+$0x0], $0xffff;
	v2 =	vadd.f32 v3, v2;
	v3 =	vmul.f32 v7, v41  }
0x201: {  	v47 =	vor.u32 $0x1F, v1;
	v7 =	vld.idx.msk [tilespmem:v42+s13+$0x0], $0xffff  }
0x202: {  	v48 =	vld.idx.msk [tilespmem:v44+s12+$0x0], $0xffff;
	v2 =	vadd.f32 v3, v2;
	v3 =	vmul.f32 v4, v43  }
0x203: {  	v49 =	vor.u32 $0x20, v1;
	v4 =	vld.idx.msk [tilespmem:v44+s13+$0x0], $0xffff  }
0x204: {  	v50 =	vld.idx.msk [tilespmem:v6+s12+$0x0], $0xffff;
	v2 =	vadd.f32 v3, v2;
	v3 =	vmul.f32 v5, v45  }
0x205: {  	v5 =	vld.idx.msk [tilespmem:v6+s13+$0x0], $0xffff;
	v6 =	vor.u32 $0x21, v1  }
0x206: {  	v51 =	vld.idx.msk [tilespmem:v47+s12+$0x0], $0xffff;
	v2 =	vadd.f32 v3, v2;
	v3 =	vmul.f32 v7, v46  }
0x207: {  	v52 =	vor.u32 $0x22, v1;
	v7 =	vld.idx.msk [tilespmem:v47+s13+$0x0], $0xffff  }
0x208: {  	v53 =	vld.idx.msk [tilespmem:v49+s12+$0x0], $0xffff;
	v2 =	vadd.f32 v3, v2;
	v3 =	vmul.f32 v4, v48  }
0x209: {  	v54 =	vor.u32 $0x23, v1;
	v4 =	vld.idx.msk [tilespmem:v49+s13+$0x0], $0xffff  }
0x20a: {  	v55 =	vld.idx.msk [tilespmem:v6+s12+$0x0], $0xffff;
	v2 =	vadd.f32 v3, v2;
	v3 =	vmul.f32 v5, v50  }
0x20b: {  	v5 =	vld.idx.msk [tilespmem:v6+s13+$0x0], $0xffff;
	v6 =	vor.u32 $0x24, v1  }
0x20c: {  	v56 =	vld.idx.msk [tilespmem:v52+s12+$0x0], $0xffff;
	v2 =	vadd.f32 v3, v2;
	v3 =	vmul.f32 v7, v51  }
0x20d: {  	v57 =	vor.u32 $0x25, v1;
	v7 =	vld.idx.msk [tilespmem:v52+s13+$0x0], $0xffff  }
0x20e: {  	v58 =	vld.idx.msk [tilespmem:v54+s12+$0x0], $0xffff;
	v2 =	vadd.f32 v3, v2;
	v3 =	vmul.f32 v4, v53  }
0x20f: {  	v59 =	vor.u32 $0x26, v1;
	v4 =	vld.idx.msk [tilespmem:v54+s13+$0x0], $0xffff  }
0x210: {  	v60 =	vld.idx.msk [tilespmem:v6+s12+$0x0], $0xffff;
	v2 =	vadd.f32 v3, v2;
	v3 =	vmul.f32 v5, v55  }
0x211: {  	v5 =	vld.idx.msk [tilespmem:v6+s13+$0x0], $0xffff;
	v6 =	vor.u32 $0x27, v1  }
0x212: {  	v61 =	vld.idx.msk [tilespmem:v57+s12+$0x0], $0xffff;
	v2 =	vadd.f32 v3, v2;
	v3 =	vmul.f32 v7, v56  }
0x213: {  	v62 =	vor.u32 $0x28, v1;
	v7 =	vld.idx.msk [tilespmem:v57+s13+$0x0], $0xffff  }
0x214: {  	v63 =	vld.idx.msk [tilespmem:v59+s12+$0x0], $0xffff;
	v2 =	vadd.f32 v3, v2;
	v3 =	vmul.f32 v4, v58  }
0x215: {  	v16 =	vor.u32 $0x29, v1;
	v4 =	vld.idx.msk [tilespmem:v59+s13+$0x0], $0xffff  }
0x216: {  	v17 =	vld.idx.msk [tilespmem:v6+s12+$0x0], $0xffff;
	v2 =	vadd.f32 v3, v2;
	v3 =	vmul.f32 v5, v60  }
0x217: {  	v5 =	vld.idx.msk [tilespmem:v6+s13+$0x0], $0xffff;
	v6 =	vor.u32 $0x2A, v1  }
0x218: {  	v18 =	vld.idx.msk [tilespmem:v62+s12+$0x0], $0xffff;
	v2 =	vadd.f32 v3, v2;
	v3 =	vmul.f32 v7, v61  }
0x219: {  	v19 =	vor.u32 $0x2B, v1;
	v7 =	vld.idx.msk [tilespmem:v62+s13+$0x0], $0xffff  }
0x21a: {  	v20 =	vld.idx.msk [tilespmem:v16+s12+$0x0], $0xffff;
	v2 =	vadd.f32 v3, v2;
	v3 =	vmul.f32 v4, v63  }
0x21b: {  	v21 =	vor.u32 $0x2C, v1;
	v4 =	vld.idx.msk [tilespmem:v16+s13+$0x0], $0xffff  }
0x21c: {  	v22 =	vld.idx.msk [tilespmem:v6+s12+$0x0], $0xffff;
	v2 =	vadd.f32 v3, v2;
	v3 =	vmul.f32 v5, v17  }
0x21d: {  	v5 =	vld.idx.msk [tilespmem:v6+s13+$0x0], $0xffff;
	v6 =	vor.u32 $0x2D, v1  }
0x21e: {  	v23 =	vld.idx.msk [tilespmem:v19+s12+$0x0], $0xffff;
	v2 =	vadd.f32 v3, v2;
	v3 =	vmul.f32 v7, v18  }
0x21f: {  	v24 =	vor.u32 $0x2E, v1;
	v7 =	vld.idx.msk [tilespmem:v19+s13+$0x0], $0xffff  }
0x220: {  	v25 =	vld.idx.msk [tilespmem:v21+s12+$0x0], $0xffff;
	v2 =	vadd.f32 v3, v2;
	v3 =	vmul.f32 v4, v20  }
0x221: {  	v26 =	vor.u32 $0x2F, v1;
	v4 =	vld.idx.msk [tilespmem:v21+s13+$0x0], $0xffff  }
0x222: {  	v27 =	vld.idx.msk [tilespmem:v6+s12+$0x0], $0xffff;
	v2 =	vadd.f32 v3, v2;
	v3 =	vmul.f32 v5, v22  }
0x223: {  	v5 =	vld.idx.msk [tilespmem:v6+s13+$0x0], $0xffff;
	v6 =	vor.u32 $0x30, v1  }
0x224: {  	v28 =	vld.idx.msk [tilespmem:v24+s12+$0x0], $0xffff;
	v2 =	vadd.f32 v3, v2;
	v3 =	vmul.f32 v7, v23  }
0x225: {  	v29 =	vor.u32 $0x31, v1;
	v7 =	vld.idx.msk [tilespmem:v24+s13+$0x0], $0xffff  }
0x226: {  	v30 =	vld.idx.msk [tilespmem:v26+s12+$0x0], $0xffff;
	v2 =	vadd.f32 v3, v2;
	v3 =	vmul.f32 v4, v25  }
0x227: {  	v31 =	vor.u32 $0x32, v1;
	v4 =	vld.idx.msk [tilespmem:v26+s13+$0x0], $0xffff  }
0x228: {  	v32 =	vld.idx.msk [tilespmem:v6+s12+$0x0], $0xffff;
	v2 =	vadd.f32 v3, v2;
	v3 =	vmul.f32 v5, v27  }
0x229: {  	v5 =	vld.idx.msk [tilespmem:v6+s13+$0x0], $0xffff;
	v6 =	vor.u32 $0x33, v1  }
0x22a: {  	v33 =	vld.idx.msk [tilespmem:v29+s12+$0x0], $0xffff;
	v2 =	vadd.f32 v3, v2;
	v3 =	vmul.f32 v7, v28  }
0x22b: {  	v34 =	vor.u32 $0x34, v1;
	v7 =	vld.idx.msk [tilespmem:v29+s13+$0x0], $0xffff  }
0x22c: {  	v35 =	vld.idx.msk [tilespmem:v31+s12+$0x0], $0xffff;
	v2 =	vadd.f32 v3, v2;
	v3 =	vmul.f32 v4, v30  }
0x22d: {  	v36 =	vor.u32 $0x35, v1;
	v4 =	vld.idx.msk [tilespmem:v31+s13+$0x0], $0xffff  }
0x22e: {  	v37 =	vld.idx.msk [tilespmem:v6+s12+$0x0], $0xffff;
	v2 =	vadd.f32 v3, v2;
	v3 =	vmul.f32 v5, v32  }
0x22f: {  	v5 =	vld.idx.msk [tilespmem:v6+s13+$0x0], $0xffff;
	v6 =	vor.u32 $0x36, v1  }
0x230: {  	v38 =	vld.idx.msk [tilespmem:v34+s12+$0x0], $0xffff;
	v2 =	vadd.f32 v3, v2;
	v3 =	vmul.f32 v7, v33  }
0x231: {  	v39 =	vor.u32 $0x37, v1;
	v7 =	vld.idx.msk [tilespmem:v34+s13+$0x0], $0xffff  }
0x232: {  	v40 =	vld.idx.msk [tilespmem:v36+s12+$0x0], $0xffff;
	v2 =	vadd.f32 v3, v2;
	v3 =	vmul.f32 v4, v35  }
0x233: {  	v41 =	vor.u32 $0x38, v1;
	v4 =	vld.idx.msk [tilespmem:v36+s13+$0x0], $0xffff  }
0x234: {  	v42 =	vld.idx.msk [tilespmem:v6+s12+$0x0], $0xffff;
	v2 =	vadd.f32 v3, v2;
	v3 =	vmul.f32 v5, v37  }
0x235: {  	v5 =	vld.idx.msk [tilespmem:v6+s13+$0x0], $0xffff;
	v6 =	vor.u32 $0x39, v1  }
0x236: {  	v43 =	vld.idx.msk [tilespmem:v39+s12+$0x0], $0xffff;
	v2 =	vadd.f32 v3, v2;
	v3 =	vmul.f32 v7, v38  }
0x237: {  	v44 =	vor.u32 $0x3A, v1;
	v7 =	vld.idx.msk [tilespmem:v39+s13+$0x0], $0xffff  }
0x238: {  	v45 =	vld.idx.msk [tilespmem:v41+s12+$0x0], $0xffff;
	v2 =	vadd.f32 v3, v2;
	v3 =	vmul.f32 v4, v40  }
0x239: {  	v46 =	vor.u32 $0x3B, v1;
	v4 =	vld.idx.msk [tilespmem:v41+s13+$0x0], $0xffff  }
0x23a: {  	v47 =	vld.idx.msk [tilespmem:v6+s12+$0x0], $0xffff;
	v2 =	vadd.f32 v3, v2;
	v3 =	vmul.f32 v5, v42  }
0x23b: {  	v5 =	vld.idx.msk [tilespmem:v6+s13+$0x0], $0xffff;
	v6 =	vor.u32 $0x3C, v1  }
0x23c: {  	v48 =	vld.idx.msk [tilespmem:v44+s12+$0x0], $0xffff;
	v2 =	vadd.f32 v3, v2;
	v3 =	vmul.f32 v7, v43  }
0x23d: {  	v49 =	vor.u32 $0x3D, v1;
	v7 =	vld.idx.msk [tilespmem:v44+s13+$0x0], $0xffff  }
0x23e: {  	v50 =	vld.idx.msk [tilespmem:v46+s12+$0x0], $0xffff;
	v2 =	vadd.f32 v3, v2;
	v3 =	vmul.f32 v4, v45  }
0x23f: {  	v51 =	vor.u32 $0x3E, v1;
	v4 =	vld.idx.msk [tilespmem:v46+s13+$0x0], $0xffff  }
0x240: {  	v52 =	vld.idx.msk [tilespmem:v6+s12+$0x0], $0xffff;
	v2 =	vadd.f32 v3, v2;
	v3 =	vmul.f32 v5, v47  }
0x241: {  	v1 =	vor.u32 $0x3F, v1;
	v5 =	vld.idx.msk [tilespmem:v6+s13+$0x0], $0xffff  }
0x242: {  	v6 =	vld.idx.msk [tilespmem:v49+s12+$0x0], $0xffff;
	v2 =	vadd.f32 v3, v2;
	v3 =	vmul.f32 v7, v48  }
0x243: {  	v7 =	vld.idx.msk [tilespmem:v49+s13+$0x0], $0xffff  }
0x244: {  	v53 =	vld.idx.msk [tilespmem:v51+s12+$0x0], $0xffff;
	v2 =	vadd.f32 v3, v2;
	v3 =	vmul.f32 v4, v50  }
0x245: {  	v4 =	vld.idx.msk [tilespmem:v51+s13+$0x0], $0xffff  }
0x246: {  	v54 =	vld.idx.msk [tilespmem:v1+s12+$0x0], $0xffff;
	v2 =	vadd.f32 v3, v2;
	v3 =	vmul.f32 v5, v52  }
0x247: {  	v1 =	vld.idx.msk [tilespmem:v1+s13+$0x0], $0xffff  }
0x248: {  	v2 =	vadd.f32 v3, v2;
	v3 =	vmul.f32 v7, v6;
	_ =	sdelay $0x1  }
0x249: {  	v2 =	vadd.f32 v3, v2;
	v3 =	vmul.f32 v4, v53;
	_ =	sdelay $0x1  }
0x24a: {  	v1 =	vmul.f32 v1, v54;
	v2 =	vadd.f32 v3, v2;
	_ =	sdelay $0x1  }
0x24b: {  	v1 =	vadd.f32 v1, v2  }
0x24c: {  	s31 =	simm.s32 $0x80;
	s30 =	sadd.s32 $0x10, s30  }
0x24d: {  	[tilespmem:s30+$0x0] =	vst v1;
	v1 =	vmov s31  }
0x24e: {  	_ =	swait.ge [sflag:s25], $0x2000;
	v1 =	vshll.u32 v1, $0x6  }
0x24f: {  	[sflag:s25] =	ssyncset.done $0x0;
	v1 =	vor.u32 v0, v1  }
0x250: {  	[sflag:s25] =	ssyncadd.s32 $0xFFFFE000  }
0x251: {  	v2 =	vor.u32 $0x1, v1;
	_ =	swait.ge [sflag:s26], $0x2000  }
0x252: {  	[sflag:s26] =	ssyncset.done $0x0  }
0x253: {  	v3 =	vor.u32 $0x2, v1;
	[sflag:s26] =	ssyncadd.s32 $0xFFFFE000  }
0x254: {  	v4 =	vld.idx.msk [tilespmem:v1+s13+$0x0], $0xffff  }
0x255: {  	v6 =	vor.u32 $0x3, v1;
	v5 =	vld.idx.msk [tilespmem:v1+s12+$0x0], $0xffff  }
0x256: {  	v7 =	vld.idx.msk [tilespmem:v2+s12+$0x0], $0xffff  }
0x257: {  	v55 =	vor.u32 $0x4, v1;
	v2 =	vld.idx.msk [tilespmem:v2+s13+$0x0], $0xffff  }
0x258: {  	v56 =	vld.idx.msk [tilespmem:v3+s12+$0x0], $0xffff  }
0x259: {  	v57 =	vor.u32 $0x5, v1;
	v3 =	vld.idx.msk [tilespmem:v3+s13+$0x0], $0xffff  }
0x25a: {  	v58 =	vld.idx.msk [tilespmem:v6+s12+$0x0], $0xffff;
	v4 =	vmul.f32 v4, v5  }
0x25b: {  	v5 =	vld.idx.msk [tilespmem:v6+s13+$0x0], $0xffff;
	v6 =	vor.u32 $0x6, v1  }
0x25c: {  	v59 =	vld.idx.msk [tilespmem:v55+s12+$0x0], $0xffff;
	v2 =	vmul.f32 v2, v7;
	v4 =	vadd.f32 $0.0e+00, v4  }
0x25d: {  	v60 =	vor.u32 $0x7, v1;
	v7 =	vld.idx.msk [tilespmem:v55+s13+$0x0], $0xffff  }
0x25e: {  	v61 =	vld.idx.msk [tilespmem:v57+s12+$0x0], $0xffff;
	v3 =	vmul.f32 v3, v56;
	v2 =	vadd.f32 v2, v4  }
0x25f: {  	v62 =	vor.u32 $0x8, v1;
	v4 =	vld.idx.msk [tilespmem:v57+s13+$0x0], $0xffff  }
0x260: {  	v63 =	vld.idx.msk [tilespmem:v6+s12+$0x0], $0xffff;
	v2 =	vadd.f32 v3, v2;
	v3 =	vmul.f32 v5, v58  }
0x261: {  	v5 =	vld.idx.msk [tilespmem:v6+s13+$0x0], $0xffff;
	v6 =	vor.u32 $0x9, v1  }
0x262: {  	v16 =	vld.idx.msk [tilespmem:v60+s12+$0x0], $0xffff;
	v2 =	vadd.f32 v3, v2;
	v3 =	vmul.f32 v7, v59  }
0x263: {  	v17 =	vor.u32 $0xA, v1;
	v7 =	vld.idx.msk [tilespmem:v60+s13+$0x0], $0xffff  }
0x264: {  	v18 =	vld.idx.msk [tilespmem:v62+s12+$0x0], $0xffff;
	v2 =	vadd.f32 v3, v2;
	v3 =	vmul.f32 v4, v61  }
0x265: {  	v19 =	vor.u32 $0xB, v1;
	v4 =	vld.idx.msk [tilespmem:v62+s13+$0x0], $0xffff  }
0x266: {  	v20 =	vld.idx.msk [tilespmem:v6+s12+$0x0], $0xffff;
	v2 =	vadd.f32 v3, v2;
	v3 =	vmul.f32 v5, v63  }
0x267: {  	v5 =	vld.idx.msk [tilespmem:v6+s13+$0x0], $0xffff;
	v6 =	vor.u32 $0xC, v1  }
0x268: {  	v21 =	vld.idx.msk [tilespmem:v17+s12+$0x0], $0xffff;
	v2 =	vadd.f32 v3, v2;
	v3 =	vmul.f32 v7, v16  }
0x269: {  	v22 =	vor.u32 $0xD, v1;
	v7 =	vld.idx.msk [tilespmem:v17+s13+$0x0], $0xffff  }
0x26a: {  	v23 =	vld.idx.msk [tilespmem:v19+s12+$0x0], $0xffff;
	v2 =	vadd.f32 v3, v2;
	v3 =	vmul.f32 v4, v18  }
0x26b: {  	v24 =	vor.u32 $0xE, v1;
	v4 =	vld.idx.msk [tilespmem:v19+s13+$0x0], $0xffff  }
0x26c: {  	v25 =	vld.idx.msk [tilespmem:v6+s12+$0x0], $0xffff;
	v2 =	vadd.f32 v3, v2;
	v3 =	vmul.f32 v5, v20  }
0x26d: {  	v5 =	vld.idx.msk [tilespmem:v6+s13+$0x0], $0xffff;
	v6 =	vor.u32 $0xF, v1  }
0x26e: {  	v26 =	vld.idx.msk [tilespmem:v22+s12+$0x0], $0xffff;
	v2 =	vadd.f32 v3, v2;
	v3 =	vmul.f32 v7, v21  }
0x26f: {  	v27 =	vor.u32 $0x10, v1;
	v7 =	vld.idx.msk [tilespmem:v22+s13+$0x0], $0xffff  }
0x270: {  	v28 =	vld.idx.msk [tilespmem:v24+s12+$0x0], $0xffff;
	v2 =	vadd.f32 v3, v2;
	v3 =	vmul.f32 v4, v23  }
0x271: {  	v29 =	vor.u32 $0x11, v1;
	v4 =	vld.idx.msk [tilespmem:v24+s13+$0x0], $0xffff  }
0x272: {  	v30 =	vld.idx.msk [tilespmem:v6+s12+$0x0], $0xffff;
	v2 =	vadd.f32 v3, v2;
	v3 =	vmul.f32 v5, v25  }
0x273: {  	v5 =	vld.idx.msk [tilespmem:v6+s13+$0x0], $0xffff;
	v6 =	vor.u32 $0x12, v1  }
0x274: {  	v31 =	vld.idx.msk [tilespmem:v27+s12+$0x0], $0xffff;
	v2 =	vadd.f32 v3, v2;
	v3 =	vmul.f32 v7, v26  }
0x275: {  	v32 =	vor.u32 $0x13, v1;
	v7 =	vld.idx.msk [tilespmem:v27+s13+$0x0], $0xffff  }
0x276: {  	v33 =	vld.idx.msk [tilespmem:v29+s12+$0x0], $0xffff;
	v2 =	vadd.f32 v3, v2;
	v3 =	vmul.f32 v4, v28  }
0x277: {  	v34 =	vor.u32 $0x14, v1;
	v4 =	vld.idx.msk [tilespmem:v29+s13+$0x0], $0xffff  }
0x278: {  	v35 =	vld.idx.msk [tilespmem:v6+s12+$0x0], $0xffff;
	v2 =	vadd.f32 v3, v2;
	v3 =	vmul.f32 v5, v30  }
0x279: {  	v5 =	vld.idx.msk [tilespmem:v6+s13+$0x0], $0xffff;
	v6 =	vor.u32 $0x15, v1  }
0x27a: {  	v36 =	vld.idx.msk [tilespmem:v32+s12+$0x0], $0xffff;
	v2 =	vadd.f32 v3, v2;
	v3 =	vmul.f32 v7, v31  }
0x27b: {  	v37 =	vor.u32 $0x16, v1;
	v7 =	vld.idx.msk [tilespmem:v32+s13+$0x0], $0xffff  }
0x27c: {  	v38 =	vld.idx.msk [tilespmem:v34+s12+$0x0], $0xffff;
	v2 =	vadd.f32 v3, v2;
	v3 =	vmul.f32 v4, v33  }
0x27d: {  	v39 =	vor.u32 $0x17, v1;
	v4 =	vld.idx.msk [tilespmem:v34+s13+$0x0], $0xffff  }
0x27e: {  	v40 =	vld.idx.msk [tilespmem:v6+s12+$0x0], $0xffff;
	v2 =	vadd.f32 v3, v2;
	v3 =	vmul.f32 v5, v35  }
0x27f: {  	v5 =	vld.idx.msk [tilespmem:v6+s13+$0x0], $0xffff;
	v6 =	vor.u32 $0x18, v1  }
0x280: {  	v41 =	vld.idx.msk [tilespmem:v37+s12+$0x0], $0xffff;
	v2 =	vadd.f32 v3, v2;
	v3 =	vmul.f32 v7, v36  }
0x281: {  	v42 =	vor.u32 $0x19, v1;
	v7 =	vld.idx.msk [tilespmem:v37+s13+$0x0], $0xffff  }
0x282: {  	v43 =	vld.idx.msk [tilespmem:v39+s12+$0x0], $0xffff;
	v2 =	vadd.f32 v3, v2;
	v3 =	vmul.f32 v4, v38  }
0x283: {  	v44 =	vor.u32 $0x1A, v1;
	v4 =	vld.idx.msk [tilespmem:v39+s13+$0x0], $0xffff  }
0x284: {  	v45 =	vld.idx.msk [tilespmem:v6+s12+$0x0], $0xffff;
	v2 =	vadd.f32 v3, v2;
	v3 =	vmul.f32 v5, v40  }
0x285: {  	v5 =	vld.idx.msk [tilespmem:v6+s13+$0x0], $0xffff;
	v6 =	vor.u32 $0x1B, v1  }
0x286: {  	v46 =	vld.idx.msk [tilespmem:v42+s12+$0x0], $0xffff;
	v2 =	vadd.f32 v3, v2;
	v3 =	vmul.f32 v7, v41  }
0x287: {  	v47 =	vor.u32 $0x1C, v1;
	v7 =	vld.idx.msk [tilespmem:v42+s13+$0x0], $0xffff  }
0x288: {  	v48 =	vld.idx.msk [tilespmem:v44+s12+$0x0], $0xffff;
	v2 =	vadd.f32 v3, v2;
	v3 =	vmul.f32 v4, v43  }
0x289: {  	v49 =	vor.u32 $0x1D, v1;
	v4 =	vld.idx.msk [tilespmem:v44+s13+$0x0], $0xffff  }
0x28a: {  	v50 =	vld.idx.msk [tilespmem:v6+s12+$0x0], $0xffff;
	v2 =	vadd.f32 v3, v2;
	v3 =	vmul.f32 v5, v45  }
0x28b: {  	v5 =	vld.idx.msk [tilespmem:v6+s13+$0x0], $0xffff;
	v6 =	vor.u32 $0x1E, v1  }
0x28c: {  	v51 =	vld.idx.msk [tilespmem:v47+s12+$0x0], $0xffff;
	v2 =	vadd.f32 v3, v2;
	v3 =	vmul.f32 v7, v46  }
0x28d: {  	v52 =	vor.u32 $0x1F, v1;
	v7 =	vld.idx.msk [tilespmem:v47+s13+$0x0], $0xffff  }
0x28e: {  	v53 =	vld.idx.msk [tilespmem:v49+s12+$0x0], $0xffff;
	v2 =	vadd.f32 v3, v2;
	v3 =	vmul.f32 v4, v48  }
0x28f: {  	v54 =	vor.u32 $0x20, v1;
	v4 =	vld.idx.msk [tilespmem:v49+s13+$0x0], $0xffff  }
0x290: {  	v55 =	vld.idx.msk [tilespmem:v6+s12+$0x0], $0xffff;
	v2 =	vadd.f32 v3, v2;
	v3 =	vmul.f32 v5, v50  }
0x291: {  	v5 =	vld.idx.msk [tilespmem:v6+s13+$0x0], $0xffff;
	v6 =	vor.u32 $0x21, v1  }
0x292: {  	v56 =	vld.idx.msk [tilespmem:v52+s12+$0x0], $0xffff;
	v2 =	vadd.f32 v3, v2;
	v3 =	vmul.f32 v7, v51  }
0x293: {  	v57 =	vor.u32 $0x22, v1;
	v7 =	vld.idx.msk [tilespmem:v52+s13+$0x0], $0xffff  }
0x294: {  	v58 =	vld.idx.msk [tilespmem:v54+s12+$0x0], $0xffff;
	v2 =	vadd.f32 v3, v2;
	v3 =	vmul.f32 v4, v53  }
0x295: {  	v59 =	vor.u32 $0x23, v1;
	v4 =	vld.idx.msk [tilespmem:v54+s13+$0x0], $0xffff  }
0x296: {  	v60 =	vld.idx.msk [tilespmem:v6+s12+$0x0], $0xffff;
	v2 =	vadd.f32 v3, v2;
	v3 =	vmul.f32 v5, v55  }
0x297: {  	v5 =	vld.idx.msk [tilespmem:v6+s13+$0x0], $0xffff;
	v6 =	vor.u32 $0x24, v1  }
0x298: {  	v61 =	vld.idx.msk [tilespmem:v57+s12+$0x0], $0xffff;
	v2 =	vadd.f32 v3, v2;
	v3 =	vmul.f32 v7, v56  }
0x299: {  	v62 =	vor.u32 $0x25, v1;
	v7 =	vld.idx.msk [tilespmem:v57+s13+$0x0], $0xffff  }
0x29a: {  	v63 =	vld.idx.msk [tilespmem:v59+s12+$0x0], $0xffff;
	v2 =	vadd.f32 v3, v2;
	v3 =	vmul.f32 v4, v58  }
0x29b: {  	v16 =	vor.u32 $0x26, v1;
	v4 =	vld.idx.msk [tilespmem:v59+s13+$0x0], $0xffff  }
0x29c: {  	v17 =	vld.idx.msk [tilespmem:v6+s12+$0x0], $0xffff;
	v2 =	vadd.f32 v3, v2;
	v3 =	vmul.f32 v5, v60  }
0x29d: {  	v5 =	vld.idx.msk [tilespmem:v6+s13+$0x0], $0xffff;
	v6 =	vor.u32 $0x27, v1  }
0x29e: {  	v18 =	vld.idx.msk [tilespmem:v62+s12+$0x0], $0xffff;
	v2 =	vadd.f32 v3, v2;
	v3 =	vmul.f32 v7, v61  }
0x29f: {  	v19 =	vor.u32 $0x28, v1;
	v7 =	vld.idx.msk [tilespmem:v62+s13+$0x0], $0xffff  }
0x2a0: {  	v20 =	vld.idx.msk [tilespmem:v16+s12+$0x0], $0xffff;
	v2 =	vadd.f32 v3, v2;
	v3 =	vmul.f32 v4, v63  }
0x2a1: {  	v21 =	vor.u32 $0x29, v1;
	v4 =	vld.idx.msk [tilespmem:v16+s13+$0x0], $0xffff  }
0x2a2: {  	v22 =	vld.idx.msk [tilespmem:v6+s12+$0x0], $0xffff;
	v2 =	vadd.f32 v3, v2;
	v3 =	vmul.f32 v5, v17  }
0x2a3: {  	v5 =	vld.idx.msk [tilespmem:v6+s13+$0x0], $0xffff;
	v6 =	vor.u32 $0x2A, v1  }
0x2a4: {  	v23 =	vld.idx.msk [tilespmem:v19+s12+$0x0], $0xffff;
	v2 =	vadd.f32 v3, v2;
	v3 =	vmul.f32 v7, v18  }
0x2a5: {  	v24 =	vor.u32 $0x2B, v1;
	v7 =	vld.idx.msk [tilespmem:v19+s13+$0x0], $0xffff  }
0x2a6: {  	v25 =	vld.idx.msk [tilespmem:v21+s12+$0x0], $0xffff;
	v2 =	vadd.f32 v3, v2;
	v3 =	vmul.f32 v4, v20  }
0x2a7: {  	v26 =	vor.u32 $0x2C, v1;
	v4 =	vld.idx.msk [tilespmem:v21+s13+$0x0], $0xffff  }
0x2a8: {  	v27 =	vld.idx.msk [tilespmem:v6+s12+$0x0], $0xffff;
	v2 =	vadd.f32 v3, v2;
	v3 =	vmul.f32 v5, v22  }
0x2a9: {  	v5 =	vld.idx.msk [tilespmem:v6+s13+$0x0], $0xffff;
	v6 =	vor.u32 $0x2D, v1  }
0x2aa: {  	v28 =	vld.idx.msk [tilespmem:v24+s12+$0x0], $0xffff;
	v2 =	vadd.f32 v3, v2;
	v3 =	vmul.f32 v7, v23  }
0x2ab: {  	v29 =	vor.u32 $0x2E, v1;
	v7 =	vld.idx.msk [tilespmem:v24+s13+$0x0], $0xffff  }
0x2ac: {  	v30 =	vld.idx.msk [tilespmem:v26+s12+$0x0], $0xffff;
	v2 =	vadd.f32 v3, v2;
	v3 =	vmul.f32 v4, v25  }
0x2ad: {  	v31 =	vor.u32 $0x2F, v1;
	v4 =	vld.idx.msk [tilespmem:v26+s13+$0x0], $0xffff  }
0x2ae: {  	v32 =	vld.idx.msk [tilespmem:v6+s12+$0x0], $0xffff;
	v2 =	vadd.f32 v3, v2;
	v3 =	vmul.f32 v5, v27  }
0x2af: {  	v5 =	vld.idx.msk [tilespmem:v6+s13+$0x0], $0xffff;
	v6 =	vor.u32 $0x30, v1  }
0x2b0: {  	v33 =	vld.idx.msk [tilespmem:v29+s12+$0x0], $0xffff;
	v2 =	vadd.f32 v3, v2;
	v3 =	vmul.f32 v7, v28  }
0x2b1: {  	v34 =	vor.u32 $0x31, v1;
	v7 =	vld.idx.msk [tilespmem:v29+s13+$0x0], $0xffff  }
0x2b2: {  	v35 =	vld.idx.msk [tilespmem:v31+s12+$0x0], $0xffff;
	v2 =	vadd.f32 v3, v2;
	v3 =	vmul.f32 v4, v30  }
0x2b3: {  	v36 =	vor.u32 $0x32, v1;
	v4 =	vld.idx.msk [tilespmem:v31+s13+$0x0], $0xffff  }
0x2b4: {  	v37 =	vld.idx.msk [tilespmem:v6+s12+$0x0], $0xffff;
	v2 =	vadd.f32 v3, v2;
	v3 =	vmul.f32 v5, v32  }
0x2b5: {  	v5 =	vld.idx.msk [tilespmem:v6+s13+$0x0], $0xffff;
	v6 =	vor.u32 $0x33, v1  }
0x2b6: {  	v38 =	vld.idx.msk [tilespmem:v34+s12+$0x0], $0xffff;
	v2 =	vadd.f32 v3, v2;
	v3 =	vmul.f32 v7, v33  }
0x2b7: {  	v39 =	vor.u32 $0x34, v1;
	v7 =	vld.idx.msk [tilespmem:v34+s13+$0x0], $0xffff  }
0x2b8: {  	v40 =	vld.idx.msk [tilespmem:v36+s12+$0x0], $0xffff;
	v2 =	vadd.f32 v3, v2;
	v3 =	vmul.f32 v4, v35  }
0x2b9: {  	v41 =	vor.u32 $0x35, v1;
	v4 =	vld.idx.msk [tilespmem:v36+s13+$0x0], $0xffff  }
0x2ba: {  	v42 =	vld.idx.msk [tilespmem:v6+s12+$0x0], $0xffff;
	v2 =	vadd.f32 v3, v2;
	v3 =	vmul.f32 v5, v37  }
0x2bb: {  	v5 =	vld.idx.msk [tilespmem:v6+s13+$0x0], $0xffff;
	v6 =	vor.u32 $0x36, v1  }
0x2bc: {  	v43 =	vld.idx.msk [tilespmem:v39+s12+$0x0], $0xffff;
	v2 =	vadd.f32 v3, v2;
	v3 =	vmul.f32 v7, v38  }
0x2bd: {  	v44 =	vor.u32 $0x37, v1;
	v7 =	vld.idx.msk [tilespmem:v39+s13+$0x0], $0xffff  }
0x2be: {  	v45 =	vld.idx.msk [tilespmem:v41+s12+$0x0], $0xffff;
	v2 =	vadd.f32 v3, v2;
	v3 =	vmul.f32 v4, v40  }
0x2bf: {  	v46 =	vor.u32 $0x38, v1;
	v4 =	vld.idx.msk [tilespmem:v41+s13+$0x0], $0xffff  }
0x2c0: {  	v47 =	vld.idx.msk [tilespmem:v6+s12+$0x0], $0xffff;
	v2 =	vadd.f32 v3, v2;
	v3 =	vmul.f32 v5, v42  }
0x2c1: {  	v5 =	vld.idx.msk [tilespmem:v6+s13+$0x0], $0xffff;
	v6 =	vor.u32 $0x39, v1  }
0x2c2: {  	v48 =	vld.idx.msk [tilespmem:v44+s12+$0x0], $0xffff;
	v2 =	vadd.f32 v3, v2;
	v3 =	vmul.f32 v7, v43  }
0x2c3: {  	v49 =	vor.u32 $0x3A, v1;
	v7 =	vld.idx.msk [tilespmem:v44+s13+$0x0], $0xffff  }
0x2c4: {  	v50 =	vld.idx.msk [tilespmem:v46+s12+$0x0], $0xffff;
	v2 =	vadd.f32 v3, v2;
	v3 =	vmul.f32 v4, v45  }
0x2c5: {  	v51 =	vor.u32 $0x3B, v1;
	v4 =	vld.idx.msk [tilespmem:v46+s13+$0x0], $0xffff  }
0x2c6: {  	v52 =	vld.idx.msk [tilespmem:v6+s12+$0x0], $0xffff;
	v2 =	vadd.f32 v3, v2;
	v3 =	vmul.f32 v5, v47  }
0x2c7: {  	v5 =	vld.idx.msk [tilespmem:v6+s13+$0x0], $0xffff;
	v6 =	vor.u32 $0x3C, v1  }
0x2c8: {  	v53 =	vld.idx.msk [tilespmem:v49+s12+$0x0], $0xffff;
	v2 =	vadd.f32 v3, v2;
	v3 =	vmul.f32 v7, v48  }
0x2c9: {  	v54 =	vor.u32 $0x3D, v1;
	v7 =	vld.idx.msk [tilespmem:v49+s13+$0x0], $0xffff  }
0x2ca: {  	v55 =	vld.idx.msk [tilespmem:v51+s12+$0x0], $0xffff;
	v2 =	vadd.f32 v3, v2;
	v3 =	vmul.f32 v4, v50  }
0x2cb: {  	v56 =	vor.u32 $0x3E, v1;
	v4 =	vld.idx.msk [tilespmem:v51+s13+$0x0], $0xffff  }
0x2cc: {  	v57 =	vld.idx.msk [tilespmem:v6+s12+$0x0], $0xffff;
	v2 =	vadd.f32 v3, v2;
	v3 =	vmul.f32 v5, v52  }
0x2cd: {  	v1 =	vor.u32 $0x3F, v1;
	v5 =	vld.idx.msk [tilespmem:v6+s13+$0x0], $0xffff  }
0x2ce: {  	v6 =	vld.idx.msk [tilespmem:v54+s12+$0x0], $0xffff;
	v2 =	vadd.f32 v3, v2;
	v3 =	vmul.f32 v7, v53  }
0x2cf: {  	v7 =	vld.idx.msk [tilespmem:v54+s13+$0x0], $0xffff  }
0x2d0: {  	v58 =	vld.idx.msk [tilespmem:v56+s12+$0x0], $0xffff;
	v2 =	vadd.f32 v3, v2;
	v3 =	vmul.f32 v4, v55  }
0x2d1: {  	v4 =	vld.idx.msk [tilespmem:v56+s13+$0x0], $0xffff  }
0x2d2: {  	v59 =	vld.idx.msk [tilespmem:v1+s12+$0x0], $0xffff;
	v2 =	vadd.f32 v3, v2;
	v3 =	vmul.f32 v5, v57  }
0x2d3: {  	v5 =	vld.idx.msk [tilespmem:v1+s13+$0x0], $0xffff  }
0x2d4: {  	v1 =	vadd.f32 v3, v2;
	v2 =	vmul.f32 v7, v6  }
0x2d5: {  	s30 =	simm.s32 $0x90  }
0x2d6: {  	v3 =	vmov s30;
	v4 =	vmul.f32 v4, v58;
	v2 =	vadd.f32 v2, v1  }
0x2d7: {  	v1 =	vshll.u32 v3, $0x6  }
0x2d8: {  	v1 =	vor.u32 v0, v1;
	v3 =	vmul.f32 v5, v59;
	v2 =	vadd.f32 v4, v2;
	_ =	sdelay $0x1  }
0x2d9: {  	v4 =	vor.u32 $0x1, v1;
	v2 =	vadd.f32 v3, v2  }
0x2da: {  	s30 =	simm.s32 $0x10480  }
0x2db: {  	v3 =	vor.u32 $0x2, v1;
	[tilespmem:s30+$0x0] =	vst v2  }
0x2dc: {  	v2 =	vld.idx.msk [tilespmem:v1+s13+$0x0], $0xffff  }
0x2dd: {  	v6 =	vor.u32 $0x3, v1;
	v5 =	vld.idx.msk [tilespmem:v1+s12+$0x0], $0xffff  }
0x2de: {  	v7 =	vld.idx.msk [tilespmem:v4+s12+$0x0], $0xffff  }
0x2df: {  	v60 =	vor.u32 $0x4, v1;
	v4 =	vld.idx.msk [tilespmem:v4+s13+$0x0], $0xffff  }
0x2e0: {  	v61 =	vld.idx.msk [tilespmem:v3+s12+$0x0], $0xffff  }
0x2e1: {  	v62 =	vor.u32 $0x5, v1;
	v3 =	vld.idx.msk [tilespmem:v3+s13+$0x0], $0xffff  }
0x2e2: {  	v63 =	vld.idx.msk [tilespmem:v6+s12+$0x0], $0xffff;
	v2 =	vmul.f32 v2, v5  }
0x2e3: {  	v5 =	vld.idx.msk [tilespmem:v6+s13+$0x0], $0xffff;
	v6 =	vor.u32 $0x6, v1  }
0x2e4: {  	v16 =	vld.idx.msk [tilespmem:v60+s12+$0x0], $0xffff;
	v4 =	vmul.f32 v4, v7;
	v2 =	vadd.f32 $0.0e+00, v2  }
0x2e5: {  	v17 =	vor.u32 $0x7, v1;
	v7 =	vld.idx.msk [tilespmem:v60+s13+$0x0], $0xffff  }
0x2e6: {  	v18 =	vld.idx.msk [tilespmem:v62+s12+$0x0], $0xffff;
	v3 =	vmul.f32 v3, v61;
	v2 =	vadd.f32 v4, v2  }
0x2e7: {  	v19 =	vor.u32 $0x8, v1;
	v4 =	vld.idx.msk [tilespmem:v62+s13+$0x0], $0xffff  }
0x2e8: {  	v20 =	vld.idx.msk [tilespmem:v6+s12+$0x0], $0xffff;
	v2 =	vadd.f32 v3, v2;
	v3 =	vmul.f32 v5, v63  }
0x2e9: {  	v5 =	vld.idx.msk [tilespmem:v6+s13+$0x0], $0xffff;
	v6 =	vor.u32 $0x9, v1  }
0x2ea: {  	v21 =	vld.idx.msk [tilespmem:v17+s12+$0x0], $0xffff;
	v2 =	vadd.f32 v3, v2;
	v3 =	vmul.f32 v7, v16  }
0x2eb: {  	v22 =	vor.u32 $0xA, v1;
	v7 =	vld.idx.msk [tilespmem:v17+s13+$0x0], $0xffff  }
0x2ec: {  	v23 =	vld.idx.msk [tilespmem:v19+s12+$0x0], $0xffff;
	v2 =	vadd.f32 v3, v2;
	v3 =	vmul.f32 v4, v18  }
0x2ed: {  	v24 =	vor.u32 $0xB, v1;
	v4 =	vld.idx.msk [tilespmem:v19+s13+$0x0], $0xffff  }
0x2ee: {  	v25 =	vld.idx.msk [tilespmem:v6+s12+$0x0], $0xffff;
	v2 =	vadd.f32 v3, v2;
	v3 =	vmul.f32 v5, v20  }
0x2ef: {  	v5 =	vld.idx.msk [tilespmem:v6+s13+$0x0], $0xffff;
	v6 =	vor.u32 $0xC, v1  }
0x2f0: {  	v26 =	vld.idx.msk [tilespmem:v22+s12+$0x0], $0xffff;
	v2 =	vadd.f32 v3, v2;
	v3 =	vmul.f32 v7, v21  }
0x2f1: {  	v27 =	vor.u32 $0xD, v1;
	v7 =	vld.idx.msk [tilespmem:v22+s13+$0x0], $0xffff  }
0x2f2: {  	v28 =	vld.idx.msk [tilespmem:v24+s12+$0x0], $0xffff;
	v2 =	vadd.f32 v3, v2;
	v3 =	vmul.f32 v4, v23  }
0x2f3: {  	v29 =	vor.u32 $0xE, v1;
	v4 =	vld.idx.msk [tilespmem:v24+s13+$0x0], $0xffff  }
0x2f4: {  	v30 =	vld.idx.msk [tilespmem:v6+s12+$0x0], $0xffff;
	v2 =	vadd.f32 v3, v2;
	v3 =	vmul.f32 v5, v25  }
0x2f5: {  	v5 =	vld.idx.msk [tilespmem:v6+s13+$0x0], $0xffff;
	v6 =	vor.u32 $0xF, v1  }
0x2f6: {  	v31 =	vld.idx.msk [tilespmem:v27+s12+$0x0], $0xffff;
	v2 =	vadd.f32 v3, v2;
	v3 =	vmul.f32 v7, v26  }
0x2f7: {  	v32 =	vor.u32 $0x10, v1;
	v7 =	vld.idx.msk [tilespmem:v27+s13+$0x0], $0xffff  }
0x2f8: {  	v33 =	vld.idx.msk [tilespmem:v29+s12+$0x0], $0xffff;
	v2 =	vadd.f32 v3, v2;
	v3 =	vmul.f32 v4, v28  }
0x2f9: {  	v34 =	vor.u32 $0x11, v1;
	v4 =	vld.idx.msk [tilespmem:v29+s13+$0x0], $0xffff  }
0x2fa: {  	v35 =	vld.idx.msk [tilespmem:v6+s12+$0x0], $0xffff;
	v2 =	vadd.f32 v3, v2;
	v3 =	vmul.f32 v5, v30  }
0x2fb: {  	v5 =	vld.idx.msk [tilespmem:v6+s13+$0x0], $0xffff;
	v6 =	vor.u32 $0x12, v1  }
0x2fc: {  	v36 =	vld.idx.msk [tilespmem:v32+s12+$0x0], $0xffff;
	v2 =	vadd.f32 v3, v2;
	v3 =	vmul.f32 v7, v31  }
0x2fd: {  	v37 =	vor.u32 $0x13, v1;
	v7 =	vld.idx.msk [tilespmem:v32+s13+$0x0], $0xffff  }
0x2fe: {  	v38 =	vld.idx.msk [tilespmem:v34+s12+$0x0], $0xffff;
	v2 =	vadd.f32 v3, v2;
	v3 =	vmul.f32 v4, v33  }
0x2ff: {  	v39 =	vor.u32 $0x14, v1;
	v4 =	vld.idx.msk [tilespmem:v34+s13+$0x0], $0xffff  }
0x300: {  	v40 =	vld.idx.msk [tilespmem:v6+s12+$0x0], $0xffff;
	v2 =	vadd.f32 v3, v2;
	v3 =	vmul.f32 v5, v35  }
0x301: {  	v5 =	vld.idx.msk [tilespmem:v6+s13+$0x0], $0xffff;
	v6 =	vor.u32 $0x15, v1  }
0x302: {  	v41 =	vld.idx.msk [tilespmem:v37+s12+$0x0], $0xffff;
	v2 =	vadd.f32 v3, v2;
	v3 =	vmul.f32 v7, v36  }
0x303: {  	v42 =	vor.u32 $0x16, v1;
	v7 =	vld.idx.msk [tilespmem:v37+s13+$0x0], $0xffff  }
0x304: {  	v43 =	vld.idx.msk [tilespmem:v39+s12+$0x0], $0xffff;
	v2 =	vadd.f32 v3, v2;
	v3 =	vmul.f32 v4, v38  }
0x305: {  	v44 =	vor.u32 $0x17, v1;
	v4 =	vld.idx.msk [tilespmem:v39+s13+$0x0], $0xffff  }
0x306: {  	v45 =	vld.idx.msk [tilespmem:v6+s12+$0x0], $0xffff;
	v2 =	vadd.f32 v3, v2;
	v3 =	vmul.f32 v5, v40  }
0x307: {  	v5 =	vld.idx.msk [tilespmem:v6+s13+$0x0], $0xffff;
	v6 =	vor.u32 $0x18, v1  }
0x308: {  	v46 =	vld.idx.msk [tilespmem:v42+s12+$0x0], $0xffff;
	v2 =	vadd.f32 v3, v2;
	v3 =	vmul.f32 v7, v41  }
0x309: {  	v47 =	vor.u32 $0x19, v1;
	v7 =	vld.idx.msk [tilespmem:v42+s13+$0x0], $0xffff  }
0x30a: {  	v48 =	vld.idx.msk [tilespmem:v44+s12+$0x0], $0xffff;
	v2 =	vadd.f32 v3, v2;
	v3 =	vmul.f32 v4, v43  }
0x30b: {  	v49 =	vor.u32 $0x1A, v1;
	v4 =	vld.idx.msk [tilespmem:v44+s13+$0x0], $0xffff  }
0x30c: {  	v50 =	vld.idx.msk [tilespmem:v6+s12+$0x0], $0xffff;
	v2 =	vadd.f32 v3, v2;
	v3 =	vmul.f32 v5, v45  }
0x30d: {  	v5 =	vld.idx.msk [tilespmem:v6+s13+$0x0], $0xffff;
	v6 =	vor.u32 $0x1B, v1  }
0x30e: {  	v51 =	vld.idx.msk [tilespmem:v47+s12+$0x0], $0xffff;
	v2 =	vadd.f32 v3, v2;
	v3 =	vmul.f32 v7, v46  }
0x30f: {  	v52 =	vor.u32 $0x1C, v1;
	v7 =	vld.idx.msk [tilespmem:v47+s13+$0x0], $0xffff  }
0x310: {  	v53 =	vld.idx.msk [tilespmem:v49+s12+$0x0], $0xffff;
	v2 =	vadd.f32 v3, v2;
	v3 =	vmul.f32 v4, v48  }
0x311: {  	v54 =	vor.u32 $0x1D, v1;
	v4 =	vld.idx.msk [tilespmem:v49+s13+$0x0], $0xffff  }
0x312: {  	v55 =	vld.idx.msk [tilespmem:v6+s12+$0x0], $0xffff;
	v2 =	vadd.f32 v3, v2;
	v3 =	vmul.f32 v5, v50  }
0x313: {  	v5 =	vld.idx.msk [tilespmem:v6+s13+$0x0], $0xffff;
	v6 =	vor.u32 $0x1E, v1  }
0x314: {  	v56 =	vld.idx.msk [tilespmem:v52+s12+$0x0], $0xffff;
	v2 =	vadd.f32 v3, v2;
	v3 =	vmul.f32 v7, v51  }
0x315: {  	v57 =	vor.u32 $0x1F, v1;
	v7 =	vld.idx.msk [tilespmem:v52+s13+$0x0], $0xffff  }
0x316: {  	v58 =	vld.idx.msk [tilespmem:v54+s12+$0x0], $0xffff;
	v2 =	vadd.f32 v3, v2;
	v3 =	vmul.f32 v4, v53  }
0x317: {  	v59 =	vor.u32 $0x20, v1;
	v4 =	vld.idx.msk [tilespmem:v54+s13+$0x0], $0xffff  }
0x318: {  	v60 =	vld.idx.msk [tilespmem:v6+s12+$0x0], $0xffff;
	v2 =	vadd.f32 v3, v2;
	v3 =	vmul.f32 v5, v55  }
0x319: {  	v5 =	vld.idx.msk [tilespmem:v6+s13+$0x0], $0xffff;
	v6 =	vor.u32 $0x21, v1  }
0x31a: {  	v61 =	vld.idx.msk [tilespmem:v57+s12+$0x0], $0xffff;
	v2 =	vadd.f32 v3, v2;
	v3 =	vmul.f32 v7, v56  }
0x31b: {  	v62 =	vor.u32 $0x22, v1;
	v7 =	vld.idx.msk [tilespmem:v57+s13+$0x0], $0xffff  }
0x31c: {  	v63 =	vld.idx.msk [tilespmem:v59+s12+$0x0], $0xffff;
	v2 =	vadd.f32 v3, v2;
	v3 =	vmul.f32 v4, v58  }
0x31d: {  	v16 =	vor.u32 $0x23, v1;
	v4 =	vld.idx.msk [tilespmem:v59+s13+$0x0], $0xffff  }
0x31e: {  	v17 =	vld.idx.msk [tilespmem:v6+s12+$0x0], $0xffff;
	v2 =	vadd.f32 v3, v2;
	v3 =	vmul.f32 v5, v60  }
0x31f: {  	v5 =	vld.idx.msk [tilespmem:v6+s13+$0x0], $0xffff;
	v6 =	vor.u32 $0x24, v1  }
0x320: {  	v18 =	vld.idx.msk [tilespmem:v62+s12+$0x0], $0xffff;
	v2 =	vadd.f32 v3, v2;
	v3 =	vmul.f32 v7, v61  }
0x321: {  	v19 =	vor.u32 $0x25, v1;
	v7 =	vld.idx.msk [tilespmem:v62+s13+$0x0], $0xffff  }
0x322: {  	v20 =	vld.idx.msk [tilespmem:v16+s12+$0x0], $0xffff;
	v2 =	vadd.f32 v3, v2;
	v3 =	vmul.f32 v4, v63  }
0x323: {  	v21 =	vor.u32 $0x26, v1;
	v4 =	vld.idx.msk [tilespmem:v16+s13+$0x0], $0xffff  }
0x324: {  	v22 =	vld.idx.msk [tilespmem:v6+s12+$0x0], $0xffff;
	v2 =	vadd.f32 v3, v2;
	v3 =	vmul.f32 v5, v17  }
0x325: {  	v5 =	vld.idx.msk [tilespmem:v6+s13+$0x0], $0xffff;
	v6 =	vor.u32 $0x27, v1  }
0x326: {  	v23 =	vld.idx.msk [tilespmem:v19+s12+$0x0], $0xffff;
	v2 =	vadd.f32 v3, v2;
	v3 =	vmul.f32 v7, v18  }
0x327: {  	v24 =	vor.u32 $0x28, v1;
	v7 =	vld.idx.msk [tilespmem:v19+s13+$0x0], $0xffff  }
0x328: {  	v25 =	vld.idx.msk [tilespmem:v21+s12+$0x0], $0xffff;
	v2 =	vadd.f32 v3, v2;
	v3 =	vmul.f32 v4, v20  }
0x329: {  	v26 =	vor.u32 $0x29, v1;
	v4 =	vld.idx.msk [tilespmem:v21+s13+$0x0], $0xffff  }
0x32a: {  	v27 =	vld.idx.msk [tilespmem:v6+s12+$0x0], $0xffff;
	v2 =	vadd.f32 v3, v2;
	v3 =	vmul.f32 v5, v22  }
0x32b: {  	v5 =	vld.idx.msk [tilespmem:v6+s13+$0x0], $0xffff;
	v6 =	vor.u32 $0x2A, v1  }
0x32c: {  	v28 =	vld.idx.msk [tilespmem:v24+s12+$0x0], $0xffff;
	v2 =	vadd.f32 v3, v2;
	v3 =	vmul.f32 v7, v23  }
0x32d: {  	v29 =	vor.u32 $0x2B, v1;
	v7 =	vld.idx.msk [tilespmem:v24+s13+$0x0], $0xffff  }
0x32e: {  	v30 =	vld.idx.msk [tilespmem:v26+s12+$0x0], $0xffff;
	v2 =	vadd.f32 v3, v2;
	v3 =	vmul.f32 v4, v25  }
0x32f: {  	v31 =	vor.u32 $0x2C, v1;
	v4 =	vld.idx.msk [tilespmem:v26+s13+$0x0], $0xffff  }
0x330: {  	v32 =	vld.idx.msk [tilespmem:v6+s12+$0x0], $0xffff;
	v2 =	vadd.f32 v3, v2;
	v3 =	vmul.f32 v5, v27  }
0x331: {  	v5 =	vld.idx.msk [tilespmem:v6+s13+$0x0], $0xffff;
	v6 =	vor.u32 $0x2D, v1  }
0x332: {  	v33 =	vld.idx.msk [tilespmem:v29+s12+$0x0], $0xffff;
	v2 =	vadd.f32 v3, v2;
	v3 =	vmul.f32 v7, v28  }
0x333: {  	v34 =	vor.u32 $0x2E, v1;
	v7 =	vld.idx.msk [tilespmem:v29+s13+$0x0], $0xffff  }
0x334: {  	v35 =	vld.idx.msk [tilespmem:v31+s12+$0x0], $0xffff;
	v2 =	vadd.f32 v3, v2;
	v3 =	vmul.f32 v4, v30  }
0x335: {  	v36 =	vor.u32 $0x2F, v1;
	v4 =	vld.idx.msk [tilespmem:v31+s13+$0x0], $0xffff  }
0x336: {  	v37 =	vld.idx.msk [tilespmem:v6+s12+$0x0], $0xffff;
	v2 =	vadd.f32 v3, v2;
	v3 =	vmul.f32 v5, v32  }
0x337: {  	v5 =	vld.idx.msk [tilespmem:v6+s13+$0x0], $0xffff;
	v6 =	vor.u32 $0x30, v1  }
0x338: {  	v38 =	vld.idx.msk [tilespmem:v34+s12+$0x0], $0xffff;
	v2 =	vadd.f32 v3, v2;
	v3 =	vmul.f32 v7, v33  }
0x339: {  	v39 =	vor.u32 $0x31, v1;
	v7 =	vld.idx.msk [tilespmem:v34+s13+$0x0], $0xffff  }
0x33a: {  	v40 =	vld.idx.msk [tilespmem:v36+s12+$0x0], $0xffff;
	v2 =	vadd.f32 v3, v2;
	v3 =	vmul.f32 v4, v35  }
0x33b: {  	v41 =	vor.u32 $0x32, v1;
	v4 =	vld.idx.msk [tilespmem:v36+s13+$0x0], $0xffff  }
0x33c: {  	v42 =	vld.idx.msk [tilespmem:v6+s12+$0x0], $0xffff;
	v2 =	vadd.f32 v3, v2;
	v3 =	vmul.f32 v5, v37  }
0x33d: {  	v5 =	vld.idx.msk [tilespmem:v6+s13+$0x0], $0xffff;
	v6 =	vor.u32 $0x33, v1  }
0x33e: {  	v43 =	vld.idx.msk [tilespmem:v39+s12+$0x0], $0xffff;
	v2 =	vadd.f32 v3, v2;
	v3 =	vmul.f32 v7, v38  }
0x33f: {  	v44 =	vor.u32 $0x34, v1;
	v7 =	vld.idx.msk [tilespmem:v39+s13+$0x0], $0xffff  }
0x340: {  	v45 =	vld.idx.msk [tilespmem:v41+s12+$0x0], $0xffff;
	v2 =	vadd.f32 v3, v2;
	v3 =	vmul.f32 v4, v40  }
0x341: {  	v46 =	vor.u32 $0x35, v1;
	v4 =	vld.idx.msk [tilespmem:v41+s13+$0x0], $0xffff  }
0x342: {  	v47 =	vld.idx.msk [tilespmem:v6+s12+$0x0], $0xffff;
	v2 =	vadd.f32 v3, v2;
	v3 =	vmul.f32 v5, v42  }
0x343: {  	v5 =	vld.idx.msk [tilespmem:v6+s13+$0x0], $0xffff;
	v6 =	vor.u32 $0x36, v1  }
0x344: {  	v48 =	vld.idx.msk [tilespmem:v44+s12+$0x0], $0xffff;
	v2 =	vadd.f32 v3, v2;
	v3 =	vmul.f32 v7, v43  }
0x345: {  	v49 =	vor.u32 $0x37, v1;
	v7 =	vld.idx.msk [tilespmem:v44+s13+$0x0], $0xffff  }
0x346: {  	v50 =	vld.idx.msk [tilespmem:v46+s12+$0x0], $0xffff;
	v2 =	vadd.f32 v3, v2;
	v3 =	vmul.f32 v4, v45  }
0x347: {  	v51 =	vor.u32 $0x38, v1;
	v4 =	vld.idx.msk [tilespmem:v46+s13+$0x0], $0xffff  }
0x348: {  	v52 =	vld.idx.msk [tilespmem:v6+s12+$0x0], $0xffff;
	v2 =	vadd.f32 v3, v2;
	v3 =	vmul.f32 v5, v47  }
0x349: {  	v5 =	vld.idx.msk [tilespmem:v6+s13+$0x0], $0xffff;
	v6 =	vor.u32 $0x39, v1  }
0x34a: {  	v53 =	vld.idx.msk [tilespmem:v49+s12+$0x0], $0xffff;
	v2 =	vadd.f32 v3, v2;
	v3 =	vmul.f32 v7, v48  }
0x34b: {  	v54 =	vor.u32 $0x3A, v1;
	v7 =	vld.idx.msk [tilespmem:v49+s13+$0x0], $0xffff  }
0x34c: {  	v55 =	vld.idx.msk [tilespmem:v51+s12+$0x0], $0xffff;
	v2 =	vadd.f32 v3, v2;
	v3 =	vmul.f32 v4, v50  }
0x34d: {  	v56 =	vor.u32 $0x3B, v1;
	v4 =	vld.idx.msk [tilespmem:v51+s13+$0x0], $0xffff  }
0x34e: {  	v57 =	vld.idx.msk [tilespmem:v6+s12+$0x0], $0xffff;
	v2 =	vadd.f32 v3, v2;
	v3 =	vmul.f32 v5, v52  }
0x34f: {  	v5 =	vld.idx.msk [tilespmem:v6+s13+$0x0], $0xffff;
	v6 =	vor.u32 $0x3C, v1  }
0x350: {  	v58 =	vld.idx.msk [tilespmem:v54+s12+$0x0], $0xffff;
	v2 =	vadd.f32 v3, v2;
	v3 =	vmul.f32 v7, v53  }
0x351: {  	v7 =	vld.idx.msk [tilespmem:v54+s13+$0x0], $0xffff  }
0x352: {  	v60 =	vld.idx.msk [tilespmem:v56+s12+$0x0], $0xffff;
	v2 =	vadd.f32 v3, v2;
	v3 =	vmul.f32 v4, v55  }
0x353: {  	v59 =	vor.u32 $0x3D, v1;
	v4 =	vld.idx.msk [tilespmem:v56+s13+$0x0], $0xffff  }
0x354: {  	v62 =	vld.idx.msk [tilespmem:v6+s12+$0x0], $0xffff;
	v2 =	vadd.f32 v3, v2;
	v3 =	vmul.f32 v5, v57  }
0x355: {  	v61 =	vor.u32 $0x3E, v1;
	v5 =	vld.idx.msk [tilespmem:v6+s13+$0x0], $0xffff  }
0x356: {  	v2 =	vadd.f32 v3, v2;
	v3 =	vmul.f32 v7, v58  }
0x357: {  	v1 =	vor.u32 $0x3F, v1  }
0x358: {  	v6 =	vld.idx.msk [tilespmem:v59+s12+$0x0], $0xffff;
	v2 =	vadd.f32 v3, v2;
	v3 =	vmul.f32 v4, v60  }
0x359: {  	v7 =	vld.idx.msk [tilespmem:v59+s13+$0x0], $0xffff  }
0x35a: {  	v63 =	vld.idx.msk [tilespmem:v61+s12+$0x0], $0xffff;
	v2 =	vadd.f32 v3, v2;
	v3 =	vmul.f32 v5, v62  }
0x35b: {  	v9 =	vld.idx.msk [tilespmem:v61+s13+$0x0], $0xffff  }
0x35c: {  	v4 =	vadd.f32 v3, v2;
	v2 =	vld.idx.msk [tilespmem:v1+s12+$0x0], $0xffff  }
0x35d: {  	v3 =	vld.idx.msk [tilespmem:v1+s13+$0x0], $0xffff  }
0x35e: {  	v5 =	vmul.f32 v7, v6  }
0x35f: {  	s31 =	simm.s32 $0xA0  }
0x360: {  	v6 =	vmov s31;
	v4 =	vadd.f32 v5, v4;
	v5 =	vmul.f32 v9, v63  }
0x361: {  	s31 =	simm.s32 $0xB0;
	v1 =	vshll.u32 v6, $0x6  }
.LBB2_4:
0x362: {  	p0 =	sne.s32 s31, $0xF0;
	v1 =	vor.u32 v0, v1;
	v4 =	vadd.f32 v5, v4;
	v2 =	vmul.f32 v3, v2;
	_ =	sdelay $0x1  }
0x363: {  	v3 =	vor.u32 $0x1, v1;
	v2 =	vadd.f32 v2, v4  }
0x364: {  	s30 =	sadd.s32 $0x10, s30  }
0x365: {  	v4 =	vor.u32 $0x2, v1;
	[tilespmem:s30+$0x0] =	vst v2  }
0x366: {  	v2 =	vld.idx.msk [tilespmem:v1+s13+$0x0], $0xffff  }
0x367: {  	v6 =	vor.u32 $0x3, v1;
	v5 =	vld.idx.msk [tilespmem:v1+s12+$0x0], $0xffff  }
0x368: {  	v7 =	vld.idx.msk [tilespmem:v3+s12+$0x0], $0xffff  }
0x369: {  	v8 =	vor.u32 $0x4, v1;
	v3 =	vld.idx.msk [tilespmem:v3+s13+$0x0], $0xffff  }
0x36a: {  	v9 =	vld.idx.msk [tilespmem:v4+s12+$0x0], $0xffff  }
0x36b: {  	v10 =	vor.u32 $0x5, v1;
	v4 =	vld.idx.msk [tilespmem:v4+s13+$0x0], $0xffff  }
0x36c: {  	v11 =	vld.idx.msk [tilespmem:v6+s12+$0x0], $0xffff  }
0x36d: {  	v2 =	vmul.f32 v2, v5;
	v5 =	vld.idx.msk [tilespmem:v6+s13+$0x0], $0xffff;
	v6 =	vor.u32 $0x6, v1  }
0x36e: {  	v12 =	vld.idx.msk [tilespmem:v8+s12+$0x0], $0xffff  }
0x36f: {  	v2 =	vadd.f32 $0.0e+00, v2;
	v3 =	vmul.f32 v3, v7;
	v7 =	vld.idx.msk [tilespmem:v8+s13+$0x0], $0xffff;
	v8 =	vor.u32 $0x7, v1  }
0x370: {  	v13 =	vld.idx.msk [tilespmem:v10+s12+$0x0], $0xffff  }
0x371: {  	v2 =	vadd.f32 v3, v2;
	v3 =	vmul.f32 v4, v9;
	v9 =	vor.u32 $0x8, v1;
	v4 =	vld.idx.msk [tilespmem:v10+s13+$0x0], $0xffff  }
0x372: {  	v10 =	vld.idx.msk [tilespmem:v6+s12+$0x0], $0xffff  }
0x373: {  	v2 =	vadd.f32 v3, v2;
	v3 =	vmul.f32 v5, v11;
	v5 =	vld.idx.msk [tilespmem:v6+s13+$0x0], $0xffff;
	v6 =	vor.u32 $0x9, v1  }
0x374: {  	v11 =	vld.idx.msk [tilespmem:v8+s12+$0x0], $0xffff  }
0x375: {  	v2 =	vadd.f32 v3, v2;
	v3 =	vmul.f32 v7, v12;
	v7 =	vld.idx.msk [tilespmem:v8+s13+$0x0], $0xffff;
	v8 =	vor.u32 $0xA, v1  }
0x376: {  	v12 =	vld.idx.msk [tilespmem:v9+s12+$0x0], $0xffff  }
0x377: {  	v2 =	vadd.f32 v3, v2;
	v3 =	vmul.f32 v4, v13;
	v4 =	vld.idx.msk [tilespmem:v9+s13+$0x0], $0xffff;
	v9 =	vor.u32 $0xB, v1  }
0x378: {  	v13 =	vld.idx.msk [tilespmem:v6+s12+$0x0], $0xffff  }
0x379: {  	v2 =	vadd.f32 v3, v2;
	v3 =	vmul.f32 v5, v10;
	v5 =	vld.idx.msk [tilespmem:v6+s13+$0x0], $0xffff;
	v6 =	vor.u32 $0xC, v1  }
0x37a: {  	v10 =	vld.idx.msk [tilespmem:v8+s12+$0x0], $0xffff  }
0x37b: {  	v2 =	vadd.f32 v3, v2;
	v3 =	vmul.f32 v7, v11;
	v7 =	vld.idx.msk [tilespmem:v8+s13+$0x0], $0xffff;
	v8 =	vor.u32 $0xD, v1  }
0x37c: {  	v11 =	vld.idx.msk [tilespmem:v9+s12+$0x0], $0xffff  }
0x37d: {  	v2 =	vadd.f32 v3, v2;
	v3 =	vmul.f32 v4, v12;
	v4 =	vld.idx.msk [tilespmem:v9+s13+$0x0], $0xffff;
	v9 =	vor.u32 $0xE, v1  }
0x37e: {  	v12 =	vld.idx.msk [tilespmem:v6+s12+$0x0], $0xffff  }
0x37f: {  	v2 =	vadd.f32 v3, v2;
	v3 =	vmul.f32 v5, v13;
	v5 =	vld.idx.msk [tilespmem:v6+s13+$0x0], $0xffff;
	v6 =	vor.u32 $0xF, v1  }
0x380: {  	v13 =	vld.idx.msk [tilespmem:v8+s12+$0x0], $0xffff  }
0x381: {  	v2 =	vadd.f32 v3, v2;
	v3 =	vmul.f32 v7, v10;
	v7 =	vld.idx.msk [tilespmem:v8+s13+$0x0], $0xffff;
	v8 =	vor.u32 $0x10, v1  }
0x382: {  	v10 =	vld.idx.msk [tilespmem:v9+s12+$0x0], $0xffff  }
0x383: {  	v2 =	vadd.f32 v3, v2;
	v3 =	vmul.f32 v4, v11;
	v4 =	vld.idx.msk [tilespmem:v9+s13+$0x0], $0xffff;
	v9 =	vor.u32 $0x11, v1  }
0x384: {  	v11 =	vld.idx.msk [tilespmem:v6+s12+$0x0], $0xffff  }
0x385: {  	v2 =	vadd.f32 v3, v2;
	v3 =	vmul.f32 v5, v12;
	v5 =	vld.idx.msk [tilespmem:v6+s13+$0x0], $0xffff;
	v6 =	vor.u32 $0x12, v1  }
0x386: {  	v12 =	vld.idx.msk [tilespmem:v8+s12+$0x0], $0xffff  }
0x387: {  	v2 =	vadd.f32 v3, v2;
	v3 =	vmul.f32 v7, v13;
	v7 =	vld.idx.msk [tilespmem:v8+s13+$0x0], $0xffff;
	v8 =	vor.u32 $0x13, v1  }
0x388: {  	v13 =	vld.idx.msk [tilespmem:v9+s12+$0x0], $0xffff  }
0x389: {  	v2 =	vadd.f32 v3, v2;
	v3 =	vmul.f32 v4, v10;
	v4 =	vld.idx.msk [tilespmem:v9+s13+$0x0], $0xffff;
	v9 =	vor.u32 $0x14, v1  }
0x38a: {  	v10 =	vld.idx.msk [tilespmem:v6+s12+$0x0], $0xffff  }
0x38b: {  	v2 =	vadd.f32 v3, v2;
	v3 =	vmul.f32 v5, v11;
	v5 =	vld.idx.msk [tilespmem:v6+s13+$0x0], $0xffff;
	v6 =	vor.u32 $0x15, v1  }
0x38c: {  	v11 =	vld.idx.msk [tilespmem:v8+s12+$0x0], $0xffff  }
0x38d: {  	v2 =	vadd.f32 v3, v2;
	v3 =	vmul.f32 v7, v12;
	v7 =	vld.idx.msk [tilespmem:v8+s13+$0x0], $0xffff;
	v8 =	vor.u32 $0x16, v1  }
0x38e: {  	v12 =	vld.idx.msk [tilespmem:v9+s12+$0x0], $0xffff  }
0x38f: {  	v2 =	vadd.f32 v3, v2;
	v3 =	vmul.f32 v4, v13;
	v4 =	vld.idx.msk [tilespmem:v9+s13+$0x0], $0xffff;
	v9 =	vor.u32 $0x17, v1  }
0x390: {  	v13 =	vld.idx.msk [tilespmem:v6+s12+$0x0], $0xffff  }
0x391: {  	v2 =	vadd.f32 v3, v2;
	v3 =	vmul.f32 v5, v10;
	v5 =	vld.idx.msk [tilespmem:v6+s13+$0x0], $0xffff;
	v6 =	vor.u32 $0x18, v1  }
0x392: {  	v10 =	vld.idx.msk [tilespmem:v8+s12+$0x0], $0xffff  }
0x393: {  	v2 =	vadd.f32 v3, v2;
	v3 =	vmul.f32 v7, v11;
	v7 =	vld.idx.msk [tilespmem:v8+s13+$0x0], $0xffff;
	v8 =	vor.u32 $0x19, v1  }
0x394: {  	v11 =	vld.idx.msk [tilespmem:v9+s12+$0x0], $0xffff  }
0x395: {  	v2 =	vadd.f32 v3, v2;
	v3 =	vmul.f32 v4, v12;
	v4 =	vld.idx.msk [tilespmem:v9+s13+$0x0], $0xffff;
	v9 =	vor.u32 $0x1A, v1  }
0x396: {  	v12 =	vld.idx.msk [tilespmem:v6+s12+$0x0], $0xffff  }
0x397: {  	v2 =	vadd.f32 v3, v2;
	v3 =	vmul.f32 v5, v13;
	v5 =	vld.idx.msk [tilespmem:v6+s13+$0x0], $0xffff;
	v6 =	vor.u32 $0x1B, v1  }
0x398: {  	v13 =	vld.idx.msk [tilespmem:v8+s12+$0x0], $0xffff  }
0x399: {  	v2 =	vadd.f32 v3, v2;
	v3 =	vmul.f32 v7, v10;
	v7 =	vld.idx.msk [tilespmem:v8+s13+$0x0], $0xffff;
	v8 =	vor.u32 $0x1C, v1  }
0x39a: {  	v10 =	vld.idx.msk [tilespmem:v9+s12+$0x0], $0xffff  }
0x39b: {  	v2 =	vadd.f32 v3, v2;
	v3 =	vmul.f32 v4, v11;
	v4 =	vld.idx.msk [tilespmem:v9+s13+$0x0], $0xffff;
	v9 =	vor.u32 $0x1D, v1  }
0x39c: {  	v11 =	vld.idx.msk [tilespmem:v6+s12+$0x0], $0xffff  }
0x39d: {  	v2 =	vadd.f32 v3, v2;
	v3 =	vmul.f32 v5, v12;
	v5 =	vld.idx.msk [tilespmem:v6+s13+$0x0], $0xffff;
	v6 =	vor.u32 $0x1E, v1  }
0x39e: {  	v12 =	vld.idx.msk [tilespmem:v8+s12+$0x0], $0xffff  }
0x39f: {  	v2 =	vadd.f32 v3, v2;
	v3 =	vmul.f32 v7, v13;
	v7 =	vld.idx.msk [tilespmem:v8+s13+$0x0], $0xffff;
	v8 =	vor.u32 $0x1F, v1  }
0x3a0: {  	v13 =	vld.idx.msk [tilespmem:v9+s12+$0x0], $0xffff  }
0x3a1: {  	v2 =	vadd.f32 v3, v2;
	v3 =	vmul.f32 v4, v10;
	v4 =	vld.idx.msk [tilespmem:v9+s13+$0x0], $0xffff;
	v9 =	vor.u32 $0x20, v1  }
0x3a2: {  	v10 =	vld.idx.msk [tilespmem:v6+s12+$0x0], $0xffff  }
0x3a3: {  	v2 =	vadd.f32 v3, v2;
	v3 =	vmul.f32 v5, v11;
	v5 =	vld.idx.msk [tilespmem:v6+s13+$0x0], $0xffff;
	v6 =	vor.u32 $0x21, v1  }
0x3a4: {  	v11 =	vld.idx.msk [tilespmem:v8+s12+$0x0], $0xffff  }
0x3a5: {  	v2 =	vadd.f32 v3, v2;
	v3 =	vmul.f32 v7, v12;
	v7 =	vld.idx.msk [tilespmem:v8+s13+$0x0], $0xffff;
	v8 =	vor.u32 $0x22, v1  }
0x3a6: {  	v12 =	vld.idx.msk [tilespmem:v9+s12+$0x0], $0xffff  }
0x3a7: {  	v2 =	vadd.f32 v3, v2;
	v3 =	vmul.f32 v4, v13;
	v4 =	vld.idx.msk [tilespmem:v9+s13+$0x0], $0xffff;
	v9 =	vor.u32 $0x23, v1  }
0x3a8: {  	v13 =	vld.idx.msk [tilespmem:v6+s12+$0x0], $0xffff  }
0x3a9: {  	v2 =	vadd.f32 v3, v2;
	v3 =	vmul.f32 v5, v10;
	v5 =	vld.idx.msk [tilespmem:v6+s13+$0x0], $0xffff;
	v6 =	vor.u32 $0x24, v1  }
0x3aa: {  	v10 =	vld.idx.msk [tilespmem:v8+s12+$0x0], $0xffff  }
0x3ab: {  	v2 =	vadd.f32 v3, v2;
	v3 =	vmul.f32 v7, v11;
	v7 =	vld.idx.msk [tilespmem:v8+s13+$0x0], $0xffff;
	v8 =	vor.u32 $0x25, v1  }
0x3ac: {  	v11 =	vld.idx.msk [tilespmem:v9+s12+$0x0], $0xffff  }
0x3ad: {  	v2 =	vadd.f32 v3, v2;
	v3 =	vmul.f32 v4, v12;
	v4 =	vld.idx.msk [tilespmem:v9+s13+$0x0], $0xffff;
	v9 =	vor.u32 $0x26, v1  }
0x3ae: {  	v12 =	vld.idx.msk [tilespmem:v6+s12+$0x0], $0xffff  }
0x3af: {  	v2 =	vadd.f32 v3, v2;
	v3 =	vmul.f32 v5, v13;
	v5 =	vld.idx.msk [tilespmem:v6+s13+$0x0], $0xffff;
	v6 =	vor.u32 $0x27, v1  }
0x3b0: {  	v13 =	vld.idx.msk [tilespmem:v8+s12+$0x0], $0xffff  }
0x3b1: {  	v2 =	vadd.f32 v3, v2;
	v3 =	vmul.f32 v7, v10;
	v7 =	vld.idx.msk [tilespmem:v8+s13+$0x0], $0xffff;
	v8 =	vor.u32 $0x28, v1  }
0x3b2: {  	v10 =	vld.idx.msk [tilespmem:v9+s12+$0x0], $0xffff  }
0x3b3: {  	v2 =	vadd.f32 v3, v2;
	v3 =	vmul.f32 v4, v11;
	v4 =	vld.idx.msk [tilespmem:v9+s13+$0x0], $0xffff;
	v9 =	vor.u32 $0x29, v1  }
0x3b4: {  	v11 =	vld.idx.msk [tilespmem:v6+s12+$0x0], $0xffff  }
0x3b5: {  	v2 =	vadd.f32 v3, v2;
	v3 =	vmul.f32 v5, v12;
	v5 =	vld.idx.msk [tilespmem:v6+s13+$0x0], $0xffff;
	v6 =	vor.u32 $0x2A, v1  }
0x3b6: {  	v12 =	vld.idx.msk [tilespmem:v8+s12+$0x0], $0xffff  }
0x3b7: {  	v2 =	vadd.f32 v3, v2;
	v3 =	vmul.f32 v7, v13;
	v7 =	vld.idx.msk [tilespmem:v8+s13+$0x0], $0xffff;
	v8 =	vor.u32 $0x2B, v1  }
0x3b8: {  	v13 =	vld.idx.msk [tilespmem:v9+s12+$0x0], $0xffff  }
0x3b9: {  	v2 =	vadd.f32 v3, v2;
	v3 =	vmul.f32 v4, v10;
	v4 =	vld.idx.msk [tilespmem:v9+s13+$0x0], $0xffff;
	v9 =	vor.u32 $0x2C, v1  }
0x3ba: {  	v10 =	vld.idx.msk [tilespmem:v6+s12+$0x0], $0xffff  }
0x3bb: {  	v2 =	vadd.f32 v3, v2;
	v3 =	vmul.f32 v5, v11;
	v5 =	vld.idx.msk [tilespmem:v6+s13+$0x0], $0xffff;
	v6 =	vor.u32 $0x2D, v1  }
0x3bc: {  	v11 =	vld.idx.msk [tilespmem:v8+s12+$0x0], $0xffff  }
0x3bd: {  	v2 =	vadd.f32 v3, v2;
	v3 =	vmul.f32 v7, v12;
	v7 =	vld.idx.msk [tilespmem:v8+s13+$0x0], $0xffff;
	v8 =	vor.u32 $0x2E, v1  }
0x3be: {  	v12 =	vld.idx.msk [tilespmem:v9+s12+$0x0], $0xffff  }
0x3bf: {  	v2 =	vadd.f32 v3, v2;
	v3 =	vmul.f32 v4, v13;
	v4 =	vld.idx.msk [tilespmem:v9+s13+$0x0], $0xffff;
	v9 =	vor.u32 $0x2F, v1  }
0x3c0: {  	v13 =	vld.idx.msk [tilespmem:v6+s12+$0x0], $0xffff  }
0x3c1: {  	v2 =	vadd.f32 v3, v2;
	v3 =	vmul.f32 v5, v10;
	v5 =	vld.idx.msk [tilespmem:v6+s13+$0x0], $0xffff;
	v6 =	vor.u32 $0x30, v1  }
0x3c2: {  	v10 =	vld.idx.msk [tilespmem:v8+s12+$0x0], $0xffff  }
0x3c3: {  	v2 =	vadd.f32 v3, v2;
	v3 =	vmul.f32 v7, v11;
	v7 =	vld.idx.msk [tilespmem:v8+s13+$0x0], $0xffff;
	v8 =	vor.u32 $0x31, v1  }
0x3c4: {  	v11 =	vld.idx.msk [tilespmem:v9+s12+$0x0], $0xffff  }
0x3c5: {  	v2 =	vadd.f32 v3, v2;
	v3 =	vmul.f32 v4, v12;
	v4 =	vld.idx.msk [tilespmem:v9+s13+$0x0], $0xffff;
	v9 =	vor.u32 $0x32, v1  }
0x3c6: {  	v12 =	vld.idx.msk [tilespmem:v6+s12+$0x0], $0xffff  }
0x3c7: {  	v2 =	vadd.f32 v3, v2;
	v3 =	vmul.f32 v5, v13;
	v5 =	vld.idx.msk [tilespmem:v6+s13+$0x0], $0xffff;
	v6 =	vor.u32 $0x33, v1  }
0x3c8: {  	v13 =	vld.idx.msk [tilespmem:v8+s12+$0x0], $0xffff  }
0x3c9: {  	v2 =	vadd.f32 v3, v2;
	v3 =	vmul.f32 v7, v10;
	v7 =	vld.idx.msk [tilespmem:v8+s13+$0x0], $0xffff;
	v8 =	vor.u32 $0x34, v1  }
0x3ca: {  	v10 =	vld.idx.msk [tilespmem:v9+s12+$0x0], $0xffff  }
0x3cb: {  	v2 =	vadd.f32 v3, v2;
	v3 =	vmul.f32 v4, v11;
	v4 =	vld.idx.msk [tilespmem:v9+s13+$0x0], $0xffff;
	v9 =	vor.u32 $0x35, v1  }
0x3cc: {  	v11 =	vld.idx.msk [tilespmem:v6+s12+$0x0], $0xffff  }
0x3cd: {  	v2 =	vadd.f32 v3, v2;
	v3 =	vmul.f32 v5, v12;
	v5 =	vld.idx.msk [tilespmem:v6+s13+$0x0], $0xffff;
	v6 =	vor.u32 $0x36, v1  }
0x3ce: {  	v12 =	vld.idx.msk [tilespmem:v8+s12+$0x0], $0xffff  }
0x3cf: {  	v2 =	vadd.f32 v3, v2;
	v3 =	vmul.f32 v7, v13;
	v7 =	vld.idx.msk [tilespmem:v8+s13+$0x0], $0xffff;
	v8 =	vor.u32 $0x37, v1  }
0x3d0: {  	v13 =	vld.idx.msk [tilespmem:v9+s12+$0x0], $0xffff  }
0x3d1: {  	v2 =	vadd.f32 v3, v2;
	v3 =	vmul.f32 v4, v10;
	v4 =	vld.idx.msk [tilespmem:v9+s13+$0x0], $0xffff;
	v9 =	vor.u32 $0x38, v1  }
0x3d2: {  	v10 =	vld.idx.msk [tilespmem:v6+s12+$0x0], $0xffff  }
0x3d3: {  	v2 =	vadd.f32 v3, v2;
	v3 =	vmul.f32 v5, v11;
	v5 =	vld.idx.msk [tilespmem:v6+s13+$0x0], $0xffff;
	v6 =	vor.u32 $0x39, v1  }
0x3d4: {  	v11 =	vld.idx.msk [tilespmem:v8+s12+$0x0], $0xffff  }
0x3d5: {  	v2 =	vadd.f32 v3, v2;
	v3 =	vmul.f32 v7, v12;
	v7 =	vld.idx.msk [tilespmem:v8+s13+$0x0], $0xffff;
	v8 =	vor.u32 $0x3A, v1  }
0x3d6: {  	v12 =	vld.idx.msk [tilespmem:v9+s12+$0x0], $0xffff  }
0x3d7: {  	v2 =	vadd.f32 v3, v2;
	v3 =	vmul.f32 v4, v13;
	v4 =	vld.idx.msk [tilespmem:v9+s13+$0x0], $0xffff;
	v9 =	vor.u32 $0x3B, v1  }
0x3d8: {  	v13 =	vld.idx.msk [tilespmem:v6+s12+$0x0], $0xffff  }
0x3d9: {  	v2 =	vadd.f32 v3, v2;
	v3 =	vmul.f32 v5, v10;
	v5 =	vld.idx.msk [tilespmem:v6+s13+$0x0], $0xffff;
	v6 =	vor.u32 $0x3C, v1  }
0x3da: {  	v10 =	vld.idx.msk [tilespmem:v8+s12+$0x0], $0xffff  }
0x3db: {  	v2 =	vadd.f32 v3, v2;
	v3 =	vmul.f32 v7, v11;
	v7 =	vld.idx.msk [tilespmem:v8+s13+$0x0], $0xffff;
	v8 =	vor.u32 $0x3D, v1  }
0x3dc: {  	v11 =	vld.idx.msk [tilespmem:v9+s12+$0x0], $0xffff  }
0x3dd: {  	v2 =	vadd.f32 v3, v2;
	v3 =	vmul.f32 v4, v12;
	v4 =	vld.idx.msk [tilespmem:v9+s13+$0x0], $0xffff;
	v9 =	vor.u32 $0x3E, v1  }
0x3de: {  	v12 =	vld.idx.msk [tilespmem:v6+s12+$0x0], $0xffff  }
0x3df: {  	v1 =	vor.u32 $0x3F, v1;
	v2 =	vadd.f32 v3, v2;
	v3 =	vmul.f32 v5, v13;
	v5 =	vld.idx.msk [tilespmem:v6+s13+$0x0], $0xffff  }
0x3e0: {  	v6 =	vld.idx.msk [tilespmem:v8+s12+$0x0], $0xffff  }
0x3e1: {  	v2 =	vadd.f32 v3, v2;
	v3 =	vmul.f32 v7, v10;
	v7 =	vld.idx.msk [tilespmem:v8+s13+$0x0], $0xffff  }
0x3e2: {  	v8 =	vld.idx.msk [tilespmem:v9+s12+$0x0], $0xffff  }
0x3e3: {  	v3 =	vadd.f32 v3, v2;
	v4 =	vmul.f32 v4, v11;
	v9 =	vld.idx.msk [tilespmem:v9+s13+$0x0], $0xffff  }
0x3e4: {  	v2 =	vld.idx.msk [tilespmem:v1+s12+$0x0], $0xffff  }
0x3e5: {  	v4 =	vadd.f32 v4, v3;
	v5 =	vmul.f32 v5, v12;
	v3 =	vld.idx.msk [tilespmem:v1+s13+$0x0], $0xffff  }
.Ltmp1:
0x3e6: {  	(pc) =	sbr.rel @p0 .LBB2_4-.Ltmp1, $3  }
0x3e7: {  	v1 =	vadd.f32 v5, v4;
	v4 =	vmul.f32 v7, v6;
	_ =	sdelay $0x1  }
0x3e8: {  	v6 =	vmov s31;
	v4 =	vadd.f32 v4, v1;
	v5 =	vmul.f32 v9, v8  }
0x3e9: {  	s31 =	sadd.s32 $0x10, s31;
	v1 =	vshll.u32 v6, $0x6  }
0x3ea: {  	v1 =	vor.u32 v0, v1;
	v4 =	vadd.f32 v5, v4;
	v2 =	vmul.f32 v3, v2;
	_ =	sdelay $0x1  }
0x3eb: {  	v3 =	vor.u32 $0x1, v1;
	v2 =	vadd.f32 v2, v4  }
0x3ec: {  	s30 =	sadd.s32 $0x10, s30  }
0x3ed: {  	v4 =	vor.u32 $0x2, v1;
	[tilespmem:s30+$0x0] =	vst v2  }
0x3ee: {  	v2 =	vld.idx.msk [tilespmem:v1+s13+$0x0], $0xffff  }
0x3ef: {  	v6 =	vor.u32 $0x3, v1;
	v5 =	vld.idx.msk [tilespmem:v1+s12+$0x0], $0xffff  }
0x3f0: {  	v7 =	vld.idx.msk [tilespmem:v3+s12+$0x0], $0xffff  }
0x3f1: {  	v8 =	vor.u32 $0x4, v1;
	v3 =	vld.idx.msk [tilespmem:v3+s13+$0x0], $0xffff  }
0x3f2: {  	v9 =	vld.idx.msk [tilespmem:v4+s12+$0x0], $0xffff  }
0x3f3: {  	v10 =	vor.u32 $0x5, v1;
	v4 =	vld.idx.msk [tilespmem:v4+s13+$0x0], $0xffff  }
0x3f4: {  	v11 =	vld.idx.msk [tilespmem:v6+s12+$0x0], $0xffff;
	v2 =	vmul.f32 v2, v5  }
0x3f5: {  	v5 =	vld.idx.msk [tilespmem:v6+s13+$0x0], $0xffff;
	v6 =	vor.u32 $0x6, v1  }
0x3f6: {  	v12 =	vld.idx.msk [tilespmem:v8+s12+$0x0], $0xffff;
	v3 =	vmul.f32 v3, v7;
	v2 =	vadd.f32 $0.0e+00, v2  }
0x3f7: {  	v56 =	vor.u32 $0x7, v1;
	v7 =	vld.idx.msk [tilespmem:v8+s13+$0x0], $0xffff  }
0x3f8: {  	v13 =	vld.idx.msk [tilespmem:v10+s12+$0x0], $0xffff;
	v2 =	vadd.f32 v3, v2;
	v3 =	vmul.f32 v4, v9  }
0x3f9: {  	v57 =	vor.u32 $0x8, v1;
	v4 =	vld.idx.msk [tilespmem:v10+s13+$0x0], $0xffff  }
0x3fa: {  	v58 =	vld.idx.msk [tilespmem:v6+s12+$0x0], $0xffff;
	v2 =	vadd.f32 v3, v2;
	v3 =	vmul.f32 v5, v11  }
0x3fb: {  	v5 =	vld.idx.msk [tilespmem:v6+s13+$0x0], $0xffff;
	v6 =	vor.u32 $0x9, v1  }
0x3fc: {  	v59 =	vld.idx.msk [tilespmem:v56+s12+$0x0], $0xffff;
	v2 =	vadd.f32 v3, v2;
	v3 =	vmul.f32 v7, v12  }
0x3fd: {  	v60 =	vor.u32 $0xA, v1;
	v7 =	vld.idx.msk [tilespmem:v56+s13+$0x0], $0xffff  }
0x3fe: {  	v61 =	vld.idx.msk [tilespmem:v57+s12+$0x0], $0xffff;
	v2 =	vadd.f32 v3, v2;
	v3 =	vmul.f32 v4, v13  }
0x3ff: {  	v62 =	vor.u32 $0xB, v1;
	v4 =	vld.idx.msk [tilespmem:v57+s13+$0x0], $0xffff  }
0x400: {  	v63 =	vld.idx.msk [tilespmem:v6+s12+$0x0], $0xffff;
	v2 =	vadd.f32 v3, v2;
	v3 =	vmul.f32 v5, v58  }
0x401: {  	v5 =	vld.idx.msk [tilespmem:v6+s13+$0x0], $0xffff;
	v6 =	vor.u32 $0xC, v1  }
0x402: {  	v16 =	vld.idx.msk [tilespmem:v60+s12+$0x0], $0xffff;
	v2 =	vadd.f32 v3, v2;
	v3 =	vmul.f32 v7, v59  }
0x403: {  	v17 =	vor.u32 $0xD, v1;
	v7 =	vld.idx.msk [tilespmem:v60+s13+$0x0], $0xffff  }
0x404: {  	v18 =	vld.idx.msk [tilespmem:v62+s12+$0x0], $0xffff;
	v2 =	vadd.f32 v3, v2;
	v3 =	vmul.f32 v4, v61  }
0x405: {  	v19 =	vor.u32 $0xE, v1;
	v4 =	vld.idx.msk [tilespmem:v62+s13+$0x0], $0xffff  }
0x406: {  	v20 =	vld.idx.msk [tilespmem:v6+s12+$0x0], $0xffff;
	v2 =	vadd.f32 v3, v2;
	v3 =	vmul.f32 v5, v63  }
0x407: {  	v5 =	vld.idx.msk [tilespmem:v6+s13+$0x0], $0xffff;
	v6 =	vor.u32 $0xF, v1  }
0x408: {  	v21 =	vld.idx.msk [tilespmem:v17+s12+$0x0], $0xffff;
	v2 =	vadd.f32 v3, v2;
	v3 =	vmul.f32 v7, v16  }
0x409: {  	v22 =	vor.u32 $0x10, v1;
	v7 =	vld.idx.msk [tilespmem:v17+s13+$0x0], $0xffff  }
0x40a: {  	v23 =	vld.idx.msk [tilespmem:v19+s12+$0x0], $0xffff;
	v2 =	vadd.f32 v3, v2;
	v3 =	vmul.f32 v4, v18  }
0x40b: {  	v24 =	vor.u32 $0x11, v1;
	v4 =	vld.idx.msk [tilespmem:v19+s13+$0x0], $0xffff  }
0x40c: {  	v25 =	vld.idx.msk [tilespmem:v6+s12+$0x0], $0xffff;
	v2 =	vadd.f32 v3, v2;
	v3 =	vmul.f32 v5, v20  }
0x40d: {  	v5 =	vld.idx.msk [tilespmem:v6+s13+$0x0], $0xffff;
	v6 =	vor.u32 $0x12, v1  }
0x40e: {  	v26 =	vld.idx.msk [tilespmem:v22+s12+$0x0], $0xffff;
	v2 =	vadd.f32 v3, v2;
	v3 =	vmul.f32 v7, v21  }
0x40f: {  	v27 =	vor.u32 $0x13, v1;
	v7 =	vld.idx.msk [tilespmem:v22+s13+$0x0], $0xffff  }
0x410: {  	v28 =	vld.idx.msk [tilespmem:v24+s12+$0x0], $0xffff;
	v2 =	vadd.f32 v3, v2;
	v3 =	vmul.f32 v4, v23  }
0x411: {  	v29 =	vor.u32 $0x14, v1;
	v4 =	vld.idx.msk [tilespmem:v24+s13+$0x0], $0xffff  }
0x412: {  	v30 =	vld.idx.msk [tilespmem:v6+s12+$0x0], $0xffff;
	v2 =	vadd.f32 v3, v2;
	v3 =	vmul.f32 v5, v25  }
0x413: {  	v5 =	vld.idx.msk [tilespmem:v6+s13+$0x0], $0xffff;
	v6 =	vor.u32 $0x15, v1  }
0x414: {  	v31 =	vld.idx.msk [tilespmem:v27+s12+$0x0], $0xffff;
	v2 =	vadd.f32 v3, v2;
	v3 =	vmul.f32 v7, v26  }
0x415: {  	v32 =	vor.u32 $0x16, v1;
	v7 =	vld.idx.msk [tilespmem:v27+s13+$0x0], $0xffff  }
0x416: {  	v33 =	vld.idx.msk [tilespmem:v29+s12+$0x0], $0xffff;
	v2 =	vadd.f32 v3, v2;
	v3 =	vmul.f32 v4, v28  }
0x417: {  	v34 =	vor.u32 $0x17, v1;
	v4 =	vld.idx.msk [tilespmem:v29+s13+$0x0], $0xffff  }
0x418: {  	v35 =	vld.idx.msk [tilespmem:v6+s12+$0x0], $0xffff;
	v2 =	vadd.f32 v3, v2;
	v3 =	vmul.f32 v5, v30  }
0x419: {  	v5 =	vld.idx.msk [tilespmem:v6+s13+$0x0], $0xffff;
	v6 =	vor.u32 $0x18, v1  }
0x41a: {  	v36 =	vld.idx.msk [tilespmem:v32+s12+$0x0], $0xffff;
	v2 =	vadd.f32 v3, v2;
	v3 =	vmul.f32 v7, v31  }
0x41b: {  	v37 =	vor.u32 $0x19, v1;
	v7 =	vld.idx.msk [tilespmem:v32+s13+$0x0], $0xffff  }
0x41c: {  	v38 =	vld.idx.msk [tilespmem:v34+s12+$0x0], $0xffff;
	v2 =	vadd.f32 v3, v2;
	v3 =	vmul.f32 v4, v33  }
0x41d: {  	v39 =	vor.u32 $0x1A, v1;
	v4 =	vld.idx.msk [tilespmem:v34+s13+$0x0], $0xffff  }
0x41e: {  	v40 =	vld.idx.msk [tilespmem:v6+s12+$0x0], $0xffff;
	v2 =	vadd.f32 v3, v2;
	v3 =	vmul.f32 v5, v35  }
0x41f: {  	v5 =	vld.idx.msk [tilespmem:v6+s13+$0x0], $0xffff;
	v6 =	vor.u32 $0x1B, v1  }
0x420: {  	v41 =	vld.idx.msk [tilespmem:v37+s12+$0x0], $0xffff;
	v2 =	vadd.f32 v3, v2;
	v3 =	vmul.f32 v7, v36  }
0x421: {  	v42 =	vor.u32 $0x1C, v1;
	v7 =	vld.idx.msk [tilespmem:v37+s13+$0x0], $0xffff  }
0x422: {  	v43 =	vld.idx.msk [tilespmem:v39+s12+$0x0], $0xffff;
	v2 =	vadd.f32 v3, v2;
	v3 =	vmul.f32 v4, v38  }
0x423: {  	v44 =	vor.u32 $0x1D, v1;
	v4 =	vld.idx.msk [tilespmem:v39+s13+$0x0], $0xffff  }
0x424: {  	v45 =	vld.idx.msk [tilespmem:v6+s12+$0x0], $0xffff;
	v2 =	vadd.f32 v3, v2;
	v3 =	vmul.f32 v5, v40  }
0x425: {  	v5 =	vld.idx.msk [tilespmem:v6+s13+$0x0], $0xffff;
	v6 =	vor.u32 $0x1E, v1  }
0x426: {  	v46 =	vld.idx.msk [tilespmem:v42+s12+$0x0], $0xffff;
	v2 =	vadd.f32 v3, v2;
	v3 =	vmul.f32 v7, v41  }
0x427: {  	v47 =	vor.u32 $0x1F, v1;
	v7 =	vld.idx.msk [tilespmem:v42+s13+$0x0], $0xffff  }
0x428: {  	v48 =	vld.idx.msk [tilespmem:v44+s12+$0x0], $0xffff;
	v2 =	vadd.f32 v3, v2;
	v3 =	vmul.f32 v4, v43  }
0x429: {  	v49 =	vor.u32 $0x20, v1;
	v4 =	vld.idx.msk [tilespmem:v44+s13+$0x0], $0xffff  }
0x42a: {  	v50 =	vld.idx.msk [tilespmem:v6+s12+$0x0], $0xffff;
	v2 =	vadd.f32 v3, v2;
	v3 =	vmul.f32 v5, v45  }
0x42b: {  	v5 =	vld.idx.msk [tilespmem:v6+s13+$0x0], $0xffff;
	v6 =	vor.u32 $0x21, v1  }
0x42c: {  	v51 =	vld.idx.msk [tilespmem:v47+s12+$0x0], $0xffff;
	v2 =	vadd.f32 v3, v2;
	v3 =	vmul.f32 v7, v46  }
0x42d: {  	v52 =	vor.u32 $0x22, v1;
	v7 =	vld.idx.msk [tilespmem:v47+s13+$0x0], $0xffff  }
0x42e: {  	v53 =	vld.idx.msk [tilespmem:v49+s12+$0x0], $0xffff;
	v2 =	vadd.f32 v3, v2;
	v3 =	vmul.f32 v4, v48  }
0x42f: {  	v54 =	vor.u32 $0x23, v1;
	v4 =	vld.idx.msk [tilespmem:v49+s13+$0x0], $0xffff  }
0x430: {  	v55 =	vld.idx.msk [tilespmem:v6+s12+$0x0], $0xffff;
	v2 =	vadd.f32 v3, v2;
	v3 =	vmul.f32 v5, v50  }
0x431: {  	v5 =	vld.idx.msk [tilespmem:v6+s13+$0x0], $0xffff;
	v6 =	vor.u32 $0x24, v1  }
0x432: {  	v56 =	vld.idx.msk [tilespmem:v52+s12+$0x0], $0xffff;
	v2 =	vadd.f32 v3, v2;
	v3 =	vmul.f32 v7, v51  }
0x433: {  	v57 =	vor.u32 $0x25, v1;
	v7 =	vld.idx.msk [tilespmem:v52+s13+$0x0], $0xffff  }
0x434: {  	v58 =	vld.idx.msk [tilespmem:v54+s12+$0x0], $0xffff;
	v2 =	vadd.f32 v3, v2;
	v3 =	vmul.f32 v4, v53  }
0x435: {  	v59 =	vor.u32 $0x26, v1;
	v4 =	vld.idx.msk [tilespmem:v54+s13+$0x0], $0xffff  }
0x436: {  	v60 =	vld.idx.msk [tilespmem:v6+s12+$0x0], $0xffff;
	v2 =	vadd.f32 v3, v2;
	v3 =	vmul.f32 v5, v55  }
0x437: {  	v5 =	vld.idx.msk [tilespmem:v6+s13+$0x0], $0xffff;
	v6 =	vor.u32 $0x27, v1  }
0x438: {  	v61 =	vld.idx.msk [tilespmem:v57+s12+$0x0], $0xffff;
	v2 =	vadd.f32 v3, v2;
	v3 =	vmul.f32 v7, v56  }
0x439: {  	v62 =	vor.u32 $0x28, v1;
	v7 =	vld.idx.msk [tilespmem:v57+s13+$0x0], $0xffff  }
0x43a: {  	v63 =	vld.idx.msk [tilespmem:v59+s12+$0x0], $0xffff;
	v2 =	vadd.f32 v3, v2;
	v3 =	vmul.f32 v4, v58  }
0x43b: {  	v16 =	vor.u32 $0x29, v1;
	v4 =	vld.idx.msk [tilespmem:v59+s13+$0x0], $0xffff  }
0x43c: {  	v17 =	vld.idx.msk [tilespmem:v6+s12+$0x0], $0xffff;
	v2 =	vadd.f32 v3, v2;
	v3 =	vmul.f32 v5, v60  }
0x43d: {  	v5 =	vld.idx.msk [tilespmem:v6+s13+$0x0], $0xffff;
	v6 =	vor.u32 $0x2A, v1  }
0x43e: {  	v18 =	vld.idx.msk [tilespmem:v62+s12+$0x0], $0xffff;
	v2 =	vadd.f32 v3, v2;
	v3 =	vmul.f32 v7, v61  }
0x43f: {  	v19 =	vor.u32 $0x2B, v1;
	v7 =	vld.idx.msk [tilespmem:v62+s13+$0x0], $0xffff  }
0x440: {  	v20 =	vld.idx.msk [tilespmem:v16+s12+$0x0], $0xffff;
	v2 =	vadd.f32 v3, v2;
	v3 =	vmul.f32 v4, v63  }
0x441: {  	v21 =	vor.u32 $0x2C, v1;
	v4 =	vld.idx.msk [tilespmem:v16+s13+$0x0], $0xffff  }
0x442: {  	v22 =	vld.idx.msk [tilespmem:v6+s12+$0x0], $0xffff;
	v2 =	vadd.f32 v3, v2;
	v3 =	vmul.f32 v5, v17  }
0x443: {  	v5 =	vld.idx.msk [tilespmem:v6+s13+$0x0], $0xffff;
	v6 =	vor.u32 $0x2D, v1  }
0x444: {  	v23 =	vld.idx.msk [tilespmem:v19+s12+$0x0], $0xffff;
	v2 =	vadd.f32 v3, v2;
	v3 =	vmul.f32 v7, v18  }
0x445: {  	v24 =	vor.u32 $0x2E, v1;
	v7 =	vld.idx.msk [tilespmem:v19+s13+$0x0], $0xffff  }
0x446: {  	v25 =	vld.idx.msk [tilespmem:v21+s12+$0x0], $0xffff;
	v2 =	vadd.f32 v3, v2;
	v3 =	vmul.f32 v4, v20  }
0x447: {  	v26 =	vor.u32 $0x2F, v1;
	v4 =	vld.idx.msk [tilespmem:v21+s13+$0x0], $0xffff  }
0x448: {  	v27 =	vld.idx.msk [tilespmem:v6+s12+$0x0], $0xffff;
	v2 =	vadd.f32 v3, v2;
	v3 =	vmul.f32 v5, v22  }
0x449: {  	v5 =	vld.idx.msk [tilespmem:v6+s13+$0x0], $0xffff;
	v6 =	vor.u32 $0x30, v1  }
0x44a: {  	v28 =	vld.idx.msk [tilespmem:v24+s12+$0x0], $0xffff;
	v2 =	vadd.f32 v3, v2;
	v3 =	vmul.f32 v7, v23  }
0x44b: {  	v29 =	vor.u32 $0x31, v1;
	v7 =	vld.idx.msk [tilespmem:v24+s13+$0x0], $0xffff  }
0x44c: {  	v30 =	vld.idx.msk [tilespmem:v26+s12+$0x0], $0xffff;
	v2 =	vadd.f32 v3, v2;
	v3 =	vmul.f32 v4, v25  }
0x44d: {  	v31 =	vor.u32 $0x32, v1;
	v4 =	vld.idx.msk [tilespmem:v26+s13+$0x0], $0xffff  }
0x44e: {  	v32 =	vld.idx.msk [tilespmem:v6+s12+$0x0], $0xffff;
	v2 =	vadd.f32 v3, v2;
	v3 =	vmul.f32 v5, v27  }
0x44f: {  	v5 =	vld.idx.msk [tilespmem:v6+s13+$0x0], $0xffff;
	v6 =	vor.u32 $0x33, v1  }
0x450: {  	v33 =	vld.idx.msk [tilespmem:v29+s12+$0x0], $0xffff;
	v2 =	vadd.f32 v3, v2;
	v3 =	vmul.f32 v7, v28  }
0x451: {  	v34 =	vor.u32 $0x34, v1;
	v7 =	vld.idx.msk [tilespmem:v29+s13+$0x0], $0xffff  }
0x452: {  	v35 =	vld.idx.msk [tilespmem:v31+s12+$0x0], $0xffff;
	v2 =	vadd.f32 v3, v2;
	v3 =	vmul.f32 v4, v30  }
0x453: {  	v36 =	vor.u32 $0x35, v1;
	v4 =	vld.idx.msk [tilespmem:v31+s13+$0x0], $0xffff  }
0x454: {  	v37 =	vld.idx.msk [tilespmem:v6+s12+$0x0], $0xffff;
	v2 =	vadd.f32 v3, v2;
	v3 =	vmul.f32 v5, v32  }
0x455: {  	v5 =	vld.idx.msk [tilespmem:v6+s13+$0x0], $0xffff;
	v6 =	vor.u32 $0x36, v1  }
0x456: {  	v38 =	vld.idx.msk [tilespmem:v34+s12+$0x0], $0xffff;
	v2 =	vadd.f32 v3, v2;
	v3 =	vmul.f32 v7, v33  }
0x457: {  	v39 =	vor.u32 $0x37, v1;
	v7 =	vld.idx.msk [tilespmem:v34+s13+$0x0], $0xffff  }
0x458: {  	v40 =	vld.idx.msk [tilespmem:v36+s12+$0x0], $0xffff;
	v2 =	vadd.f32 v3, v2;
	v3 =	vmul.f32 v4, v35  }
0x459: {  	v41 =	vor.u32 $0x38, v1;
	v4 =	vld.idx.msk [tilespmem:v36+s13+$0x0], $0xffff  }
0x45a: {  	v42 =	vld.idx.msk [tilespmem:v6+s12+$0x0], $0xffff;
	v2 =	vadd.f32 v3, v2;
	v3 =	vmul.f32 v5, v37  }
0x45b: {  	v5 =	vld.idx.msk [tilespmem:v6+s13+$0x0], $0xffff;
	v6 =	vor.u32 $0x39, v1  }
0x45c: {  	v43 =	vld.idx.msk [tilespmem:v39+s12+$0x0], $0xffff;
	v2 =	vadd.f32 v3, v2;
	v3 =	vmul.f32 v7, v38  }
0x45d: {  	v44 =	vor.u32 $0x3A, v1;
	v7 =	vld.idx.msk [tilespmem:v39+s13+$0x0], $0xffff  }
0x45e: {  	v45 =	vld.idx.msk [tilespmem:v41+s12+$0x0], $0xffff;
	v2 =	vadd.f32 v3, v2;
	v3 =	vmul.f32 v4, v40  }
0x45f: {  	v46 =	vor.u32 $0x3B, v1;
	v4 =	vld.idx.msk [tilespmem:v41+s13+$0x0], $0xffff  }
0x460: {  	v47 =	vld.idx.msk [tilespmem:v6+s12+$0x0], $0xffff;
	v2 =	vadd.f32 v3, v2;
	v3 =	vmul.f32 v5, v42  }
0x461: {  	v5 =	vld.idx.msk [tilespmem:v6+s13+$0x0], $0xffff;
	v6 =	vor.u32 $0x3C, v1  }
0x462: {  	v48 =	vld.idx.msk [tilespmem:v44+s12+$0x0], $0xffff;
	v2 =	vadd.f32 v3, v2;
	v3 =	vmul.f32 v7, v43  }
0x463: {  	v49 =	vor.u32 $0x3D, v1;
	v7 =	vld.idx.msk [tilespmem:v44+s13+$0x0], $0xffff  }
0x464: {  	v50 =	vld.idx.msk [tilespmem:v46+s12+$0x0], $0xffff;
	v2 =	vadd.f32 v3, v2;
	v3 =	vmul.f32 v4, v45  }
0x465: {  	v51 =	vor.u32 $0x3E, v1;
	v4 =	vld.idx.msk [tilespmem:v46+s13+$0x0], $0xffff  }
0x466: {  	v52 =	vld.idx.msk [tilespmem:v6+s12+$0x0], $0xffff;
	v2 =	vadd.f32 v3, v2;
	v3 =	vmul.f32 v5, v47  }
0x467: {  	v1 =	vor.u32 $0x3F, v1;
	v5 =	vld.idx.msk [tilespmem:v6+s13+$0x0], $0xffff  }
0x468: {  	v6 =	vld.idx.msk [tilespmem:v49+s12+$0x0], $0xffff;
	v2 =	vadd.f32 v3, v2;
	v3 =	vmul.f32 v7, v48  }
0x469: {  	v7 =	vld.idx.msk [tilespmem:v49+s13+$0x0], $0xffff  }
0x46a: {  	v53 =	vld.idx.msk [tilespmem:v51+s12+$0x0], $0xffff;
	v2 =	vadd.f32 v3, v2;
	v3 =	vmul.f32 v4, v50  }
0x46b: {  	v4 =	vld.idx.msk [tilespmem:v51+s13+$0x0], $0xffff  }
0x46c: {  	v54 =	vld.idx.msk [tilespmem:v1+s12+$0x0], $0xffff;
	v2 =	vadd.f32 v3, v2;
	v3 =	vmul.f32 v5, v52  }
0x46d: {  	v1 =	vld.idx.msk [tilespmem:v1+s13+$0x0], $0xffff  }
0x46e: {  	v2 =	vadd.f32 v3, v2;
	v3 =	vmul.f32 v7, v6;
	_ =	sdelay $0x1  }
0x46f: {  	v2 =	vadd.f32 v3, v2;
	v3 =	vmul.f32 v4, v53;
	_ =	sdelay $0x1  }
0x470: {  	v1 =	vmul.f32 v1, v54;
	v2 =	vadd.f32 v3, v2;
	_ =	sdelay $0x1  }
0x471: {  	v1 =	vadd.f32 v1, v2  }
0x472: {  	s31 =	simm.s32 $0x100;
	s30 =	sadd.s32 $0x10, s30  }
0x473: {  	[tilespmem:s30+$0x0] =	vst v1;
	v1 =	vmov s31  }
0x474: {  	_ =	swait.ge [sflag:s25], $0x2000;
	v1 =	vshll.u32 v1, $0x6  }
0x475: {  	[sflag:s25] =	ssyncset.done $0x0;
	v1 =	vor.u32 v0, v1  }
0x476: {  	[sflag:s25] =	ssyncadd.s32 $0xFFFFE000  }
0x477: {  	v2 =	vor.u32 $0x1, v1;
	_ =	swait.ge [sflag:s26], $0x2000  }
0x478: {  	[sflag:s26] =	ssyncset.done $0x0  }
0x479: {  	v3 =	vor.u32 $0x2, v1;
	[sflag:s26] =	ssyncadd.s32 $0xFFFFE000  }
0x47a: {  	v4 =	vld.idx.msk [tilespmem:v1+s13+$0x0], $0xffff  }
0x47b: {  	v6 =	vor.u32 $0x3, v1;
	v5 =	vld.idx.msk [tilespmem:v1+s12+$0x0], $0xffff  }
0x47c: {  	v7 =	vld.idx.msk [tilespmem:v2+s12+$0x0], $0xffff  }
0x47d: {  	v55 =	vor.u32 $0x4, v1;
	v2 =	vld.idx.msk [tilespmem:v2+s13+$0x0], $0xffff  }
0x47e: {  	v56 =	vld.idx.msk [tilespmem:v3+s12+$0x0], $0xffff  }
0x47f: {  	v57 =	vor.u32 $0x5, v1;
	v3 =	vld.idx.msk [tilespmem:v3+s13+$0x0], $0xffff  }
0x480: {  	v58 =	vld.idx.msk [tilespmem:v6+s12+$0x0], $0xffff;
	v4 =	vmul.f32 v4, v5  }
0x481: {  	v5 =	vld.idx.msk [tilespmem:v6+s13+$0x0], $0xffff;
	v6 =	vor.u32 $0x6, v1  }
0x482: {  	v59 =	vld.idx.msk [tilespmem:v55+s12+$0x0], $0xffff;
	v2 =	vmul.f32 v2, v7;
	v4 =	vadd.f32 $0.0e+00, v4  }
0x483: {  	v60 =	vor.u32 $0x7, v1;
	v7 =	vld.idx.msk [tilespmem:v55+s13+$0x0], $0xffff  }
0x484: {  	v61 =	vld.idx.msk [tilespmem:v57+s12+$0x0], $0xffff;
	v3 =	vmul.f32 v3, v56;
	v2 =	vadd.f32 v2, v4  }
0x485: {  	v62 =	vor.u32 $0x8, v1;
	v4 =	vld.idx.msk [tilespmem:v57+s13+$0x0], $0xffff  }
0x486: {  	v63 =	vld.idx.msk [tilespmem:v6+s12+$0x0], $0xffff;
	v2 =	vadd.f32 v3, v2;
	v3 =	vmul.f32 v5, v58  }
0x487: {  	v5 =	vld.idx.msk [tilespmem:v6+s13+$0x0], $0xffff;
	v6 =	vor.u32 $0x9, v1  }
0x488: {  	v16 =	vld.idx.msk [tilespmem:v60+s12+$0x0], $0xffff;
	v2 =	vadd.f32 v3, v2;
	v3 =	vmul.f32 v7, v59  }
0x489: {  	v17 =	vor.u32 $0xA, v1;
	v7 =	vld.idx.msk [tilespmem:v60+s13+$0x0], $0xffff  }
0x48a: {  	v18 =	vld.idx.msk [tilespmem:v62+s12+$0x0], $0xffff;
	v2 =	vadd.f32 v3, v2;
	v3 =	vmul.f32 v4, v61  }
0x48b: {  	v19 =	vor.u32 $0xB, v1;
	v4 =	vld.idx.msk [tilespmem:v62+s13+$0x0], $0xffff  }
0x48c: {  	v20 =	vld.idx.msk [tilespmem:v6+s12+$0x0], $0xffff;
	v2 =	vadd.f32 v3, v2;
	v3 =	vmul.f32 v5, v63  }
0x48d: {  	v5 =	vld.idx.msk [tilespmem:v6+s13+$0x0], $0xffff;
	v6 =	vor.u32 $0xC, v1  }
0x48e: {  	v21 =	vld.idx.msk [tilespmem:v17+s12+$0x0], $0xffff;
	v2 =	vadd.f32 v3, v2;
	v3 =	vmul.f32 v7, v16  }
0x48f: {  	v22 =	vor.u32 $0xD, v1;
	v7 =	vld.idx.msk [tilespmem:v17+s13+$0x0], $0xffff  }
0x490: {  	v23 =	vld.idx.msk [tilespmem:v19+s12+$0x0], $0xffff;
	v2 =	vadd.f32 v3, v2;
	v3 =	vmul.f32 v4, v18  }
0x491: {  	v24 =	vor.u32 $0xE, v1;
	v4 =	vld.idx.msk [tilespmem:v19+s13+$0x0], $0xffff  }
0x492: {  	v25 =	vld.idx.msk [tilespmem:v6+s12+$0x0], $0xffff;
	v2 =	vadd.f32 v3, v2;
	v3 =	vmul.f32 v5, v20  }
0x493: {  	v5 =	vld.idx.msk [tilespmem:v6+s13+$0x0], $0xffff;
	v6 =	vor.u32 $0xF, v1  }
0x494: {  	v26 =	vld.idx.msk [tilespmem:v22+s12+$0x0], $0xffff;
	v2 =	vadd.f32 v3, v2;
	v3 =	vmul.f32 v7, v21  }
0x495: {  	v27 =	vor.u32 $0x10, v1;
	v7 =	vld.idx.msk [tilespmem:v22+s13+$0x0], $0xffff  }
0x496: {  	v28 =	vld.idx.msk [tilespmem:v24+s12+$0x0], $0xffff;
	v2 =	vadd.f32 v3, v2;
	v3 =	vmul.f32 v4, v23  }
0x497: {  	v29 =	vor.u32 $0x11, v1;
	v4 =	vld.idx.msk [tilespmem:v24+s13+$0x0], $0xffff  }
0x498: {  	v30 =	vld.idx.msk [tilespmem:v6+s12+$0x0], $0xffff;
	v2 =	vadd.f32 v3, v2;
	v3 =	vmul.f32 v5, v25  }
0x499: {  	v5 =	vld.idx.msk [tilespmem:v6+s13+$0x0], $0xffff;
	v6 =	vor.u32 $0x12, v1  }
0x49a: {  	v31 =	vld.idx.msk [tilespmem:v27+s12+$0x0], $0xffff;
	v2 =	vadd.f32 v3, v2;
	v3 =	vmul.f32 v7, v26  }
0x49b: {  	v32 =	vor.u32 $0x13, v1;
	v7 =	vld.idx.msk [tilespmem:v27+s13+$0x0], $0xffff  }
0x49c: {  	v33 =	vld.idx.msk [tilespmem:v29+s12+$0x0], $0xffff;
	v2 =	vadd.f32 v3, v2;
	v3 =	vmul.f32 v4, v28  }
0x49d: {  	v34 =	vor.u32 $0x14, v1;
	v4 =	vld.idx.msk [tilespmem:v29+s13+$0x0], $0xffff  }
0x49e: {  	v35 =	vld.idx.msk [tilespmem:v6+s12+$0x0], $0xffff;
	v2 =	vadd.f32 v3, v2;
	v3 =	vmul.f32 v5, v30  }
0x49f: {  	v5 =	vld.idx.msk [tilespmem:v6+s13+$0x0], $0xffff;
	v6 =	vor.u32 $0x15, v1  }
0x4a0: {  	v36 =	vld.idx.msk [tilespmem:v32+s12+$0x0], $0xffff;
	v2 =	vadd.f32 v3, v2;
	v3 =	vmul.f32 v7, v31  }
0x4a1: {  	v37 =	vor.u32 $0x16, v1;
	v7 =	vld.idx.msk [tilespmem:v32+s13+$0x0], $0xffff  }
0x4a2: {  	v38 =	vld.idx.msk [tilespmem:v34+s12+$0x0], $0xffff;
	v2 =	vadd.f32 v3, v2;
	v3 =	vmul.f32 v4, v33  }
0x4a3: {  	v39 =	vor.u32 $0x17, v1;
	v4 =	vld.idx.msk [tilespmem:v34+s13+$0x0], $0xffff  }
0x4a4: {  	v40 =	vld.idx.msk [tilespmem:v6+s12+$0x0], $0xffff;
	v2 =	vadd.f32 v3, v2;
	v3 =	vmul.f32 v5, v35  }
0x4a5: {  	v5 =	vld.idx.msk [tilespmem:v6+s13+$0x0], $0xffff;
	v6 =	vor.u32 $0x18, v1  }
0x4a6: {  	v41 =	vld.idx.msk [tilespmem:v37+s12+$0x0], $0xffff;
	v2 =	vadd.f32 v3, v2;
	v3 =	vmul.f32 v7, v36  }
0x4a7: {  	v42 =	vor.u32 $0x19, v1;
	v7 =	vld.idx.msk [tilespmem:v37+s13+$0x0], $0xffff  }
0x4a8: {  	v43 =	vld.idx.msk [tilespmem:v39+s12+$0x0], $0xffff;
	v2 =	vadd.f32 v3, v2;
	v3 =	vmul.f32 v4, v38  }
0x4a9: {  	v44 =	vor.u32 $0x1A, v1;
	v4 =	vld.idx.msk [tilespmem:v39+s13+$0x0], $0xffff  }
0x4aa: {  	v45 =	vld.idx.msk [tilespmem:v6+s12+$0x0], $0xffff;
	v2 =	vadd.f32 v3, v2;
	v3 =	vmul.f32 v5, v40  }
0x4ab: {  	v5 =	vld.idx.msk [tilespmem:v6+s13+$0x0], $0xffff;
	v6 =	vor.u32 $0x1B, v1  }
0x4ac: {  	v46 =	vld.idx.msk [tilespmem:v42+s12+$0x0], $0xffff;
	v2 =	vadd.f32 v3, v2;
	v3 =	vmul.f32 v7, v41  }
0x4ad: {  	v47 =	vor.u32 $0x1C, v1;
	v7 =	vld.idx.msk [tilespmem:v42+s13+$0x0], $0xffff  }
0x4ae: {  	v48 =	vld.idx.msk [tilespmem:v44+s12+$0x0], $0xffff;
	v2 =	vadd.f32 v3, v2;
	v3 =	vmul.f32 v4, v43  }
0x4af: {  	v49 =	vor.u32 $0x1D, v1;
	v4 =	vld.idx.msk [tilespmem:v44+s13+$0x0], $0xffff  }
0x4b0: {  	v50 =	vld.idx.msk [tilespmem:v6+s12+$0x0], $0xffff;
	v2 =	vadd.f32 v3, v2;
	v3 =	vmul.f32 v5, v45  }
0x4b1: {  	v5 =	vld.idx.msk [tilespmem:v6+s13+$0x0], $0xffff;
	v6 =	vor.u32 $0x1E, v1  }
0x4b2: {  	v51 =	vld.idx.msk [tilespmem:v47+s12+$0x0], $0xffff;
	v2 =	vadd.f32 v3, v2;
	v3 =	vmul.f32 v7, v46  }
0x4b3: {  	v52 =	vor.u32 $0x1F, v1;
	v7 =	vld.idx.msk [tilespmem:v47+s13+$0x0], $0xffff  }
0x4b4: {  	v53 =	vld.idx.msk [tilespmem:v49+s12+$0x0], $0xffff;
	v2 =	vadd.f32 v3, v2;
	v3 =	vmul.f32 v4, v48  }
0x4b5: {  	v54 =	vor.u32 $0x20, v1;
	v4 =	vld.idx.msk [tilespmem:v49+s13+$0x0], $0xffff  }
0x4b6: {  	v55 =	vld.idx.msk [tilespmem:v6+s12+$0x0], $0xffff;
	v2 =	vadd.f32 v3, v2;
	v3 =	vmul.f32 v5, v50  }
0x4b7: {  	v5 =	vld.idx.msk [tilespmem:v6+s13+$0x0], $0xffff;
	v6 =	vor.u32 $0x21, v1  }
0x4b8: {  	v56 =	vld.idx.msk [tilespmem:v52+s12+$0x0], $0xffff;
	v2 =	vadd.f32 v3, v2;
	v3 =	vmul.f32 v7, v51  }
0x4b9: {  	v57 =	vor.u32 $0x22, v1;
	v7 =	vld.idx.msk [tilespmem:v52+s13+$0x0], $0xffff  }
0x4ba: {  	v58 =	vld.idx.msk [tilespmem:v54+s12+$0x0], $0xffff;
	v2 =	vadd.f32 v3, v2;
	v3 =	vmul.f32 v4, v53  }
0x4bb: {  	v59 =	vor.u32 $0x23, v1;
	v4 =	vld.idx.msk [tilespmem:v54+s13+$0x0], $0xffff  }
0x4bc: {  	v60 =	vld.idx.msk [tilespmem:v6+s12+$0x0], $0xffff;
	v2 =	vadd.f32 v3, v2;
	v3 =	vmul.f32 v5, v55  }
0x4bd: {  	v5 =	vld.idx.msk [tilespmem:v6+s13+$0x0], $0xffff;
	v6 =	vor.u32 $0x24, v1  }
0x4be: {  	v61 =	vld.idx.msk [tilespmem:v57+s12+$0x0], $0xffff;
	v2 =	vadd.f32 v3, v2;
	v3 =	vmul.f32 v7, v56  }
0x4bf: {  	v62 =	vor.u32 $0x25, v1;
	v7 =	vld.idx.msk [tilespmem:v57+s13+$0x0], $0xffff  }
0x4c0: {  	v63 =	vld.idx.msk [tilespmem:v59+s12+$0x0], $0xffff;
	v2 =	vadd.f32 v3, v2;
	v3 =	vmul.f32 v4, v58  }
0x4c1: {  	v16 =	vor.u32 $0x26, v1;
	v4 =	vld.idx.msk [tilespmem:v59+s13+$0x0], $0xffff  }
0x4c2: {  	v17 =	vld.idx.msk [tilespmem:v6+s12+$0x0], $0xffff;
	v2 =	vadd.f32 v3, v2;
	v3 =	vmul.f32 v5, v60  }
0x4c3: {  	v5 =	vld.idx.msk [tilespmem:v6+s13+$0x0], $0xffff;
	v6 =	vor.u32 $0x27, v1  }
0x4c4: {  	v18 =	vld.idx.msk [tilespmem:v62+s12+$0x0], $0xffff;
	v2 =	vadd.f32 v3, v2;
	v3 =	vmul.f32 v7, v61  }
0x4c5: {  	v19 =	vor.u32 $0x28, v1;
	v7 =	vld.idx.msk [tilespmem:v62+s13+$0x0], $0xffff  }
0x4c6: {  	v20 =	vld.idx.msk [tilespmem:v16+s12+$0x0], $0xffff;
	v2 =	vadd.f32 v3, v2;
	v3 =	vmul.f32 v4, v63  }
0x4c7: {  	v21 =	vor.u32 $0x29, v1;
	v4 =	vld.idx.msk [tilespmem:v16+s13+$0x0], $0xffff  }
0x4c8: {  	v22 =	vld.idx.msk [tilespmem:v6+s12+$0x0], $0xffff;
	v2 =	vadd.f32 v3, v2;
	v3 =	vmul.f32 v5, v17  }
0x4c9: {  	v5 =	vld.idx.msk [tilespmem:v6+s13+$0x0], $0xffff;
	v6 =	vor.u32 $0x2A, v1  }
0x4ca: {  	v23 =	vld.idx.msk [tilespmem:v19+s12+$0x0], $0xffff;
	v2 =	vadd.f32 v3, v2;
	v3 =	vmul.f32 v7, v18  }
0x4cb: {  	v24 =	vor.u32 $0x2B, v1;
	v7 =	vld.idx.msk [tilespmem:v19+s13+$0x0], $0xffff  }
0x4cc: {  	v25 =	vld.idx.msk [tilespmem:v21+s12+$0x0], $0xffff;
	v2 =	vadd.f32 v3, v2;
	v3 =	vmul.f32 v4, v20  }
0x4cd: {  	v26 =	vor.u32 $0x2C, v1;
	v4 =	vld.idx.msk [tilespmem:v21+s13+$0x0], $0xffff  }
0x4ce: {  	v27 =	vld.idx.msk [tilespmem:v6+s12+$0x0], $0xffff;
	v2 =	vadd.f32 v3, v2;
	v3 =	vmul.f32 v5, v22  }
0x4cf: {  	v5 =	vld.idx.msk [tilespmem:v6+s13+$0x0], $0xffff;
	v6 =	vor.u32 $0x2D, v1  }
0x4d0: {  	v28 =	vld.idx.msk [tilespmem:v24+s12+$0x0], $0xffff;
	v2 =	vadd.f32 v3, v2;
	v3 =	vmul.f32 v7, v23  }
0x4d1: {  	v29 =	vor.u32 $0x2E, v1;
	v7 =	vld.idx.msk [tilespmem:v24+s13+$0x0], $0xffff  }
0x4d2: {  	v30 =	vld.idx.msk [tilespmem:v26+s12+$0x0], $0xffff;
	v2 =	vadd.f32 v3, v2;
	v3 =	vmul.f32 v4, v25  }
0x4d3: {  	v31 =	vor.u32 $0x2F, v1;
	v4 =	vld.idx.msk [tilespmem:v26+s13+$0x0], $0xffff  }
0x4d4: {  	v32 =	vld.idx.msk [tilespmem:v6+s12+$0x0], $0xffff;
	v2 =	vadd.f32 v3, v2;
	v3 =	vmul.f32 v5, v27  }
0x4d5: {  	v5 =	vld.idx.msk [tilespmem:v6+s13+$0x0], $0xffff;
	v6 =	vor.u32 $0x30, v1  }
0x4d6: {  	v33 =	vld.idx.msk [tilespmem:v29+s12+$0x0], $0xffff;
	v2 =	vadd.f32 v3, v2;
	v3 =	vmul.f32 v7, v28  }
0x4d7: {  	v34 =	vor.u32 $0x31, v1;
	v7 =	vld.idx.msk [tilespmem:v29+s13+$0x0], $0xffff  }
0x4d8: {  	v35 =	vld.idx.msk [tilespmem:v31+s12+$0x0], $0xffff;
	v2 =	vadd.f32 v3, v2;
	v3 =	vmul.f32 v4, v30  }
0x4d9: {  	v36 =	vor.u32 $0x32, v1;
	v4 =	vld.idx.msk [tilespmem:v31+s13+$0x0], $0xffff  }
0x4da: {  	v37 =	vld.idx.msk [tilespmem:v6+s12+$0x0], $0xffff;
	v2 =	vadd.f32 v3, v2;
	v3 =	vmul.f32 v5, v32  }
0x4db: {  	v5 =	vld.idx.msk [tilespmem:v6+s13+$0x0], $0xffff;
	v6 =	vor.u32 $0x33, v1  }
0x4dc: {  	v38 =	vld.idx.msk [tilespmem:v34+s12+$0x0], $0xffff;
	v2 =	vadd.f32 v3, v2;
	v3 =	vmul.f32 v7, v33  }
0x4dd: {  	v39 =	vor.u32 $0x34, v1;
	v7 =	vld.idx.msk [tilespmem:v34+s13+$0x0], $0xffff  }
0x4de: {  	v40 =	vld.idx.msk [tilespmem:v36+s12+$0x0], $0xffff;
	v2 =	vadd.f32 v3, v2;
	v3 =	vmul.f32 v4, v35  }
0x4df: {  	v41 =	vor.u32 $0x35, v1;
	v4 =	vld.idx.msk [tilespmem:v36+s13+$0x0], $0xffff  }
0x4e0: {  	v42 =	vld.idx.msk [tilespmem:v6+s12+$0x0], $0xffff;
	v2 =	vadd.f32 v3, v2;
	v3 =	vmul.f32 v5, v37  }
0x4e1: {  	v5 =	vld.idx.msk [tilespmem:v6+s13+$0x0], $0xffff;
	v6 =	vor.u32 $0x36, v1  }
0x4e2: {  	v43 =	vld.idx.msk [tilespmem:v39+s12+$0x0], $0xffff;
	v2 =	vadd.f32 v3, v2;
	v3 =	vmul.f32 v7, v38  }
0x4e3: {  	v44 =	vor.u32 $0x37, v1;
	v7 =	vld.idx.msk [tilespmem:v39+s13+$0x0], $0xffff  }
0x4e4: {  	v45 =	vld.idx.msk [tilespmem:v41+s12+$0x0], $0xffff;
	v2 =	vadd.f32 v3, v2;
	v3 =	vmul.f32 v4, v40  }
0x4e5: {  	v46 =	vor.u32 $0x38, v1;
	v4 =	vld.idx.msk [tilespmem:v41+s13+$0x0], $0xffff  }
0x4e6: {  	v47 =	vld.idx.msk [tilespmem:v6+s12+$0x0], $0xffff;
	v2 =	vadd.f32 v3, v2;
	v3 =	vmul.f32 v5, v42  }
0x4e7: {  	v5 =	vld.idx.msk [tilespmem:v6+s13+$0x0], $0xffff;
	v6 =	vor.u32 $0x39, v1  }
0x4e8: {  	v48 =	vld.idx.msk [tilespmem:v44+s12+$0x0], $0xffff;
	v2 =	vadd.f32 v3, v2;
	v3 =	vmul.f32 v7, v43  }
0x4e9: {  	v49 =	vor.u32 $0x3A, v1;
	v7 =	vld.idx.msk [tilespmem:v44+s13+$0x0], $0xffff  }
0x4ea: {  	v50 =	vld.idx.msk [tilespmem:v46+s12+$0x0], $0xffff;
	v2 =	vadd.f32 v3, v2;
	v3 =	vmul.f32 v4, v45  }
0x4eb: {  	v51 =	vor.u32 $0x3B, v1;
	v4 =	vld.idx.msk [tilespmem:v46+s13+$0x0], $0xffff  }
0x4ec: {  	v52 =	vld.idx.msk [tilespmem:v6+s12+$0x0], $0xffff;
	v2 =	vadd.f32 v3, v2;
	v3 =	vmul.f32 v5, v47  }
0x4ed: {  	v5 =	vld.idx.msk [tilespmem:v6+s13+$0x0], $0xffff;
	v6 =	vor.u32 $0x3C, v1  }
0x4ee: {  	v53 =	vld.idx.msk [tilespmem:v49+s12+$0x0], $0xffff;
	v2 =	vadd.f32 v3, v2;
	v3 =	vmul.f32 v7, v48  }
0x4ef: {  	v54 =	vor.u32 $0x3D, v1;
	v7 =	vld.idx.msk [tilespmem:v49+s13+$0x0], $0xffff  }
0x4f0: {  	v55 =	vld.idx.msk [tilespmem:v51+s12+$0x0], $0xffff;
	v2 =	vadd.f32 v3, v2;
	v3 =	vmul.f32 v4, v50  }
0x4f1: {  	v56 =	vor.u32 $0x3E, v1;
	v4 =	vld.idx.msk [tilespmem:v51+s13+$0x0], $0xffff  }
0x4f2: {  	v57 =	vld.idx.msk [tilespmem:v6+s12+$0x0], $0xffff;
	v2 =	vadd.f32 v3, v2;
	v3 =	vmul.f32 v5, v52  }
0x4f3: {  	v1 =	vor.u32 $0x3F, v1;
	v5 =	vld.idx.msk [tilespmem:v6+s13+$0x0], $0xffff  }
0x4f4: {  	v6 =	vld.idx.msk [tilespmem:v54+s12+$0x0], $0xffff;
	v2 =	vadd.f32 v3, v2;
	v3 =	vmul.f32 v7, v53  }
0x4f5: {  	v7 =	vld.idx.msk [tilespmem:v54+s13+$0x0], $0xffff  }
0x4f6: {  	v58 =	vld.idx.msk [tilespmem:v56+s12+$0x0], $0xffff;
	v2 =	vadd.f32 v3, v2;
	v3 =	vmul.f32 v4, v55  }
0x4f7: {  	v4 =	vld.idx.msk [tilespmem:v56+s13+$0x0], $0xffff  }
0x4f8: {  	v59 =	vld.idx.msk [tilespmem:v1+s12+$0x0], $0xffff;
	v2 =	vadd.f32 v3, v2;
	v3 =	vmul.f32 v5, v57  }
0x4f9: {  	v5 =	vld.idx.msk [tilespmem:v1+s13+$0x0], $0xffff  }
0x4fa: {  	v1 =	vadd.f32 v3, v2;
	v2 =	vmul.f32 v7, v6  }
0x4fb: {  	s30 =	simm.s32 $0x110  }
0x4fc: {  	v3 =	vmov s30;
	v4 =	vmul.f32 v4, v58;
	v2 =	vadd.f32 v2, v1  }
0x4fd: {  	v1 =	vshll.u32 v3, $0x6  }
0x4fe: {  	v1 =	vor.u32 v0, v1;
	v3 =	vmul.f32 v5, v59;
	v2 =	vadd.f32 v4, v2;
	_ =	sdelay $0x1  }
0x4ff: {  	v4 =	vor.u32 $0x1, v1;
	v2 =	vadd.f32 v3, v2  }
0x500: {  	s30 =	simm.s32 $0x10500  }
0x501: {  	v3 =	vor.u32 $0x2, v1;
	[tilespmem:s30+$0x0] =	vst v2  }
0x502: {  	v2 =	vld.idx.msk [tilespmem:v1+s13+$0x0], $0xffff  }
0x503: {  	v6 =	vor.u32 $0x3, v1;
	v5 =	vld.idx.msk [tilespmem:v1+s12+$0x0], $0xffff  }
0x504: {  	v7 =	vld.idx.msk [tilespmem:v4+s12+$0x0], $0xffff  }
0x505: {  	v60 =	vor.u32 $0x4, v1;
	v4 =	vld.idx.msk [tilespmem:v4+s13+$0x0], $0xffff  }
0x506: {  	v61 =	vld.idx.msk [tilespmem:v3+s12+$0x0], $0xffff  }
0x507: {  	v62 =	vor.u32 $0x5, v1;
	v3 =	vld.idx.msk [tilespmem:v3+s13+$0x0], $0xffff  }
0x508: {  	v63 =	vld.idx.msk [tilespmem:v6+s12+$0x0], $0xffff;
	v2 =	vmul.f32 v2, v5  }
0x509: {  	v5 =	vld.idx.msk [tilespmem:v6+s13+$0x0], $0xffff;
	v6 =	vor.u32 $0x6, v1  }
0x50a: {  	v16 =	vld.idx.msk [tilespmem:v60+s12+$0x0], $0xffff;
	v4 =	vmul.f32 v4, v7;
	v2 =	vadd.f32 $0.0e+00, v2  }
0x50b: {  	v17 =	vor.u32 $0x7, v1;
	v7 =	vld.idx.msk [tilespmem:v60+s13+$0x0], $0xffff  }
0x50c: {  	v18 =	vld.idx.msk [tilespmem:v62+s12+$0x0], $0xffff;
	v3 =	vmul.f32 v3, v61;
	v2 =	vadd.f32 v4, v2  }
0x50d: {  	v19 =	vor.u32 $0x8, v1;
	v4 =	vld.idx.msk [tilespmem:v62+s13+$0x0], $0xffff  }
0x50e: {  	v20 =	vld.idx.msk [tilespmem:v6+s12+$0x0], $0xffff;
	v2 =	vadd.f32 v3, v2;
	v3 =	vmul.f32 v5, v63  }
0x50f: {  	v5 =	vld.idx.msk [tilespmem:v6+s13+$0x0], $0xffff;
	v6 =	vor.u32 $0x9, v1  }
0x510: {  	v21 =	vld.idx.msk [tilespmem:v17+s12+$0x0], $0xffff;
	v2 =	vadd.f32 v3, v2;
	v3 =	vmul.f32 v7, v16  }
0x511: {  	v22 =	vor.u32 $0xA, v1;
	v7 =	vld.idx.msk [tilespmem:v17+s13+$0x0], $0xffff  }
0x512: {  	v23 =	vld.idx.msk [tilespmem:v19+s12+$0x0], $0xffff;
	v2 =	vadd.f32 v3, v2;
	v3 =	vmul.f32 v4, v18  }
0x513: {  	v24 =	vor.u32 $0xB, v1;
	v4 =	vld.idx.msk [tilespmem:v19+s13+$0x0], $0xffff  }
0x514: {  	v25 =	vld.idx.msk [tilespmem:v6+s12+$0x0], $0xffff;
	v2 =	vadd.f32 v3, v2;
	v3 =	vmul.f32 v5, v20  }
0x515: {  	v5 =	vld.idx.msk [tilespmem:v6+s13+$0x0], $0xffff;
	v6 =	vor.u32 $0xC, v1  }
0x516: {  	v26 =	vld.idx.msk [tilespmem:v22+s12+$0x0], $0xffff;
	v2 =	vadd.f32 v3, v2;
	v3 =	vmul.f32 v7, v21  }
0x517: {  	v27 =	vor.u32 $0xD, v1;
	v7 =	vld.idx.msk [tilespmem:v22+s13+$0x0], $0xffff  }
0x518: {  	v28 =	vld.idx.msk [tilespmem:v24+s12+$0x0], $0xffff;
	v2 =	vadd.f32 v3, v2;
	v3 =	vmul.f32 v4, v23  }
0x519: {  	v29 =	vor.u32 $0xE, v1;
	v4 =	vld.idx.msk [tilespmem:v24+s13+$0x0], $0xffff  }
0x51a: {  	v30 =	vld.idx.msk [tilespmem:v6+s12+$0x0], $0xffff;
	v2 =	vadd.f32 v3, v2;
	v3 =	vmul.f32 v5, v25  }
0x51b: {  	v5 =	vld.idx.msk [tilespmem:v6+s13+$0x0], $0xffff;
	v6 =	vor.u32 $0xF, v1  }
0x51c: {  	v31 =	vld.idx.msk [tilespmem:v27+s12+$0x0], $0xffff;
	v2 =	vadd.f32 v3, v2;
	v3 =	vmul.f32 v7, v26  }
0x51d: {  	v32 =	vor.u32 $0x10, v1;
	v7 =	vld.idx.msk [tilespmem:v27+s13+$0x0], $0xffff  }
0x51e: {  	v33 =	vld.idx.msk [tilespmem:v29+s12+$0x0], $0xffff;
	v2 =	vadd.f32 v3, v2;
	v3 =	vmul.f32 v4, v28  }
0x51f: {  	v34 =	vor.u32 $0x11, v1;
	v4 =	vld.idx.msk [tilespmem:v29+s13+$0x0], $0xffff  }
0x520: {  	v35 =	vld.idx.msk [tilespmem:v6+s12+$0x0], $0xffff;
	v2 =	vadd.f32 v3, v2;
	v3 =	vmul.f32 v5, v30  }
0x521: {  	v5 =	vld.idx.msk [tilespmem:v6+s13+$0x0], $0xffff;
	v6 =	vor.u32 $0x12, v1  }
0x522: {  	v36 =	vld.idx.msk [tilespmem:v32+s12+$0x0], $0xffff;
	v2 =	vadd.f32 v3, v2;
	v3 =	vmul.f32 v7, v31  }
0x523: {  	v37 =	vor.u32 $0x13, v1;
	v7 =	vld.idx.msk [tilespmem:v32+s13+$0x0], $0xffff  }
0x524: {  	v38 =	vld.idx.msk [tilespmem:v34+s12+$0x0], $0xffff;
	v2 =	vadd.f32 v3, v2;
	v3 =	vmul.f32 v4, v33  }
0x525: {  	v39 =	vor.u32 $0x14, v1;
	v4 =	vld.idx.msk [tilespmem:v34+s13+$0x0], $0xffff  }
0x526: {  	v40 =	vld.idx.msk [tilespmem:v6+s12+$0x0], $0xffff;
	v2 =	vadd.f32 v3, v2;
	v3 =	vmul.f32 v5, v35  }
0x527: {  	v5 =	vld.idx.msk [tilespmem:v6+s13+$0x0], $0xffff;
	v6 =	vor.u32 $0x15, v1  }
0x528: {  	v41 =	vld.idx.msk [tilespmem:v37+s12+$0x0], $0xffff;
	v2 =	vadd.f32 v3, v2;
	v3 =	vmul.f32 v7, v36  }
0x529: {  	v42 =	vor.u32 $0x16, v1;
	v7 =	vld.idx.msk [tilespmem:v37+s13+$0x0], $0xffff  }
0x52a: {  	v43 =	vld.idx.msk [tilespmem:v39+s12+$0x0], $0xffff;
	v2 =	vadd.f32 v3, v2;
	v3 =	vmul.f32 v4, v38  }
0x52b: {  	v44 =	vor.u32 $0x17, v1;
	v4 =	vld.idx.msk [tilespmem:v39+s13+$0x0], $0xffff  }
0x52c: {  	v45 =	vld.idx.msk [tilespmem:v6+s12+$0x0], $0xffff;
	v2 =	vadd.f32 v3, v2;
	v3 =	vmul.f32 v5, v40  }
0x52d: {  	v5 =	vld.idx.msk [tilespmem:v6+s13+$0x0], $0xffff;
	v6 =	vor.u32 $0x18, v1  }
0x52e: {  	v46 =	vld.idx.msk [tilespmem:v42+s12+$0x0], $0xffff;
	v2 =	vadd.f32 v3, v2;
	v3 =	vmul.f32 v7, v41  }
0x52f: {  	v47 =	vor.u32 $0x19, v1;
	v7 =	vld.idx.msk [tilespmem:v42+s13+$0x0], $0xffff  }
0x530: {  	v48 =	vld.idx.msk [tilespmem:v44+s12+$0x0], $0xffff;
	v2 =	vadd.f32 v3, v2;
	v3 =	vmul.f32 v4, v43  }
0x531: {  	v49 =	vor.u32 $0x1A, v1;
	v4 =	vld.idx.msk [tilespmem:v44+s13+$0x0], $0xffff  }
0x532: {  	v50 =	vld.idx.msk [tilespmem:v6+s12+$0x0], $0xffff;
	v2 =	vadd.f32 v3, v2;
	v3 =	vmul.f32 v5, v45  }
0x533: {  	v5 =	vld.idx.msk [tilespmem:v6+s13+$0x0], $0xffff;
	v6 =	vor.u32 $0x1B, v1  }
0x534: {  	v51 =	vld.idx.msk [tilespmem:v47+s12+$0x0], $0xffff;
	v2 =	vadd.f32 v3, v2;
	v3 =	vmul.f32 v7, v46  }
0x535: {  	v52 =	vor.u32 $0x1C, v1;
	v7 =	vld.idx.msk [tilespmem:v47+s13+$0x0], $0xffff  }
0x536: {  	v53 =	vld.idx.msk [tilespmem:v49+s12+$0x0], $0xffff;
	v2 =	vadd.f32 v3, v2;
	v3 =	vmul.f32 v4, v48  }
0x537: {  	v54 =	vor.u32 $0x1D, v1;
	v4 =	vld.idx.msk [tilespmem:v49+s13+$0x0], $0xffff  }
0x538: {  	v55 =	vld.idx.msk [tilespmem:v6+s12+$0x0], $0xffff;
	v2 =	vadd.f32 v3, v2;
	v3 =	vmul.f32 v5, v50  }
0x539: {  	v5 =	vld.idx.msk [tilespmem:v6+s13+$0x0], $0xffff;
	v6 =	vor.u32 $0x1E, v1  }
0x53a: {  	v56 =	vld.idx.msk [tilespmem:v52+s12+$0x0], $0xffff;
	v2 =	vadd.f32 v3, v2;
	v3 =	vmul.f32 v7, v51  }
0x53b: {  	v57 =	vor.u32 $0x1F, v1;
	v7 =	vld.idx.msk [tilespmem:v52+s13+$0x0], $0xffff  }
0x53c: {  	v58 =	vld.idx.msk [tilespmem:v54+s12+$0x0], $0xffff;
	v2 =	vadd.f32 v3, v2;
	v3 =	vmul.f32 v4, v53  }
0x53d: {  	v59 =	vor.u32 $0x20, v1;
	v4 =	vld.idx.msk [tilespmem:v54+s13+$0x0], $0xffff  }
0x53e: {  	v60 =	vld.idx.msk [tilespmem:v6+s12+$0x0], $0xffff;
	v2 =	vadd.f32 v3, v2;
	v3 =	vmul.f32 v5, v55  }
0x53f: {  	v5 =	vld.idx.msk [tilespmem:v6+s13+$0x0], $0xffff;
	v6 =	vor.u32 $0x21, v1  }
0x540: {  	v61 =	vld.idx.msk [tilespmem:v57+s12+$0x0], $0xffff;
	v2 =	vadd.f32 v3, v2;
	v3 =	vmul.f32 v7, v56  }
0x541: {  	v62 =	vor.u32 $0x22, v1;
	v7 =	vld.idx.msk [tilespmem:v57+s13+$0x0], $0xffff  }
0x542: {  	v63 =	vld.idx.msk [tilespmem:v59+s12+$0x0], $0xffff;
	v2 =	vadd.f32 v3, v2;
	v3 =	vmul.f32 v4, v58  }
0x543: {  	v16 =	vor.u32 $0x23, v1;
	v4 =	vld.idx.msk [tilespmem:v59+s13+$0x0], $0xffff  }
0x544: {  	v17 =	vld.idx.msk [tilespmem:v6+s12+$0x0], $0xffff;
	v2 =	vadd.f32 v3, v2;
	v3 =	vmul.f32 v5, v60  }
0x545: {  	v5 =	vld.idx.msk [tilespmem:v6+s13+$0x0], $0xffff;
	v6 =	vor.u32 $0x24, v1  }
0x546: {  	v18 =	vld.idx.msk [tilespmem:v62+s12+$0x0], $0xffff;
	v2 =	vadd.f32 v3, v2;
	v3 =	vmul.f32 v7, v61  }
0x547: {  	v19 =	vor.u32 $0x25, v1;
	v7 =	vld.idx.msk [tilespmem:v62+s13+$0x0], $0xffff  }
0x548: {  	v20 =	vld.idx.msk [tilespmem:v16+s12+$0x0], $0xffff;
	v2 =	vadd.f32 v3, v2;
	v3 =	vmul.f32 v4, v63  }
0x549: {  	v21 =	vor.u32 $0x26, v1;
	v4 =	vld.idx.msk [tilespmem:v16+s13+$0x0], $0xffff  }
0x54a: {  	v22 =	vld.idx.msk [tilespmem:v6+s12+$0x0], $0xffff;
	v2 =	vadd.f32 v3, v2;
	v3 =	vmul.f32 v5, v17  }
0x54b: {  	v5 =	vld.idx.msk [tilespmem:v6+s13+$0x0], $0xffff;
	v6 =	vor.u32 $0x27, v1  }
0x54c: {  	v23 =	vld.idx.msk [tilespmem:v19+s12+$0x0], $0xffff;
	v2 =	vadd.f32 v3, v2;
	v3 =	vmul.f32 v7, v18  }
0x54d: {  	v24 =	vor.u32 $0x28, v1;
	v7 =	vld.idx.msk [tilespmem:v19+s13+$0x0], $0xffff  }
0x54e: {  	v25 =	vld.idx.msk [tilespmem:v21+s12+$0x0], $0xffff;
	v2 =	vadd.f32 v3, v2;
	v3 =	vmul.f32 v4, v20  }
0x54f: {  	v26 =	vor.u32 $0x29, v1;
	v4 =	vld.idx.msk [tilespmem:v21+s13+$0x0], $0xffff  }
0x550: {  	v27 =	vld.idx.msk [tilespmem:v6+s12+$0x0], $0xffff;
	v2 =	vadd.f32 v3, v2;
	v3 =	vmul.f32 v5, v22  }
0x551: {  	v5 =	vld.idx.msk [tilespmem:v6+s13+$0x0], $0xffff;
	v6 =	vor.u32 $0x2A, v1  }
0x552: {  	v28 =	vld.idx.msk [tilespmem:v24+s12+$0x0], $0xffff;
	v2 =	vadd.f32 v3, v2;
	v3 =	vmul.f32 v7, v23  }
0x553: {  	v29 =	vor.u32 $0x2B, v1;
	v7 =	vld.idx.msk [tilespmem:v24+s13+$0x0], $0xffff  }
0x554: {  	v30 =	vld.idx.msk [tilespmem:v26+s12+$0x0], $0xffff;
	v2 =	vadd.f32 v3, v2;
	v3 =	vmul.f32 v4, v25  }
0x555: {  	v31 =	vor.u32 $0x2C, v1;
	v4 =	vld.idx.msk [tilespmem:v26+s13+$0x0], $0xffff  }
0x556: {  	v32 =	vld.idx.msk [tilespmem:v6+s12+$0x0], $0xffff;
	v2 =	vadd.f32 v3, v2;
	v3 =	vmul.f32 v5, v27  }
0x557: {  	v5 =	vld.idx.msk [tilespmem:v6+s13+$0x0], $0xffff;
	v6 =	vor.u32 $0x2D, v1  }
0x558: {  	v33 =	vld.idx.msk [tilespmem:v29+s12+$0x0], $0xffff;
	v2 =	vadd.f32 v3, v2;
	v3 =	vmul.f32 v7, v28  }
0x559: {  	v34 =	vor.u32 $0x2E, v1;
	v7 =	vld.idx.msk [tilespmem:v29+s13+$0x0], $0xffff  }
0x55a: {  	v35 =	vld.idx.msk [tilespmem:v31+s12+$0x0], $0xffff;
	v2 =	vadd.f32 v3, v2;
	v3 =	vmul.f32 v4, v30  }
0x55b: {  	v36 =	vor.u32 $0x2F, v1;
	v4 =	vld.idx.msk [tilespmem:v31+s13+$0x0], $0xffff  }
0x55c: {  	v37 =	vld.idx.msk [tilespmem:v6+s12+$0x0], $0xffff;
	v2 =	vadd.f32 v3, v2;
	v3 =	vmul.f32 v5, v32  }
0x55d: {  	v5 =	vld.idx.msk [tilespmem:v6+s13+$0x0], $0xffff;
	v6 =	vor.u32 $0x30, v1  }
0x55e: {  	v38 =	vld.idx.msk [tilespmem:v34+s12+$0x0], $0xffff;
	v2 =	vadd.f32 v3, v2;
	v3 =	vmul.f32 v7, v33  }
0x55f: {  	v39 =	vor.u32 $0x31, v1;
	v7 =	vld.idx.msk [tilespmem:v34+s13+$0x0], $0xffff  }
0x560: {  	v40 =	vld.idx.msk [tilespmem:v36+s12+$0x0], $0xffff;
	v2 =	vadd.f32 v3, v2;
	v3 =	vmul.f32 v4, v35  }
0x561: {  	v41 =	vor.u32 $0x32, v1;
	v4 =	vld.idx.msk [tilespmem:v36+s13+$0x0], $0xffff  }
0x562: {  	v42 =	vld.idx.msk [tilespmem:v6+s12+$0x0], $0xffff;
	v2 =	vadd.f32 v3, v2;
	v3 =	vmul.f32 v5, v37  }
0x563: {  	v5 =	vld.idx.msk [tilespmem:v6+s13+$0x0], $0xffff;
	v6 =	vor.u32 $0x33, v1  }
0x564: {  	v43 =	vld.idx.msk [tilespmem:v39+s12+$0x0], $0xffff;
	v2 =	vadd.f32 v3, v2;
	v3 =	vmul.f32 v7, v38  }
0x565: {  	v44 =	vor.u32 $0x34, v1;
	v7 =	vld.idx.msk [tilespmem:v39+s13+$0x0], $0xffff  }
0x566: {  	v45 =	vld.idx.msk [tilespmem:v41+s12+$0x0], $0xffff;
	v2 =	vadd.f32 v3, v2;
	v3 =	vmul.f32 v4, v40  }
0x567: {  	v46 =	vor.u32 $0x35, v1;
	v4 =	vld.idx.msk [tilespmem:v41+s13+$0x0], $0xffff  }
0x568: {  	v47 =	vld.idx.msk [tilespmem:v6+s12+$0x0], $0xffff;
	v2 =	vadd.f32 v3, v2;
	v3 =	vmul.f32 v5, v42  }
0x569: {  	v5 =	vld.idx.msk [tilespmem:v6+s13+$0x0], $0xffff;
	v6 =	vor.u32 $0x36, v1  }
0x56a: {  	v48 =	vld.idx.msk [tilespmem:v44+s12+$0x0], $0xffff;
	v2 =	vadd.f32 v3, v2;
	v3 =	vmul.f32 v7, v43  }
0x56b: {  	v49 =	vor.u32 $0x37, v1;
	v7 =	vld.idx.msk [tilespmem:v44+s13+$0x0], $0xffff  }
0x56c: {  	v50 =	vld.idx.msk [tilespmem:v46+s12+$0x0], $0xffff;
	v2 =	vadd.f32 v3, v2;
	v3 =	vmul.f32 v4, v45  }
0x56d: {  	v51 =	vor.u32 $0x38, v1;
	v4 =	vld.idx.msk [tilespmem:v46+s13+$0x0], $0xffff  }
0x56e: {  	v52 =	vld.idx.msk [tilespmem:v6+s12+$0x0], $0xffff;
	v2 =	vadd.f32 v3, v2;
	v3 =	vmul.f32 v5, v47  }
0x56f: {  	v5 =	vld.idx.msk [tilespmem:v6+s13+$0x0], $0xffff;
	v6 =	vor.u32 $0x39, v1  }
0x570: {  	v53 =	vld.idx.msk [tilespmem:v49+s12+$0x0], $0xffff;
	v2 =	vadd.f32 v3, v2;
	v3 =	vmul.f32 v7, v48  }
0x571: {  	v54 =	vor.u32 $0x3A, v1;
	v7 =	vld.idx.msk [tilespmem:v49+s13+$0x0], $0xffff  }
0x572: {  	v55 =	vld.idx.msk [tilespmem:v51+s12+$0x0], $0xffff;
	v2 =	vadd.f32 v3, v2;
	v3 =	vmul.f32 v4, v50  }
0x573: {  	v56 =	vor.u32 $0x3B, v1;
	v4 =	vld.idx.msk [tilespmem:v51+s13+$0x0], $0xffff  }
0x574: {  	v57 =	vld.idx.msk [tilespmem:v6+s12+$0x0], $0xffff;
	v2 =	vadd.f32 v3, v2;
	v3 =	vmul.f32 v5, v52  }
0x575: {  	v5 =	vld.idx.msk [tilespmem:v6+s13+$0x0], $0xffff;
	v6 =	vor.u32 $0x3C, v1  }
0x576: {  	v58 =	vld.idx.msk [tilespmem:v54+s12+$0x0], $0xffff;
	v2 =	vadd.f32 v3, v2;
	v3 =	vmul.f32 v7, v53  }
0x577: {  	v7 =	vld.idx.msk [tilespmem:v54+s13+$0x0], $0xffff  }
0x578: {  	v60 =	vld.idx.msk [tilespmem:v56+s12+$0x0], $0xffff;
	v2 =	vadd.f32 v3, v2;
	v3 =	vmul.f32 v4, v55  }
0x579: {  	v59 =	vor.u32 $0x3D, v1;
	v4 =	vld.idx.msk [tilespmem:v56+s13+$0x0], $0xffff  }
0x57a: {  	v62 =	vld.idx.msk [tilespmem:v6+s12+$0x0], $0xffff;
	v2 =	vadd.f32 v3, v2;
	v3 =	vmul.f32 v5, v57  }
0x57b: {  	v61 =	vor.u32 $0x3E, v1;
	v5 =	vld.idx.msk [tilespmem:v6+s13+$0x0], $0xffff  }
0x57c: {  	v2 =	vadd.f32 v3, v2;
	v3 =	vmul.f32 v7, v58  }
0x57d: {  	v1 =	vor.u32 $0x3F, v1  }
0x57e: {  	v6 =	vld.idx.msk [tilespmem:v59+s12+$0x0], $0xffff;
	v2 =	vadd.f32 v3, v2;
	v3 =	vmul.f32 v4, v60  }
0x57f: {  	v7 =	vld.idx.msk [tilespmem:v59+s13+$0x0], $0xffff  }
0x580: {  	v63 =	vld.idx.msk [tilespmem:v61+s12+$0x0], $0xffff;
	v2 =	vadd.f32 v3, v2;
	v3 =	vmul.f32 v5, v62  }
0x581: {  	v9 =	vld.idx.msk [tilespmem:v61+s13+$0x0], $0xffff  }
0x582: {  	v4 =	vadd.f32 v3, v2;
	v2 =	vld.idx.msk [tilespmem:v1+s12+$0x0], $0xffff  }
0x583: {  	v3 =	vld.idx.msk [tilespmem:v1+s13+$0x0], $0xffff  }
0x584: {  	v5 =	vmul.f32 v7, v6  }
0x585: {  	s31 =	simm.s32 $0x120  }
0x586: {  	v6 =	vmov s31;
	v4 =	vadd.f32 v5, v4;
	v5 =	vmul.f32 v9, v63  }
0x587: {  	s31 =	simm.s32 $0x130;
	v1 =	vshll.u32 v6, $0x6  }
.LBB2_6:
0x588: {  	p0 =	sne.s32 s31, $0x170;
	v1 =	vor.u32 v0, v1;
	v4 =	vadd.f32 v5, v4;
	v2 =	vmul.f32 v3, v2;
	_ =	sdelay $0x1  }
0x589: {  	v3 =	vor.u32 $0x1, v1;
	v2 =	vadd.f32 v2, v4  }
0x58a: {  	s30 =	sadd.s32 $0x10, s30  }
0x58b: {  	v4 =	vor.u32 $0x2, v1;
	[tilespmem:s30+$0x0] =	vst v2  }
0x58c: {  	v2 =	vld.idx.msk [tilespmem:v1+s13+$0x0], $0xffff  }
0x58d: {  	v6 =	vor.u32 $0x3, v1;
	v5 =	vld.idx.msk [tilespmem:v1+s12+$0x0], $0xffff  }
0x58e: {  	v7 =	vld.idx.msk [tilespmem:v3+s12+$0x0], $0xffff  }
0x58f: {  	v8 =	vor.u32 $0x4, v1;
	v3 =	vld.idx.msk [tilespmem:v3+s13+$0x0], $0xffff  }
0x590: {  	v9 =	vld.idx.msk [tilespmem:v4+s12+$0x0], $0xffff  }
0x591: {  	v10 =	vor.u32 $0x5, v1;
	v4 =	vld.idx.msk [tilespmem:v4+s13+$0x0], $0xffff  }
0x592: {  	v11 =	vld.idx.msk [tilespmem:v6+s12+$0x0], $0xffff  }
0x593: {  	v2 =	vmul.f32 v2, v5;
	v5 =	vld.idx.msk [tilespmem:v6+s13+$0x0], $0xffff;
	v6 =	vor.u32 $0x6, v1  }
0x594: {  	v12 =	vld.idx.msk [tilespmem:v8+s12+$0x0], $0xffff  }
0x595: {  	v2 =	vadd.f32 $0.0e+00, v2;
	v3 =	vmul.f32 v3, v7;
	v7 =	vld.idx.msk [tilespmem:v8+s13+$0x0], $0xffff;
	v8 =	vor.u32 $0x7, v1  }
0x596: {  	v13 =	vld.idx.msk [tilespmem:v10+s12+$0x0], $0xffff  }
0x597: {  	v2 =	vadd.f32 v3, v2;
	v3 =	vmul.f32 v4, v9;
	v9 =	vor.u32 $0x8, v1;
	v4 =	vld.idx.msk [tilespmem:v10+s13+$0x0], $0xffff  }
0x598: {  	v10 =	vld.idx.msk [tilespmem:v6+s12+$0x0], $0xffff  }
0x599: {  	v2 =	vadd.f32 v3, v2;
	v3 =	vmul.f32 v5, v11;
	v5 =	vld.idx.msk [tilespmem:v6+s13+$0x0], $0xffff;
	v6 =	vor.u32 $0x9, v1  }
0x59a: {  	v11 =	vld.idx.msk [tilespmem:v8+s12+$0x0], $0xffff  }
0x59b: {  	v2 =	vadd.f32 v3, v2;
	v3 =	vmul.f32 v7, v12;
	v7 =	vld.idx.msk [tilespmem:v8+s13+$0x0], $0xffff;
	v8 =	vor.u32 $0xA, v1  }
0x59c: {  	v12 =	vld.idx.msk [tilespmem:v9+s12+$0x0], $0xffff  }
0x59d: {  	v2 =	vadd.f32 v3, v2;
	v3 =	vmul.f32 v4, v13;
	v4 =	vld.idx.msk [tilespmem:v9+s13+$0x0], $0xffff;
	v9 =	vor.u32 $0xB, v1  }
0x59e: {  	v13 =	vld.idx.msk [tilespmem:v6+s12+$0x0], $0xffff  }
0x59f: {  	v2 =	vadd.f32 v3, v2;
	v3 =	vmul.f32 v5, v10;
	v5 =	vld.idx.msk [tilespmem:v6+s13+$0x0], $0xffff;
	v6 =	vor.u32 $0xC, v1  }
0x5a0: {  	v10 =	vld.idx.msk [tilespmem:v8+s12+$0x0], $0xffff  }
0x5a1: {  	v2 =	vadd.f32 v3, v2;
	v3 =	vmul.f32 v7, v11;
	v7 =	vld.idx.msk [tilespmem:v8+s13+$0x0], $0xffff;
	v8 =	vor.u32 $0xD, v1  }
0x5a2: {  	v11 =	vld.idx.msk [tilespmem:v9+s12+$0x0], $0xffff  }
0x5a3: {  	v2 =	vadd.f32 v3, v2;
	v3 =	vmul.f32 v4, v12;
	v4 =	vld.idx.msk [tilespmem:v9+s13+$0x0], $0xffff;
	v9 =	vor.u32 $0xE, v1  }
0x5a4: {  	v12 =	vld.idx.msk [tilespmem:v6+s12+$0x0], $0xffff  }
0x5a5: {  	v2 =	vadd.f32 v3, v2;
	v3 =	vmul.f32 v5, v13;
	v5 =	vld.idx.msk [tilespmem:v6+s13+$0x0], $0xffff;
	v6 =	vor.u32 $0xF, v1  }
0x5a6: {  	v13 =	vld.idx.msk [tilespmem:v8+s12+$0x0], $0xffff  }
0x5a7: {  	v2 =	vadd.f32 v3, v2;
	v3 =	vmul.f32 v7, v10;
	v7 =	vld.idx.msk [tilespmem:v8+s13+$0x0], $0xffff;
	v8 =	vor.u32 $0x10, v1  }
0x5a8: {  	v10 =	vld.idx.msk [tilespmem:v9+s12+$0x0], $0xffff  }
0x5a9: {  	v2 =	vadd.f32 v3, v2;
	v3 =	vmul.f32 v4, v11;
	v4 =	vld.idx.msk [tilespmem:v9+s13+$0x0], $0xffff;
	v9 =	vor.u32 $0x11, v1  }
0x5aa: {  	v11 =	vld.idx.msk [tilespmem:v6+s12+$0x0], $0xffff  }
0x5ab: {  	v2 =	vadd.f32 v3, v2;
	v3 =	vmul.f32 v5, v12;
	v5 =	vld.idx.msk [tilespmem:v6+s13+$0x0], $0xffff;
	v6 =	vor.u32 $0x12, v1  }
0x5ac: {  	v12 =	vld.idx.msk [tilespmem:v8+s12+$0x0], $0xffff  }
0x5ad: {  	v2 =	vadd.f32 v3, v2;
	v3 =	vmul.f32 v7, v13;
	v7 =	vld.idx.msk [tilespmem:v8+s13+$0x0], $0xffff;
	v8 =	vor.u32 $0x13, v1  }
0x5ae: {  	v13 =	vld.idx.msk [tilespmem:v9+s12+$0x0], $0xffff  }
0x5af: {  	v2 =	vadd.f32 v3, v2;
	v3 =	vmul.f32 v4, v10;
	v4 =	vld.idx.msk [tilespmem:v9+s13+$0x0], $0xffff;
	v9 =	vor.u32 $0x14, v1  }
0x5b0: {  	v10 =	vld.idx.msk [tilespmem:v6+s12+$0x0], $0xffff  }
0x5b1: {  	v2 =	vadd.f32 v3, v2;
	v3 =	vmul.f32 v5, v11;
	v5 =	vld.idx.msk [tilespmem:v6+s13+$0x0], $0xffff;
	v6 =	vor.u32 $0x15, v1  }
0x5b2: {  	v11 =	vld.idx.msk [tilespmem:v8+s12+$0x0], $0xffff  }
0x5b3: {  	v2 =	vadd.f32 v3, v2;
	v3 =	vmul.f32 v7, v12;
	v7 =	vld.idx.msk [tilespmem:v8+s13+$0x0], $0xffff;
	v8 =	vor.u32 $0x16, v1  }
0x5b4: {  	v12 =	vld.idx.msk [tilespmem:v9+s12+$0x0], $0xffff  }
0x5b5: {  	v2 =	vadd.f32 v3, v2;
	v3 =	vmul.f32 v4, v13;
	v4 =	vld.idx.msk [tilespmem:v9+s13+$0x0], $0xffff;
	v9 =	vor.u32 $0x17, v1  }
0x5b6: {  	v13 =	vld.idx.msk [tilespmem:v6+s12+$0x0], $0xffff  }
0x5b7: {  	v2 =	vadd.f32 v3, v2;
	v3 =	vmul.f32 v5, v10;
	v5 =	vld.idx.msk [tilespmem:v6+s13+$0x0], $0xffff;
	v6 =	vor.u32 $0x18, v1  }
0x5b8: {  	v10 =	vld.idx.msk [tilespmem:v8+s12+$0x0], $0xffff  }
0x5b9: {  	v2 =	vadd.f32 v3, v2;
	v3 =	vmul.f32 v7, v11;
	v7 =	vld.idx.msk [tilespmem:v8+s13+$0x0], $0xffff;
	v8 =	vor.u32 $0x19, v1  }
0x5ba: {  	v11 =	vld.idx.msk [tilespmem:v9+s12+$0x0], $0xffff  }
0x5bb: {  	v2 =	vadd.f32 v3, v2;
	v3 =	vmul.f32 v4, v12;
	v4 =	vld.idx.msk [tilespmem:v9+s13+$0x0], $0xffff;
	v9 =	vor.u32 $0x1A, v1  }
0x5bc: {  	v12 =	vld.idx.msk [tilespmem:v6+s12+$0x0], $0xffff  }
0x5bd: {  	v2 =	vadd.f32 v3, v2;
	v3 =	vmul.f32 v5, v13;
	v5 =	vld.idx.msk [tilespmem:v6+s13+$0x0], $0xffff;
	v6 =	vor.u32 $0x1B, v1  }
0x5be: {  	v13 =	vld.idx.msk [tilespmem:v8+s12+$0x0], $0xffff  }
0x5bf: {  	v2 =	vadd.f32 v3, v2;
	v3 =	vmul.f32 v7, v10;
	v7 =	vld.idx.msk [tilespmem:v8+s13+$0x0], $0xffff;
	v8 =	vor.u32 $0x1C, v1  }
0x5c0: {  	v10 =	vld.idx.msk [tilespmem:v9+s12+$0x0], $0xffff  }
0x5c1: {  	v2 =	vadd.f32 v3, v2;
	v3 =	vmul.f32 v4, v11;
	v4 =	vld.idx.msk [tilespmem:v9+s13+$0x0], $0xffff;
	v9 =	vor.u32 $0x1D, v1  }
0x5c2: {  	v11 =	vld.idx.msk [tilespmem:v6+s12+$0x0], $0xffff  }
0x5c3: {  	v2 =	vadd.f32 v3, v2;
	v3 =	vmul.f32 v5, v12;
	v5 =	vld.idx.msk [tilespmem:v6+s13+$0x0], $0xffff;
	v6 =	vor.u32 $0x1E, v1  }
0x5c4: {  	v12 =	vld.idx.msk [tilespmem:v8+s12+$0x0], $0xffff  }
0x5c5: {  	v2 =	vadd.f32 v3, v2;
	v3 =	vmul.f32 v7, v13;
	v7 =	vld.idx.msk [tilespmem:v8+s13+$0x0], $0xffff;
	v8 =	vor.u32 $0x1F, v1  }
0x5c6: {  	v13 =	vld.idx.msk [tilespmem:v9+s12+$0x0], $0xffff  }
0x5c7: {  	v2 =	vadd.f32 v3, v2;
	v3 =	vmul.f32 v4, v10;
	v4 =	vld.idx.msk [tilespmem:v9+s13+$0x0], $0xffff;
	v9 =	vor.u32 $0x20, v1  }
0x5c8: {  	v10 =	vld.idx.msk [tilespmem:v6+s12+$0x0], $0xffff  }
0x5c9: {  	v2 =	vadd.f32 v3, v2;
	v3 =	vmul.f32 v5, v11;
	v5 =	vld.idx.msk [tilespmem:v6+s13+$0x0], $0xffff;
	v6 =	vor.u32 $0x21, v1  }
0x5ca: {  	v11 =	vld.idx.msk [tilespmem:v8+s12+$0x0], $0xffff  }
0x5cb: {  	v2 =	vadd.f32 v3, v2;
	v3 =	vmul.f32 v7, v12;
	v7 =	vld.idx.msk [tilespmem:v8+s13+$0x0], $0xffff;
	v8 =	vor.u32 $0x22, v1  }
0x5cc: {  	v12 =	vld.idx.msk [tilespmem:v9+s12+$0x0], $0xffff  }
0x5cd: {  	v2 =	vadd.f32 v3, v2;
	v3 =	vmul.f32 v4, v13;
	v4 =	vld.idx.msk [tilespmem:v9+s13+$0x0], $0xffff;
	v9 =	vor.u32 $0x23, v1  }
0x5ce: {  	v13 =	vld.idx.msk [tilespmem:v6+s12+$0x0], $0xffff  }
0x5cf: {  	v2 =	vadd.f32 v3, v2;
	v3 =	vmul.f32 v5, v10;
	v5 =	vld.idx.msk [tilespmem:v6+s13+$0x0], $0xffff;
	v6 =	vor.u32 $0x24, v1  }
0x5d0: {  	v10 =	vld.idx.msk [tilespmem:v8+s12+$0x0], $0xffff  }
0x5d1: {  	v2 =	vadd.f32 v3, v2;
	v3 =	vmul.f32 v7, v11;
	v7 =	vld.idx.msk [tilespmem:v8+s13+$0x0], $0xffff;
	v8 =	vor.u32 $0x25, v1  }
0x5d2: {  	v11 =	vld.idx.msk [tilespmem:v9+s12+$0x0], $0xffff  }
0x5d3: {  	v2 =	vadd.f32 v3, v2;
	v3 =	vmul.f32 v4, v12;
	v4 =	vld.idx.msk [tilespmem:v9+s13+$0x0], $0xffff;
	v9 =	vor.u32 $0x26, v1  }
0x5d4: {  	v12 =	vld.idx.msk [tilespmem:v6+s12+$0x0], $0xffff  }
0x5d5: {  	v2 =	vadd.f32 v3, v2;
	v3 =	vmul.f32 v5, v13;
	v5 =	vld.idx.msk [tilespmem:v6+s13+$0x0], $0xffff;
	v6 =	vor.u32 $0x27, v1  }
0x5d6: {  	v13 =	vld.idx.msk [tilespmem:v8+s12+$0x0], $0xffff  }
0x5d7: {  	v2 =	vadd.f32 v3, v2;
	v3 =	vmul.f32 v7, v10;
	v7 =	vld.idx.msk [tilespmem:v8+s13+$0x0], $0xffff;
	v8 =	vor.u32 $0x28, v1  }
0x5d8: {  	v10 =	vld.idx.msk [tilespmem:v9+s12+$0x0], $0xffff  }
0x5d9: {  	v2 =	vadd.f32 v3, v2;
	v3 =	vmul.f32 v4, v11;
	v4 =	vld.idx.msk [tilespmem:v9+s13+$0x0], $0xffff;
	v9 =	vor.u32 $0x29, v1  }
0x5da: {  	v11 =	vld.idx.msk [tilespmem:v6+s12+$0x0], $0xffff  }
0x5db: {  	v2 =	vadd.f32 v3, v2;
	v3 =	vmul.f32 v5, v12;
	v5 =	vld.idx.msk [tilespmem:v6+s13+$0x0], $0xffff;
	v6 =	vor.u32 $0x2A, v1  }
0x5dc: {  	v12 =	vld.idx.msk [tilespmem:v8+s12+$0x0], $0xffff  }
0x5dd: {  	v2 =	vadd.f32 v3, v2;
	v3 =	vmul.f32 v7, v13;
	v7 =	vld.idx.msk [tilespmem:v8+s13+$0x0], $0xffff;
	v8 =	vor.u32 $0x2B, v1  }
0x5de: {  	v13 =	vld.idx.msk [tilespmem:v9+s12+$0x0], $0xffff  }
0x5df: {  	v2 =	vadd.f32 v3, v2;
	v3 =	vmul.f32 v4, v10;
	v4 =	vld.idx.msk [tilespmem:v9+s13+$0x0], $0xffff;
	v9 =	vor.u32 $0x2C, v1  }
0x5e0: {  	v10 =	vld.idx.msk [tilespmem:v6+s12+$0x0], $0xffff  }
0x5e1: {  	v2 =	vadd.f32 v3, v2;
	v3 =	vmul.f32 v5, v11;
	v5 =	vld.idx.msk [tilespmem:v6+s13+$0x0], $0xffff;
	v6 =	vor.u32 $0x2D, v1  }
0x5e2: {  	v11 =	vld.idx.msk [tilespmem:v8+s12+$0x0], $0xffff  }
0x5e3: {  	v2 =	vadd.f32 v3, v2;
	v3 =	vmul.f32 v7, v12;
	v7 =	vld.idx.msk [tilespmem:v8+s13+$0x0], $0xffff;
	v8 =	vor.u32 $0x2E, v1  }
0x5e4: {  	v12 =	vld.idx.msk [tilespmem:v9+s12+$0x0], $0xffff  }
0x5e5: {  	v2 =	vadd.f32 v3, v2;
	v3 =	vmul.f32 v4, v13;
	v4 =	vld.idx.msk [tilespmem:v9+s13+$0x0], $0xffff;
	v9 =	vor.u32 $0x2F, v1  }
0x5e6: {  	v13 =	vld.idx.msk [tilespmem:v6+s12+$0x0], $0xffff  }
0x5e7: {  	v2 =	vadd.f32 v3, v2;
	v3 =	vmul.f32 v5, v10;
	v5 =	vld.idx.msk [tilespmem:v6+s13+$0x0], $0xffff;
	v6 =	vor.u32 $0x30, v1  }
0x5e8: {  	v10 =	vld.idx.msk [tilespmem:v8+s12+$0x0], $0xffff  }
0x5e9: {  	v2 =	vadd.f32 v3, v2;
	v3 =	vmul.f32 v7, v11;
	v7 =	vld.idx.msk [tilespmem:v8+s13+$0x0], $0xffff;
	v8 =	vor.u32 $0x31, v1  }
0x5ea: {  	v11 =	vld.idx.msk [tilespmem:v9+s12+$0x0], $0xffff  }
0x5eb: {  	v2 =	vadd.f32 v3, v2;
	v3 =	vmul.f32 v4, v12;
	v4 =	vld.idx.msk [tilespmem:v9+s13+$0x0], $0xffff;
	v9 =	vor.u32 $0x32, v1  }
0x5ec: {  	v12 =	vld.idx.msk [tilespmem:v6+s12+$0x0], $0xffff  }
0x5ed: {  	v2 =	vadd.f32 v3, v2;
	v3 =	vmul.f32 v5, v13;
	v5 =	vld.idx.msk [tilespmem:v6+s13+$0x0], $0xffff;
	v6 =	vor.u32 $0x33, v1  }
0x5ee: {  	v13 =	vld.idx.msk [tilespmem:v8+s12+$0x0], $0xffff  }
0x5ef: {  	v2 =	vadd.f32 v3, v2;
	v3 =	vmul.f32 v7, v10;
	v7 =	vld.idx.msk [tilespmem:v8+s13+$0x0], $0xffff;
	v8 =	vor.u32 $0x34, v1  }
0x5f0: {  	v10 =	vld.idx.msk [tilespmem:v9+s12+$0x0], $0xffff  }
0x5f1: {  	v2 =	vadd.f32 v3, v2;
	v3 =	vmul.f32 v4, v11;
	v4 =	vld.idx.msk [tilespmem:v9+s13+$0x0], $0xffff;
	v9 =	vor.u32 $0x35, v1  }
0x5f2: {  	v11 =	vld.idx.msk [tilespmem:v6+s12+$0x0], $0xffff  }
0x5f3: {  	v2 =	vadd.f32 v3, v2;
	v3 =	vmul.f32 v5, v12;
	v5 =	vld.idx.msk [tilespmem:v6+s13+$0x0], $0xffff;
	v6 =	vor.u32 $0x36, v1  }
0x5f4: {  	v12 =	vld.idx.msk [tilespmem:v8+s12+$0x0], $0xffff  }
0x5f5: {  	v2 =	vadd.f32 v3, v2;
	v3 =	vmul.f32 v7, v13;
	v7 =	vld.idx.msk [tilespmem:v8+s13+$0x0], $0xffff;
	v8 =	vor.u32 $0x37, v1  }
0x5f6: {  	v13 =	vld.idx.msk [tilespmem:v9+s12+$0x0], $0xffff  }
0x5f7: {  	v2 =	vadd.f32 v3, v2;
	v3 =	vmul.f32 v4, v10;
	v4 =	vld.idx.msk [tilespmem:v9+s13+$0x0], $0xffff;
	v9 =	vor.u32 $0x38, v1  }
0x5f8: {  	v10 =	vld.idx.msk [tilespmem:v6+s12+$0x0], $0xffff  }
0x5f9: {  	v2 =	vadd.f32 v3, v2;
	v3 =	vmul.f32 v5, v11;
	v5 =	vld.idx.msk [tilespmem:v6+s13+$0x0], $0xffff;
	v6 =	vor.u32 $0x39, v1  }
0x5fa: {  	v11 =	vld.idx.msk [tilespmem:v8+s12+$0x0], $0xffff  }
0x5fb: {  	v2 =	vadd.f32 v3, v2;
	v3 =	vmul.f32 v7, v12;
	v7 =	vld.idx.msk [tilespmem:v8+s13+$0x0], $0xffff;
	v8 =	vor.u32 $0x3A, v1  }
0x5fc: {  	v12 =	vld.idx.msk [tilespmem:v9+s12+$0x0], $0xffff  }
0x5fd: {  	v2 =	vadd.f32 v3, v2;
	v3 =	vmul.f32 v4, v13;
	v4 =	vld.idx.msk [tilespmem:v9+s13+$0x0], $0xffff;
	v9 =	vor.u32 $0x3B, v1  }
0x5fe: {  	v13 =	vld.idx.msk [tilespmem:v6+s12+$0x0], $0xffff  }
0x5ff: {  	v2 =	vadd.f32 v3, v2;
	v3 =	vmul.f32 v5, v10;
	v5 =	vld.idx.msk [tilespmem:v6+s13+$0x0], $0xffff;
	v6 =	vor.u32 $0x3C, v1  }
0x600: {  	v10 =	vld.idx.msk [tilespmem:v8+s12+$0x0], $0xffff  }
0x601: {  	v2 =	vadd.f32 v3, v2;
	v3 =	vmul.f32 v7, v11;
	v7 =	vld.idx.msk [tilespmem:v8+s13+$0x0], $0xffff;
	v8 =	vor.u32 $0x3D, v1  }
0x602: {  	v11 =	vld.idx.msk [tilespmem:v9+s12+$0x0], $0xffff  }
0x603: {  	v2 =	vadd.f32 v3, v2;
	v3 =	vmul.f32 v4, v12;
	v4 =	vld.idx.msk [tilespmem:v9+s13+$0x0], $0xffff;
	v9 =	vor.u32 $0x3E, v1  }
0x604: {  	v12 =	vld.idx.msk [tilespmem:v6+s12+$0x0], $0xffff  }
0x605: {  	v1 =	vor.u32 $0x3F, v1;
	v2 =	vadd.f32 v3, v2;
	v3 =	vmul.f32 v5, v13;
	v5 =	vld.idx.msk [tilespmem:v6+s13+$0x0], $0xffff  }
0x606: {  	v6 =	vld.idx.msk [tilespmem:v8+s12+$0x0], $0xffff  }
0x607: {  	v2 =	vadd.f32 v3, v2;
	v3 =	vmul.f32 v7, v10;
	v7 =	vld.idx.msk [tilespmem:v8+s13+$0x0], $0xffff  }
0x608: {  	v8 =	vld.idx.msk [tilespmem:v9+s12+$0x0], $0xffff  }
0x609: {  	v3 =	vadd.f32 v3, v2;
	v4 =	vmul.f32 v4, v11;
	v9 =	vld.idx.msk [tilespmem:v9+s13+$0x0], $0xffff  }
0x60a: {  	v2 =	vld.idx.msk [tilespmem:v1+s12+$0x0], $0xffff  }
0x60b: {  	v4 =	vadd.f32 v4, v3;
	v5 =	vmul.f32 v5, v12;
	v3 =	vld.idx.msk [tilespmem:v1+s13+$0x0], $0xffff  }
.Ltmp2:
0x60c: {  	(pc) =	sbr.rel @p0 .LBB2_6-.Ltmp2, $3  }
0x60d: {  	v1 =	vadd.f32 v5, v4;
	v4 =	vmul.f32 v7, v6;
	_ =	sdelay $0x1  }
0x60e: {  	v6 =	vmov s31;
	v4 =	vadd.f32 v4, v1;
	v5 =	vmul.f32 v9, v8  }
0x60f: {  	s31 =	sadd.s32 $0x10, s31;
	v1 =	vshll.u32 v6, $0x6  }
0x610: {  	v1 =	vor.u32 v0, v1;
	v4 =	vadd.f32 v5, v4;
	v2 =	vmul.f32 v3, v2;
	_ =	sdelay $0x1  }
0x611: {  	v3 =	vor.u32 $0x1, v1;
	v2 =	vadd.f32 v2, v4  }
0x612: {  	s30 =	sadd.s32 $0x10, s30  }
0x613: {  	v4 =	vor.u32 $0x2, v1;
	[tilespmem:s30+$0x0] =	vst v2  }
0x614: {  	v2 =	vld.idx.msk [tilespmem:v1+s13+$0x0], $0xffff  }
0x615: {  	v6 =	vor.u32 $0x3, v1;
	v5 =	vld.idx.msk [tilespmem:v1+s12+$0x0], $0xffff  }
0x616: {  	v7 =	vld.idx.msk [tilespmem:v3+s12+$0x0], $0xffff  }
0x617: {  	v8 =	vor.u32 $0x4, v1;
	v3 =	vld.idx.msk [tilespmem:v3+s13+$0x0], $0xffff  }
0x618: {  	v9 =	vld.idx.msk [tilespmem:v4+s12+$0x0], $0xffff  }
0x619: {  	v10 =	vor.u32 $0x5, v1;
	v4 =	vld.idx.msk [tilespmem:v4+s13+$0x0], $0xffff  }
0x61a: {  	v11 =	vld.idx.msk [tilespmem:v6+s12+$0x0], $0xffff;
	v2 =	vmul.f32 v2, v5  }
0x61b: {  	v5 =	vld.idx.msk [tilespmem:v6+s13+$0x0], $0xffff;
	v6 =	vor.u32 $0x6, v1  }
0x61c: {  	v12 =	vld.idx.msk [tilespmem:v8+s12+$0x0], $0xffff;
	v3 =	vmul.f32 v3, v7;
	v2 =	vadd.f32 $0.0e+00, v2  }
0x61d: {  	v56 =	vor.u32 $0x7, v1;
	v7 =	vld.idx.msk [tilespmem:v8+s13+$0x0], $0xffff  }
0x61e: {  	v13 =	vld.idx.msk [tilespmem:v10+s12+$0x0], $0xffff;
	v2 =	vadd.f32 v3, v2;
	v3 =	vmul.f32 v4, v9  }
0x61f: {  	v57 =	vor.u32 $0x8, v1;
	v4 =	vld.idx.msk [tilespmem:v10+s13+$0x0], $0xffff  }
0x620: {  	v58 =	vld.idx.msk [tilespmem:v6+s12+$0x0], $0xffff;
	v2 =	vadd.f32 v3, v2;
	v3 =	vmul.f32 v5, v11  }
0x621: {  	v5 =	vld.idx.msk [tilespmem:v6+s13+$0x0], $0xffff;
	v6 =	vor.u32 $0x9, v1  }
0x622: {  	v59 =	vld.idx.msk [tilespmem:v56+s12+$0x0], $0xffff;
	v2 =	vadd.f32 v3, v2;
	v3 =	vmul.f32 v7, v12  }
0x623: {  	v60 =	vor.u32 $0xA, v1;
	v7 =	vld.idx.msk [tilespmem:v56+s13+$0x0], $0xffff  }
0x624: {  	v61 =	vld.idx.msk [tilespmem:v57+s12+$0x0], $0xffff;
	v2 =	vadd.f32 v3, v2;
	v3 =	vmul.f32 v4, v13  }
0x625: {  	v62 =	vor.u32 $0xB, v1;
	v4 =	vld.idx.msk [tilespmem:v57+s13+$0x0], $0xffff  }
0x626: {  	v63 =	vld.idx.msk [tilespmem:v6+s12+$0x0], $0xffff;
	v2 =	vadd.f32 v3, v2;
	v3 =	vmul.f32 v5, v58  }
0x627: {  	v5 =	vld.idx.msk [tilespmem:v6+s13+$0x0], $0xffff;
	v6 =	vor.u32 $0xC, v1  }
0x628: {  	v16 =	vld.idx.msk [tilespmem:v60+s12+$0x0], $0xffff;
	v2 =	vadd.f32 v3, v2;
	v3 =	vmul.f32 v7, v59  }
0x629: {  	v17 =	vor.u32 $0xD, v1;
	v7 =	vld.idx.msk [tilespmem:v60+s13+$0x0], $0xffff  }
0x62a: {  	v18 =	vld.idx.msk [tilespmem:v62+s12+$0x0], $0xffff;
	v2 =	vadd.f32 v3, v2;
	v3 =	vmul.f32 v4, v61  }
0x62b: {  	v19 =	vor.u32 $0xE, v1;
	v4 =	vld.idx.msk [tilespmem:v62+s13+$0x0], $0xffff  }
0x62c: {  	v20 =	vld.idx.msk [tilespmem:v6+s12+$0x0], $0xffff;
	v2 =	vadd.f32 v3, v2;
	v3 =	vmul.f32 v5, v63  }
0x62d: {  	v5 =	vld.idx.msk [tilespmem:v6+s13+$0x0], $0xffff;
	v6 =	vor.u32 $0xF, v1  }
0x62e: {  	v21 =	vld.idx.msk [tilespmem:v17+s12+$0x0], $0xffff;
	v2 =	vadd.f32 v3, v2;
	v3 =	vmul.f32 v7, v16  }
0x62f: {  	v22 =	vor.u32 $0x10, v1;
	v7 =	vld.idx.msk [tilespmem:v17+s13+$0x0], $0xffff  }
0x630: {  	v23 =	vld.idx.msk [tilespmem:v19+s12+$0x0], $0xffff;
	v2 =	vadd.f32 v3, v2;
	v3 =	vmul.f32 v4, v18  }
0x631: {  	v24 =	vor.u32 $0x11, v1;
	v4 =	vld.idx.msk [tilespmem:v19+s13+$0x0], $0xffff  }
0x632: {  	v25 =	vld.idx.msk [tilespmem:v6+s12+$0x0], $0xffff;
	v2 =	vadd.f32 v3, v2;
	v3 =	vmul.f32 v5, v20  }
0x633: {  	v5 =	vld.idx.msk [tilespmem:v6+s13+$0x0], $0xffff;
	v6 =	vor.u32 $0x12, v1  }
0x634: {  	v26 =	vld.idx.msk [tilespmem:v22+s12+$0x0], $0xffff;
	v2 =	vadd.f32 v3, v2;
	v3 =	vmul.f32 v7, v21  }
0x635: {  	v27 =	vor.u32 $0x13, v1;
	v7 =	vld.idx.msk [tilespmem:v22+s13+$0x0], $0xffff  }
0x636: {  	v28 =	vld.idx.msk [tilespmem:v24+s12+$0x0], $0xffff;
	v2 =	vadd.f32 v3, v2;
	v3 =	vmul.f32 v4, v23  }
0x637: {  	v29 =	vor.u32 $0x14, v1;
	v4 =	vld.idx.msk [tilespmem:v24+s13+$0x0], $0xffff  }
0x638: {  	v30 =	vld.idx.msk [tilespmem:v6+s12+$0x0], $0xffff;
	v2 =	vadd.f32 v3, v2;
	v3 =	vmul.f32 v5, v25  }
0x639: {  	v5 =	vld.idx.msk [tilespmem:v6+s13+$0x0], $0xffff;
	v6 =	vor.u32 $0x15, v1  }
0x63a: {  	v31 =	vld.idx.msk [tilespmem:v27+s12+$0x0], $0xffff;
	v2 =	vadd.f32 v3, v2;
	v3 =	vmul.f32 v7, v26  }
0x63b: {  	v32 =	vor.u32 $0x16, v1;
	v7 =	vld.idx.msk [tilespmem:v27+s13+$0x0], $0xffff  }
0x63c: {  	v33 =	vld.idx.msk [tilespmem:v29+s12+$0x0], $0xffff;
	v2 =	vadd.f32 v3, v2;
	v3 =	vmul.f32 v4, v28  }
0x63d: {  	v34 =	vor.u32 $0x17, v1;
	v4 =	vld.idx.msk [tilespmem:v29+s13+$0x0], $0xffff  }
0x63e: {  	v35 =	vld.idx.msk [tilespmem:v6+s12+$0x0], $0xffff;
	v2 =	vadd.f32 v3, v2;
	v3 =	vmul.f32 v5, v30  }
0x63f: {  	v5 =	vld.idx.msk [tilespmem:v6+s13+$0x0], $0xffff;
	v6 =	vor.u32 $0x18, v1  }
0x640: {  	v36 =	vld.idx.msk [tilespmem:v32+s12+$0x0], $0xffff;
	v2 =	vadd.f32 v3, v2;
	v3 =	vmul.f32 v7, v31  }
0x641: {  	v37 =	vor.u32 $0x19, v1;
	v7 =	vld.idx.msk [tilespmem:v32+s13+$0x0], $0xffff  }
0x642: {  	v38 =	vld.idx.msk [tilespmem:v34+s12+$0x0], $0xffff;
	v2 =	vadd.f32 v3, v2;
	v3 =	vmul.f32 v4, v33  }
0x643: {  	v39 =	vor.u32 $0x1A, v1;
	v4 =	vld.idx.msk [tilespmem:v34+s13+$0x0], $0xffff  }
0x644: {  	v40 =	vld.idx.msk [tilespmem:v6+s12+$0x0], $0xffff;
	v2 =	vadd.f32 v3, v2;
	v3 =	vmul.f32 v5, v35  }
0x645: {  	v5 =	vld.idx.msk [tilespmem:v6+s13+$0x0], $0xffff;
	v6 =	vor.u32 $0x1B, v1  }
0x646: {  	v41 =	vld.idx.msk [tilespmem:v37+s12+$0x0], $0xffff;
	v2 =	vadd.f32 v3, v2;
	v3 =	vmul.f32 v7, v36  }
0x647: {  	v42 =	vor.u32 $0x1C, v1;
	v7 =	vld.idx.msk [tilespmem:v37+s13+$0x0], $0xffff  }
0x648: {  	v43 =	vld.idx.msk [tilespmem:v39+s12+$0x0], $0xffff;
	v2 =	vadd.f32 v3, v2;
	v3 =	vmul.f32 v4, v38  }
0x649: {  	v44 =	vor.u32 $0x1D, v1;
	v4 =	vld.idx.msk [tilespmem:v39+s13+$0x0], $0xffff  }
0x64a: {  	v45 =	vld.idx.msk [tilespmem:v6+s12+$0x0], $0xffff;
	v2 =	vadd.f32 v3, v2;
	v3 =	vmul.f32 v5, v40  }
0x64b: {  	v5 =	vld.idx.msk [tilespmem:v6+s13+$0x0], $0xffff;
	v6 =	vor.u32 $0x1E, v1  }
0x64c: {  	v46 =	vld.idx.msk [tilespmem:v42+s12+$0x0], $0xffff;
	v2 =	vadd.f32 v3, v2;
	v3 =	vmul.f32 v7, v41  }
0x64d: {  	v47 =	vor.u32 $0x1F, v1;
	v7 =	vld.idx.msk [tilespmem:v42+s13+$0x0], $0xffff  }
0x64e: {  	v48 =	vld.idx.msk [tilespmem:v44+s12+$0x0], $0xffff;
	v2 =	vadd.f32 v3, v2;
	v3 =	vmul.f32 v4, v43  }
0x64f: {  	v49 =	vor.u32 $0x20, v1;
	v4 =	vld.idx.msk [tilespmem:v44+s13+$0x0], $0xffff  }
0x650: {  	v50 =	vld.idx.msk [tilespmem:v6+s12+$0x0], $0xffff;
	v2 =	vadd.f32 v3, v2;
	v3 =	vmul.f32 v5, v45  }
0x651: {  	v5 =	vld.idx.msk [tilespmem:v6+s13+$0x0], $0xffff;
	v6 =	vor.u32 $0x21, v1  }
0x652: {  	v51 =	vld.idx.msk [tilespmem:v47+s12+$0x0], $0xffff;
	v2 =	vadd.f32 v3, v2;
	v3 =	vmul.f32 v7, v46  }
0x653: {  	v52 =	vor.u32 $0x22, v1;
	v7 =	vld.idx.msk [tilespmem:v47+s13+$0x0], $0xffff  }
0x654: {  	v53 =	vld.idx.msk [tilespmem:v49+s12+$0x0], $0xffff;
	v2 =	vadd.f32 v3, v2;
	v3 =	vmul.f32 v4, v48  }
0x655: {  	v54 =	vor.u32 $0x23, v1;
	v4 =	vld.idx.msk [tilespmem:v49+s13+$0x0], $0xffff  }
0x656: {  	v55 =	vld.idx.msk [tilespmem:v6+s12+$0x0], $0xffff;
	v2 =	vadd.f32 v3, v2;
	v3 =	vmul.f32 v5, v50  }
0x657: {  	v5 =	vld.idx.msk [tilespmem:v6+s13+$0x0], $0xffff;
	v6 =	vor.u32 $0x24, v1  }
0x658: {  	v56 =	vld.idx.msk [tilespmem:v52+s12+$0x0], $0xffff;
	v2 =	vadd.f32 v3, v2;
	v3 =	vmul.f32 v7, v51  }
0x659: {  	v57 =	vor.u32 $0x25, v1;
	v7 =	vld.idx.msk [tilespmem:v52+s13+$0x0], $0xffff  }
0x65a: {  	v58 =	vld.idx.msk [tilespmem:v54+s12+$0x0], $0xffff;
	v2 =	vadd.f32 v3, v2;
	v3 =	vmul.f32 v4, v53  }
0x65b: {  	v59 =	vor.u32 $0x26, v1;
	v4 =	vld.idx.msk [tilespmem:v54+s13+$0x0], $0xffff  }
0x65c: {  	v60 =	vld.idx.msk [tilespmem:v6+s12+$0x0], $0xffff;
	v2 =	vadd.f32 v3, v2;
	v3 =	vmul.f32 v5, v55  }
0x65d: {  	v5 =	vld.idx.msk [tilespmem:v6+s13+$0x0], $0xffff;
	v6 =	vor.u32 $0x27, v1  }
0x65e: {  	v61 =	vld.idx.msk [tilespmem:v57+s12+$0x0], $0xffff;
	v2 =	vadd.f32 v3, v2;
	v3 =	vmul.f32 v7, v56  }
0x65f: {  	v62 =	vor.u32 $0x28, v1;
	v7 =	vld.idx.msk [tilespmem:v57+s13+$0x0], $0xffff  }
0x660: {  	v63 =	vld.idx.msk [tilespmem:v59+s12+$0x0], $0xffff;
	v2 =	vadd.f32 v3, v2;
	v3 =	vmul.f32 v4, v58  }
0x661: {  	v16 =	vor.u32 $0x29, v1;
	v4 =	vld.idx.msk [tilespmem:v59+s13+$0x0], $0xffff  }
0x662: {  	v17 =	vld.idx.msk [tilespmem:v6+s12+$0x0], $0xffff;
	v2 =	vadd.f32 v3, v2;
	v3 =	vmul.f32 v5, v60  }
0x663: {  	v5 =	vld.idx.msk [tilespmem:v6+s13+$0x0], $0xffff;
	v6 =	vor.u32 $0x2A, v1  }
0x664: {  	v18 =	vld.idx.msk [tilespmem:v62+s12+$0x0], $0xffff;
	v2 =	vadd.f32 v3, v2;
	v3 =	vmul.f32 v7, v61  }
0x665: {  	v19 =	vor.u32 $0x2B, v1;
	v7 =	vld.idx.msk [tilespmem:v62+s13+$0x0], $0xffff  }
0x666: {  	v20 =	vld.idx.msk [tilespmem:v16+s12+$0x0], $0xffff;
	v2 =	vadd.f32 v3, v2;
	v3 =	vmul.f32 v4, v63  }
0x667: {  	v21 =	vor.u32 $0x2C, v1;
	v4 =	vld.idx.msk [tilespmem:v16+s13+$0x0], $0xffff  }
0x668: {  	v22 =	vld.idx.msk [tilespmem:v6+s12+$0x0], $0xffff;
	v2 =	vadd.f32 v3, v2;
	v3 =	vmul.f32 v5, v17  }
0x669: {  	v5 =	vld.idx.msk [tilespmem:v6+s13+$0x0], $0xffff;
	v6 =	vor.u32 $0x2D, v1  }
0x66a: {  	v23 =	vld.idx.msk [tilespmem:v19+s12+$0x0], $0xffff;
	v2 =	vadd.f32 v3, v2;
	v3 =	vmul.f32 v7, v18  }
0x66b: {  	v24 =	vor.u32 $0x2E, v1;
	v7 =	vld.idx.msk [tilespmem:v19+s13+$0x0], $0xffff  }
0x66c: {  	v25 =	vld.idx.msk [tilespmem:v21+s12+$0x0], $0xffff;
	v2 =	vadd.f32 v3, v2;
	v3 =	vmul.f32 v4, v20  }
0x66d: {  	v26 =	vor.u32 $0x2F, v1;
	v4 =	vld.idx.msk [tilespmem:v21+s13+$0x0], $0xffff  }
0x66e: {  	v27 =	vld.idx.msk [tilespmem:v6+s12+$0x0], $0xffff;
	v2 =	vadd.f32 v3, v2;
	v3 =	vmul.f32 v5, v22  }
0x66f: {  	v5 =	vld.idx.msk [tilespmem:v6+s13+$0x0], $0xffff;
	v6 =	vor.u32 $0x30, v1  }
0x670: {  	v28 =	vld.idx.msk [tilespmem:v24+s12+$0x0], $0xffff;
	v2 =	vadd.f32 v3, v2;
	v3 =	vmul.f32 v7, v23  }
0x671: {  	v29 =	vor.u32 $0x31, v1;
	v7 =	vld.idx.msk [tilespmem:v24+s13+$0x0], $0xffff  }
0x672: {  	v30 =	vld.idx.msk [tilespmem:v26+s12+$0x0], $0xffff;
	v2 =	vadd.f32 v3, v2;
	v3 =	vmul.f32 v4, v25  }
0x673: {  	v31 =	vor.u32 $0x32, v1;
	v4 =	vld.idx.msk [tilespmem:v26+s13+$0x0], $0xffff  }
0x674: {  	v32 =	vld.idx.msk [tilespmem:v6+s12+$0x0], $0xffff;
	v2 =	vadd.f32 v3, v2;
	v3 =	vmul.f32 v5, v27  }
0x675: {  	v5 =	vld.idx.msk [tilespmem:v6+s13+$0x0], $0xffff;
	v6 =	vor.u32 $0x33, v1  }
0x676: {  	v33 =	vld.idx.msk [tilespmem:v29+s12+$0x0], $0xffff;
	v2 =	vadd.f32 v3, v2;
	v3 =	vmul.f32 v7, v28  }
0x677: {  	v34 =	vor.u32 $0x34, v1;
	v7 =	vld.idx.msk [tilespmem:v29+s13+$0x0], $0xffff  }
0x678: {  	v35 =	vld.idx.msk [tilespmem:v31+s12+$0x0], $0xffff;
	v2 =	vadd.f32 v3, v2;
	v3 =	vmul.f32 v4, v30  }
0x679: {  	v36 =	vor.u32 $0x35, v1;
	v4 =	vld.idx.msk [tilespmem:v31+s13+$0x0], $0xffff  }
0x67a: {  	v37 =	vld.idx.msk [tilespmem:v6+s12+$0x0], $0xffff;
	v2 =	vadd.f32 v3, v2;
	v3 =	vmul.f32 v5, v32  }
0x67b: {  	v5 =	vld.idx.msk [tilespmem:v6+s13+$0x0], $0xffff;
	v6 =	vor.u32 $0x36, v1  }
0x67c: {  	v38 =	vld.idx.msk [tilespmem:v34+s12+$0x0], $0xffff;
	v2 =	vadd.f32 v3, v2;
	v3 =	vmul.f32 v7, v33  }
0x67d: {  	v39 =	vor.u32 $0x37, v1;
	v7 =	vld.idx.msk [tilespmem:v34+s13+$0x0], $0xffff  }
0x67e: {  	v40 =	vld.idx.msk [tilespmem:v36+s12+$0x0], $0xffff;
	v2 =	vadd.f32 v3, v2;
	v3 =	vmul.f32 v4, v35  }
0x67f: {  	v41 =	vor.u32 $0x38, v1;
	v4 =	vld.idx.msk [tilespmem:v36+s13+$0x0], $0xffff  }
0x680: {  	v42 =	vld.idx.msk [tilespmem:v6+s12+$0x0], $0xffff;
	v2 =	vadd.f32 v3, v2;
	v3 =	vmul.f32 v5, v37  }
0x681: {  	v5 =	vld.idx.msk [tilespmem:v6+s13+$0x0], $0xffff;
	v6 =	vor.u32 $0x39, v1  }
0x682: {  	v43 =	vld.idx.msk [tilespmem:v39+s12+$0x0], $0xffff;
	v2 =	vadd.f32 v3, v2;
	v3 =	vmul.f32 v7, v38  }
0x683: {  	v44 =	vor.u32 $0x3A, v1;
	v7 =	vld.idx.msk [tilespmem:v39+s13+$0x0], $0xffff  }
0x684: {  	v45 =	vld.idx.msk [tilespmem:v41+s12+$0x0], $0xffff;
	v2 =	vadd.f32 v3, v2;
	v3 =	vmul.f32 v4, v40  }
0x685: {  	v46 =	vor.u32 $0x3B, v1;
	v4 =	vld.idx.msk [tilespmem:v41+s13+$0x0], $0xffff  }
0x686: {  	v47 =	vld.idx.msk [tilespmem:v6+s12+$0x0], $0xffff;
	v2 =	vadd.f32 v3, v2;
	v3 =	vmul.f32 v5, v42  }
0x687: {  	v5 =	vld.idx.msk [tilespmem:v6+s13+$0x0], $0xffff;
	v6 =	vor.u32 $0x3C, v1  }
0x688: {  	v48 =	vld.idx.msk [tilespmem:v44+s12+$0x0], $0xffff;
	v2 =	vadd.f32 v3, v2;
	v3 =	vmul.f32 v7, v43  }
0x689: {  	v49 =	vor.u32 $0x3D, v1;
	v7 =	vld.idx.msk [tilespmem:v44+s13+$0x0], $0xffff  }
0x68a: {  	v50 =	vld.idx.msk [tilespmem:v46+s12+$0x0], $0xffff;
	v2 =	vadd.f32 v3, v2;
	v3 =	vmul.f32 v4, v45  }
0x68b: {  	v51 =	vor.u32 $0x3E, v1;
	v4 =	vld.idx.msk [tilespmem:v46+s13+$0x0], $0xffff  }
0x68c: {  	v52 =	vld.idx.msk [tilespmem:v6+s12+$0x0], $0xffff;
	v2 =	vadd.f32 v3, v2;
	v3 =	vmul.f32 v5, v47  }
0x68d: {  	v1 =	vor.u32 $0x3F, v1;
	v5 =	vld.idx.msk [tilespmem:v6+s13+$0x0], $0xffff  }
0x68e: {  	v6 =	vld.idx.msk [tilespmem:v49+s12+$0x0], $0xffff;
	v2 =	vadd.f32 v3, v2;
	v3 =	vmul.f32 v7, v48  }
0x68f: {  	v7 =	vld.idx.msk [tilespmem:v49+s13+$0x0], $0xffff  }
0x690: {  	v53 =	vld.idx.msk [tilespmem:v51+s12+$0x0], $0xffff;
	v2 =	vadd.f32 v3, v2;
	v3 =	vmul.f32 v4, v50  }
0x691: {  	v4 =	vld.idx.msk [tilespmem:v51+s13+$0x0], $0xffff  }
0x692: {  	v54 =	vld.idx.msk [tilespmem:v1+s12+$0x0], $0xffff;
	v2 =	vadd.f32 v3, v2;
	v3 =	vmul.f32 v5, v52  }
0x693: {  	v1 =	vld.idx.msk [tilespmem:v1+s13+$0x0], $0xffff  }
0x694: {  	v2 =	vadd.f32 v3, v2;
	v3 =	vmul.f32 v7, v6;
	_ =	sdelay $0x1  }
0x695: {  	v2 =	vadd.f32 v3, v2;
	v3 =	vmul.f32 v4, v53;
	_ =	sdelay $0x1  }
0x696: {  	v1 =	vmul.f32 v1, v54;
	v2 =	vadd.f32 v3, v2;
	_ =	sdelay $0x1  }
0x697: {  	v1 =	vadd.f32 v1, v2  }
0x698: {  	s31 =	simm.s32 $0x180;
	s30 =	sadd.s32 $0x10, s30  }
0x699: {  	[tilespmem:s30+$0x0] =	vst v1;
	v1 =	vmov s31  }
0x69a: {  	_ =	swait.ge [sflag:s25], $0x2000;
	v1 =	vshll.u32 v1, $0x6  }
0x69b: {  	[sflag:s25] =	ssyncset.done $0x0;
	v1 =	vor.u32 v0, v1  }
0x69c: {  	[sflag:s25] =	ssyncadd.s32 $0xFFFFE000  }
0x69d: {  	v2 =	vor.u32 $0x1, v1;
	_ =	swait.ge [sflag:s26], $0x2000  }
0x69e: {  	[sflag:s26] =	ssyncset.done $0x0  }
0x69f: {  	v3 =	vor.u32 $0x2, v1;
	[sflag:s26] =	ssyncadd.s32 $0xFFFFE000  }
0x6a0: {  	v4 =	vld.idx.msk [tilespmem:v1+s13+$0x0], $0xffff  }
0x6a1: {  	v6 =	vor.u32 $0x3, v1;
	v5 =	vld.idx.msk [tilespmem:v1+s12+$0x0], $0xffff  }
0x6a2: {  	v7 =	vld.idx.msk [tilespmem:v2+s12+$0x0], $0xffff  }
0x6a3: {  	v55 =	vor.u32 $0x4, v1;
	v2 =	vld.idx.msk [tilespmem:v2+s13+$0x0], $0xffff  }
0x6a4: {  	v56 =	vld.idx.msk [tilespmem:v3+s12+$0x0], $0xffff  }
0x6a5: {  	v57 =	vor.u32 $0x5, v1;
	v3 =	vld.idx.msk [tilespmem:v3+s13+$0x0], $0xffff  }
0x6a6: {  	v58 =	vld.idx.msk [tilespmem:v6+s12+$0x0], $0xffff;
	v4 =	vmul.f32 v4, v5  }
0x6a7: {  	v5 =	vld.idx.msk [tilespmem:v6+s13+$0x0], $0xffff;
	v6 =	vor.u32 $0x6, v1  }
0x6a8: {  	v59 =	vld.idx.msk [tilespmem:v55+s12+$0x0], $0xffff;
	v2 =	vmul.f32 v2, v7;
	v4 =	vadd.f32 $0.0e+00, v4  }
0x6a9: {  	v60 =	vor.u32 $0x7, v1;
	v7 =	vld.idx.msk [tilespmem:v55+s13+$0x0], $0xffff  }
0x6aa: {  	v61 =	vld.idx.msk [tilespmem:v57+s12+$0x0], $0xffff;
	v3 =	vmul.f32 v3, v56;
	v2 =	vadd.f32 v2, v4  }
0x6ab: {  	v62 =	vor.u32 $0x8, v1;
	v4 =	vld.idx.msk [tilespmem:v57+s13+$0x0], $0xffff  }
0x6ac: {  	v63 =	vld.idx.msk [tilespmem:v6+s12+$0x0], $0xffff;
	v2 =	vadd.f32 v3, v2;
	v3 =	vmul.f32 v5, v58  }
0x6ad: {  	v5 =	vld.idx.msk [tilespmem:v6+s13+$0x0], $0xffff;
	v6 =	vor.u32 $0x9, v1  }
0x6ae: {  	v16 =	vld.idx.msk [tilespmem:v60+s12+$0x0], $0xffff;
	v2 =	vadd.f32 v3, v2;
	v3 =	vmul.f32 v7, v59  }
0x6af: {  	v17 =	vor.u32 $0xA, v1;
	v7 =	vld.idx.msk [tilespmem:v60+s13+$0x0], $0xffff  }
0x6b0: {  	v18 =	vld.idx.msk [tilespmem:v62+s12+$0x0], $0xffff;
	v2 =	vadd.f32 v3, v2;
	v3 =	vmul.f32 v4, v61  }
0x6b1: {  	v19 =	vor.u32 $0xB, v1;
	v4 =	vld.idx.msk [tilespmem:v62+s13+$0x0], $0xffff  }
0x6b2: {  	v20 =	vld.idx.msk [tilespmem:v6+s12+$0x0], $0xffff;
	v2 =	vadd.f32 v3, v2;
	v3 =	vmul.f32 v5, v63  }
0x6b3: {  	v5 =	vld.idx.msk [tilespmem:v6+s13+$0x0], $0xffff;
	v6 =	vor.u32 $0xC, v1  }
0x6b4: {  	v21 =	vld.idx.msk [tilespmem:v17+s12+$0x0], $0xffff;
	v2 =	vadd.f32 v3, v2;
	v3 =	vmul.f32 v7, v16  }
0x6b5: {  	v22 =	vor.u32 $0xD, v1;
	v7 =	vld.idx.msk [tilespmem:v17+s13+$0x0], $0xffff  }
0x6b6: {  	v23 =	vld.idx.msk [tilespmem:v19+s12+$0x0], $0xffff;
	v2 =	vadd.f32 v3, v2;
	v3 =	vmul.f32 v4, v18  }
0x6b7: {  	v24 =	vor.u32 $0xE, v1;
	v4 =	vld.idx.msk [tilespmem:v19+s13+$0x0], $0xffff  }
0x6b8: {  	v25 =	vld.idx.msk [tilespmem:v6+s12+$0x0], $0xffff;
	v2 =	vadd.f32 v3, v2;
	v3 =	vmul.f32 v5, v20  }
0x6b9: {  	v5 =	vld.idx.msk [tilespmem:v6+s13+$0x0], $0xffff;
	v6 =	vor.u32 $0xF, v1  }
0x6ba: {  	v26 =	vld.idx.msk [tilespmem:v22+s12+$0x0], $0xffff;
	v2 =	vadd.f32 v3, v2;
	v3 =	vmul.f32 v7, v21  }
0x6bb: {  	v27 =	vor.u32 $0x10, v1;
	v7 =	vld.idx.msk [tilespmem:v22+s13+$0x0], $0xffff  }
0x6bc: {  	v28 =	vld.idx.msk [tilespmem:v24+s12+$0x0], $0xffff;
	v2 =	vadd.f32 v3, v2;
	v3 =	vmul.f32 v4, v23  }
0x6bd: {  	v29 =	vor.u32 $0x11, v1;
	v4 =	vld.idx.msk [tilespmem:v24+s13+$0x0], $0xffff  }
0x6be: {  	v30 =	vld.idx.msk [tilespmem:v6+s12+$0x0], $0xffff;
	v2 =	vadd.f32 v3, v2;
	v3 =	vmul.f32 v5, v25  }
0x6bf: {  	v5 =	vld.idx.msk [tilespmem:v6+s13+$0x0], $0xffff;
	v6 =	vor.u32 $0x12, v1  }
0x6c0: {  	v31 =	vld.idx.msk [tilespmem:v27+s12+$0x0], $0xffff;
	v2 =	vadd.f32 v3, v2;
	v3 =	vmul.f32 v7, v26  }
0x6c1: {  	v32 =	vor.u32 $0x13, v1;
	v7 =	vld.idx.msk [tilespmem:v27+s13+$0x0], $0xffff  }
0x6c2: {  	v33 =	vld.idx.msk [tilespmem:v29+s12+$0x0], $0xffff;
	v2 =	vadd.f32 v3, v2;
	v3 =	vmul.f32 v4, v28  }
0x6c3: {  	v34 =	vor.u32 $0x14, v1;
	v4 =	vld.idx.msk [tilespmem:v29+s13+$0x0], $0xffff  }
0x6c4: {  	v35 =	vld.idx.msk [tilespmem:v6+s12+$0x0], $0xffff;
	v2 =	vadd.f32 v3, v2;
	v3 =	vmul.f32 v5, v30  }
0x6c5: {  	v5 =	vld.idx.msk [tilespmem:v6+s13+$0x0], $0xffff;
	v6 =	vor.u32 $0x15, v1  }
0x6c6: {  	v36 =	vld.idx.msk [tilespmem:v32+s12+$0x0], $0xffff;
	v2 =	vadd.f32 v3, v2;
	v3 =	vmul.f32 v7, v31  }
0x6c7: {  	v37 =	vor.u32 $0x16, v1;
	v7 =	vld.idx.msk [tilespmem:v32+s13+$0x0], $0xffff  }
0x6c8: {  	v38 =	vld.idx.msk [tilespmem:v34+s12+$0x0], $0xffff;
	v2 =	vadd.f32 v3, v2;
	v3 =	vmul.f32 v4, v33  }
0x6c9: {  	v39 =	vor.u32 $0x17, v1;
	v4 =	vld.idx.msk [tilespmem:v34+s13+$0x0], $0xffff  }
0x6ca: {  	v40 =	vld.idx.msk [tilespmem:v6+s12+$0x0], $0xffff;
	v2 =	vadd.f32 v3, v2;
	v3 =	vmul.f32 v5, v35  }
0x6cb: {  	v5 =	vld.idx.msk [tilespmem:v6+s13+$0x0], $0xffff;
	v6 =	vor.u32 $0x18, v1  }
0x6cc: {  	v41 =	vld.idx.msk [tilespmem:v37+s12+$0x0], $0xffff;
	v2 =	vadd.f32 v3, v2;
	v3 =	vmul.f32 v7, v36  }
0x6cd: {  	v42 =	vor.u32 $0x19, v1;
	v7 =	vld.idx.msk [tilespmem:v37+s13+$0x0], $0xffff  }
0x6ce: {  	v43 =	vld.idx.msk [tilespmem:v39+s12+$0x0], $0xffff;
	v2 =	vadd.f32 v3, v2;
	v3 =	vmul.f32 v4, v38  }
0x6cf: {  	v44 =	vor.u32 $0x1A, v1;
	v4 =	vld.idx.msk [tilespmem:v39+s13+$0x0], $0xffff  }
0x6d0: {  	v45 =	vld.idx.msk [tilespmem:v6+s12+$0x0], $0xffff;
	v2 =	vadd.f32 v3, v2;
	v3 =	vmul.f32 v5, v40  }
0x6d1: {  	v5 =	vld.idx.msk [tilespmem:v6+s13+$0x0], $0xffff;
	v6 =	vor.u32 $0x1B, v1  }
0x6d2: {  	v46 =	vld.idx.msk [tilespmem:v42+s12+$0x0], $0xffff;
	v2 =	vadd.f32 v3, v2;
	v3 =	vmul.f32 v7, v41  }
0x6d3: {  	v47 =	vor.u32 $0x1C, v1;
	v7 =	vld.idx.msk [tilespmem:v42+s13+$0x0], $0xffff  }
0x6d4: {  	v48 =	vld.idx.msk [tilespmem:v44+s12+$0x0], $0xffff;
	v2 =	vadd.f32 v3, v2;
	v3 =	vmul.f32 v4, v43  }
0x6d5: {  	v49 =	vor.u32 $0x1D, v1;
	v4 =	vld.idx.msk [tilespmem:v44+s13+$0x0], $0xffff  }
0x6d6: {  	v50 =	vld.idx.msk [tilespmem:v6+s12+$0x0], $0xffff;
	v2 =	vadd.f32 v3, v2;
	v3 =	vmul.f32 v5, v45  }
0x6d7: {  	v5 =	vld.idx.msk [tilespmem:v6+s13+$0x0], $0xffff;
	v6 =	vor.u32 $0x1E, v1  }
0x6d8: {  	v51 =	vld.idx.msk [tilespmem:v47+s12+$0x0], $0xffff;
	v2 =	vadd.f32 v3, v2;
	v3 =	vmul.f32 v7, v46  }
0x6d9: {  	v52 =	vor.u32 $0x1F, v1;
	v7 =	vld.idx.msk [tilespmem:v47+s13+$0x0], $0xffff  }
0x6da: {  	v53 =	vld.idx.msk [tilespmem:v49+s12+$0x0], $0xffff;
	v2 =	vadd.f32 v3, v2;
	v3 =	vmul.f32 v4, v48  }
0x6db: {  	v54 =	vor.u32 $0x20, v1;
	v4 =	vld.idx.msk [tilespmem:v49+s13+$0x0], $0xffff  }
0x6dc: {  	v55 =	vld.idx.msk [tilespmem:v6+s12+$0x0], $0xffff;
	v2 =	vadd.f32 v3, v2;
	v3 =	vmul.f32 v5, v50  }
0x6dd: {  	v5 =	vld.idx.msk [tilespmem:v6+s13+$0x0], $0xffff;
	v6 =	vor.u32 $0x21, v1  }
0x6de: {  	v56 =	vld.idx.msk [tilespmem:v52+s12+$0x0], $0xffff;
	v2 =	vadd.f32 v3, v2;
	v3 =	vmul.f32 v7, v51  }
0x6df: {  	v57 =	vor.u32 $0x22, v1;
	v7 =	vld.idx.msk [tilespmem:v52+s13+$0x0], $0xffff  }
0x6e0: {  	v58 =	vld.idx.msk [tilespmem:v54+s12+$0x0], $0xffff;
	v2 =	vadd.f32 v3, v2;
	v3 =	vmul.f32 v4, v53  }
0x6e1: {  	v59 =	vor.u32 $0x23, v1;
	v4 =	vld.idx.msk [tilespmem:v54+s13+$0x0], $0xffff  }
0x6e2: {  	v60 =	vld.idx.msk [tilespmem:v6+s12+$0x0], $0xffff;
	v2 =	vadd.f32 v3, v2;
	v3 =	vmul.f32 v5, v55  }
0x6e3: {  	v5 =	vld.idx.msk [tilespmem:v6+s13+$0x0], $0xffff;
	v6 =	vor.u32 $0x24, v1  }
0x6e4: {  	v61 =	vld.idx.msk [tilespmem:v57+s12+$0x0], $0xffff;
	v2 =	vadd.f32 v3, v2;
	v3 =	vmul.f32 v7, v56  }
0x6e5: {  	v62 =	vor.u32 $0x25, v1;
	v7 =	vld.idx.msk [tilespmem:v57+s13+$0x0], $0xffff  }
0x6e6: {  	v63 =	vld.idx.msk [tilespmem:v59+s12+$0x0], $0xffff;
	v2 =	vadd.f32 v3, v2;
	v3 =	vmul.f32 v4, v58  }
0x6e7: {  	v16 =	vor.u32 $0x26, v1;
	v4 =	vld.idx.msk [tilespmem:v59+s13+$0x0], $0xffff  }
0x6e8: {  	v17 =	vld.idx.msk [tilespmem:v6+s12+$0x0], $0xffff;
	v2 =	vadd.f32 v3, v2;
	v3 =	vmul.f32 v5, v60  }
0x6e9: {  	v5 =	vld.idx.msk [tilespmem:v6+s13+$0x0], $0xffff;
	v6 =	vor.u32 $0x27, v1  }
0x6ea: {  	v18 =	vld.idx.msk [tilespmem:v62+s12+$0x0], $0xffff;
	v2 =	vadd.f32 v3, v2;
	v3 =	vmul.f32 v7, v61  }
0x6eb: {  	v19 =	vor.u32 $0x28, v1;
	v7 =	vld.idx.msk [tilespmem:v62+s13+$0x0], $0xffff  }
0x6ec: {  	v20 =	vld.idx.msk [tilespmem:v16+s12+$0x0], $0xffff;
	v2 =	vadd.f32 v3, v2;
	v3 =	vmul.f32 v4, v63  }
0x6ed: {  	v21 =	vor.u32 $0x29, v1;
	v4 =	vld.idx.msk [tilespmem:v16+s13+$0x0], $0xffff  }
0x6ee: {  	v22 =	vld.idx.msk [tilespmem:v6+s12+$0x0], $0xffff;
	v2 =	vadd.f32 v3, v2;
	v3 =	vmul.f32 v5, v17  }
0x6ef: {  	v5 =	vld.idx.msk [tilespmem:v6+s13+$0x0], $0xffff;
	v6 =	vor.u32 $0x2A, v1  }
0x6f0: {  	v23 =	vld.idx.msk [tilespmem:v19+s12+$0x0], $0xffff;
	v2 =	vadd.f32 v3, v2;
	v3 =	vmul.f32 v7, v18  }
0x6f1: {  	v24 =	vor.u32 $0x2B, v1;
	v7 =	vld.idx.msk [tilespmem:v19+s13+$0x0], $0xffff  }
0x6f2: {  	v25 =	vld.idx.msk [tilespmem:v21+s12+$0x0], $0xffff;
	v2 =	vadd.f32 v3, v2;
	v3 =	vmul.f32 v4, v20  }
0x6f3: {  	v26 =	vor.u32 $0x2C, v1;
	v4 =	vld.idx.msk [tilespmem:v21+s13+$0x0], $0xffff  }
0x6f4: {  	v27 =	vld.idx.msk [tilespmem:v6+s12+$0x0], $0xffff;
	v2 =	vadd.f32 v3, v2;
	v3 =	vmul.f32 v5, v22  }
0x6f5: {  	v5 =	vld.idx.msk [tilespmem:v6+s13+$0x0], $0xffff;
	v6 =	vor.u32 $0x2D, v1  }
0x6f6: {  	v28 =	vld.idx.msk [tilespmem:v24+s12+$0x0], $0xffff;
	v2 =	vadd.f32 v3, v2;
	v3 =	vmul.f32 v7, v23  }
0x6f7: {  	v29 =	vor.u32 $0x2E, v1;
	v7 =	vld.idx.msk [tilespmem:v24+s13+$0x0], $0xffff  }
0x6f8: {  	v30 =	vld.idx.msk [tilespmem:v26+s12+$0x0], $0xffff;
	v2 =	vadd.f32 v3, v2;
	v3 =	vmul.f32 v4, v25  }
0x6f9: {  	v31 =	vor.u32 $0x2F, v1;
	v4 =	vld.idx.msk [tilespmem:v26+s13+$0x0], $0xffff  }
0x6fa: {  	v32 =	vld.idx.msk [tilespmem:v6+s12+$0x0], $0xffff;
	v2 =	vadd.f32 v3, v2;
	v3 =	vmul.f32 v5, v27  }
0x6fb: {  	v5 =	vld.idx.msk [tilespmem:v6+s13+$0x0], $0xffff;
	v6 =	vor.u32 $0x30, v1  }
0x6fc: {  	v33 =	vld.idx.msk [tilespmem:v29+s12+$0x0], $0xffff;
	v2 =	vadd.f32 v3, v2;
	v3 =	vmul.f32 v7, v28  }
0x6fd: {  	v34 =	vor.u32 $0x31, v1;
	v7 =	vld.idx.msk [tilespmem:v29+s13+$0x0], $0xffff  }
0x6fe: {  	v35 =	vld.idx.msk [tilespmem:v31+s12+$0x0], $0xffff;
	v2 =	vadd.f32 v3, v2;
	v3 =	vmul.f32 v4, v30  }
0x6ff: {  	v36 =	vor.u32 $0x32, v1;
	v4 =	vld.idx.msk [tilespmem:v31+s13+$0x0], $0xffff  }
0x700: {  	v37 =	vld.idx.msk [tilespmem:v6+s12+$0x0], $0xffff;
	v2 =	vadd.f32 v3, v2;
	v3 =	vmul.f32 v5, v32  }
0x701: {  	v5 =	vld.idx.msk [tilespmem:v6+s13+$0x0], $0xffff;
	v6 =	vor.u32 $0x33, v1  }
0x702: {  	v38 =	vld.idx.msk [tilespmem:v34+s12+$0x0], $0xffff;
	v2 =	vadd.f32 v3, v2;
	v3 =	vmul.f32 v7, v33  }
0x703: {  	v39 =	vor.u32 $0x34, v1;
	v7 =	vld.idx.msk [tilespmem:v34+s13+$0x0], $0xffff  }
0x704: {  	v40 =	vld.idx.msk [tilespmem:v36+s12+$0x0], $0xffff;
	v2 =	vadd.f32 v3, v2;
	v3 =	vmul.f32 v4, v35  }
0x705: {  	v41 =	vor.u32 $0x35, v1;
	v4 =	vld.idx.msk [tilespmem:v36+s13+$0x0], $0xffff  }
0x706: {  	v42 =	vld.idx.msk [tilespmem:v6+s12+$0x0], $0xffff;
	v2 =	vadd.f32 v3, v2;
	v3 =	vmul.f32 v5, v37  }
0x707: {  	v5 =	vld.idx.msk [tilespmem:v6+s13+$0x0], $0xffff;
	v6 =	vor.u32 $0x36, v1  }
0x708: {  	v43 =	vld.idx.msk [tilespmem:v39+s12+$0x0], $0xffff;
	v2 =	vadd.f32 v3, v2;
	v3 =	vmul.f32 v7, v38  }
0x709: {  	v44 =	vor.u32 $0x37, v1;
	v7 =	vld.idx.msk [tilespmem:v39+s13+$0x0], $0xffff  }
0x70a: {  	v45 =	vld.idx.msk [tilespmem:v41+s12+$0x0], $0xffff;
	v2 =	vadd.f32 v3, v2;
	v3 =	vmul.f32 v4, v40  }
0x70b: {  	v46 =	vor.u32 $0x38, v1;
	v4 =	vld.idx.msk [tilespmem:v41+s13+$0x0], $0xffff  }
0x70c: {  	v47 =	vld.idx.msk [tilespmem:v6+s12+$0x0], $0xffff;
	v2 =	vadd.f32 v3, v2;
	v3 =	vmul.f32 v5, v42  }
0x70d: {  	v5 =	vld.idx.msk [tilespmem:v6+s13+$0x0], $0xffff;
	v6 =	vor.u32 $0x39, v1  }
0x70e: {  	v48 =	vld.idx.msk [tilespmem:v44+s12+$0x0], $0xffff;
	v2 =	vadd.f32 v3, v2;
	v3 =	vmul.f32 v7, v43  }
0x70f: {  	v49 =	vor.u32 $0x3A, v1;
	v7 =	vld.idx.msk [tilespmem:v44+s13+$0x0], $0xffff  }
0x710: {  	v50 =	vld.idx.msk [tilespmem:v46+s12+$0x0], $0xffff;
	v2 =	vadd.f32 v3, v2;
	v3 =	vmul.f32 v4, v45  }
0x711: {  	v51 =	vor.u32 $0x3B, v1;
	v4 =	vld.idx.msk [tilespmem:v46+s13+$0x0], $0xffff  }
0x712: {  	v52 =	vld.idx.msk [tilespmem:v6+s12+$0x0], $0xffff;
	v2 =	vadd.f32 v3, v2;
	v3 =	vmul.f32 v5, v47  }
0x713: {  	v5 =	vld.idx.msk [tilespmem:v6+s13+$0x0], $0xffff;
	v6 =	vor.u32 $0x3C, v1  }
0x714: {  	v53 =	vld.idx.msk [tilespmem:v49+s12+$0x0], $0xffff;
	v2 =	vadd.f32 v3, v2;
	v3 =	vmul.f32 v7, v48  }
0x715: {  	v54 =	vor.u32 $0x3D, v1;
	v7 =	vld.idx.msk [tilespmem:v49+s13+$0x0], $0xffff  }
0x716: {  	v55 =	vld.idx.msk [tilespmem:v51+s12+$0x0], $0xffff;
	v2 =	vadd.f32 v3, v2;
	v3 =	vmul.f32 v4, v50  }
0x717: {  	v56 =	vor.u32 $0x3E, v1;
	v4 =	vld.idx.msk [tilespmem:v51+s13+$0x0], $0xffff  }
0x718: {  	v57 =	vld.idx.msk [tilespmem:v6+s12+$0x0], $0xffff;
	v2 =	vadd.f32 v3, v2;
	v3 =	vmul.f32 v5, v52  }
0x719: {  	v1 =	vor.u32 $0x3F, v1;
	v5 =	vld.idx.msk [tilespmem:v6+s13+$0x0], $0xffff  }
0x71a: {  	v6 =	vld.idx.msk [tilespmem:v54+s12+$0x0], $0xffff;
	v2 =	vadd.f32 v3, v2;
	v3 =	vmul.f32 v7, v53  }
0x71b: {  	v7 =	vld.idx.msk [tilespmem:v54+s13+$0x0], $0xffff  }
0x71c: {  	v58 =	vld.idx.msk [tilespmem:v56+s12+$0x0], $0xffff;
	v2 =	vadd.f32 v3, v2;
	v3 =	vmul.f32 v4, v55  }
0x71d: {  	v4 =	vld.idx.msk [tilespmem:v56+s13+$0x0], $0xffff  }
0x71e: {  	v59 =	vld.idx.msk [tilespmem:v1+s12+$0x0], $0xffff;
	v2 =	vadd.f32 v3, v2;
	v3 =	vmul.f32 v5, v57  }
0x71f: {  	v5 =	vld.idx.msk [tilespmem:v1+s13+$0x0], $0xffff  }
0x720: {  	v1 =	vadd.f32 v3, v2;
	v2 =	vmul.f32 v7, v6  }
0x721: {  	s30 =	simm.s32 $0x190  }
0x722: {  	v3 =	vmov s30;
	v4 =	vmul.f32 v4, v58;
	v2 =	vadd.f32 v2, v1  }
0x723: {  	v1 =	vshll.u32 v3, $0x6  }
0x724: {  	v1 =	vor.u32 v0, v1;
	v3 =	vmul.f32 v5, v59;
	v2 =	vadd.f32 v4, v2;
	_ =	sdelay $0x1  }
0x725: {  	v4 =	vor.u32 $0x1, v1;
	v2 =	vadd.f32 v3, v2  }
0x726: {  	s30 =	simm.s32 $0x10580  }
0x727: {  	v3 =	vor.u32 $0x2, v1;
	[tilespmem:s30+$0x0] =	vst v2  }
0x728: {  	v2 =	vld.idx.msk [tilespmem:v1+s13+$0x0], $0xffff  }
0x729: {  	v6 =	vor.u32 $0x3, v1;
	v5 =	vld.idx.msk [tilespmem:v1+s12+$0x0], $0xffff  }
0x72a: {  	v7 =	vld.idx.msk [tilespmem:v4+s12+$0x0], $0xffff  }
0x72b: {  	v60 =	vor.u32 $0x4, v1;
	v4 =	vld.idx.msk [tilespmem:v4+s13+$0x0], $0xffff  }
0x72c: {  	v61 =	vld.idx.msk [tilespmem:v3+s12+$0x0], $0xffff  }
0x72d: {  	v62 =	vor.u32 $0x5, v1;
	v3 =	vld.idx.msk [tilespmem:v3+s13+$0x0], $0xffff  }
0x72e: {  	v63 =	vld.idx.msk [tilespmem:v6+s12+$0x0], $0xffff;
	v2 =	vmul.f32 v2, v5  }
0x72f: {  	v5 =	vld.idx.msk [tilespmem:v6+s13+$0x0], $0xffff;
	v6 =	vor.u32 $0x6, v1  }
0x730: {  	v16 =	vld.idx.msk [tilespmem:v60+s12+$0x0], $0xffff;
	v4 =	vmul.f32 v4, v7;
	v2 =	vadd.f32 $0.0e+00, v2  }
0x731: {  	v17 =	vor.u32 $0x7, v1;
	v7 =	vld.idx.msk [tilespmem:v60+s13+$0x0], $0xffff  }
0x732: {  	v18 =	vld.idx.msk [tilespmem:v62+s12+$0x0], $0xffff;
	v3 =	vmul.f32 v3, v61;
	v2 =	vadd.f32 v4, v2  }
0x733: {  	v19 =	vor.u32 $0x8, v1;
	v4 =	vld.idx.msk [tilespmem:v62+s13+$0x0], $0xffff  }
0x734: {  	v20 =	vld.idx.msk [tilespmem:v6+s12+$0x0], $0xffff;
	v2 =	vadd.f32 v3, v2;
	v3 =	vmul.f32 v5, v63  }
0x735: {  	v5 =	vld.idx.msk [tilespmem:v6+s13+$0x0], $0xffff;
	v6 =	vor.u32 $0x9, v1  }
0x736: {  	v21 =	vld.idx.msk [tilespmem:v17+s12+$0x0], $0xffff;
	v2 =	vadd.f32 v3, v2;
	v3 =	vmul.f32 v7, v16  }
0x737: {  	v22 =	vor.u32 $0xA, v1;
	v7 =	vld.idx.msk [tilespmem:v17+s13+$0x0], $0xffff  }
0x738: {  	v23 =	vld.idx.msk [tilespmem:v19+s12+$0x0], $0xffff;
	v2 =	vadd.f32 v3, v2;
	v3 =	vmul.f32 v4, v18  }
0x739: {  	v24 =	vor.u32 $0xB, v1;
	v4 =	vld.idx.msk [tilespmem:v19+s13+$0x0], $0xffff  }
0x73a: {  	v25 =	vld.idx.msk [tilespmem:v6+s12+$0x0], $0xffff;
	v2 =	vadd.f32 v3, v2;
	v3 =	vmul.f32 v5, v20  }
0x73b: {  	v5 =	vld.idx.msk [tilespmem:v6+s13+$0x0], $0xffff;
	v6 =	vor.u32 $0xC, v1  }
0x73c: {  	v26 =	vld.idx.msk [tilespmem:v22+s12+$0x0], $0xffff;
	v2 =	vadd.f32 v3, v2;
	v3 =	vmul.f32 v7, v21  }
0x73d: {  	v27 =	vor.u32 $0xD, v1;
	v7 =	vld.idx.msk [tilespmem:v22+s13+$0x0], $0xffff  }
0x73e: {  	v28 =	vld.idx.msk [tilespmem:v24+s12+$0x0], $0xffff;
	v2 =	vadd.f32 v3, v2;
	v3 =	vmul.f32 v4, v23  }
0x73f: {  	v29 =	vor.u32 $0xE, v1;
	v4 =	vld.idx.msk [tilespmem:v24+s13+$0x0], $0xffff  }
0x740: {  	v30 =	vld.idx.msk [tilespmem:v6+s12+$0x0], $0xffff;
	v2 =	vadd.f32 v3, v2;
	v3 =	vmul.f32 v5, v25  }
0x741: {  	v5 =	vld.idx.msk [tilespmem:v6+s13+$0x0], $0xffff;
	v6 =	vor.u32 $0xF, v1  }
0x742: {  	v31 =	vld.idx.msk [tilespmem:v27+s12+$0x0], $0xffff;
	v2 =	vadd.f32 v3, v2;
	v3 =	vmul.f32 v7, v26  }
0x743: {  	v32 =	vor.u32 $0x10, v1;
	v7 =	vld.idx.msk [tilespmem:v27+s13+$0x0], $0xffff  }
0x744: {  	v33 =	vld.idx.msk [tilespmem:v29+s12+$0x0], $0xffff;
	v2 =	vadd.f32 v3, v2;
	v3 =	vmul.f32 v4, v28  }
0x745: {  	v34 =	vor.u32 $0x11, v1;
	v4 =	vld.idx.msk [tilespmem:v29+s13+$0x0], $0xffff  }
0x746: {  	v35 =	vld.idx.msk [tilespmem:v6+s12+$0x0], $0xffff;
	v2 =	vadd.f32 v3, v2;
	v3 =	vmul.f32 v5, v30  }
0x747: {  	v5 =	vld.idx.msk [tilespmem:v6+s13+$0x0], $0xffff;
	v6 =	vor.u32 $0x12, v1  }
0x748: {  	v36 =	vld.idx.msk [tilespmem:v32+s12+$0x0], $0xffff;
	v2 =	vadd.f32 v3, v2;
	v3 =	vmul.f32 v7, v31  }
0x749: {  	v37 =	vor.u32 $0x13, v1;
	v7 =	vld.idx.msk [tilespmem:v32+s13+$0x0], $0xffff  }
0x74a: {  	v38 =	vld.idx.msk [tilespmem:v34+s12+$0x0], $0xffff;
	v2 =	vadd.f32 v3, v2;
	v3 =	vmul.f32 v4, v33  }
0x74b: {  	v39 =	vor.u32 $0x14, v1;
	v4 =	vld.idx.msk [tilespmem:v34+s13+$0x0], $0xffff  }
0x74c: {  	v40 =	vld.idx.msk [tilespmem:v6+s12+$0x0], $0xffff;
	v2 =	vadd.f32 v3, v2;
	v3 =	vmul.f32 v5, v35  }
0x74d: {  	v5 =	vld.idx.msk [tilespmem:v6+s13+$0x0], $0xffff;
	v6 =	vor.u32 $0x15, v1  }
0x74e: {  	v41 =	vld.idx.msk [tilespmem:v37+s12+$0x0], $0xffff;
	v2 =	vadd.f32 v3, v2;
	v3 =	vmul.f32 v7, v36  }
0x74f: {  	v42 =	vor.u32 $0x16, v1;
	v7 =	vld.idx.msk [tilespmem:v37+s13+$0x0], $0xffff  }
0x750: {  	v43 =	vld.idx.msk [tilespmem:v39+s12+$0x0], $0xffff;
	v2 =	vadd.f32 v3, v2;
	v3 =	vmul.f32 v4, v38  }
0x751: {  	v44 =	vor.u32 $0x17, v1;
	v4 =	vld.idx.msk [tilespmem:v39+s13+$0x0], $0xffff  }
0x752: {  	v45 =	vld.idx.msk [tilespmem:v6+s12+$0x0], $0xffff;
	v2 =	vadd.f32 v3, v2;
	v3 =	vmul.f32 v5, v40  }
0x753: {  	v5 =	vld.idx.msk [tilespmem:v6+s13+$0x0], $0xffff;
	v6 =	vor.u32 $0x18, v1  }
0x754: {  	v46 =	vld.idx.msk [tilespmem:v42+s12+$0x0], $0xffff;
	v2 =	vadd.f32 v3, v2;
	v3 =	vmul.f32 v7, v41  }
0x755: {  	v47 =	vor.u32 $0x19, v1;
	v7 =	vld.idx.msk [tilespmem:v42+s13+$0x0], $0xffff  }
0x756: {  	v48 =	vld.idx.msk [tilespmem:v44+s12+$0x0], $0xffff;
	v2 =	vadd.f32 v3, v2;
	v3 =	vmul.f32 v4, v43  }
0x757: {  	v49 =	vor.u32 $0x1A, v1;
	v4 =	vld.idx.msk [tilespmem:v44+s13+$0x0], $0xffff  }
0x758: {  	v50 =	vld.idx.msk [tilespmem:v6+s12+$0x0], $0xffff;
	v2 =	vadd.f32 v3, v2;
	v3 =	vmul.f32 v5, v45  }
0x759: {  	v5 =	vld.idx.msk [tilespmem:v6+s13+$0x0], $0xffff;
	v6 =	vor.u32 $0x1B, v1  }
0x75a: {  	v51 =	vld.idx.msk [tilespmem:v47+s12+$0x0], $0xffff;
	v2 =	vadd.f32 v3, v2;
	v3 =	vmul.f32 v7, v46  }
0x75b: {  	v52 =	vor.u32 $0x1C, v1;
	v7 =	vld.idx.msk [tilespmem:v47+s13+$0x0], $0xffff  }
0x75c: {  	v53 =	vld.idx.msk [tilespmem:v49+s12+$0x0], $0xffff;
	v2 =	vadd.f32 v3, v2;
	v3 =	vmul.f32 v4, v48  }
0x75d: {  	v54 =	vor.u32 $0x1D, v1;
	v4 =	vld.idx.msk [tilespmem:v49+s13+$0x0], $0xffff  }
0x75e: {  	v55 =	vld.idx.msk [tilespmem:v6+s12+$0x0], $0xffff;
	v2 =	vadd.f32 v3, v2;
	v3 =	vmul.f32 v5, v50  }
0x75f: {  	v5 =	vld.idx.msk [tilespmem:v6+s13+$0x0], $0xffff;
	v6 =	vor.u32 $0x1E, v1  }
0x760: {  	v56 =	vld.idx.msk [tilespmem:v52+s12+$0x0], $0xffff;
	v2 =	vadd.f32 v3, v2;
	v3 =	vmul.f32 v7, v51  }
0x761: {  	v57 =	vor.u32 $0x1F, v1;
	v7 =	vld.idx.msk [tilespmem:v52+s13+$0x0], $0xffff  }
0x762: {  	v58 =	vld.idx.msk [tilespmem:v54+s12+$0x0], $0xffff;
	v2 =	vadd.f32 v3, v2;
	v3 =	vmul.f32 v4, v53  }
0x763: {  	v59 =	vor.u32 $0x20, v1;
	v4 =	vld.idx.msk [tilespmem:v54+s13+$0x0], $0xffff  }
0x764: {  	v60 =	vld.idx.msk [tilespmem:v6+s12+$0x0], $0xffff;
	v2 =	vadd.f32 v3, v2;
	v3 =	vmul.f32 v5, v55  }
0x765: {  	v5 =	vld.idx.msk [tilespmem:v6+s13+$0x0], $0xffff;
	v6 =	vor.u32 $0x21, v1  }
0x766: {  	v61 =	vld.idx.msk [tilespmem:v57+s12+$0x0], $0xffff;
	v2 =	vadd.f32 v3, v2;
	v3 =	vmul.f32 v7, v56  }
0x767: {  	v62 =	vor.u32 $0x22, v1;
	v7 =	vld.idx.msk [tilespmem:v57+s13+$0x0], $0xffff  }
0x768: {  	v63 =	vld.idx.msk [tilespmem:v59+s12+$0x0], $0xffff;
	v2 =	vadd.f32 v3, v2;
	v3 =	vmul.f32 v4, v58  }
0x769: {  	v16 =	vor.u32 $0x23, v1;
	v4 =	vld.idx.msk [tilespmem:v59+s13+$0x0], $0xffff  }
0x76a: {  	v17 =	vld.idx.msk [tilespmem:v6+s12+$0x0], $0xffff;
	v2 =	vadd.f32 v3, v2;
	v3 =	vmul.f32 v5, v60  }
0x76b: {  	v5 =	vld.idx.msk [tilespmem:v6+s13+$0x0], $0xffff;
	v6 =	vor.u32 $0x24, v1  }
0x76c: {  	v18 =	vld.idx.msk [tilespmem:v62+s12+$0x0], $0xffff;
	v2 =	vadd.f32 v3, v2;
	v3 =	vmul.f32 v7, v61  }
0x76d: {  	v19 =	vor.u32 $0x25, v1;
	v7 =	vld.idx.msk [tilespmem:v62+s13+$0x0], $0xffff  }
0x76e: {  	v20 =	vld.idx.msk [tilespmem:v16+s12+$0x0], $0xffff;
	v2 =	vadd.f32 v3, v2;
	v3 =	vmul.f32 v4, v63  }
0x76f: {  	v21 =	vor.u32 $0x26, v1;
	v4 =	vld.idx.msk [tilespmem:v16+s13+$0x0], $0xffff  }
0x770: {  	v22 =	vld.idx.msk [tilespmem:v6+s12+$0x0], $0xffff;
	v2 =	vadd.f32 v3, v2;
	v3 =	vmul.f32 v5, v17  }
0x771: {  	v5 =	vld.idx.msk [tilespmem:v6+s13+$0x0], $0xffff;
	v6 =	vor.u32 $0x27, v1  }
0x772: {  	v23 =	vld.idx.msk [tilespmem:v19+s12+$0x0], $0xffff;
	v2 =	vadd.f32 v3, v2;
	v3 =	vmul.f32 v7, v18  }
0x773: {  	v24 =	vor.u32 $0x28, v1;
	v7 =	vld.idx.msk [tilespmem:v19+s13+$0x0], $0xffff  }
0x774: {  	v25 =	vld.idx.msk [tilespmem:v21+s12+$0x0], $0xffff;
	v2 =	vadd.f32 v3, v2;
	v3 =	vmul.f32 v4, v20  }
0x775: {  	v26 =	vor.u32 $0x29, v1;
	v4 =	vld.idx.msk [tilespmem:v21+s13+$0x0], $0xffff  }
0x776: {  	v27 =	vld.idx.msk [tilespmem:v6+s12+$0x0], $0xffff;
	v2 =	vadd.f32 v3, v2;
	v3 =	vmul.f32 v5, v22  }
0x777: {  	v5 =	vld.idx.msk [tilespmem:v6+s13+$0x0], $0xffff;
	v6 =	vor.u32 $0x2A, v1  }
0x778: {  	v28 =	vld.idx.msk [tilespmem:v24+s12+$0x0], $0xffff;
	v2 =	vadd.f32 v3, v2;
	v3 =	vmul.f32 v7, v23  }
0x779: {  	v29 =	vor.u32 $0x2B, v1;
	v7 =	vld.idx.msk [tilespmem:v24+s13+$0x0], $0xffff  }
0x77a: {  	v30 =	vld.idx.msk [tilespmem:v26+s12+$0x0], $0xffff;
	v2 =	vadd.f32 v3, v2;
	v3 =	vmul.f32 v4, v25  }
0x77b: {  	v31 =	vor.u32 $0x2C, v1;
	v4 =	vld.idx.msk [tilespmem:v26+s13+$0x0], $0xffff  }
0x77c: {  	v32 =	vld.idx.msk [tilespmem:v6+s12+$0x0], $0xffff;
	v2 =	vadd.f32 v3, v2;
	v3 =	vmul.f32 v5, v27  }
0x77d: {  	v5 =	vld.idx.msk [tilespmem:v6+s13+$0x0], $0xffff;
	v6 =	vor.u32 $0x2D, v1  }
0x77e: {  	v33 =	vld.idx.msk [tilespmem:v29+s12+$0x0], $0xffff;
	v2 =	vadd.f32 v3, v2;
	v3 =	vmul.f32 v7, v28  }
0x77f: {  	v34 =	vor.u32 $0x2E, v1;
	v7 =	vld.idx.msk [tilespmem:v29+s13+$0x0], $0xffff  }
0x780: {  	v35 =	vld.idx.msk [tilespmem:v31+s12+$0x0], $0xffff;
	v2 =	vadd.f32 v3, v2;
	v3 =	vmul.f32 v4, v30  }
0x781: {  	v36 =	vor.u32 $0x2F, v1;
	v4 =	vld.idx.msk [tilespmem:v31+s13+$0x0], $0xffff  }
0x782: {  	v37 =	vld.idx.msk [tilespmem:v6+s12+$0x0], $0xffff;
	v2 =	vadd.f32 v3, v2;
	v3 =	vmul.f32 v5, v32  }
0x783: {  	v5 =	vld.idx.msk [tilespmem:v6+s13+$0x0], $0xffff;
	v6 =	vor.u32 $0x30, v1  }
0x784: {  	v38 =	vld.idx.msk [tilespmem:v34+s12+$0x0], $0xffff;
	v2 =	vadd.f32 v3, v2;
	v3 =	vmul.f32 v7, v33  }
0x785: {  	v39 =	vor.u32 $0x31, v1;
	v7 =	vld.idx.msk [tilespmem:v34+s13+$0x0], $0xffff  }
0x786: {  	v40 =	vld.idx.msk [tilespmem:v36+s12+$0x0], $0xffff;
	v2 =	vadd.f32 v3, v2;
	v3 =	vmul.f32 v4, v35  }
0x787: {  	v41 =	vor.u32 $0x32, v1;
	v4 =	vld.idx.msk [tilespmem:v36+s13+$0x0], $0xffff  }
0x788: {  	v42 =	vld.idx.msk [tilespmem:v6+s12+$0x0], $0xffff;
	v2 =	vadd.f32 v3, v2;
	v3 =	vmul.f32 v5, v37  }
0x789: {  	v5 =	vld.idx.msk [tilespmem:v6+s13+$0x0], $0xffff;
	v6 =	vor.u32 $0x33, v1  }
0x78a: {  	v43 =	vld.idx.msk [tilespmem:v39+s12+$0x0], $0xffff;
	v2 =	vadd.f32 v3, v2;
	v3 =	vmul.f32 v7, v38  }
0x78b: {  	v44 =	vor.u32 $0x34, v1;
	v7 =	vld.idx.msk [tilespmem:v39+s13+$0x0], $0xffff  }
0x78c: {  	v45 =	vld.idx.msk [tilespmem:v41+s12+$0x0], $0xffff;
	v2 =	vadd.f32 v3, v2;
	v3 =	vmul.f32 v4, v40  }
0x78d: {  	v46 =	vor.u32 $0x35, v1;
	v4 =	vld.idx.msk [tilespmem:v41+s13+$0x0], $0xffff  }
0x78e: {  	v47 =	vld.idx.msk [tilespmem:v6+s12+$0x0], $0xffff;
	v2 =	vadd.f32 v3, v2;
	v3 =	vmul.f32 v5, v42  }
0x78f: {  	v5 =	vld.idx.msk [tilespmem:v6+s13+$0x0], $0xffff;
	v6 =	vor.u32 $0x36, v1  }
0x790: {  	v48 =	vld.idx.msk [tilespmem:v44+s12+$0x0], $0xffff;
	v2 =	vadd.f32 v3, v2;
	v3 =	vmul.f32 v7, v43  }
0x791: {  	v49 =	vor.u32 $0x37, v1;
	v7 =	vld.idx.msk [tilespmem:v44+s13+$0x0], $0xffff  }
0x792: {  	v50 =	vld.idx.msk [tilespmem:v46+s12+$0x0], $0xffff;
	v2 =	vadd.f32 v3, v2;
	v3 =	vmul.f32 v4, v45  }
0x793: {  	v51 =	vor.u32 $0x38, v1;
	v4 =	vld.idx.msk [tilespmem:v46+s13+$0x0], $0xffff  }
0x794: {  	v52 =	vld.idx.msk [tilespmem:v6+s12+$0x0], $0xffff;
	v2 =	vadd.f32 v3, v2;
	v3 =	vmul.f32 v5, v47  }
0x795: {  	v5 =	vld.idx.msk [tilespmem:v6+s13+$0x0], $0xffff;
	v6 =	vor.u32 $0x39, v1  }
0x796: {  	v53 =	vld.idx.msk [tilespmem:v49+s12+$0x0], $0xffff;
	v2 =	vadd.f32 v3, v2;
	v3 =	vmul.f32 v7, v48  }
0x797: {  	v54 =	vor.u32 $0x3A, v1;
	v7 =	vld.idx.msk [tilespmem:v49+s13+$0x0], $0xffff  }
0x798: {  	v55 =	vld.idx.msk [tilespmem:v51+s12+$0x0], $0xffff;
	v2 =	vadd.f32 v3, v2;
	v3 =	vmul.f32 v4, v50  }
0x799: {  	v56 =	vor.u32 $0x3B, v1;
	v4 =	vld.idx.msk [tilespmem:v51+s13+$0x0], $0xffff  }
0x79a: {  	v57 =	vld.idx.msk [tilespmem:v6+s12+$0x0], $0xffff;
	v2 =	vadd.f32 v3, v2;
	v3 =	vmul.f32 v5, v52  }
0x79b: {  	v5 =	vld.idx.msk [tilespmem:v6+s13+$0x0], $0xffff;
	v6 =	vor.u32 $0x3C, v1  }
0x79c: {  	v58 =	vld.idx.msk [tilespmem:v54+s12+$0x0], $0xffff;
	v2 =	vadd.f32 v3, v2;
	v3 =	vmul.f32 v7, v53  }
0x79d: {  	v7 =	vld.idx.msk [tilespmem:v54+s13+$0x0], $0xffff  }
0x79e: {  	v60 =	vld.idx.msk [tilespmem:v56+s12+$0x0], $0xffff;
	v2 =	vadd.f32 v3, v2;
	v3 =	vmul.f32 v4, v55  }
0x79f: {  	v59 =	vor.u32 $0x3D, v1;
	v4 =	vld.idx.msk [tilespmem:v56+s13+$0x0], $0xffff  }
0x7a0: {  	v62 =	vld.idx.msk [tilespmem:v6+s12+$0x0], $0xffff;
	v2 =	vadd.f32 v3, v2;
	v3 =	vmul.f32 v5, v57  }
0x7a1: {  	v61 =	vor.u32 $0x3E, v1;
	v5 =	vld.idx.msk [tilespmem:v6+s13+$0x0], $0xffff  }
0x7a2: {  	v2 =	vadd.f32 v3, v2;
	v3 =	vmul.f32 v7, v58  }
0x7a3: {  	v1 =	vor.u32 $0x3F, v1  }
0x7a4: {  	v6 =	vld.idx.msk [tilespmem:v59+s12+$0x0], $0xffff;
	v2 =	vadd.f32 v3, v2;
	v3 =	vmul.f32 v4, v60  }
0x7a5: {  	v7 =	vld.idx.msk [tilespmem:v59+s13+$0x0], $0xffff  }
0x7a6: {  	v63 =	vld.idx.msk [tilespmem:v61+s12+$0x0], $0xffff;
	v2 =	vadd.f32 v3, v2;
	v3 =	vmul.f32 v5, v62  }
0x7a7: {  	v9 =	vld.idx.msk [tilespmem:v61+s13+$0x0], $0xffff  }
0x7a8: {  	v4 =	vadd.f32 v3, v2;
	v2 =	vld.idx.msk [tilespmem:v1+s12+$0x0], $0xffff  }
0x7a9: {  	v3 =	vld.idx.msk [tilespmem:v1+s13+$0x0], $0xffff  }
0x7aa: {  	v5 =	vmul.f32 v7, v6  }
0x7ab: {  	s31 =	simm.s32 $0x1A0  }
0x7ac: {  	v6 =	vmov s31;
	v4 =	vadd.f32 v5, v4;
	v5 =	vmul.f32 v9, v63  }
0x7ad: {  	s31 =	simm.s32 $0x1B0;
	v1 =	vshll.u32 v6, $0x6  }
.LBB2_8:
0x7ae: {  	p0 =	sne.s32 s31, $0x1F0;
	v1 =	vor.u32 v0, v1;
	v4 =	vadd.f32 v5, v4;
	v2 =	vmul.f32 v3, v2;
	_ =	sdelay $0x1  }
0x7af: {  	v3 =	vor.u32 $0x1, v1;
	v2 =	vadd.f32 v2, v4  }
0x7b0: {  	s30 =	sadd.s32 $0x10, s30  }
0x7b1: {  	v4 =	vor.u32 $0x2, v1;
	[tilespmem:s30+$0x0] =	vst v2  }
0x7b2: {  	v2 =	vld.idx.msk [tilespmem:v1+s13+$0x0], $0xffff  }
0x7b3: {  	v6 =	vor.u32 $0x3, v1;
	v5 =	vld.idx.msk [tilespmem:v1+s12+$0x0], $0xffff  }
0x7b4: {  	v7 =	vld.idx.msk [tilespmem:v3+s12+$0x0], $0xffff  }
0x7b5: {  	v8 =	vor.u32 $0x4, v1;
	v3 =	vld.idx.msk [tilespmem:v3+s13+$0x0], $0xffff  }
0x7b6: {  	v9 =	vld.idx.msk [tilespmem:v4+s12+$0x0], $0xffff  }
0x7b7: {  	v10 =	vor.u32 $0x5, v1;
	v4 =	vld.idx.msk [tilespmem:v4+s13+$0x0], $0xffff  }
0x7b8: {  	v11 =	vld.idx.msk [tilespmem:v6+s12+$0x0], $0xffff  }
0x7b9: {  	v2 =	vmul.f32 v2, v5;
	v5 =	vld.idx.msk [tilespmem:v6+s13+$0x0], $0xffff;
	v6 =	vor.u32 $0x6, v1  }
0x7ba: {  	v12 =	vld.idx.msk [tilespmem:v8+s12+$0x0], $0xffff  }
0x7bb: {  	v2 =	vadd.f32 $0.0e+00, v2;
	v3 =	vmul.f32 v3, v7;
	v7 =	vld.idx.msk [tilespmem:v8+s13+$0x0], $0xffff;
	v8 =	vor.u32 $0x7, v1  }
0x7bc: {  	v13 =	vld.idx.msk [tilespmem:v10+s12+$0x0], $0xffff  }
0x7bd: {  	v2 =	vadd.f32 v3, v2;
	v3 =	vmul.f32 v4, v9;
	v9 =	vor.u32 $0x8, v1;
	v4 =	vld.idx.msk [tilespmem:v10+s13+$0x0], $0xffff  }
0x7be: {  	v10 =	vld.idx.msk [tilespmem:v6+s12+$0x0], $0xffff  }
0x7bf: {  	v2 =	vadd.f32 v3, v2;
	v3 =	vmul.f32 v5, v11;
	v5 =	vld.idx.msk [tilespmem:v6+s13+$0x0], $0xffff;
	v6 =	vor.u32 $0x9, v1  }
0x7c0: {  	v11 =	vld.idx.msk [tilespmem:v8+s12+$0x0], $0xffff  }
0x7c1: {  	v2 =	vadd.f32 v3, v2;
	v3 =	vmul.f32 v7, v12;
	v7 =	vld.idx.msk [tilespmem:v8+s13+$0x0], $0xffff;
	v8 =	vor.u32 $0xA, v1  }
0x7c2: {  	v12 =	vld.idx.msk [tilespmem:v9+s12+$0x0], $0xffff  }
0x7c3: {  	v2 =	vadd.f32 v3, v2;
	v3 =	vmul.f32 v4, v13;
	v4 =	vld.idx.msk [tilespmem:v9+s13+$0x0], $0xffff;
	v9 =	vor.u32 $0xB, v1  }
0x7c4: {  	v13 =	vld.idx.msk [tilespmem:v6+s12+$0x0], $0xffff  }
0x7c5: {  	v2 =	vadd.f32 v3, v2;
	v3 =	vmul.f32 v5, v10;
	v5 =	vld.idx.msk [tilespmem:v6+s13+$0x0], $0xffff;
	v6 =	vor.u32 $0xC, v1  }
0x7c6: {  	v10 =	vld.idx.msk [tilespmem:v8+s12+$0x0], $0xffff  }
0x7c7: {  	v2 =	vadd.f32 v3, v2;
	v3 =	vmul.f32 v7, v11;
	v7 =	vld.idx.msk [tilespmem:v8+s13+$0x0], $0xffff;
	v8 =	vor.u32 $0xD, v1  }
0x7c8: {  	v11 =	vld.idx.msk [tilespmem:v9+s12+$0x0], $0xffff  }
0x7c9: {  	v2 =	vadd.f32 v3, v2;
	v3 =	vmul.f32 v4, v12;
	v4 =	vld.idx.msk [tilespmem:v9+s13+$0x0], $0xffff;
	v9 =	vor.u32 $0xE, v1  }
0x7ca: {  	v12 =	vld.idx.msk [tilespmem:v6+s12+$0x0], $0xffff  }
0x7cb: {  	v2 =	vadd.f32 v3, v2;
	v3 =	vmul.f32 v5, v13;
	v5 =	vld.idx.msk [tilespmem:v6+s13+$0x0], $0xffff;
	v6 =	vor.u32 $0xF, v1  }
0x7cc: {  	v13 =	vld.idx.msk [tilespmem:v8+s12+$0x0], $0xffff  }
0x7cd: {  	v2 =	vadd.f32 v3, v2;
	v3 =	vmul.f32 v7, v10;
	v7 =	vld.idx.msk [tilespmem:v8+s13+$0x0], $0xffff;
	v8 =	vor.u32 $0x10, v1  }
0x7ce: {  	v10 =	vld.idx.msk [tilespmem:v9+s12+$0x0], $0xffff  }
0x7cf: {  	v2 =	vadd.f32 v3, v2;
	v3 =	vmul.f32 v4, v11;
	v4 =	vld.idx.msk [tilespmem:v9+s13+$0x0], $0xffff;
	v9 =	vor.u32 $0x11, v1  }
0x7d0: {  	v11 =	vld.idx.msk [tilespmem:v6+s12+$0x0], $0xffff  }
0x7d1: {  	v2 =	vadd.f32 v3, v2;
	v3 =	vmul.f32 v5, v12;
	v5 =	vld.idx.msk [tilespmem:v6+s13+$0x0], $0xffff;
	v6 =	vor.u32 $0x12, v1  }
0x7d2: {  	v12 =	vld.idx.msk [tilespmem:v8+s12+$0x0], $0xffff  }
0x7d3: {  	v2 =	vadd.f32 v3, v2;
	v3 =	vmul.f32 v7, v13;
	v7 =	vld.idx.msk [tilespmem:v8+s13+$0x0], $0xffff;
	v8 =	vor.u32 $0x13, v1  }
0x7d4: {  	v13 =	vld.idx.msk [tilespmem:v9+s12+$0x0], $0xffff  }
0x7d5: {  	v2 =	vadd.f32 v3, v2;
	v3 =	vmul.f32 v4, v10;
	v4 =	vld.idx.msk [tilespmem:v9+s13+$0x0], $0xffff;
	v9 =	vor.u32 $0x14, v1  }
0x7d6: {  	v10 =	vld.idx.msk [tilespmem:v6+s12+$0x0], $0xffff  }
0x7d7: {  	v2 =	vadd.f32 v3, v2;
	v3 =	vmul.f32 v5, v11;
	v5 =	vld.idx.msk [tilespmem:v6+s13+$0x0], $0xffff;
	v6 =	vor.u32 $0x15, v1  }
0x7d8: {  	v11 =	vld.idx.msk [tilespmem:v8+s12+$0x0], $0xffff  }
0x7d9: {  	v2 =	vadd.f32 v3, v2;
	v3 =	vmul.f32 v7, v12;
	v7 =	vld.idx.msk [tilespmem:v8+s13+$0x0], $0xffff;
	v8 =	vor.u32 $0x16, v1  }
0x7da: {  	v12 =	vld.idx.msk [tilespmem:v9+s12+$0x0], $0xffff  }
0x7db: {  	v2 =	vadd.f32 v3, v2;
	v3 =	vmul.f32 v4, v13;
	v4 =	vld.idx.msk [tilespmem:v9+s13+$0x0], $0xffff;
	v9 =	vor.u32 $0x17, v1  }
0x7dc: {  	v13 =	vld.idx.msk [tilespmem:v6+s12+$0x0], $0xffff  }
0x7dd: {  	v2 =	vadd.f32 v3, v2;
	v3 =	vmul.f32 v5, v10;
	v5 =	vld.idx.msk [tilespmem:v6+s13+$0x0], $0xffff;
	v6 =	vor.u32 $0x18, v1  }
0x7de: {  	v10 =	vld.idx.msk [tilespmem:v8+s12+$0x0], $0xffff  }
0x7df: {  	v2 =	vadd.f32 v3, v2;
	v3 =	vmul.f32 v7, v11;
	v7 =	vld.idx.msk [tilespmem:v8+s13+$0x0], $0xffff;
	v8 =	vor.u32 $0x19, v1  }
0x7e0: {  	v11 =	vld.idx.msk [tilespmem:v9+s12+$0x0], $0xffff  }
0x7e1: {  	v2 =	vadd.f32 v3, v2;
	v3 =	vmul.f32 v4, v12;
	v4 =	vld.idx.msk [tilespmem:v9+s13+$0x0], $0xffff;
	v9 =	vor.u32 $0x1A, v1  }
0x7e2: {  	v12 =	vld.idx.msk [tilespmem:v6+s12+$0x0], $0xffff  }
0x7e3: {  	v2 =	vadd.f32 v3, v2;
	v3 =	vmul.f32 v5, v13;
	v5 =	vld.idx.msk [tilespmem:v6+s13+$0x0], $0xffff;
	v6 =	vor.u32 $0x1B, v1  }
0x7e4: {  	v13 =	vld.idx.msk [tilespmem:v8+s12+$0x0], $0xffff  }
0x7e5: {  	v2 =	vadd.f32 v3, v2;
	v3 =	vmul.f32 v7, v10;
	v7 =	vld.idx.msk [tilespmem:v8+s13+$0x0], $0xffff;
	v8 =	vor.u32 $0x1C, v1  }
0x7e6: {  	v10 =	vld.idx.msk [tilespmem:v9+s12+$0x0], $0xffff  }
0x7e7: {  	v2 =	vadd.f32 v3, v2;
	v3 =	vmul.f32 v4, v11;
	v4 =	vld.idx.msk [tilespmem:v9+s13+$0x0], $0xffff;
	v9 =	vor.u32 $0x1D, v1  }
0x7e8: {  	v11 =	vld.idx.msk [tilespmem:v6+s12+$0x0], $0xffff  }
0x7e9: {  	v2 =	vadd.f32 v3, v2;
	v3 =	vmul.f32 v5, v12;
	v5 =	vld.idx.msk [tilespmem:v6+s13+$0x0], $0xffff;
	v6 =	vor.u32 $0x1E, v1  }
0x7ea: {  	v12 =	vld.idx.msk [tilespmem:v8+s12+$0x0], $0xffff  }
0x7eb: {  	v2 =	vadd.f32 v3, v2;
	v3 =	vmul.f32 v7, v13;
	v7 =	vld.idx.msk [tilespmem:v8+s13+$0x0], $0xffff;
	v8 =	vor.u32 $0x1F, v1  }
0x7ec: {  	v13 =	vld.idx.msk [tilespmem:v9+s12+$0x0], $0xffff  }
0x7ed: {  	v2 =	vadd.f32 v3, v2;
	v3 =	vmul.f32 v4, v10;
	v4 =	vld.idx.msk [tilespmem:v9+s13+$0x0], $0xffff;
	v9 =	vor.u32 $0x20, v1  }
0x7ee: {  	v10 =	vld.idx.msk [tilespmem:v6+s12+$0x0], $0xffff  }
0x7ef: {  	v2 =	vadd.f32 v3, v2;
	v3 =	vmul.f32 v5, v11;
	v5 =	vld.idx.msk [tilespmem:v6+s13+$0x0], $0xffff;
	v6 =	vor.u32 $0x21, v1  }
0x7f0: {  	v11 =	vld.idx.msk [tilespmem:v8+s12+$0x0], $0xffff  }
0x7f1: {  	v2 =	vadd.f32 v3, v2;
	v3 =	vmul.f32 v7, v12;
	v7 =	vld.idx.msk [tilespmem:v8+s13+$0x0], $0xffff;
	v8 =	vor.u32 $0x22, v1  }
0x7f2: {  	v12 =	vld.idx.msk [tilespmem:v9+s12+$0x0], $0xffff  }
0x7f3: {  	v2 =	vadd.f32 v3, v2;
	v3 =	vmul.f32 v4, v13;
	v4 =	vld.idx.msk [tilespmem:v9+s13+$0x0], $0xffff;
	v9 =	vor.u32 $0x23, v1  }
0x7f4: {  	v13 =	vld.idx.msk [tilespmem:v6+s12+$0x0], $0xffff  }
0x7f5: {  	v2 =	vadd.f32 v3, v2;
	v3 =	vmul.f32 v5, v10;
	v5 =	vld.idx.msk [tilespmem:v6+s13+$0x0], $0xffff;
	v6 =	vor.u32 $0x24, v1  }
0x7f6: {  	v10 =	vld.idx.msk [tilespmem:v8+s12+$0x0], $0xffff  }
0x7f7: {  	v2 =	vadd.f32 v3, v2;
	v3 =	vmul.f32 v7, v11;
	v7 =	vld.idx.msk [tilespmem:v8+s13+$0x0], $0xffff;
	v8 =	vor.u32 $0x25, v1  }
0x7f8: {  	v11 =	vld.idx.msk [tilespmem:v9+s12+$0x0], $0xffff  }
0x7f9: {  	v2 =	vadd.f32 v3, v2;
	v3 =	vmul.f32 v4, v12;
	v4 =	vld.idx.msk [tilespmem:v9+s13+$0x0], $0xffff;
	v9 =	vor.u32 $0x26, v1  }
0x7fa: {  	v12 =	vld.idx.msk [tilespmem:v6+s12+$0x0], $0xffff  }
0x7fb: {  	v2 =	vadd.f32 v3, v2;
	v3 =	vmul.f32 v5, v13;
	v5 =	vld.idx.msk [tilespmem:v6+s13+$0x0], $0xffff;
	v6 =	vor.u32 $0x27, v1  }
0x7fc: {  	v13 =	vld.idx.msk [tilespmem:v8+s12+$0x0], $0xffff  }
0x7fd: {  	v2 =	vadd.f32 v3, v2;
	v3 =	vmul.f32 v7, v10;
	v7 =	vld.idx.msk [tilespmem:v8+s13+$0x0], $0xffff;
	v8 =	vor.u32 $0x28, v1  }
0x7fe: {  	v10 =	vld.idx.msk [tilespmem:v9+s12+$0x0], $0xffff  }
0x7ff: {  	v2 =	vadd.f32 v3, v2;
	v3 =	vmul.f32 v4, v11;
	v4 =	vld.idx.msk [tilespmem:v9+s13+$0x0], $0xffff;
	v9 =	vor.u32 $0x29, v1  }
0x800: {  	v11 =	vld.idx.msk [tilespmem:v6+s12+$0x0], $0xffff  }
0x801: {  	v2 =	vadd.f32 v3, v2;
	v3 =	vmul.f32 v5, v12;
	v5 =	vld.idx.msk [tilespmem:v6+s13+$0x0], $0xffff;
	v6 =	vor.u32 $0x2A, v1  }
0x802: {  	v12 =	vld.idx.msk [tilespmem:v8+s12+$0x0], $0xffff  }
0x803: {  	v2 =	vadd.f32 v3, v2;
	v3 =	vmul.f32 v7, v13;
	v7 =	vld.idx.msk [tilespmem:v8+s13+$0x0], $0xffff;
	v8 =	vor.u32 $0x2B, v1  }
0x804: {  	v13 =	vld.idx.msk [tilespmem:v9+s12+$0x0], $0xffff  }
0x805: {  	v2 =	vadd.f32 v3, v2;
	v3 =	vmul.f32 v4, v10;
	v4 =	vld.idx.msk [tilespmem:v9+s13+$0x0], $0xffff;
	v9 =	vor.u32 $0x2C, v1  }
0x806: {  	v10 =	vld.idx.msk [tilespmem:v6+s12+$0x0], $0xffff  }
0x807: {  	v2 =	vadd.f32 v3, v2;
	v3 =	vmul.f32 v5, v11;
	v5 =	vld.idx.msk [tilespmem:v6+s13+$0x0], $0xffff;
	v6 =	vor.u32 $0x2D, v1  }
0x808: {  	v11 =	vld.idx.msk [tilespmem:v8+s12+$0x0], $0xffff  }
0x809: {  	v2 =	vadd.f32 v3, v2;
	v3 =	vmul.f32 v7, v12;
	v7 =	vld.idx.msk [tilespmem:v8+s13+$0x0], $0xffff;
	v8 =	vor.u32 $0x2E, v1  }
0x80a: {  	v12 =	vld.idx.msk [tilespmem:v9+s12+$0x0], $0xffff  }
0x80b: {  	v2 =	vadd.f32 v3, v2;
	v3 =	vmul.f32 v4, v13;
	v4 =	vld.idx.msk [tilespmem:v9+s13+$0x0], $0xffff;
	v9 =	vor.u32 $0x2F, v1  }
0x80c: {  	v13 =	vld.idx.msk [tilespmem:v6+s12+$0x0], $0xffff  }
0x80d: {  	v2 =	vadd.f32 v3, v2;
	v3 =	vmul.f32 v5, v10;
	v5 =	vld.idx.msk [tilespmem:v6+s13+$0x0], $0xffff;
	v6 =	vor.u32 $0x30, v1  }
0x80e: {  	v10 =	vld.idx.msk [tilespmem:v8+s12+$0x0], $0xffff  }
0x80f: {  	v2 =	vadd.f32 v3, v2;
	v3 =	vmul.f32 v7, v11;
	v7 =	vld.idx.msk [tilespmem:v8+s13+$0x0], $0xffff;
	v8 =	vor.u32 $0x31, v1  }
0x810: {  	v11 =	vld.idx.msk [tilespmem:v9+s12+$0x0], $0xffff  }
0x811: {  	v2 =	vadd.f32 v3, v2;
	v3 =	vmul.f32 v4, v12;
	v4 =	vld.idx.msk [tilespmem:v9+s13+$0x0], $0xffff;
	v9 =	vor.u32 $0x32, v1  }
0x812: {  	v12 =	vld.idx.msk [tilespmem:v6+s12+$0x0], $0xffff  }
0x813: {  	v2 =	vadd.f32 v3, v2;
	v3 =	vmul.f32 v5, v13;
	v5 =	vld.idx.msk [tilespmem:v6+s13+$0x0], $0xffff;
	v6 =	vor.u32 $0x33, v1  }
0x814: {  	v13 =	vld.idx.msk [tilespmem:v8+s12+$0x0], $0xffff  }
0x815: {  	v2 =	vadd.f32 v3, v2;
	v3 =	vmul.f32 v7, v10;
	v7 =	vld.idx.msk [tilespmem:v8+s13+$0x0], $0xffff;
	v8 =	vor.u32 $0x34, v1  }
0x816: {  	v10 =	vld.idx.msk [tilespmem:v9+s12+$0x0], $0xffff  }
0x817: {  	v2 =	vadd.f32 v3, v2;
	v3 =	vmul.f32 v4, v11;
	v4 =	vld.idx.msk [tilespmem:v9+s13+$0x0], $0xffff;
	v9 =	vor.u32 $0x35, v1  }
0x818: {  	v11 =	vld.idx.msk [tilespmem:v6+s12+$0x0], $0xffff  }
0x819: {  	v2 =	vadd.f32 v3, v2;
	v3 =	vmul.f32 v5, v12;
	v5 =	vld.idx.msk [tilespmem:v6+s13+$0x0], $0xffff;
	v6 =	vor.u32 $0x36, v1  }
0x81a: {  	v12 =	vld.idx.msk [tilespmem:v8+s12+$0x0], $0xffff  }
0x81b: {  	v2 =	vadd.f32 v3, v2;
	v3 =	vmul.f32 v7, v13;
	v7 =	vld.idx.msk [tilespmem:v8+s13+$0x0], $0xffff;
	v8 =	vor.u32 $0x37, v1  }
0x81c: {  	v13 =	vld.idx.msk [tilespmem:v9+s12+$0x0], $0xffff  }
0x81d: {  	v2 =	vadd.f32 v3, v2;
	v3 =	vmul.f32 v4, v10;
	v4 =	vld.idx.msk [tilespmem:v9+s13+$0x0], $0xffff;
	v9 =	vor.u32 $0x38, v1  }
0x81e: {  	v10 =	vld.idx.msk [tilespmem:v6+s12+$0x0], $0xffff  }
0x81f: {  	v2 =	vadd.f32 v3, v2;
	v3 =	vmul.f32 v5, v11;
	v5 =	vld.idx.msk [tilespmem:v6+s13+$0x0], $0xffff;
	v6 =	vor.u32 $0x39, v1  }
0x820: {  	v11 =	vld.idx.msk [tilespmem:v8+s12+$0x0], $0xffff  }
0x821: {  	v2 =	vadd.f32 v3, v2;
	v3 =	vmul.f32 v7, v12;
	v7 =	vld.idx.msk [tilespmem:v8+s13+$0x0], $0xffff;
	v8 =	vor.u32 $0x3A, v1  }
0x822: {  	v12 =	vld.idx.msk [tilespmem:v9+s12+$0x0], $0xffff  }
0x823: {  	v2 =	vadd.f32 v3, v2;
	v3 =	vmul.f32 v4, v13;
	v4 =	vld.idx.msk [tilespmem:v9+s13+$0x0], $0xffff;
	v9 =	vor.u32 $0x3B, v1  }
0x824: {  	v13 =	vld.idx.msk [tilespmem:v6+s12+$0x0], $0xffff  }
0x825: {  	v2 =	vadd.f32 v3, v2;
	v3 =	vmul.f32 v5, v10;
	v5 =	vld.idx.msk [tilespmem:v6+s13+$0x0], $0xffff;
	v6 =	vor.u32 $0x3C, v1  }
0x826: {  	v10 =	vld.idx.msk [tilespmem:v8+s12+$0x0], $0xffff  }
0x827: {  	v2 =	vadd.f32 v3, v2;
	v3 =	vmul.f32 v7, v11;
	v7 =	vld.idx.msk [tilespmem:v8+s13+$0x0], $0xffff;
	v8 =	vor.u32 $0x3D, v1  }
0x828: {  	v11 =	vld.idx.msk [tilespmem:v9+s12+$0x0], $0xffff  }
0x829: {  	v2 =	vadd.f32 v3, v2;
	v3 =	vmul.f32 v4, v12;
	v4 =	vld.idx.msk [tilespmem:v9+s13+$0x0], $0xffff;
	v9 =	vor.u32 $0x3E, v1  }
0x82a: {  	v12 =	vld.idx.msk [tilespmem:v6+s12+$0x0], $0xffff  }
0x82b: {  	v1 =	vor.u32 $0x3F, v1;
	v2 =	vadd.f32 v3, v2;
	v3 =	vmul.f32 v5, v13;
	v5 =	vld.idx.msk [tilespmem:v6+s13+$0x0], $0xffff  }
0x82c: {  	v6 =	vld.idx.msk [tilespmem:v8+s12+$0x0], $0xffff  }
0x82d: {  	v2 =	vadd.f32 v3, v2;
	v3 =	vmul.f32 v7, v10;
	v7 =	vld.idx.msk [tilespmem:v8+s13+$0x0], $0xffff  }
0x82e: {  	v8 =	vld.idx.msk [tilespmem:v9+s12+$0x0], $0xffff  }
0x82f: {  	v3 =	vadd.f32 v3, v2;
	v4 =	vmul.f32 v4, v11;
	v9 =	vld.idx.msk [tilespmem:v9+s13+$0x0], $0xffff  }
0x830: {  	v2 =	vld.idx.msk [tilespmem:v1+s12+$0x0], $0xffff  }
0x831: {  	v4 =	vadd.f32 v4, v3;
	v5 =	vmul.f32 v5, v12;
	v3 =	vld.idx.msk [tilespmem:v1+s13+$0x0], $0xffff  }
.Ltmp3:
0x832: {  	(pc) =	sbr.rel @p0 .LBB2_8-.Ltmp3, $3  }
0x833: {  	v1 =	vadd.f32 v5, v4;
	v4 =	vmul.f32 v7, v6;
	_ =	sdelay $0x1  }
0x834: {  	v6 =	vmov s31;
	v4 =	vadd.f32 v4, v1;
	v5 =	vmul.f32 v9, v8  }
0x835: {  	s31 =	sadd.s32 $0x10, s31;
	v1 =	vshll.u32 v6, $0x6  }
0x836: {  	v1 =	vor.u32 v0, v1;
	v4 =	vadd.f32 v5, v4;
	v2 =	vmul.f32 v3, v2;
	_ =	sdelay $0x1  }
0x837: {  	v3 =	vor.u32 $0x1, v1;
	v2 =	vadd.f32 v2, v4  }
0x838: {  	s30 =	sadd.s32 $0x10, s30  }
0x839: {  	v31 =	vor.u32 $0x2, v1;
	[tilespmem:s30+$0x0] =	vst v2  }
0x83a: {  	v2 =	vld.idx.msk [tilespmem:v1+s13+$0x0], $0xffff  }
0x83b: {  	v6 =	vor.u32 $0x3, v1;
	v32 =	vld.idx.msk [tilespmem:v1+s12+$0x0], $0xffff  }
0x83c: {  	v7 =	vld.idx.msk [tilespmem:v3+s12+$0x0], $0xffff  }
0x83d: {  	v8 =	vor.u32 $0x4, v1;
	v3 =	vld.idx.msk [tilespmem:v3+s13+$0x0], $0xffff  }
0x83e: {  	v9 =	vld.idx.msk [tilespmem:v31+s12+$0x0], $0xffff  }
0x83f: {  	v10 =	vor.u32 $0x5, v1;
	v4 =	vld.idx.msk [tilespmem:v31+s13+$0x0], $0xffff  }
0x840: {  	v11 =	vld.idx.msk [tilespmem:v6+s12+$0x0], $0xffff;
	v2 =	vmul.f32 v2, v32  }
0x841: {  	v34 =	vor.u32 $0x6, v1;
	v33 =	vld.idx.msk [tilespmem:v6+s13+$0x0], $0xffff  }
0x842: {  	v12 =	vld.idx.msk [tilespmem:v8+s12+$0x0], $0xffff;
	v3 =	vmul.f32 v3, v7;
	v2 =	vadd.f32 $0.0e+00, v2  }
0x843: {  	v36 =	vor.u32 $0x7, v1;
	v35 =	vld.idx.msk [tilespmem:v8+s13+$0x0], $0xffff  }
0x844: {  	v13 =	vld.idx.msk [tilespmem:v10+s12+$0x0], $0xffff;
	v2 =	vadd.f32 v3, v2;
	v3 =	vmul.f32 v4, v9  }
0x845: {  	v38 =	vor.u32 $0x8, v1;
	v37 =	vld.idx.msk [tilespmem:v10+s13+$0x0], $0xffff  }
0x846: {  	v39 =	vld.idx.msk [tilespmem:v34+s12+$0x0], $0xffff;
	v2 =	vadd.f32 v3, v2;
	v3 =	vmul.f32 v33, v11  }
0x847: {  	v41 =	vor.u32 $0x9, v1;
	v40 =	vld.idx.msk [tilespmem:v34+s13+$0x0], $0xffff  }
0x848: {  	v42 =	vld.idx.msk [tilespmem:v36+s12+$0x0], $0xffff;
	v2 =	vadd.f32 v3, v2;
	v3 =	vmul.f32 v35, v12  }
0x849: {  	v44 =	vor.u32 $0xA, v1;
	v43 =	vld.idx.msk [tilespmem:v36+s13+$0x0], $0xffff  }
0x84a: {  	v45 =	vld.idx.msk [tilespmem:v38+s12+$0x0], $0xffff;
	v2 =	vadd.f32 v3, v2;
	v3 =	vmul.f32 v37, v13  }
0x84b: {  	v47 =	vor.u32 $0xB, v1;
	v46 =	vld.idx.msk [tilespmem:v38+s13+$0x0], $0xffff  }
0x84c: {  	v48 =	vld.idx.msk [tilespmem:v41+s12+$0x0], $0xffff;
	v2 =	vadd.f32 v3, v2;
	v3 =	vmul.f32 v40, v39  }
0x84d: {  	v50 =	vor.u32 $0xC, v1;
	v49 =	vld.idx.msk [tilespmem:v41+s13+$0x0], $0xffff  }
0x84e: {  	v51 =	vld.idx.msk [tilespmem:v44+s12+$0x0], $0xffff;
	v2 =	vadd.f32 v3, v2;
	v3 =	vmul.f32 v43, v42  }
0x84f: {  	v53 =	vor.u32 $0xD, v1;
	v52 =	vld.idx.msk [tilespmem:v44+s13+$0x0], $0xffff  }
0x850: {  	v54 =	vld.idx.msk [tilespmem:v47+s12+$0x0], $0xffff;
	v2 =	vadd.f32 v3, v2;
	v3 =	vmul.f32 v46, v45  }
0x851: {  	v56 =	vor.u32 $0xE, v1;
	v55 =	vld.idx.msk [tilespmem:v47+s13+$0x0], $0xffff  }
0x852: {  	v57 =	vld.idx.msk [tilespmem:v50+s12+$0x0], $0xffff;
	v2 =	vadd.f32 v3, v2;
	v3 =	vmul.f32 v49, v48  }
0x853: {  	v59 =	vor.u32 $0xF, v1;
	v58 =	vld.idx.msk [tilespmem:v50+s13+$0x0], $0xffff  }
0x854: {  	v60 =	vld.idx.msk [tilespmem:v53+s12+$0x0], $0xffff;
	v2 =	vadd.f32 v3, v2;
	v3 =	vmul.f32 v52, v51  }
0x855: {  	v62 =	vor.u32 $0x10, v1;
	v61 =	vld.idx.msk [tilespmem:v53+s13+$0x0], $0xffff  }
0x856: {  	v63 =	vld.idx.msk [tilespmem:v56+s12+$0x0], $0xffff;
	v2 =	vadd.f32 v3, v2;
	v3 =	vmul.f32 v55, v54  }
0x857: {  	v17 =	vor.u32 $0x11, v1;
	v16 =	vld.idx.msk [tilespmem:v56+s13+$0x0], $0xffff  }
0x858: {  	v18 =	vld.idx.msk [tilespmem:v59+s12+$0x0], $0xffff;
	v2 =	vadd.f32 v3, v2;
	v3 =	vmul.f32 v58, v57  }
0x859: {  	v20 =	vor.u32 $0x12, v1;
	v19 =	vld.idx.msk [tilespmem:v59+s13+$0x0], $0xffff  }
0x85a: {  	v21 =	vld.idx.msk [tilespmem:v62+s12+$0x0], $0xffff;
	v2 =	vadd.f32 v3, v2;
	v3 =	vmul.f32 v61, v60  }
0x85b: {  	v23 =	vor.u32 $0x13, v1;
	v22 =	vld.idx.msk [tilespmem:v62+s13+$0x0], $0xffff  }
0x85c: {  	v24 =	vld.idx.msk [tilespmem:v17+s12+$0x0], $0xffff;
	v2 =	vadd.f32 v3, v2;
	v3 =	vmul.f32 v16, v63  }
0x85d: {  	v26 =	vor.u32 $0x14, v1;
	v25 =	vld.idx.msk [tilespmem:v17+s13+$0x0], $0xffff  }
0x85e: {  	v27 =	vld.idx.msk [tilespmem:v20+s12+$0x0], $0xffff;
	v2 =	vadd.f32 v3, v2;
	v3 =	vmul.f32 v19, v18  }
0x85f: {  	v29 =	vor.u32 $0x15, v1;
	v28 =	vld.idx.msk [tilespmem:v20+s13+$0x0], $0xffff  }
0x860: {  	v30 =	vld.idx.msk [tilespmem:v23+s12+$0x0], $0xffff;
	v2 =	vadd.f32 v3, v2;
	v3 =	vmul.f32 v22, v21  }
0x861: {  	v31 =	vld.idx.msk [tilespmem:v23+s13+$0x0], $0xffff;
	v32 =	vor.u32 $0x16, v1  }
0x862: {  	v34 =	vld.idx.msk [tilespmem:v26+s13+$0x0], $0xffff;
	v2 =	vadd.f32 v3, v2;
	v3 =	vmul.f32 v25, v24  }
0x863: {  	v33 =	vld.idx.msk [tilespmem:v26+s12+$0x0], $0xffff;
	v35 =	vor.u32 $0x17, v1  }
0x864: {  	v36 =	vld.idx.msk [tilespmem:v29+s12+$0x0], $0xffff;
	v2 =	vadd.f32 v3, v2;
	v3 =	vmul.f32 v28, v27  }
0x865: {  	v38 =	vor.u32 $0x18, v1;
	v37 =	vld.idx.msk [tilespmem:v29+s13+$0x0], $0xffff  }
0x866: {  	v39 =	vld.idx.msk [tilespmem:v32+s12+$0x0], $0xffff;
	v2 =	vadd.f32 v3, v2;
	v3 =	vmul.f32 v31, v30  }
0x867: {  	v41 =	vor.u32 $0x19, v1;
	v40 =	vld.idx.msk [tilespmem:v32+s13+$0x0], $0xffff  }
0x868: {  	v42 =	vld.idx.msk [tilespmem:v35+s12+$0x0], $0xffff;
	v2 =	vadd.f32 v3, v2;
	v3 =	vmul.f32 v34, v33  }
0x869: {  	v44 =	vor.u32 $0x1A, v1;
	v43 =	vld.idx.msk [tilespmem:v35+s13+$0x0], $0xffff  }
0x86a: {  	v45 =	vld.idx.msk [tilespmem:v38+s12+$0x0], $0xffff;
	v2 =	vadd.f32 v3, v2;
	v3 =	vmul.f32 v37, v36  }
0x86b: {  	v47 =	vor.u32 $0x1B, v1;
	v46 =	vld.idx.msk [tilespmem:v38+s13+$0x0], $0xffff  }
0x86c: {  	v48 =	vld.idx.msk [tilespmem:v41+s12+$0x0], $0xffff;
	v2 =	vadd.f32 v3, v2;
	v3 =	vmul.f32 v40, v39  }
0x86d: {  	v50 =	vor.u32 $0x1C, v1;
	v49 =	vld.idx.msk [tilespmem:v41+s13+$0x0], $0xffff  }
0x86e: {  	v51 =	vld.idx.msk [tilespmem:v44+s12+$0x0], $0xffff;
	v2 =	vadd.f32 v3, v2;
	v3 =	vmul.f32 v43, v42  }
0x86f: {  	v53 =	vor.u32 $0x1D, v1;
	v52 =	vld.idx.msk [tilespmem:v44+s13+$0x0], $0xffff  }
0x870: {  	v54 =	vld.idx.msk [tilespmem:v47+s12+$0x0], $0xffff;
	v2 =	vadd.f32 v3, v2;
	v3 =	vmul.f32 v46, v45  }
0x871: {  	v56 =	vor.u32 $0x1E, v1;
	v55 =	vld.idx.msk [tilespmem:v47+s13+$0x0], $0xffff  }
0x872: {  	v57 =	vld.idx.msk [tilespmem:v50+s12+$0x0], $0xffff;
	v2 =	vadd.f32 v3, v2;
	v3 =	vmul.f32 v49, v48  }
0x873: {  	v59 =	vor.u32 $0x1F, v1;
	v58 =	vld.idx.msk [tilespmem:v50+s13+$0x0], $0xffff  }
0x874: {  	v60 =	vld.idx.msk [tilespmem:v53+s12+$0x0], $0xffff;
	v2 =	vadd.f32 v3, v2;
	v3 =	vmul.f32 v52, v51  }
0x875: {  	v62 =	vor.u32 $0x20, v1;
	v61 =	vld.idx.msk [tilespmem:v53+s13+$0x0], $0xffff  }
0x876: {  	v63 =	vld.idx.msk [tilespmem:v56+s12+$0x0], $0xffff;
	v2 =	vadd.f32 v3, v2;
	v3 =	vmul.f32 v55, v54  }
0x877: {  	v17 =	vor.u32 $0x21, v1;
	v16 =	vld.idx.msk [tilespmem:v56+s13+$0x0], $0xffff  }
0x878: {  	v18 =	vld.idx.msk [tilespmem:v59+s12+$0x0], $0xffff;
	v2 =	vadd.f32 v3, v2;
	v3 =	vmul.f32 v58, v57  }
0x879: {  	v20 =	vor.u32 $0x22, v1;
	v19 =	vld.idx.msk [tilespmem:v59+s13+$0x0], $0xffff  }
0x87a: {  	v21 =	vld.idx.msk [tilespmem:v62+s12+$0x0], $0xffff;
	v2 =	vadd.f32 v3, v2;
	v3 =	vmul.f32 v61, v60  }
0x87b: {  	v23 =	vor.u32 $0x23, v1;
	v22 =	vld.idx.msk [tilespmem:v62+s13+$0x0], $0xffff  }
0x87c: {  	v24 =	vld.idx.msk [tilespmem:v17+s12+$0x0], $0xffff;
	v2 =	vadd.f32 v3, v2;
	v3 =	vmul.f32 v16, v63  }
0x87d: {  	v26 =	vor.u32 $0x24, v1;
	v25 =	vld.idx.msk [tilespmem:v17+s13+$0x0], $0xffff  }
0x87e: {  	v27 =	vld.idx.msk [tilespmem:v20+s12+$0x0], $0xffff;
	v2 =	vadd.f32 v3, v2;
	v3 =	vmul.f32 v19, v18  }
0x87f: {  	v29 =	vor.u32 $0x25, v1;
	v28 =	vld.idx.msk [tilespmem:v20+s13+$0x0], $0xffff  }
0x880: {  	v30 =	vld.idx.msk [tilespmem:v23+s12+$0x0], $0xffff;
	v2 =	vadd.f32 v3, v2;
	v3 =	vmul.f32 v22, v21  }
0x881: {  	v32 =	vor.u32 $0x26, v1;
	v31 =	vld.idx.msk [tilespmem:v23+s13+$0x0], $0xffff  }
0x882: {  	v33 =	vld.idx.msk [tilespmem:v26+s12+$0x0], $0xffff;
	v2 =	vadd.f32 v3, v2;
	v3 =	vmul.f32 v25, v24  }
0x883: {  	v35 =	vor.u32 $0x27, v1;
	v34 =	vld.idx.msk [tilespmem:v26+s13+$0x0], $0xffff  }
0x884: {  	v36 =	vld.idx.msk [tilespmem:v29+s12+$0x0], $0xffff;
	v2 =	vadd.f32 v3, v2;
	v3 =	vmul.f32 v28, v27  }
0x885: {  	v38 =	vor.u32 $0x28, v1;
	v37 =	vld.idx.msk [tilespmem:v29+s13+$0x0], $0xffff  }
0x886: {  	v39 =	vld.idx.msk [tilespmem:v32+s12+$0x0], $0xffff;
	v2 =	vadd.f32 v3, v2;
	v3 =	vmul.f32 v31, v30  }
0x887: {  	v41 =	vor.u32 $0x29, v1;
	v40 =	vld.idx.msk [tilespmem:v32+s13+$0x0], $0xffff  }
0x888: {  	v42 =	vld.idx.msk [tilespmem:v35+s12+$0x0], $0xffff;
	v2 =	vadd.f32 v3, v2;
	v3 =	vmul.f32 v34, v33  }
0x889: {  	v44 =	vor.u32 $0x2A, v1;
	v43 =	vld.idx.msk [tilespmem:v35+s13+$0x0], $0xffff  }
0x88a: {  	v45 =	vld.idx.msk [tilespmem:v38+s12+$0x0], $0xffff;
	v2 =	vadd.f32 v3, v2;
	v3 =	vmul.f32 v37, v36  }
0x88b: {  	v47 =	vor.u32 $0x2B, v1;
	v46 =	vld.idx.msk [tilespmem:v38+s13+$0x0], $0xffff  }
0x88c: {  	v48 =	vld.idx.msk [tilespmem:v41+s12+$0x0], $0xffff;
	v2 =	vadd.f32 v3, v2;
	v3 =	vmul.f32 v40, v39  }
0x88d: {  	v50 =	vor.u32 $0x2C, v1;
	v49 =	vld.idx.msk [tilespmem:v41+s13+$0x0], $0xffff  }
0x88e: {  	v51 =	vld.idx.msk [tilespmem:v44+s12+$0x0], $0xffff;
	v2 =	vadd.f32 v3, v2;
	v3 =	vmul.f32 v43, v42  }
0x88f: {  	v53 =	vor.u32 $0x2D, v1;
	v52 =	vld.idx.msk [tilespmem:v44+s13+$0x0], $0xffff  }
0x890: {  	v54 =	vld.idx.msk [tilespmem:v47+s12+$0x0], $0xffff;
	v2 =	vadd.f32 v3, v2;
	v3 =	vmul.f32 v46, v45  }
0x891: {  	v56 =	vor.u32 $0x2E, v1;
	v55 =	vld.idx.msk [tilespmem:v47+s13+$0x0], $0xffff  }
0x892: {  	v57 =	vld.idx.msk [tilespmem:v50+s12+$0x0], $0xffff;
	v2 =	vadd.f32 v3, v2;
	v3 =	vmul.f32 v49, v48  }
0x893: {  	v59 =	vor.u32 $0x2F, v1;
	v58 =	vld.idx.msk [tilespmem:v50+s13+$0x0], $0xffff  }
0x894: {  	v60 =	vld.idx.msk [tilespmem:v53+s12+$0x0], $0xffff;
	v2 =	vadd.f32 v3, v2;
	v3 =	vmul.f32 v52, v51  }
0x895: {  	v62 =	vor.u32 $0x30, v1;
	v61 =	vld.idx.msk [tilespmem:v53+s13+$0x0], $0xffff  }
0x896: {  	v63 =	vld.idx.msk [tilespmem:v56+s12+$0x0], $0xffff;
	v2 =	vadd.f32 v3, v2;
	v3 =	vmul.f32 v55, v54  }
0x897: {  	v17 =	vor.u32 $0x31, v1;
	v16 =	vld.idx.msk [tilespmem:v56+s13+$0x0], $0xffff  }
0x898: {  	v18 =	vld.idx.msk [tilespmem:v59+s12+$0x0], $0xffff;
	v2 =	vadd.f32 v3, v2;
	v3 =	vmul.f32 v58, v57  }
0x899: {  	v20 =	vor.u32 $0x32, v1;
	v19 =	vld.idx.msk [tilespmem:v59+s13+$0x0], $0xffff  }
0x89a: {  	v21 =	vld.idx.msk [tilespmem:v62+s12+$0x0], $0xffff;
	v2 =	vadd.f32 v3, v2;
	v3 =	vmul.f32 v61, v60  }
0x89b: {  	v23 =	vor.u32 $0x33, v1;
	v22 =	vld.idx.msk [tilespmem:v62+s13+$0x0], $0xffff  }
0x89c: {  	v24 =	vld.idx.msk [tilespmem:v17+s12+$0x0], $0xffff;
	v2 =	vadd.f32 v3, v2;
	v3 =	vmul.f32 v16, v63  }
0x89d: {  	v26 =	vor.u32 $0x34, v1;
	v25 =	vld.idx.msk [tilespmem:v17+s13+$0x0], $0xffff  }
0x89e: {  	v27 =	vld.idx.msk [tilespmem:v20+s12+$0x0], $0xffff;
	v2 =	vadd.f32 v3, v2;
	v3 =	vmul.f32 v19, v18  }
0x89f: {  	v29 =	vor.u32 $0x35, v1;
	v28 =	vld.idx.msk [tilespmem:v20+s13+$0x0], $0xffff  }
0x8a0: {  	v30 =	vld.idx.msk [tilespmem:v23+s12+$0x0], $0xffff;
	v2 =	vadd.f32 v3, v2;
	v3 =	vmul.f32 v22, v21  }
0x8a1: {  	v32 =	vor.u32 $0x36, v1;
	v31 =	vld.idx.msk [tilespmem:v23+s13+$0x0], $0xffff  }
0x8a2: {  	v33 =	vld.idx.msk [tilespmem:v26+s12+$0x0], $0xffff;
	v2 =	vadd.f32 v3, v2;
	v3 =	vmul.f32 v25, v24  }
0x8a3: {  	v35 =	vor.u32 $0x37, v1;
	v34 =	vld.idx.msk [tilespmem:v26+s13+$0x0], $0xffff  }
0x8a4: {  	v36 =	vld.idx.msk [tilespmem:v29+s12+$0x0], $0xffff;
	v2 =	vadd.f32 v3, v2;
	v3 =	vmul.f32 v28, v27  }
0x8a5: {  	v38 =	vor.u32 $0x38, v1;
	v37 =	vld.idx.msk [tilespmem:v29+s13+$0x0], $0xffff  }
0x8a6: {  	v39 =	vld.idx.msk [tilespmem:v32+s12+$0x0], $0xffff;
	v2 =	vadd.f32 v3, v2;
	v3 =	vmul.f32 v31, v30  }
0x8a7: {  	v41 =	vor.u32 $0x39, v1;
	v40 =	vld.idx.msk [tilespmem:v32+s13+$0x0], $0xffff  }
0x8a8: {  	v42 =	vld.idx.msk [tilespmem:v35+s12+$0x0], $0xffff;
	v2 =	vadd.f32 v3, v2;
	v3 =	vmul.f32 v34, v33  }
0x8a9: {  	v44 =	vor.u32 $0x3A, v1;
	v43 =	vld.idx.msk [tilespmem:v35+s13+$0x0], $0xffff  }
0x8aa: {  	v45 =	vld.idx.msk [tilespmem:v38+s12+$0x0], $0xffff;
	v2 =	vadd.f32 v3, v2;
	v3 =	vmul.f32 v37, v36  }
0x8ab: {  	v47 =	vor.u32 $0x3B, v1;
	v46 =	vld.idx.msk [tilespmem:v38+s13+$0x0], $0xffff  }
0x8ac: {  	v48 =	vld.idx.msk [tilespmem:v41+s12+$0x0], $0xffff;
	v2 =	vadd.f32 v3, v2;
	v3 =	vmul.f32 v40, v39  }
0x8ad: {  	v50 =	vor.u32 $0x3C, v1;
	v49 =	vld.idx.msk [tilespmem:v41+s13+$0x0], $0xffff  }
0x8ae: {  	v51 =	vld.idx.msk [tilespmem:v44+s12+$0x0], $0xffff;
	v2 =	vadd.f32 v3, v2;
	v3 =	vmul.f32 v43, v42  }
0x8af: {  	v53 =	vor.u32 $0x3D, v1;
	v52 =	vld.idx.msk [tilespmem:v44+s13+$0x0], $0xffff  }
0x8b0: {  	v54 =	vld.idx.msk [tilespmem:v47+s12+$0x0], $0xffff;
	v2 =	vadd.f32 v3, v2;
	v3 =	vmul.f32 v46, v45  }
0x8b1: {  	v56 =	vor.u32 $0x3E, v1;
	v55 =	vld.idx.msk [tilespmem:v47+s13+$0x0], $0xffff  }
0x8b2: {  	v57 =	vld.idx.msk [tilespmem:v50+s12+$0x0], $0xffff;
	v2 =	vadd.f32 v3, v2;
	v3 =	vmul.f32 v49, v48  }
0x8b3: {  	v1 =	vor.u32 $0x3F, v1;
	v58 =	vld.idx.msk [tilespmem:v50+s13+$0x0], $0xffff  }
0x8b4: {  	v59 =	vld.idx.msk [tilespmem:v53+s12+$0x0], $0xffff;
	v2 =	vadd.f32 v3, v2;
	v3 =	vmul.f32 v52, v51  }
0x8b5: {  	v60 =	vld.idx.msk [tilespmem:v53+s13+$0x0], $0xffff  }
0x8b6: {  	v62 =	vld.idx.msk [tilespmem:v56+s13+$0x0], $0xffff;
	v2 =	vadd.f32 v3, v2;
	v3 =	vmul.f32 v55, v54  }
0x8b7: {  	v61 =	vld.idx.msk [tilespmem:v56+s12+$0x0], $0xffff  }
0x8b8: {  	v63 =	vld.idx.msk [tilespmem:v1+s12+$0x0], $0xffff;
	v2 =	vadd.f32 v3, v2;
	v3 =	vmul.f32 v58, v57  }
0x8b9: {  	v1 =	vld.idx.msk [tilespmem:v1+s13+$0x0], $0xffff  }
0x8ba: {  	v2 =	vadd.f32 v3, v2;
	v3 =	vmul.f32 v60, v59;
	_ =	sdelay $0x1  }
0x8bb: {  	v2 =	vadd.f32 v3, v2;
	v3 =	vmul.f32 v62, v61;
	_ =	sdelay $0x1  }
0x8bc: {  	v1 =	vmul.f32 v1, v63;
	v2 =	vadd.f32 v3, v2;
	_ =	sdelay $0x1  }
0x8bd: {  	s29 =	sadd.s32 $0x1, s29;
	v1 =	vadd.f32 v1, v2  }
0x8be: {  	p0 =	sne.s32 s29, s8;
	s30 =	sadd.s32 $0x10, s30  }
.Ltmp4:
0x8bf: {  	[tilespmem:s30+$0x0] =	vst v1;
	(pc) =	sbr.rel @p0 .LBB2_1-.Ltmp4, $4  }
0x8c0: {  	[hbm4b:s7+s1] =	stream.linear.scatter [tilespmem:s28], [sflag:$0x3], $0x200, $0x38;
	[tilespmem:$0x10600] =	vst v63  }
0x8c1: {  	_ =	swait.ge [sflag:s9], $0x200  }
0x8c2: {  	[sflag:s9] =	ssyncset.done $0x0  }
0x8c3: {  	[sflag:s9] =	ssyncadd.s32 $0xFFFFFE00  }
0x8c4: {  	_ =	sfence.sel $0x180000  }
0x8c5: {  	[bflag:$0x0] =	sbarrier.arrive $0xFFFF  }
0x8c6: {  	p0 =	sne.s32 s2, $0x0;
	_ =	strace $0x90000047  }
0x8c7: {  	s0 =	sadd.s32 @!p0 $0x100000, s0;
	[bflag:$0x2] =	sbarrier.arrive $0xFFFF  }
0x8c8: {  	[sflag:s0] =	ssyncadd.tile.s32 @!p0 $0x1;
	_ =	shalt  }
.Lfunc_end2:
_tile_overlayer_lowered:
.L_overlay_start_2:
0x8c9: {  	(tag) =	ssettag $0x2  }
0x8ca: {  	s0 =	rddreg [dreg:$0x0];
	s2 =	stileid.u32  }
0x8cb: {  	s1 =	rddreg [dreg:$0x1];
	p0 =	sne.s32 s2, $0x0  }
0x8cc: {  	s3 =	rddreg [dreg:$0x2];
	[bflag:$0x3] =	sbarrier.arrive $0xFFFF;
	s2 =	simm.s32 @!p0 $0x1C03  }
0x8cd: {  	[timem:s3], [sflag:s2] =	dma.local @!p0 [hbm:s0], s1  }
0x8ce: {  	s0 =	simm.s32 @!p0 $0x3  }
0x8cf: {  	_ =	swait.ge @!p0 [sflag:s0], s1  }
0x8d0: {  	s1 =	ssub.s32 @!p0 $0x0, s1;
	[sflag:s0] =	ssyncset.done @!p0 $0x0  }
0x8d1: {  	[sflag:s0] =	ssyncadd.s32 @!p0 s1  }
0x8d2: {  	[bflag:$0x3] =	sbarrier.arrive $0xFFFF  }
0x8d3: {  	_ =	shalt  }

</sc_bundles>
